<compile_context>
chip_gen: v7x
topology: tpu7x:2x2x1
jax: 0.10.2.dev20260603
libtpu: 0.0.44.dev20260713+nightly
codegen_flags: <defaults>
</compile_context>

<pallas_src>
import functools

import jax
import jax.numpy as jnp
from jax import lax
from jax.experimental import pallas as pl
from jax.experimental.pallas import tpu as pltpu
from jax.experimental.pallas import tpu_sc as plsc

N_NODES = 10000
N_EDGES = 320000
HIDDEN = 128
EDGE_DIM = 16
NUM_LAYERS = 3

NC = 2
NS = 16
LANES = 16

HALF = HIDDEN // NC
CHUNK = 128
N_CHUNKS = N_EDGES // CHUNK
CHUNKS_PER_TILE = N_CHUNKS // NS
N_EXTRA = N_CHUNKS - CHUNKS_PER_TILE * NS
NPAD = 10240
ROWS_PER_TILE = NPAD // NS
GROUPS = HALF // LANES



def _ea_proj_body(attr_ref, we_ref, be_ref, out_ref):
    out_ref[...] = lax.dot_general(
        attr_ref[...], we_ref[...], (((0,), (0,)), ((), ())),
        preferred_element_type=jnp.float32) + be_ref[0]


def _project_edge_attr(edge_attr_t, We_l, be_l):
    eb = 16000
    return pl.pallas_call(
        _ea_proj_body,
        grid=(N_EDGES // eb,),
        in_specs=[
            pl.BlockSpec((EDGE_DIM, eb), lambda i: (0, i)),
            pl.BlockSpec((EDGE_DIM, HIDDEN), lambda i: (0, 0)),
            pl.BlockSpec((1, HIDDEN), lambda i: (0, 0)),
        ],
        out_specs=pl.BlockSpec((eb, HIDDEN), lambda i: (i, 0)),
        out_shape=jax.ShapeDtypeStruct((N_EDGES, HIDDEN), jnp.float32),
    )(edge_attr_t, We_l, be_l.reshape(1, HIDDEN))



def _sc_aggregate_body(xh_hbm, ea_hbm, src_hbm, dst_hbm, out_hbm,
                       src0, dst0, sdst0, xrows0, msg0,
                       src1, dst1, sdst1, xrows1, msg1,
                       zero_v, aggr_sh,
                       isem0, isem1, dsem0, dsem1, ssem0, ssem1):
    cid = lax.axis_index("c")
    sid = lax.axis_index("s")
    col = cid * HALF

    def _zero_group(j, c):
        r = j // GROUPS
        g = j % GROUPS
        zero_v[r, pl.ds(g * LANES, LANES)] = jnp.zeros((LANES,), jnp.float32)
        return c
    lax.fori_loop(0, ROWS_PER_TILE * GROUPS, _zero_group, 0)
    pltpu.sync_copy(zero_v, aggr_sh.at[pl.ds(sid * ROWS_PER_TILE, ROWS_PER_TILE)])
    plsc.subcore_barrier()

    base0 = sid * CHUNKS_PER_TILE * CHUNK
    sets = ((src0, dst0, sdst0, xrows0, msg0, isem0, dsem0, ssem0),
            (src1, dst1, sdst1, xrows1, msg1, isem1, dsem1, ssem1))

    def issue_idx(c, S):
        b = base0 + c * CHUNK
        pltpu.async_copy(src_hbm.at[pl.ds(b, CHUNK)], S[0], S[5])
        pltpu.async_copy(dst_hbm.at[pl.ds(b, CHUNK)], S[1], S[5])

    def wait_idx(S):
        pltpu.make_async_copy(src_hbm.at[pl.ds(0, CHUNK)], S[0], S[5]).wait()
        pltpu.make_async_copy(dst_hbm.at[pl.ds(0, CHUNK)], S[1], S[5]).wait()

    def issue_data(c, S):
        b = base0 + c * CHUNK
        pltpu.async_copy(ea_hbm.at[pl.ds(b, CHUNK), pl.ds(col, HALF)], S[4], S[6])
        pltpu.async_copy(xh_hbm.at[cid].at[S[0]], S[3], S[6])

    def wait_data(S):
        pltpu.make_async_copy(ea_hbm.at[pl.ds(0, CHUNK), pl.ds(col, HALF)],
                              S[4], S[6]).wait()
        pltpu.make_async_copy(ea_hbm.at[pl.ds(0, CHUNK), pl.ds(col, HALF)],
                              S[3], S[6]).wait()

    def issue_scatter(S):
        pltpu.async_copy(S[4], aggr_sh.at[S[2]], S[7], add=True)

    def wait_scatter(S):
        pltpu.make_async_copy(ea_hbm.at[pl.ds(0, CHUNK), pl.ds(col, HALF)],
                              S[4], S[7]).wait()

    def compute(S):
        def _edge(e, c):
            for g in range(GROUPS):
                sl = pl.ds(g * LANES, LANES)
                S[4][e, sl] = jnp.maximum(S[3][e, sl] + S[4][e, sl], 0.0)
            return c
        lax.fori_loop(0, CHUNK, _edge, 0)
        for g in range(CHUNK // LANES):
            sl = pl.ds(g * LANES, LANES)
            S[2][sl] = S[1][sl]

    S0, S1 = sets
    pltpu.sync_copy(src_hbm.at[pl.ds(base0, CHUNK)], S0[0])
    pltpu.sync_copy(dst_hbm.at[pl.ds(base0, CHUNK)], S0[1])
    issue_data(0, S0)
    issue_idx(1, S1)

    NP2 = CHUNKS_PER_TILE // 2

    def _pair(i2, carry):
        c = 2 * i2
        wait_data(S0)
        wait_idx(S1)

        @pl.when(i2 > 0)
        def _():
            wait_scatter(S1)
        issue_data(c + 1, S1)
        compute(S0)
        issue_scatter(S0)

        @pl.when(i2 < NP2 - 1)
        def _():
            issue_idx(c + 2, S0)

        wait_data(S1)
        wait_scatter(S0)

        @pl.when(i2 < NP2 - 1)
        def _():
            wait_idx(S0)
            issue_data(c + 2, S0)
        compute(S1)
        issue_scatter(S1)

        @pl.when(i2 < NP2 - 1)
        def _():
            issue_idx(c + 3, S1)
        return carry

    lax.fori_loop(0, NP2, _pair, 0)

    @pl.when(sid < N_EXTRA)
    def _():
        eb0 = (NS * CHUNKS_PER_TILE + sid) * CHUNK
        pltpu.sync_copy(src_hbm.at[pl.ds(eb0, CHUNK)], S0[0])
        pltpu.sync_copy(dst_hbm.at[pl.ds(eb0, CHUNK)], S0[1])
        pltpu.sync_copy(ea_hbm.at[pl.ds(eb0, CHUNK), pl.ds(col, HALF)], S0[4])
        pltpu.async_copy(xh_hbm.at[cid].at[S0[0]], S0[3], S0[6]).wait()
        compute(S0)
        issue_scatter(S0)
        wait_scatter(S0)

    wait_scatter(S1)
    plsc.subcore_barrier()

    pltpu.sync_copy(aggr_sh.at[pl.ds(sid * ROWS_PER_TILE, ROWS_PER_TILE)], zero_v)
    pltpu.sync_copy(zero_v,
                    out_hbm.at[pl.ds(sid * ROWS_PER_TILE, ROWS_PER_TILE),
                               pl.ds(col, HALF)])


@functools.cache
def _sc_aggregate_kernel():
  idx_t = pltpu.VMEM((CHUNK,), jnp.int32)
  row_t = pltpu.VMEM((CHUNK, HALF), jnp.float32)
  return pl.kernel(
    _sc_aggregate_body,
    out_type=jax.ShapeDtypeStruct((NPAD, HIDDEN), jnp.float32),
    mesh=plsc.VectorSubcoreMesh(core_axis_name="c", subcore_axis_name="s",
                                num_cores=NC, num_subcores=NS),
    scratch_types=[
        idx_t, idx_t, idx_t, row_t, row_t,
        idx_t, idx_t, idx_t, row_t, row_t,
        pltpu.VMEM((ROWS_PER_TILE, HALF), jnp.float32),
        pltpu.VMEM_SHARED((NPAD, HALF), jnp.float32),
        pltpu.SemaphoreType.DMA, pltpu.SemaphoreType.DMA,
        pltpu.SemaphoreType.DMA, pltpu.SemaphoreType.DMA,
        pltpu.SemaphoreType.DMA, pltpu.SemaphoreType.DMA,
    ],
    compiler_params=pltpu.CompilerParams(use_tc_tiling_on_sc=False),
  )



def _split_body(x_ref, out_ref):
    out_ref[0] = x_ref[:, :HALF]
    out_ref[1] = x_ref[:, HALF:]


def _split_halves(x):
    nb = 2000
    return pl.pallas_call(
        _split_body,
        grid=(N_NODES // nb,),
        in_specs=[pl.BlockSpec((nb, HIDDEN), lambda i: (i, 0))],
        out_specs=pl.BlockSpec((NC, nb, HALF), lambda i: (0, i, 0)),
        out_shape=jax.ShapeDtypeStruct((NC, N_NODES, HALF), jnp.float32),
    )(x)


def _extract_body(ei_ref, src_ref, dst_ref):
    src_ref[...] = ei_ref[0]
    dst_ref[...] = ei_ref[1]


def _extract_indices(ei):
    return pl.pallas_call(
        _extract_body,
        out_shape=[jax.ShapeDtypeStruct((N_EDGES,), jnp.int32),
                   jax.ShapeDtypeStruct((N_EDGES,), jnp.int32)],
    )(ei)


def _node_body(x_ref, p_ref, w1_ref, b1_ref, w2_ref, b2_ref, g_ref, bl_ref,
               out_ref, outh_ref):
    x = x_ref[...]
    h = x + p_ref[...]
    t = jnp.dot(h, w1_ref[...], preferred_element_type=jnp.float32) + b1_ref[0]
    t = t * jax.nn.sigmoid(t)
    t = jnp.dot(t, w2_ref[...], preferred_element_type=jnp.float32) + b2_ref[0]
    y = x + t
    mu = jnp.mean(y, axis=1, keepdims=True)
    var = jnp.mean((y - mu) ** 2, axis=1, keepdims=True)
    y = (y - mu) * lax.rsqrt(var + 1e-5) * g_ref[0] + bl_ref[0]
    y = y * jax.nn.sigmoid(y)
    out_ref[...] = y
    outh_ref[0] = y[:, :HALF]
    outh_ref[1] = y[:, HALF:]


def _node_update(x, parts, w1, b1, w2, b2, g, bl):
    nb = 2000
    grid = (N_NODES // nb,)
    vec = lambda a: a.reshape(1, HIDDEN)
    return pl.pallas_call(
        _node_body,
        grid=grid,
        in_specs=[
            pl.BlockSpec((nb, HIDDEN), lambda i: (i, 0)),
            pl.BlockSpec((nb, HIDDEN), lambda i: (i, 0)),
            pl.BlockSpec((HIDDEN, HIDDEN), lambda i: (0, 0)),
            pl.BlockSpec((1, HIDDEN), lambda i: (0, 0)),
            pl.BlockSpec((HIDDEN, HIDDEN), lambda i: (0, 0)),
            pl.BlockSpec((1, HIDDEN), lambda i: (0, 0)),
            pl.BlockSpec((1, HIDDEN), lambda i: (0, 0)),
            pl.BlockSpec((1, HIDDEN), lambda i: (0, 0)),
        ],
        out_specs=[pl.BlockSpec((nb, HIDDEN), lambda i: (i, 0)),
                   pl.BlockSpec((NC, nb, HALF), lambda i: (0, i, 0))],
        out_shape=[jax.ShapeDtypeStruct((N_NODES, HIDDEN), jnp.float32),
                   jax.ShapeDtypeStruct((NC, N_NODES, HALF), jnp.float32)],
    )(x, parts, w1, vec(b1), w2, vec(b2), vec(g), vec(bl))



def kernel(s, edge_index_bond, edge_attr_bond, W1, b1, W2, b2, We, be,
           ln_g, ln_b):
    src, dst = _extract_indices(edge_index_bond.astype(jnp.int32))
    ea_t = edge_attr_bond.T
    x = s
    xh = _split_halves(s)
    for l in range(NUM_LAYERS):
        ea = _project_edge_attr(ea_t, We[l], be[l])
        parts = _sc_aggregate_kernel()(xh, ea, src, dst)
        x, xh = _node_update(x, parts, W1[l], b1[l], W2[l], b2[l],
                             ln_g[l], ln_b[l])
    return x

# --- scband reference (transcript-rebuilt; emitter-appended) ---
"""Pipeline reference for scband-bond-ginestack-50929722196749 (READ-ONLY COPY).

The authoritative reference and input builder live on the scoring server;
editing this copy changes nothing except your own understanding.
"""

import jax, jax.numpy as jnp
import numpy as np

N_NODES = 10000
N_EDGES = 320000
HIDDEN = 128
EDGE_DIM = 16
NUM_LAYERS = 3


def setup_inputs(seed: int = 0) -> dict:
    key = jax.random.key(seed)
    ks = jax.random.split(key, 12)
    s = jax.random.normal(ks[0], (N_NODES, HIDDEN), dtype=jnp.float32)
    edge_index_bond = jax.random.randint(ks[1], (2, N_EDGES), 0, N_NODES, dtype=jnp.int64)
    edge_attr_bond = jax.random.normal(ks[2], (N_EDGES, EDGE_DIM), dtype=jnp.float32)
    lim_h = 1.0 / np.sqrt(HIDDEN)
    lim_e = 1.0 / np.sqrt(EDGE_DIM)
    W1 = jax.random.uniform(ks[3], (NUM_LAYERS, HIDDEN, HIDDEN), minval=-lim_h, maxval=lim_h, dtype=jnp.float32)
    b1 = jax.random.uniform(ks[4], (NUM_LAYERS, HIDDEN), minval=-lim_h, maxval=lim_h, dtype=jnp.float32)
    W2 = jax.random.uniform(ks[5], (NUM_LAYERS, HIDDEN, HIDDEN), minval=-lim_h, maxval=lim_h, dtype=jnp.float32)
    b2 = jax.random.uniform(ks[6], (NUM_LAYERS, HIDDEN), minval=-lim_h, maxval=lim_h, dtype=jnp.float32)
    We = jax.random.uniform(ks[7], (NUM_LAYERS, EDGE_DIM, HIDDEN), minval=-lim_e, maxval=lim_e, dtype=jnp.float32)
    be = jax.random.uniform(ks[8], (NUM_LAYERS, HIDDEN), minval=-lim_e, maxval=lim_e, dtype=jnp.float32)
    ln_g = jnp.ones((NUM_LAYERS, HIDDEN), dtype=jnp.float32)
    ln_b = jnp.zeros((NUM_LAYERS, HIDDEN), dtype=jnp.float32)
    return {
        's': s,
        'edge_index_bond': edge_index_bond,
        'edge_attr_bond': edge_attr_bond,
        'W1': W1, 'b1': b1, 'W2': W2, 'b2': b2,
        'We': We, 'be': be, 'ln_g': ln_g, 'ln_b': ln_b,
    }


def _layernorm(x, g, b, eps=1e-5):
    mu = jnp.mean(x, axis=-1, keepdims=True)
    var = jnp.mean((x - mu) ** 2, axis=-1, keepdims=True)
    return (x - mu) / jnp.sqrt(var + eps) * g + b


def reference(s, edge_index_bond, edge_attr_bond, W1, b1, W2, b2, We, be, ln_g, ln_b):
    # BondGINEStack forward (eval mode: dropout p=0.0 is identity)
    src = edge_index_bond[0]
    dst = edge_index_bond[1]
    x = s
    n = x.shape[0]
    eps_gine = 0.0  # train_eps=False -> fixed eps 0
    for l in range(NUM_LAYERS):
        # GINEConv: edge_attr projected via lin(edge_dim -> hidden)
        ea = edge_attr_bond @ We[l] + be[l]
        msg = jax.nn.relu(x[src] + ea)
        aggr = jax.ops.segment_sum(msg, dst, num_segments=n)
        h = (1.0 + eps_gine) * x + aggr
        # MLP: Linear -> SiLU -> Linear
        h = jax.nn.silu(h @ W1[l] + b1[l]) @ W2[l] + b2[l]
        # residual + LayerNorm + SiLU (+ dropout identity)
        x = x + h
        x = _layernorm(x, ln_g[l], ln_b[l])
        x = jax.nn.silu(x)
    return x

if __name__ == "__main__":
    import jax
    _d = setup_inputs()
    print(jax.jit(kernel)(*tuple(_d.values())))

</pallas_src>

<mosaic_0001>
#map = affine_map<(d0, d1) -> (0, 0, 0)>
#map1 = affine_map<(d0, d1) -> (0, 0)>
#map2 = affine_map<(d0, d1) -> (0)>
module attributes {stable_mosaic.version = 14 : i64} {
  func.func @_sc_aggregate_body(%arg0: i32, %arg1: i32, %arg2: memref<2x10000x64xf32, #tpu.memory_space<hbm>>, %arg3: memref<320000x128xf32, #tpu.memory_space<hbm>>, %arg4: memref<320000xi32, #tpu.memory_space<hbm>>, %arg5: memref<320000xi32, #tpu.memory_space<hbm>>, %arg6: memref<10240x128xf32, #tpu.memory_space<hbm>>, %arg7: memref<128xi32, #tpu.memory_space<vmem>>, %arg8: memref<128xi32, #tpu.memory_space<vmem>>, %arg9: memref<128xi32, #tpu.memory_space<vmem>>, %arg10: memref<128x64xf32, #tpu.memory_space<vmem>>, %arg11: memref<128x64xf32, #tpu.memory_space<vmem>>, %arg12: memref<128xi32, #tpu.memory_space<vmem>>, %arg13: memref<128xi32, #tpu.memory_space<vmem>>, %arg14: memref<128xi32, #tpu.memory_space<vmem>>, %arg15: memref<128x64xf32, #tpu.memory_space<vmem>>, %arg16: memref<128x64xf32, #tpu.memory_space<vmem>>, %arg17: memref<640x64xf32, #tpu.memory_space<vmem>>, %arg18: memref<10240x64xf32, #tpu.memory_space<vmem_shared>>, %arg19: memref<!tpu.dma_semaphore, #tpu.memory_space<semaphore_mem>>, %arg20: memref<!tpu.dma_semaphore, #tpu.memory_space<semaphore_mem>>, %arg21: memref<!tpu.dma_semaphore, #tpu.memory_space<semaphore_mem>>, %arg22: memref<!tpu.dma_semaphore, #tpu.memory_space<semaphore_mem>>, %arg23: memref<!tpu.dma_semaphore, #tpu.memory_space<semaphore_mem>>, %arg24: memref<!tpu.dma_semaphore, #tpu.memory_space<semaphore_mem>>) attributes {dimension_semantics = [#tpu.dimension_semantics<core_parallel>, #tpu.dimension_semantics<subcore_parallel>], iteration_bounds = array<i64: 2, 16>, scalar_prefetch = 0 : i64, scratch_operands = 18 : i64, tpu.core_type = #tpu.core_type<sc_vector_subcore>, window_params = [{transform_indices = #map}, {transform_indices = #map1}, {transform_indices = #map2}, {transform_indices = #map2}, {transform_indices = #map1}]} {
    %mul3A = arith.constant 64 : i32
    %mul3A_0 = arith.muli %arg0, %mul3A : i32
    %scan3A = arith.constant 0 : i32
    %scan3A_1 = arith.constant 0 : i32
    %scan3A_2 = arith.constant 2560 : i32
    %scan3A_3 = arith.addi %scan3A_1, %scan3A_2 : i32
    %scan3A_4 = arith.constant 1 : i32
    scf.for %scan3A_43 = %scan3A_1 to %scan3A_3 step %scan3A_4  : i32 {
      %jit3A = arith.constant 4 : i32
      %div3A = arith.divsi %scan3A_43, %jit3A : i32
      %sign3A = arith.constant 0 : i32
      %sign3A_44 = arith.cmpi sgt, %scan3A_43, %sign3A : i32
      %sign3A_45 = arith.extui %sign3A_44 : i1 to i32
      %sign3A_46 = arith.constant 0 : i32
      %sign3A_47 = arith.cmpi slt, %scan3A_43, %sign3A_46 : i32
      %sign3A_48 = arith.extui %sign3A_47 : i1 to i32
      %sign3A_49 = arith.subi %sign3A_45, %sign3A_48 : i32
      %sign3A_50 = arith.constant 0 : i32
      %sign3A_51 = arith.cmpi sgt, %jit3A, %sign3A_50 : i32
      %sign3A_52 = arith.extui %sign3A_51 : i1 to i32
      %sign3A_53 = arith.constant 0 : i32
      %sign3A_54 = arith.cmpi slt, %jit3A, %sign3A_53 : i32
      %sign3A_55 = arith.extui %sign3A_54 : i1 to i32
      %sign3A_56 = arith.subi %sign3A_52, %sign3A_55 : i32
      %ne3A = arith.cmpi ne, %sign3A_49, %sign3A_56 : i32
      %rem3A = arith.remsi %scan3A_43, %jit3A : i32
      %ne3A_57 = arith.constant 0 : i32
      %ne3A_58 = arith.cmpi ne, %rem3A, %ne3A_57 : i32
      %and3A = arith.andi %ne3A, %ne3A_58 : i1
      %sub3A = arith.constant 1 : i32
      %sub3A_59 = arith.subi %div3A, %sub3A : i32
      %select_n3A = arith.select %and3A, %sub3A_59, %div3A : i32
      %jit3A_60 = arith.constant 4 : i32
      %eq3A = arith.constant 0 : i32
      %eq3A_61 = arith.cmpi eq, %jit3A_60, %eq3A : i32
      %jit3A_62 = arith.constant 1 : i32
      %select_n3A_63 = arith.select %eq3A_61, %jit3A_62, %jit3A_60 : i32
      %rem3A_64 = arith.remsi %scan3A_43, %select_n3A_63 : i32
      %ne3A_65 = arith.constant 0 : i32
      %ne3A_66 = arith.cmpi ne, %rem3A_64, %ne3A_65 : i32
      %lt3A_67 = arith.constant 0 : i32
      %lt3A_68 = arith.cmpi slt, %rem3A_64, %lt3A_67 : i32
      %lt3A_69 = arith.constant 0 : i32
      %lt3A_70 = arith.cmpi slt, %select_n3A_63, %lt3A_69 : i32
      %ne3A_71 = arith.xori %lt3A_68, %lt3A_70 : i1
      %and3A_72 = arith.andi %ne3A_71, %ne3A_66 : i1
      %add3A_73 = arith.addi %rem3A_64, %select_n3A_63 : i32
      %select_n3A_74 = arith.select %and3A_72, %add3A_73, %rem3A_64 : i32
      %broadcast_in_dim3A = arith.constant 0.000000e+00 : f32
      %broadcast_in_dim3A_75 = vector.broadcast %broadcast_in_dim3A : f32 to vector<16xf32>
      %mul3A_76 = arith.constant 16 : i32
      %mul3A_77 = arith.muli %select_n3A_74, %mul3A_76 : i32
      %swap3A = arith.index_cast %select_n3A : i32 to index
      %swap3A_78 = arith.index_cast %mul3A_77 : i32 to index
      %swap3A_79 = tpu.vector_load %arg17[%swap3A, %swap3A_78] {strides = array<i32>} : memref<640x64xf32, #tpu.memory_space<vmem>>, vector<1x16xf32>,
      %swap3A_80 = vector.shape_cast %swap3A_79 : vector<1x16xf32> to vector<16xf32>
      %swap3A_81 = vector.shape_cast %broadcast_in_dim3A_75 : vector<16xf32> to vector<1x16xf32>
      tpu.vector_store %arg17[%swap3A, %swap3A_78], %swap3A_81 {strides = array<i32>} : memref<640x64xf32, #tpu.memory_space<vmem>>, vector<1x16xf32>,
    }
    %scan3A_5 = arith.constant 2560 : i32
    %mul3A_6 = arith.constant 640 : i32
    %mul3A_7 = arith.muli %arg1, %mul3A_6 : i32
    "tpu.region"() ({
      %run_scoped3A = tpu.sem_alloc : memref<!tpu.dma_semaphore, #tpu.memory_space<semaphore_mem>>
      %dma_start3A_43 = arith.constant 0 : i32
      %dma_start3A_44 = tpu.memref_slice %arg18[%mul3A_7, %dma_start3A_43] : memref<10240x64xf32, #tpu.memory_space<vmem_shared>> -> memref<640x64xf32, #tpu.memory_space<vmem_shared>>
      %dma_start3A_45 = arith.constant 0 : i32
      %dma_start3A_46 = tpu.memref_slice %arg18[%mul3A_7, %dma_start3A_45] : memref<10240x64xf32, #tpu.memory_space<vmem_shared>> -> memref<640x64xf32, #tpu.memory_space<vmem_shared>>
      tpu.enqueue_dma source(%arg17 : memref<640x64xf32, #tpu.memory_space<vmem>>) target(%dma_start3A_46 : memref<640x64xf32, #tpu.memory_space<vmem_shared>>) target_semaphore(%run_scoped3A : memref<!tpu.dma_semaphore, #tpu.memory_space<semaphore_mem>>)
      %dma_wait3A_47 = arith.constant 0 : i32
      %dma_wait3A_48 = tpu.memref_slice %arg18[%mul3A_7, %dma_wait3A_47] : memref<10240x64xf32, #tpu.memory_space<vmem_shared>> -> memref<640x64xf32, #tpu.memory_space<vmem_shared>>
      %dma_wait3A_49 = arith.constant 0 : i32
      %dma_wait3A_50 = tpu.memref_slice %arg18[%mul3A_7, %dma_wait3A_49] : memref<10240x64xf32, #tpu.memory_space<vmem_shared>> -> memref<640x64xf32, #tpu.memory_space<vmem_shared>>
      tpu.wait_dma2 semaphore(%run_scoped3A : memref<!tpu.dma_semaphore, #tpu.memory_space<semaphore_mem>>) src(%arg17 : memref<640x64xf32, #tpu.memory_space<vmem>>) dst(%dma_wait3A_50 : memref<640x64xf32, #tpu.memory_space<vmem_shared>>)
      tpu.yield
    }) : () -> ()
    %barrier3A = arith.constant 0 : index
    tpu.barrier barrier_id(%barrier3A)
    %mul3A_8 = arith.constant 156 : i32
    %mul3A_9 = arith.muli %arg1, %mul3A_8 : i32
    %mul3A_10 = arith.constant 128 : i32
    %mul3A_11 = arith.muli %mul3A_9, %mul3A_10 : i32
    "tpu.region"() ({
      %run_scoped3A = tpu.sem_alloc : memref<!tpu.dma_semaphore, #tpu.memory_space<semaphore_mem>>
      %dma_start3A_43 = tpu.memref_slice %arg4[%mul3A_11] : memref<320000xi32, #tpu.memory_space<hbm>> -> memref<128xi32, #tpu.memory_space<hbm>>
      %dma_start3A_44 = tpu.memref_slice %arg4[%mul3A_11] : memref<320000xi32, #tpu.memory_space<hbm>> -> memref<128xi32, #tpu.memory_space<hbm>>
      tpu.enqueue_dma source(%dma_start3A_44 : memref<128xi32, #tpu.memory_space<hbm>>) target(%arg7 : memref<128xi32, #tpu.memory_space<vmem>>) target_semaphore(%run_scoped3A : memref<!tpu.dma_semaphore, #tpu.memory_space<semaphore_mem>>)
      %dma_wait3A_45 = tpu.memref_slice %arg4[%mul3A_11] : memref<320000xi32, #tpu.memory_space<hbm>> -> memref<128xi32, #tpu.memory_space<hbm>>
      %dma_wait3A_46 = tpu.memref_slice %arg4[%mul3A_11] : memref<320000xi32, #tpu.memory_space<hbm>> -> memref<128xi32, #tpu.memory_space<hbm>>
      tpu.wait_dma2 semaphore(%run_scoped3A : memref<!tpu.dma_semaphore, #tpu.memory_space<semaphore_mem>>) src(%dma_wait3A_46 : memref<128xi32, #tpu.memory_space<hbm>>) dst(%arg7 : memref<128xi32, #tpu.memory_space<vmem>>)
      tpu.yield
    }) : () -> ()
    "tpu.region"() ({
      %run_scoped3A = tpu.sem_alloc : memref<!tpu.dma_semaphore, #tpu.memory_space<semaphore_mem>>
      %dma_start3A_43 = tpu.memref_slice %arg5[%mul3A_11] : memref<320000xi32, #tpu.memory_space<hbm>> -> memref<128xi32, #tpu.memory_space<hbm>>
      %dma_start3A_44 = tpu.memref_slice %arg5[%mul3A_11] : memref<320000xi32, #tpu.memory_space<hbm>> -> memref<128xi32, #tpu.memory_space<hbm>>
      tpu.enqueue_dma source(%dma_start3A_44 : memref<128xi32, #tpu.memory_space<hbm>>) target(%arg8 : memref<128xi32, #tpu.memory_space<vmem>>) target_semaphore(%run_scoped3A : memref<!tpu.dma_semaphore, #tpu.memory_space<semaphore_mem>>)
      %dma_wait3A_45 = tpu.memref_slice %arg5[%mul3A_11] : memref<320000xi32, #tpu.memory_space<hbm>> -> memref<128xi32, #tpu.memory_space<hbm>>
      %dma_wait3A_46 = tpu.memref_slice %arg5[%mul3A_11] : memref<320000xi32, #tpu.memory_space<hbm>> -> memref<128xi32, #tpu.memory_space<hbm>>
      tpu.wait_dma2 semaphore(%run_scoped3A : memref<!tpu.dma_semaphore, #tpu.memory_space<semaphore_mem>>) src(%dma_wait3A_46 : memref<128xi32, #tpu.memory_space<hbm>>) dst(%arg8 : memref<128xi32, #tpu.memory_space<vmem>>)
      tpu.yield
    }) : () -> ()
    %add3A = arith.constant 0 : i32
    %add3A_12 = arith.addi %mul3A_11, %add3A : i32
    %dma_start3A = tpu.memref_slice %arg3[%add3A_12, %mul3A_0] : memref<320000x128xf32, #tpu.memory_space<hbm>> -> memref<128x64xf32, #tpu.memory_space<hbm>>
    %dma_start3A_13 = tpu.memref_slice %arg3[%add3A_12, %mul3A_0] : memref<320000x128xf32, #tpu.memory_space<hbm>> -> memref<128x64xf32, #tpu.memory_space<hbm>>
    tpu.enqueue_dma source(%dma_start3A_13 : memref<128x64xf32, #tpu.memory_space<hbm>>) target(%arg11 : memref<128x64xf32, #tpu.memory_space<vmem>>) target_semaphore(%arg21 : memref<!tpu.dma_semaphore, #tpu.memory_space<semaphore_mem>>)
    %dma_start3A_14 = arith.constant 0 : i32
    %dma_start3A_15 = arith.constant 0 : i32
    %dma_start3A_16 = tpu.memref_slice %arg2[%arg0, %dma_start3A_14, %dma_start3A_15] : memref<2x10000x64xf32, #tpu.memory_space<hbm>> -> memref<1x10000x64xf32, #tpu.memory_space<hbm>>
    %dma_start3A_17 = tpu.memref_squeeze %dma_start3A_16 : memref<1x10000x64xf32, #tpu.memory_space<hbm>> -> memref<10000x64xf32, #tpu.memory_space<hbm>>
    %dma_start3A_18 = arith.constant 0 : i32
    %dma_start3A_19 = arith.constant 0 : i32
    %dma_start3A_20 = tpu.memref_slice %dma_start3A_17[%dma_start3A_18, %dma_start3A_19] : memref<10000x64xf32, #tpu.memory_space<hbm>> -> memref<10000x64xf32, #tpu.memory_space<hbm>>
    tpu.enqueue_indirect_dma source(%dma_start3A_20 : memref<10000x64xf32, #tpu.memory_space<hbm>>) target(%arg10 : memref<128x64xf32, #tpu.memory_space<vmem>>) offsets(%arg7 : memref<128xi32, #tpu.memory_space<vmem>>) semaphore(%arg21 : memref<!tpu.dma_semaphore, #tpu.memory_space<semaphore_mem>>)
    %add3A_21 = arith.constant 128 : i32
    %add3A_22 = arith.addi %mul3A_11, %add3A_21 : i32
    %dma_start3A_23 = tpu.memref_slice %arg4[%add3A_22] : memref<320000xi32, #tpu.memory_space<hbm>> -> memref<128xi32, #tpu.memory_space<hbm>>
    %dma_start3A_24 = tpu.memref_slice %arg4[%add3A_22] : memref<320000xi32, #tpu.memory_space<hbm>> -> memref<128xi32, #tpu.memory_space<hbm>>
    tpu.enqueue_dma source(%dma_start3A_24 : memref<128xi32, #tpu.memory_space<hbm>>) target(%arg12 : memref<128xi32, #tpu.memory_space<vmem>>) target_semaphore(%arg20 : memref<!tpu.dma_semaphore, #tpu.memory_space<semaphore_mem>>)
    %dma_start3A_25 = tpu.memref_slice %arg5[%add3A_22] : memref<320000xi32, #tpu.memory_space<hbm>> -> memref<128xi32, #tpu.memory_space<hbm>>
    %dma_start3A_26 = tpu.memref_slice %arg5[%add3A_22] : memref<320000xi32, #tpu.memory_space<hbm>> -> memref<128xi32, #tpu.memory_space<hbm>>
    tpu.enqueue_dma source(%dma_start3A_26 : memref<128xi32, #tpu.memory_space<hbm>>) target(%arg13 : memref<128xi32, #tpu.memory_space<vmem>>) target_semaphore(%arg20 : memref<!tpu.dma_semaphore, #tpu.memory_space<semaphore_mem>>)
    %scan3A_27 = arith.constant 0 : i32
    %scan3A_28 = arith.constant 0 : i32
    %scan3A_29 = arith.constant 78 : i32
    %scan3A_30 = arith.addi %scan3A_28, %scan3A_29 : i32
    %scan3A_31 = arith.constant 1 : i32
    scf.for %scan3A_43 = %scan3A_28 to %scan3A_30 step %scan3A_31  : i32 {
      %mul3A_44 = arith.constant 2 : i32
      %mul3A_45 = arith.muli %mul3A_44, %scan3A_43 : i32
      %dma_wait3A_46 = arith.constant 0 : i32
      %dma_wait3A_47 = tpu.memref_slice %arg3[%dma_wait3A_46, %mul3A_0] : memref<320000x128xf32, #tpu.memory_space<hbm>> -> memref<128x64xf32, #tpu.memory_space<hbm>>
      %dma_wait3A_48 = arith.constant 0 : i32
      %dma_wait3A_49 = tpu.memref_slice %arg3[%dma_wait3A_48, %mul3A_0] : memref<320000x128xf32, #tpu.memory_space<hbm>> -> memref<128x64xf32, #tpu.memory_space<hbm>>
      tpu.wait_dma2 semaphore(%arg21 : memref<!tpu.dma_semaphore, #tpu.memory_space<semaphore_mem>>) src(%dma_wait3A_49 : memref<128x64xf32, #tpu.memory_space<hbm>>) dst(%arg11 : memref<128x64xf32, #tpu.memory_space<vmem>>)
      %dma_wait3A_50 = arith.constant 0 : i32
      %dma_wait3A_51 = tpu.memref_slice %arg3[%dma_wait3A_50, %mul3A_0] : memref<320000x128xf32, #tpu.memory_space<hbm>> -> memref<128x64xf32, #tpu.memory_space<hbm>>
      %dma_wait3A_52 = arith.constant 0 : i32
      %dma_wait3A_53 = tpu.memref_slice %arg3[%dma_wait3A_52, %mul3A_0] : memref<320000x128xf32, #tpu.memory_space<hbm>> -> memref<128x64xf32, #tpu.memory_space<hbm>>
      tpu.wait_dma2 semaphore(%arg21 : memref<!tpu.dma_semaphore, #tpu.memory_space<semaphore_mem>>) src(%dma_wait3A_53 : memref<128x64xf32, #tpu.memory_space<hbm>>) dst(%arg10 : memref<128x64xf32, #tpu.memory_space<vmem>>)
      %dma_wait3A_54 = arith.constant 0 : i32
      %dma_wait3A_55 = tpu.memref_slice %arg4[%dma_wait3A_54] : memref<320000xi32, #tpu.memory_space<hbm>> -> memref<128xi32, #tpu.memory_space<hbm>>
      %dma_wait3A_56 = arith.constant 0 : i32
      %dma_wait3A_57 = tpu.memref_slice %arg4[%dma_wait3A_56] : memref<320000xi32, #tpu.memory_space<hbm>> -> memref<128xi32, #tpu.memory_space<hbm>>
      tpu.wait_dma2 semaphore(%arg20 : memref<!tpu.dma_semaphore, #tpu.memory_space<semaphore_mem>>) src(%dma_wait3A_57 : memref<128xi32, #tpu.memory_space<hbm>>) dst(%arg12 : memref<128xi32, #tpu.memory_space<vmem>>)
      %dma_wait3A_58 = arith.constant 0 : i32
      %dma_wait3A_59 = tpu.memref_slice %arg5[%dma_wait3A_58] : memref<320000xi32, #tpu.memory_space<hbm>> -> memref<128xi32, #tpu.memory_space<hbm>>
      %dma_wait3A_60 = arith.constant 0 : i32
      %dma_wait3A_61 = tpu.memref_slice %arg5[%dma_wait3A_60] : memref<320000xi32, #tpu.memory_space<hbm>> -> memref<128xi32, #tpu.memory_space<hbm>>
      tpu.wait_dma2 semaphore(%arg20 : memref<!tpu.dma_semaphore, #tpu.memory_space<semaphore_mem>>) src(%dma_wait3A_61 : memref<128xi32, #tpu.memory_space<hbm>>) dst(%arg13 : memref<128xi32, #tpu.memory_space<vmem>>)
      %gt3A = arith.constant 0 : i32
      %gt3A_62 = arith.cmpi sgt, %scan3A_43, %gt3A : i32
      %convert_element_type3A_63 = arith.extui %gt3A_62 : i1 to i32
      %cond3A_64 = arith.constant 0 : i32
      %cond3A_65 = arith.cmpi ne, %convert_element_type3A_63, %cond3A_64 : i32
      scf.if %cond3A_65 {
        %dma_wait3A_235 = arith.constant 0 : i32
        %dma_wait3A_236 = tpu.memref_slice %arg3[%dma_wait3A_235, %mul3A_0] : memref<320000x128xf32, #tpu.memory_space<hbm>> -> memref<128x64xf32, #tpu.memory_space<hbm>>
        %dma_wait3A_237 = arith.constant 0 : i32
        %dma_wait3A_238 = tpu.memref_slice %arg3[%dma_wait3A_237, %mul3A_0] : memref<320000x128xf32, #tpu.memory_space<hbm>> -> memref<128x64xf32, #tpu.memory_space<hbm>>
        tpu.wait_dma2 semaphore(%arg24 : memref<!tpu.dma_semaphore, #tpu.memory_space<semaphore_mem>>) src(%dma_wait3A_238 : memref<128x64xf32, #tpu.memory_space<hbm>>) dst(%arg16 : memref<128x64xf32, #tpu.memory_space<vmem>>)
      } else {
      }
      %add3A_66 = arith.constant 1 : i32
      %add3A_67 = arith.addi %mul3A_45, %add3A_66 : i32
      %mul3A_68 = arith.constant 128 : i32
      %mul3A_69 = arith.muli %add3A_67, %mul3A_68 : i32
      %add3A_70 = arith.addi %mul3A_11, %mul3A_69 : i32
      %dma_start3A_71 = tpu.memref_slice %arg3[%add3A_70, %mul3A_0] : memref<320000x128xf32, #tpu.memory_space<hbm>> -> memref<128x64xf32, #tpu.memory_space<hbm>>
      %dma_start3A_72 = tpu.memref_slice %arg3[%add3A_70, %mul3A_0] : memref<320000x128xf32, #tpu.memory_space<hbm>> -> memref<128x64xf32, #tpu.memory_space<hbm>>
      tpu.enqueue_dma source(%dma_start3A_72 : memref<128x64xf32, #tpu.memory_space<hbm>>) target(%arg16 : memref<128x64xf32, #tpu.memory_space<vmem>>) target_semaphore(%arg22 : memref<!tpu.dma_semaphore, #tpu.memory_space<semaphore_mem>>)
      %dma_start3A_73 = arith.constant 0 : i32
      %dma_start3A_74 = arith.constant 0 : i32
      %dma_start3A_75 = tpu.memref_slice %arg2[%arg0, %dma_start3A_73, %dma_start3A_74] : memref<2x10000x64xf32, #tpu.memory_space<hbm>> -> memref<1x10000x64xf32, #tpu.memory_space<hbm>>
      %dma_start3A_76 = tpu.memref_squeeze %dma_start3A_75 : memref<1x10000x64xf32, #tpu.memory_space<hbm>> -> memref<10000x64xf32, #tpu.memory_space<hbm>>
      %dma_start3A_77 = arith.constant 0 : i32
      %dma_start3A_78 = arith.constant 0 : i32
      %dma_start3A_79 = tpu.memref_slice %dma_start3A_76[%dma_start3A_77, %dma_start3A_78] : memref<10000x64xf32, #tpu.memory_space<hbm>> -> memref<10000x64xf32, #tpu.memory_space<hbm>>
      tpu.enqueue_indirect_dma source(%dma_start3A_79 : memref<10000x64xf32, #tpu.memory_space<hbm>>) target(%arg15 : memref<128x64xf32, #tpu.memory_space<vmem>>) offsets(%arg12 : memref<128xi32, #tpu.memory_space<vmem>>) semaphore(%arg22 : memref<!tpu.dma_semaphore, #tpu.memory_space<semaphore_mem>>)
      %scan3A_80 = arith.constant 0 : i32
      %scan3A_81 = arith.constant 0 : i32
      %scan3A_82 = arith.constant 128 : i32
      %scan3A_83 = arith.addi %scan3A_81, %scan3A_82 : i32
      %scan3A_84 = arith.constant 1 : i32
      scf.for %scan3A_235 = %scan3A_81 to %scan3A_83 step %scan3A_84  : i32 {
        %get3A_236 = arith.index_cast %scan3A_235 : i32 to index
        %get3A_237 = arith.constant 0 : index
        %get3A_238 = tpu.vector_load %arg10[%get3A_236, %get3A_237] {strides = array<i32>} : memref<128x64xf32, #tpu.memory_space<vmem>>, vector<1x16xf32>,
        %get3A_239 = vector.shape_cast %get3A_238 : vector<1x16xf32> to vector<16xf32>
        %get3A_240 = arith.index_cast %scan3A_235 : i32 to index
        %get3A_241 = arith.constant 0 : index
        %get3A_242 = tpu.vector_load %arg11[%get3A_240, %get3A_241] {strides = array<i32>} : memref<128x64xf32, #tpu.memory_space<vmem>>, vector<1x16xf32>,
        %get3A_243 = vector.shape_cast %get3A_242 : vector<1x16xf32> to vector<16xf32>
        %add3A_244 = arith.addf %get3A_239, %get3A_243 : vector<16xf32>
        %max3A = arith.constant 0.000000e+00 : f32
        %max3A_245 = vector.broadcast %max3A : f32 to vector<16xf32>
        %max3A_246 = arith.maximumf %add3A_244, %max3A_245 : vector<16xf32>
        %swap3A_247 = arith.index_cast %scan3A_235 : i32 to index
        %swap3A_248 = arith.constant 0 : index
        %swap3A_249 = tpu.vector_load %arg11[%swap3A_247, %swap3A_248] {strides = array<i32>} : memref<128x64xf32, #tpu.memory_space<vmem>>, vector<1x16xf32>,
        %swap3A_250 = vector.shape_cast %swap3A_249 : vector<1x16xf32> to vector<16xf32>
        %swap3A_251 = vector.shape_cast %max3A_246 : vector<16xf32> to vector<1x16xf32>
        tpu.vector_store %arg11[%swap3A_247, %swap3A_248], %swap3A_251 {strides = array<i32>} : memref<128x64xf32, #tpu.memory_space<vmem>>, vector<1x16xf32>,
        %get3A_252 = arith.index_cast %scan3A_235 : i32 to index
        %get3A_253 = arith.constant 16 : index
        %get3A_254 = tpu.vector_load %arg10[%get3A_252, %get3A_253] {strides = array<i32>} : memref<128x64xf32, #tpu.memory_space<vmem>>, vector<1x16xf32>,
        %get3A_255 = vector.shape_cast %get3A_254 : vector<1x16xf32> to vector<16xf32>
        %get3A_256 = arith.index_cast %scan3A_235 : i32 to index
        %get3A_257 = arith.constant 16 : index
        %get3A_258 = tpu.vector_load %arg11[%get3A_256, %get3A_257] {strides = array<i32>} : memref<128x64xf32, #tpu.memory_space<vmem>>, vector<1x16xf32>,
        %get3A_259 = vector.shape_cast %get3A_258 : vector<1x16xf32> to vector<16xf32>
        %add3A_260 = arith.addf %get3A_255, %get3A_259 : vector<16xf32>
        %max3A_261 = arith.constant 0.000000e+00 : f32
        %max3A_262 = vector.broadcast %max3A_261 : f32 to vector<16xf32>
        %max3A_263 = arith.maximumf %add3A_260, %max3A_262 : vector<16xf32>
        %swap3A_264 = arith.index_cast %scan3A_235 : i32 to index
        %swap3A_265 = arith.constant 16 : index
        %swap3A_266 = tpu.vector_load %arg11[%swap3A_264, %swap3A_265] {strides = array<i32>} : memref<128x64xf32, #tpu.memory_space<vmem>>, vector<1x16xf32>,
        %swap3A_267 = vector.shape_cast %swap3A_266 : vector<1x16xf32> to vector<16xf32>
        %swap3A_268 = vector.shape_cast %max3A_263 : vector<16xf32> to vector<1x16xf32>
        tpu.vector_store %arg11[%swap3A_264, %swap3A_265], %swap3A_268 {strides = array<i32>} : memref<128x64xf32, #tpu.memory_space<vmem>>, vector<1x16xf32>,
        %get3A_269 = arith.index_cast %scan3A_235 : i32 to index
        %get3A_270 = arith.constant 32 : index
        %get3A_271 = tpu.vector_load %arg10[%get3A_269, %get3A_270] {strides = array<i32>} : memref<128x64xf32, #tpu.memory_space<vmem>>, vector<1x16xf32>,
        %get3A_272 = vector.shape_cast %get3A_271 : vector<1x16xf32> to vector<16xf32>
        %get3A_273 = arith.index_cast %scan3A_235 : i32 to index
        %get3A_274 = arith.constant 32 : index
        %get3A_275 = tpu.vector_load %arg11[%get3A_273, %get3A_274] {strides = array<i32>} : memref<128x64xf32, #tpu.memory_space<vmem>>, vector<1x16xf32>,
        %get3A_276 = vector.shape_cast %get3A_275 : vector<1x16xf32> to vector<16xf32>
        %add3A_277 = arith.addf %get3A_272, %get3A_276 : vector<16xf32>
        %max3A_278 = arith.constant 0.000000e+00 : f32
        %max3A_279 = vector.broadcast %max3A_278 : f32 to vector<16xf32>
        %max3A_280 = arith.maximumf %add3A_277, %max3A_279 : vector<16xf32>
        %swap3A_281 = arith.index_cast %scan3A_235 : i32 to index
        %swap3A_282 = arith.constant 32 : index
        %swap3A_283 = tpu.vector_load %arg11[%swap3A_281, %swap3A_282] {strides = array<i32>} : memref<128x64xf32, #tpu.memory_space<vmem>>, vector<1x16xf32>,
        %swap3A_284 = vector.shape_cast %swap3A_283 : vector<1x16xf32> to vector<16xf32>
        %swap3A_285 = vector.shape_cast %max3A_280 : vector<16xf32> to vector<1x16xf32>
        tpu.vector_store %arg11[%swap3A_281, %swap3A_282], %swap3A_285 {strides = array<i32>} : memref<128x64xf32, #tpu.memory_space<vmem>>, vector<1x16xf32>,
        %get3A_286 = arith.index_cast %scan3A_235 : i32 to index
        %get3A_287 = arith.constant 48 : index
        %get3A_288 = tpu.vector_load %arg10[%get3A_286, %get3A_287] {strides = array<i32>} : memref<128x64xf32, #tpu.memory_space<vmem>>, vector<1x16xf32>,
        %get3A_289 = vector.shape_cast %get3A_288 : vector<1x16xf32> to vector<16xf32>
        %get3A_290 = arith.index_cast %scan3A_235 : i32 to index
        %get3A_291 = arith.constant 48 : index
        %get3A_292 = tpu.vector_load %arg11[%get3A_290, %get3A_291] {strides = array<i32>} : memref<128x64xf32, #tpu.memory_space<vmem>>, vector<1x16xf32>,
        %get3A_293 = vector.shape_cast %get3A_292 : vector<1x16xf32> to vector<16xf32>
        %add3A_294 = arith.addf %get3A_289, %get3A_293 : vector<16xf32>
        %max3A_295 = arith.constant 0.000000e+00 : f32
        %max3A_296 = vector.broadcast %max3A_295 : f32 to vector<16xf32>
        %max3A_297 = arith.maximumf %add3A_294, %max3A_296 : vector<16xf32>
        %swap3A_298 = arith.index_cast %scan3A_235 : i32 to index
        %swap3A_299 = arith.constant 48 : index
        %swap3A_300 = tpu.vector_load %arg11[%swap3A_298, %swap3A_299] {strides = array<i32>} : memref<128x64xf32, #tpu.memory_space<vmem>>, vector<1x16xf32>,
        %swap3A_301 = vector.shape_cast %swap3A_300 : vector<1x16xf32> to vector<16xf32>
        %swap3A_302 = vector.shape_cast %max3A_297 : vector<16xf32> to vector<1x16xf32>
        tpu.vector_store %arg11[%swap3A_298, %swap3A_299], %swap3A_302 {strides = array<i32>} : memref<128x64xf32, #tpu.memory_space<vmem>>, vector<1x16xf32>,
      }
      %scan3A_85 = arith.constant 128 : i32
      %get3A = arith.constant 0 : index
      %get3A_86 = tpu.vector_load %arg8[%get3A] {strides = array<i32>} : memref<128xi32, #tpu.memory_space<vmem>>, vector<16xi32>,
      %get3A_87 = vector.shape_cast %get3A_86 : vector<16xi32> to vector<16xi32>
      %swap3A = arith.constant 0 : index
      %swap3A_88 = tpu.vector_load %arg9[%swap3A] {strides = array<i32>} : memref<128xi32, #tpu.memory_space<vmem>>, vector<16xi32>,
      %swap3A_89 = vector.shape_cast %swap3A_88 : vector<16xi32> to vector<16xi32>
      %swap3A_90 = vector.shape_cast %get3A_87 : vector<16xi32> to vector<16xi32>
      tpu.vector_store %arg9[%swap3A], %swap3A_90 {strides = array<i32>} : memref<128xi32, #tpu.memory_space<vmem>>, vector<16xi32>,
      %get3A_91 = arith.constant 16 : index
      %get3A_92 = tpu.vector_load %arg8[%get3A_91] {strides = array<i32>} : memref<128xi32, #tpu.memory_space<vmem>>, vector<16xi32>,
      %get3A_93 = vector.shape_cast %get3A_92 : vector<16xi32> to vector<16xi32>
      %swap3A_94 = arith.constant 16 : index
      %swap3A_95 = tpu.vector_load %arg9[%swap3A_94] {strides = array<i32>} : memref<128xi32, #tpu.memory_space<vmem>>, vector<16xi32>,
      %swap3A_96 = vector.shape_cast %swap3A_95 : vector<16xi32> to vector<16xi32>
      %swap3A_97 = vector.shape_cast %get3A_93 : vector<16xi32> to vector<16xi32>
      tpu.vector_store %arg9[%swap3A_94], %swap3A_97 {strides = array<i32>} : memref<128xi32, #tpu.memory_space<vmem>>, vector<16xi32>,
      %get3A_98 = arith.constant 32 : index
      %get3A_99 = tpu.vector_load %arg8[%get3A_98] {strides = array<i32>} : memref<128xi32, #tpu.memory_space<vmem>>, vector<16xi32>,
      %get3A_100 = vector.shape_cast %get3A_99 : vector<16xi32> to vector<16xi32>
      %swap3A_101 = arith.constant 32 : index
      %swap3A_102 = tpu.vector_load %arg9[%swap3A_101] {strides = array<i32>} : memref<128xi32, #tpu.memory_space<vmem>>, vector<16xi32>,
      %swap3A_103 = vector.shape_cast %swap3A_102 : vector<16xi32> to vector<16xi32>
      %swap3A_104 = vector.shape_cast %get3A_100 : vector<16xi32> to vector<16xi32>
      tpu.vector_store %arg9[%swap3A_101], %swap3A_104 {strides = array<i32>} : memref<128xi32, #tpu.memory_space<vmem>>, vector<16xi32>,
      %get3A_105 = arith.constant 48 : index
      %get3A_106 = tpu.vector_load %arg8[%get3A_105] {strides = array<i32>} : memref<128xi32, #tpu.memory_space<vmem>>, vector<16xi32>,
      %get3A_107 = vector.shape_cast %get3A_106 : vector<16xi32> to vector<16xi32>
      %swap3A_108 = arith.constant 48 : index
      %swap3A_109 = tpu.vector_load %arg9[%swap3A_108] {strides = array<i32>} : memref<128xi32, #tpu.memory_space<vmem>>, vector<16xi32>,
      %swap3A_110 = vector.shape_cast %swap3A_109 : vector<16xi32> to vector<16xi32>
      %swap3A_111 = vector.shape_cast %get3A_107 : vector<16xi32> to vector<16xi32>
      tpu.vector_store %arg9[%swap3A_108], %swap3A_111 {strides = array<i32>} : memref<128xi32, #tpu.memory_space<vmem>>, vector<16xi32>,
      %get3A_112 = arith.constant 64 : index
      %get3A_113 = tpu.vector_load %arg8[%get3A_112] {strides = array<i32>} : memref<128xi32, #tpu.memory_space<vmem>>, vector<16xi32>,
      %get3A_114 = vector.shape_cast %get3A_113 : vector<16xi32> to vector<16xi32>
      %swap3A_115 = arith.constant 64 : index
      %swap3A_116 = tpu.vector_load %arg9[%swap3A_115] {strides = array<i32>} : memref<128xi32, #tpu.memory_space<vmem>>, vector<16xi32>,
      %swap3A_117 = vector.shape_cast %swap3A_116 : vector<16xi32> to vector<16xi32>
      %swap3A_118 = vector.shape_cast %get3A_114 : vector<16xi32> to vector<16xi32>
      tpu.vector_store %arg9[%swap3A_115], %swap3A_118 {strides = array<i32>} : memref<128xi32, #tpu.memory_space<vmem>>, vector<16xi32>,
      %get3A_119 = arith.constant 80 : index
      %get3A_120 = tpu.vector_load %arg8[%get3A_119] {strides = array<i32>} : memref<128xi32, #tpu.memory_space<vmem>>, vector<16xi32>,
      %get3A_121 = vector.shape_cast %get3A_120 : vector<16xi32> to vector<16xi32>
      %swap3A_122 = arith.constant 80 : index
      %swap3A_123 = tpu.vector_load %arg9[%swap3A_122] {strides = array<i32>} : memref<128xi32, #tpu.memory_space<vmem>>, vector<16xi32>,
      %swap3A_124 = vector.shape_cast %swap3A_123 : vector<16xi32> to vector<16xi32>
      %swap3A_125 = vector.shape_cast %get3A_121 : vector<16xi32> to vector<16xi32>
      tpu.vector_store %arg9[%swap3A_122], %swap3A_125 {strides = array<i32>} : memref<128xi32, #tpu.memory_space<vmem>>, vector<16xi32>,
      %get3A_126 = arith.constant 96 : index
      %get3A_127 = tpu.vector_load %arg8[%get3A_126] {strides = array<i32>} : memref<128xi32, #tpu.memory_space<vmem>>, vector<16xi32>,
      %get3A_128 = vector.shape_cast %get3A_127 : vector<16xi32> to vector<16xi32>
      %swap3A_129 = arith.constant 96 : index
      %swap3A_130 = tpu.vector_load %arg9[%swap3A_129] {strides = array<i32>} : memref<128xi32, #tpu.memory_space<vmem>>, vector<16xi32>,
      %swap3A_131 = vector.shape_cast %swap3A_130 : vector<16xi32> to vector<16xi32>
      %swap3A_132 = vector.shape_cast %get3A_128 : vector<16xi32> to vector<16xi32>
      tpu.vector_store %arg9[%swap3A_129], %swap3A_132 {strides = array<i32>} : memref<128xi32, #tpu.memory_space<vmem>>, vector<16xi32>,
      %get3A_133 = arith.constant 112 : index
      %get3A_134 = tpu.vector_load %arg8[%get3A_133] {strides = array<i32>} : memref<128xi32, #tpu.memory_space<vmem>>, vector<16xi32>,
      %get3A_135 = vector.shape_cast %get3A_134 : vector<16xi32> to vector<16xi32>
      %swap3A_136 = arith.constant 112 : index
      %swap3A_137 = tpu.vector_load %arg9[%swap3A_136] {strides = array<i32>} : memref<128xi32, #tpu.memory_space<vmem>>, vector<16xi32>,
      %swap3A_138 = vector.shape_cast %swap3A_137 : vector<16xi32> to vector<16xi32>
      %swap3A_139 = vector.shape_cast %get3A_135 : vector<16xi32> to vector<16xi32>
      tpu.vector_store %arg9[%swap3A_136], %swap3A_139 {strides = array<i32>} : memref<128xi32, #tpu.memory_space<vmem>>, vector<16xi32>,
      %dma_start3A_140 = arith.constant 0 : i32
      %dma_start3A_141 = arith.constant 0 : i32
      %dma_start3A_142 = tpu.memref_slice %arg18[%dma_start3A_140, %dma_start3A_141] : memref<10240x64xf32, #tpu.memory_space<vmem_shared>> -> memref<10240x64xf32, #tpu.memory_space<vmem_shared>>
      tpu.enqueue_indirect_dma source(%arg11 : memref<128x64xf32, #tpu.memory_space<vmem>>) target(%dma_start3A_142 : memref<10240x64xf32, #tpu.memory_space<vmem_shared>>) offsets(%arg9 : memref<128xi32, #tpu.memory_space<vmem>>) semaphore(%arg23 : memref<!tpu.dma_semaphore, #tpu.memory_space<semaphore_mem>>) {add = true}
      %lt3A_143 = arith.constant 77 : i32
      %lt3A_144 = arith.cmpi slt, %scan3A_43, %lt3A_143 : i32
      %convert_element_type3A_145 = arith.extui %lt3A_144 : i1 to i32
      %cond3A_146 = arith.constant 0 : i32
      %cond3A_147 = arith.cmpi ne, %convert_element_type3A_145, %cond3A_146 : i32
      scf.if %cond3A_147 {
        %add3A_235 = arith.constant 2 : i32
        %add3A_236 = arith.addi %mul3A_45, %add3A_235 : i32
        %mul3A_237 = arith.constant 128 : i32
        %mul3A_238 = arith.muli %add3A_236, %mul3A_237 : i32
        %add3A_239 = arith.addi %mul3A_11, %mul3A_238 : i32
        %dma_start3A_240 = tpu.memref_slice %arg4[%add3A_239] : memref<320000xi32, #tpu.memory_space<hbm>> -> memref<128xi32, #tpu.memory_space<hbm>>
        %dma_start3A_241 = tpu.memref_slice %arg4[%add3A_239] : memref<320000xi32, #tpu.memory_space<hbm>> -> memref<128xi32, #tpu.memory_space<hbm>>
        tpu.enqueue_dma source(%dma_start3A_241 : memref<128xi32, #tpu.memory_space<hbm>>) target(%arg7 : memref<128xi32, #tpu.memory_space<vmem>>) target_semaphore(%arg19 : memref<!tpu.dma_semaphore, #tpu.memory_space<semaphore_mem>>)
        %dma_start3A_242 = tpu.memref_slice %arg5[%add3A_239] : memref<320000xi32, #tpu.memory_space<hbm>> -> memref<128xi32, #tpu.memory_space<hbm>>
        %dma_start3A_243 = tpu.memref_slice %arg5[%add3A_239] : memref<320000xi32, #tpu.memory_space<hbm>> -> memref<128xi32, #tpu.memory_space<hbm>>
        tpu.enqueue_dma source(%dma_start3A_243 : memref<128xi32, #tpu.memory_space<hbm>>) target(%arg8 : memref<128xi32, #tpu.memory_space<vmem>>) target_semaphore(%arg19 : memref<!tpu.dma_semaphore, #tpu.memory_space<semaphore_mem>>)
      } else {
      }
      %dma_wait3A_148 = arith.constant 0 : i32
      %dma_wait3A_149 = tpu.memref_slice %arg3[%dma_wait3A_148, %mul3A_0] : memref<320000x128xf32, #tpu.memory_space<hbm>> -> memref<128x64xf32, #tpu.memory_space<hbm>>
      %dma_wait3A_150 = arith.constant 0 : i32
      %dma_wait3A_151 = tpu.memref_slice %arg3[%dma_wait3A_150, %mul3A_0] : memref<320000x128xf32, #tpu.memory_space<hbm>> -> memref<128x64xf32, #tpu.memory_space<hbm>>
      tpu.wait_dma2 semaphore(%arg22 : memref<!tpu.dma_semaphore, #tpu.memory_space<semaphore_mem>>) src(%dma_wait3A_151 : memref<128x64xf32, #tpu.memory_space<hbm>>) dst(%arg16 : memref<128x64xf32, #tpu.memory_space<vmem>>)
      %dma_wait3A_152 = arith.constant 0 : i32
      %dma_wait3A_153 = tpu.memref_slice %arg3[%dma_wait3A_152, %mul3A_0] : memref<320000x128xf32, #tpu.memory_space<hbm>> -> memref<128x64xf32, #tpu.memory_space<hbm>>
      %dma_wait3A_154 = arith.constant 0 : i32
      %dma_wait3A_155 = tpu.memref_slice %arg3[%dma_wait3A_154, %mul3A_0] : memref<320000x128xf32, #tpu.memory_space<hbm>> -> memref<128x64xf32, #tpu.memory_space<hbm>>
      tpu.wait_dma2 semaphore(%arg22 : memref<!tpu.dma_semaphore, #tpu.memory_space<semaphore_mem>>) src(%dma_wait3A_155 : memref<128x64xf32, #tpu.memory_space<hbm>>) dst(%arg15 : memref<128x64xf32, #tpu.memory_space<vmem>>)
      %dma_wait3A_156 = arith.constant 0 : i32
      %dma_wait3A_157 = tpu.memref_slice %arg3[%dma_wait3A_156, %mul3A_0] : memref<320000x128xf32, #tpu.memory_space<hbm>> -> memref<128x64xf32, #tpu.memory_space<hbm>>
      %dma_wait3A_158 = arith.constant 0 : i32
      %dma_wait3A_159 = tpu.memref_slice %arg3[%dma_wait3A_158, %mul3A_0] : memref<320000x128xf32, #tpu.memory_space<hbm>> -> memref<128x64xf32, #tpu.memory_space<hbm>>
      tpu.wait_dma2 semaphore(%arg23 : memref<!tpu.dma_semaphore, #tpu.memory_space<semaphore_mem>>) src(%dma_wait3A_159 : memref<128x64xf32, #tpu.memory_space<hbm>>) dst(%arg11 : memref<128x64xf32, #tpu.memory_space<vmem>>)
      %lt3A_160 = arith.constant 77 : i32
      %lt3A_161 = arith.cmpi slt, %scan3A_43, %lt3A_160 : i32
      %convert_element_type3A_162 = arith.extui %lt3A_161 : i1 to i32
      %cond3A_163 = arith.constant 0 : i32
      %cond3A_164 = arith.cmpi ne, %convert_element_type3A_162, %cond3A_163 : i32
      scf.if %cond3A_164 {
        %dma_wait3A_235 = arith.constant 0 : i32
        %dma_wait3A_236 = tpu.memref_slice %arg4[%dma_wait3A_235] : memref<320000xi32, #tpu.memory_space<hbm>> -> memref<128xi32, #tpu.memory_space<hbm>>
        %dma_wait3A_237 = arith.constant 0 : i32
        %dma_wait3A_238 = tpu.memref_slice %arg4[%dma_wait3A_237] : memref<320000xi32, #tpu.memory_space<hbm>> -> memref<128xi32, #tpu.memory_space<hbm>>
        tpu.wait_dma2 semaphore(%arg19 : memref<!tpu.dma_semaphore, #tpu.memory_space<semaphore_mem>>) src(%dma_wait3A_238 : memref<128xi32, #tpu.memory_space<hbm>>) dst(%arg7 : memref<128xi32, #tpu.memory_space<vmem>>)
        %dma_wait3A_239 = arith.constant 0 : i32
        %dma_wait3A_240 = tpu.memref_slice %arg5[%dma_wait3A_239] : memref<320000xi32, #tpu.memory_space<hbm>> -> memref<128xi32, #tpu.memory_space<hbm>>
        %dma_wait3A_241 = arith.constant 0 : i32
        %dma_wait3A_242 = tpu.memref_slice %arg5[%dma_wait3A_241] : memref<320000xi32, #tpu.memory_space<hbm>> -> memref<128xi32, #tpu.memory_space<hbm>>
        tpu.wait_dma2 semaphore(%arg19 : memref<!tpu.dma_semaphore, #tpu.memory_space<semaphore_mem>>) src(%dma_wait3A_242 : memref<128xi32, #tpu.memory_space<hbm>>) dst(%arg8 : memref<128xi32, #tpu.memory_space<vmem>>)
        %add3A_243 = arith.constant 2 : i32
        %add3A_244 = arith.addi %mul3A_45, %add3A_243 : i32
        %mul3A_245 = arith.constant 128 : i32
        %mul3A_246 = arith.muli %add3A_244, %mul3A_245 : i32
        %add3A_247 = arith.addi %mul3A_11, %mul3A_246 : i32
        %dma_start3A_248 = tpu.memref_slice %arg3[%add3A_247, %mul3A_0] : memref<320000x128xf32, #tpu.memory_space<hbm>> -> memref<128x64xf32, #tpu.memory_space<hbm>>
        %dma_start3A_249 = tpu.memref_slice %arg3[%add3A_247, %mul3A_0] : memref<320000x128xf32, #tpu.memory_space<hbm>> -> memref<128x64xf32, #tpu.memory_space<hbm>>
        tpu.enqueue_dma source(%dma_start3A_249 : memref<128x64xf32, #tpu.memory_space<hbm>>) target(%arg11 : memref<128x64xf32, #tpu.memory_space<vmem>>) target_semaphore(%arg21 : memref<!tpu.dma_semaphore, #tpu.memory_space<semaphore_mem>>)
        %dma_start3A_250 = arith.constant 0 : i32
        %dma_start3A_251 = arith.constant 0 : i32
        %dma_start3A_252 = tpu.memref_slice %arg2[%arg0, %dma_start3A_250, %dma_start3A_251] : memref<2x10000x64xf32, #tpu.memory_space<hbm>> -> memref<1x10000x64xf32, #tpu.memory_space<hbm>>
        %dma_start3A_253 = tpu.memref_squeeze %dma_start3A_252 : memref<1x10000x64xf32, #tpu.memory_space<hbm>> -> memref<10000x64xf32, #tpu.memory_space<hbm>>
        %dma_start3A_254 = arith.constant 0 : i32
        %dma_start3A_255 = arith.constant 0 : i32
        %dma_start3A_256 = tpu.memref_slice %dma_start3A_253[%dma_start3A_254, %dma_start3A_255] : memref<10000x64xf32, #tpu.memory_space<hbm>> -> memref<10000x64xf32, #tpu.memory_space<hbm>>
        tpu.enqueue_indirect_dma source(%dma_start3A_256 : memref<10000x64xf32, #tpu.memory_space<hbm>>) target(%arg10 : memref<128x64xf32, #tpu.memory_space<vmem>>) offsets(%arg7 : memref<128xi32, #tpu.memory_space<vmem>>) semaphore(%arg21 : memref<!tpu.dma_semaphore, #tpu.memory_space<semaphore_mem>>)
      } else {
      }
      %scan3A_165 = arith.constant 0 : i32
      %scan3A_166 = arith.constant 0 : i32
      %scan3A_167 = arith.constant 128 : i32
      %scan3A_168 = arith.addi %scan3A_166, %scan3A_167 : i32
      %scan3A_169 = arith.constant 1 : i32
      scf.for %scan3A_235 = %scan3A_166 to %scan3A_168 step %scan3A_169  : i32 {
        %get3A_236 = arith.index_cast %scan3A_235 : i32 to index
        %get3A_237 = arith.constant 0 : index
        %get3A_238 = tpu.vector_load %arg15[%get3A_236, %get3A_237] {strides = array<i32>} : memref<128x64xf32, #tpu.memory_space<vmem>>, vector<1x16xf32>,
        %get3A_239 = vector.shape_cast %get3A_238 : vector<1x16xf32> to vector<16xf32>
        %get3A_240 = arith.index_cast %scan3A_235 : i32 to index
        %get3A_241 = arith.constant 0 : index
        %get3A_242 = tpu.vector_load %arg16[%get3A_240, %get3A_241] {strides = array<i32>} : memref<128x64xf32, #tpu.memory_space<vmem>>, vector<1x16xf32>,
        %get3A_243 = vector.shape_cast %get3A_242 : vector<1x16xf32> to vector<16xf32>
        %add3A_244 = arith.addf %get3A_239, %get3A_243 : vector<16xf32>
        %max3A = arith.constant 0.000000e+00 : f32
        %max3A_245 = vector.broadcast %max3A : f32 to vector<16xf32>
        %max3A_246 = arith.maximumf %add3A_244, %max3A_245 : vector<16xf32>
        %swap3A_247 = arith.index_cast %scan3A_235 : i32 to index
        %swap3A_248 = arith.constant 0 : index
        %swap3A_249 = tpu.vector_load %arg16[%swap3A_247, %swap3A_248] {strides = array<i32>} : memref<128x64xf32, #tpu.memory_space<vmem>>, vector<1x16xf32>,
        %swap3A_250 = vector.shape_cast %swap3A_249 : vector<1x16xf32> to vector<16xf32>
        %swap3A_251 = vector.shape_cast %max3A_246 : vector<16xf32> to vector<1x16xf32>
        tpu.vector_store %arg16[%swap3A_247, %swap3A_248], %swap3A_251 {strides = array<i32>} : memref<128x64xf32, #tpu.memory_space<vmem>>, vector<1x16xf32>,
        %get3A_252 = arith.index_cast %scan3A_235 : i32 to index
        %get3A_253 = arith.constant 16 : index
        %get3A_254 = tpu.vector_load %arg15[%get3A_252, %get3A_253] {strides = array<i32>} : memref<128x64xf32, #tpu.memory_space<vmem>>, vector<1x16xf32>,
        %get3A_255 = vector.shape_cast %get3A_254 : vector<1x16xf32> to vector<16xf32>
        %get3A_256 = arith.index_cast %scan3A_235 : i32 to index
        %get3A_257 = arith.constant 16 : index
        %get3A_258 = tpu.vector_load %arg16[%get3A_256, %get3A_257] {strides = array<i32>} : memref<128x64xf32, #tpu.memory_space<vmem>>, vector<1x16xf32>,
        %get3A_259 = vector.shape_cast %get3A_258 : vector<1x16xf32> to vector<16xf32>
        %add3A_260 = arith.addf %get3A_255, %get3A_259 : vector<16xf32>
        %max3A_261 = arith.constant 0.000000e+00 : f32
        %max3A_262 = vector.broadcast %max3A_261 : f32 to vector<16xf32>
        %max3A_263 = arith.maximumf %add3A_260, %max3A_262 : vector<16xf32>
        %swap3A_264 = arith.index_cast %scan3A_235 : i32 to index
        %swap3A_265 = arith.constant 16 : index
        %swap3A_266 = tpu.vector_load %arg16[%swap3A_264, %swap3A_265] {strides = array<i32>} : memref<128x64xf32, #tpu.memory_space<vmem>>, vector<1x16xf32>,
        %swap3A_267 = vector.shape_cast %swap3A_266 : vector<1x16xf32> to vector<16xf32>
        %swap3A_268 = vector.shape_cast %max3A_263 : vector<16xf32> to vector<1x16xf32>
        tpu.vector_store %arg16[%swap3A_264, %swap3A_265], %swap3A_268 {strides = array<i32>} : memref<128x64xf32, #tpu.memory_space<vmem>>, vector<1x16xf32>,
        %get3A_269 = arith.index_cast %scan3A_235 : i32 to index
        %get3A_270 = arith.constant 32 : index
        %get3A_271 = tpu.vector_load %arg15[%get3A_269, %get3A_270] {strides = array<i32>} : memref<128x64xf32, #tpu.memory_space<vmem>>, vector<1x16xf32>,
        %get3A_272 = vector.shape_cast %get3A_271 : vector<1x16xf32> to vector<16xf32>
        %get3A_273 = arith.index_cast %scan3A_235 : i32 to index
        %get3A_274 = arith.constant 32 : index
        %get3A_275 = tpu.vector_load %arg16[%get3A_273, %get3A_274] {strides = array<i32>} : memref<128x64xf32, #tpu.memory_space<vmem>>, vector<1x16xf32>,
        %get3A_276 = vector.shape_cast %get3A_275 : vector<1x16xf32> to vector<16xf32>
        %add3A_277 = arith.addf %get3A_272, %get3A_276 : vector<16xf32>
        %max3A_278 = arith.constant 0.000000e+00 : f32
        %max3A_279 = vector.broadcast %max3A_278 : f32 to vector<16xf32>
        %max3A_280 = arith.maximumf %add3A_277, %max3A_279 : vector<16xf32>
        %swap3A_281 = arith.index_cast %scan3A_235 : i32 to index
        %swap3A_282 = arith.constant 32 : index
        %swap3A_283 = tpu.vector_load %arg16[%swap3A_281, %swap3A_282] {strides = array<i32>} : memref<128x64xf32, #tpu.memory_space<vmem>>, vector<1x16xf32>,
        %swap3A_284 = vector.shape_cast %swap3A_283 : vector<1x16xf32> to vector<16xf32>
        %swap3A_285 = vector.shape_cast %max3A_280 : vector<16xf32> to vector<1x16xf32>
        tpu.vector_store %arg16[%swap3A_281, %swap3A_282], %swap3A_285 {strides = array<i32>} : memref<128x64xf32, #tpu.memory_space<vmem>>, vector<1x16xf32>,
        %get3A_286 = arith.index_cast %scan3A_235 : i32 to index
        %get3A_287 = arith.constant 48 : index
        %get3A_288 = tpu.vector_load %arg15[%get3A_286, %get3A_287] {strides = array<i32>} : memref<128x64xf32, #tpu.memory_space<vmem>>, vector<1x16xf32>,
        %get3A_289 = vector.shape_cast %get3A_288 : vector<1x16xf32> to vector<16xf32>
        %get3A_290 = arith.index_cast %scan3A_235 : i32 to index
        %get3A_291 = arith.constant 48 : index
        %get3A_292 = tpu.vector_load %arg16[%get3A_290, %get3A_291] {strides = array<i32>} : memref<128x64xf32, #tpu.memory_space<vmem>>, vector<1x16xf32>,
        %get3A_293 = vector.shape_cast %get3A_292 : vector<1x16xf32> to vector<16xf32>
        %add3A_294 = arith.addf %get3A_289, %get3A_293 : vector<16xf32>
        %max3A_295 = arith.constant 0.000000e+00 : f32
        %max3A_296 = vector.broadcast %max3A_295 : f32 to vector<16xf32>
        %max3A_297 = arith.maximumf %add3A_294, %max3A_296 : vector<16xf32>
        %swap3A_298 = arith.index_cast %scan3A_235 : i32 to index
        %swap3A_299 = arith.constant 48 : index
        %swap3A_300 = tpu.vector_load %arg16[%swap3A_298, %swap3A_299] {strides = array<i32>} : memref<128x64xf32, #tpu.memory_space<vmem>>, vector<1x16xf32>,
        %swap3A_301 = vector.shape_cast %swap3A_300 : vector<1x16xf32> to vector<16xf32>
        %swap3A_302 = vector.shape_cast %max3A_297 : vector<16xf32> to vector<1x16xf32>
        tpu.vector_store %arg16[%swap3A_298, %swap3A_299], %swap3A_302 {strides = array<i32>} : memref<128x64xf32, #tpu.memory_space<vmem>>, vector<1x16xf32>,
      }
      %scan3A_170 = arith.constant 128 : i32
      %get3A_171 = arith.constant 0 : index
      %get3A_172 = tpu.vector_load %arg13[%get3A_171] {strides = array<i32>} : memref<128xi32, #tpu.memory_space<vmem>>, vector<16xi32>,
      %get3A_173 = vector.shape_cast %get3A_172 : vector<16xi32> to vector<16xi32>
      %swap3A_174 = arith.constant 0 : index
      %swap3A_175 = tpu.vector_load %arg14[%swap3A_174] {strides = array<i32>} : memref<128xi32, #tpu.memory_space<vmem>>, vector<16xi32>,
      %swap3A_176 = vector.shape_cast %swap3A_175 : vector<16xi32> to vector<16xi32>
      %swap3A_177 = vector.shape_cast %get3A_173 : vector<16xi32> to vector<16xi32>
      tpu.vector_store %arg14[%swap3A_174], %swap3A_177 {strides = array<i32>} : memref<128xi32, #tpu.memory_space<vmem>>, vector<16xi32>,
      %get3A_178 = arith.constant 16 : index
      %get3A_179 = tpu.vector_load %arg13[%get3A_178] {strides = array<i32>} : memref<128xi32, #tpu.memory_space<vmem>>, vector<16xi32>,
      %get3A_180 = vector.shape_cast %get3A_179 : vector<16xi32> to vector<16xi32>
      %swap3A_181 = arith.constant 16 : index
      %swap3A_182 = tpu.vector_load %arg14[%swap3A_181] {strides = array<i32>} : memref<128xi32, #tpu.memory_space<vmem>>, vector<16xi32>,
      %swap3A_183 = vector.shape_cast %swap3A_182 : vector<16xi32> to vector<16xi32>
      %swap3A_184 = vector.shape_cast %get3A_180 : vector<16xi32> to vector<16xi32>
      tpu.vector_store %arg14[%swap3A_181], %swap3A_184 {strides = array<i32>} : memref<128xi32, #tpu.memory_space<vmem>>, vector<16xi32>,
      %get3A_185 = arith.constant 32 : index
      %get3A_186 = tpu.vector_load %arg13[%get3A_185] {strides = array<i32>} : memref<128xi32, #tpu.memory_space<vmem>>, vector<16xi32>,
      %get3A_187 = vector.shape_cast %get3A_186 : vector<16xi32> to vector<16xi32>
      %swap3A_188 = arith.constant 32 : index
      %swap3A_189 = tpu.vector_load %arg14[%swap3A_188] {strides = array<i32>} : memref<128xi32, #tpu.memory_space<vmem>>, vector<16xi32>,
      %swap3A_190 = vector.shape_cast %swap3A_189 : vector<16xi32> to vector<16xi32>
      %swap3A_191 = vector.shape_cast %get3A_187 : vector<16xi32> to vector<16xi32>
      tpu.vector_store %arg14[%swap3A_188], %swap3A_191 {strides = array<i32>} : memref<128xi32, #tpu.memory_space<vmem>>, vector<16xi32>,
      %get3A_192 = arith.constant 48 : index
      %get3A_193 = tpu.vector_load %arg13[%get3A_192] {strides = array<i32>} : memref<128xi32, #tpu.memory_space<vmem>>, vector<16xi32>,
      %get3A_194 = vector.shape_cast %get3A_193 : vector<16xi32> to vector<16xi32>
      %swap3A_195 = arith.constant 48 : index
      %swap3A_196 = tpu.vector_load %arg14[%swap3A_195] {strides = array<i32>} : memref<128xi32, #tpu.memory_space<vmem>>, vector<16xi32>,
      %swap3A_197 = vector.shape_cast %swap3A_196 : vector<16xi32> to vector<16xi32>
      %swap3A_198 = vector.shape_cast %get3A_194 : vector<16xi32> to vector<16xi32>
      tpu.vector_store %arg14[%swap3A_195], %swap3A_198 {strides = array<i32>} : memref<128xi32, #tpu.memory_space<vmem>>, vector<16xi32>,
      %get3A_199 = arith.constant 64 : index
      %get3A_200 = tpu.vector_load %arg13[%get3A_199] {strides = array<i32>} : memref<128xi32, #tpu.memory_space<vmem>>, vector<16xi32>,
      %get3A_201 = vector.shape_cast %get3A_200 : vector<16xi32> to vector<16xi32>
      %swap3A_202 = arith.constant 64 : index
      %swap3A_203 = tpu.vector_load %arg14[%swap3A_202] {strides = array<i32>} : memref<128xi32, #tpu.memory_space<vmem>>, vector<16xi32>,
      %swap3A_204 = vector.shape_cast %swap3A_203 : vector<16xi32> to vector<16xi32>
      %swap3A_205 = vector.shape_cast %get3A_201 : vector<16xi32> to vector<16xi32>
      tpu.vector_store %arg14[%swap3A_202], %swap3A_205 {strides = array<i32>} : memref<128xi32, #tpu.memory_space<vmem>>, vector<16xi32>,
      %get3A_206 = arith.constant 80 : index
      %get3A_207 = tpu.vector_load %arg13[%get3A_206] {strides = array<i32>} : memref<128xi32, #tpu.memory_space<vmem>>, vector<16xi32>,
      %get3A_208 = vector.shape_cast %get3A_207 : vector<16xi32> to vector<16xi32>
      %swap3A_209 = arith.constant 80 : index
      %swap3A_210 = tpu.vector_load %arg14[%swap3A_209] {strides = array<i32>} : memref<128xi32, #tpu.memory_space<vmem>>, vector<16xi32>,
      %swap3A_211 = vector.shape_cast %swap3A_210 : vector<16xi32> to vector<16xi32>
      %swap3A_212 = vector.shape_cast %get3A_208 : vector<16xi32> to vector<16xi32>
      tpu.vector_store %arg14[%swap3A_209], %swap3A_212 {strides = array<i32>} : memref<128xi32, #tpu.memory_space<vmem>>, vector<16xi32>,
      %get3A_213 = arith.constant 96 : index
      %get3A_214 = tpu.vector_load %arg13[%get3A_213] {strides = array<i32>} : memref<128xi32, #tpu.memory_space<vmem>>, vector<16xi32>,
      %get3A_215 = vector.shape_cast %get3A_214 : vector<16xi32> to vector<16xi32>
      %swap3A_216 = arith.constant 96 : index
      %swap3A_217 = tpu.vector_load %arg14[%swap3A_216] {strides = array<i32>} : memref<128xi32, #tpu.memory_space<vmem>>, vector<16xi32>,
      %swap3A_218 = vector.shape_cast %swap3A_217 : vector<16xi32> to vector<16xi32>
      %swap3A_219 = vector.shape_cast %get3A_215 : vector<16xi32> to vector<16xi32>
      tpu.vector_store %arg14[%swap3A_216], %swap3A_219 {strides = array<i32>} : memref<128xi32, #tpu.memory_space<vmem>>, vector<16xi32>,
      %get3A_220 = arith.constant 112 : index
      %get3A_221 = tpu.vector_load %arg13[%get3A_220] {strides = array<i32>} : memref<128xi32, #tpu.memory_space<vmem>>, vector<16xi32>,
      %get3A_222 = vector.shape_cast %get3A_221 : vector<16xi32> to vector<16xi32>
      %swap3A_223 = arith.constant 112 : index
      %swap3A_224 = tpu.vector_load %arg14[%swap3A_223] {strides = array<i32>} : memref<128xi32, #tpu.memory_space<vmem>>, vector<16xi32>,
      %swap3A_225 = vector.shape_cast %swap3A_224 : vector<16xi32> to vector<16xi32>
      %swap3A_226 = vector.shape_cast %get3A_222 : vector<16xi32> to vector<16xi32>
      tpu.vector_store %arg14[%swap3A_223], %swap3A_226 {strides = array<i32>} : memref<128xi32, #tpu.memory_space<vmem>>, vector<16xi32>,
      %dma_start3A_227 = arith.constant 0 : i32
      %dma_start3A_228 = arith.constant 0 : i32
      %dma_start3A_229 = tpu.memref_slice %arg18[%dma_start3A_227, %dma_start3A_228] : memref<10240x64xf32, #tpu.memory_space<vmem_shared>> -> memref<10240x64xf32, #tpu.memory_space<vmem_shared>>
      tpu.enqueue_indirect_dma source(%arg16 : memref<128x64xf32, #tpu.memory_space<vmem>>) target(%dma_start3A_229 : memref<10240x64xf32, #tpu.memory_space<vmem_shared>>) offsets(%arg14 : memref<128xi32, #tpu.memory_space<vmem>>) semaphore(%arg24 : memref<!tpu.dma_semaphore, #tpu.memory_space<semaphore_mem>>) {add = true}
      %lt3A_230 = arith.constant 77 : i32
      %lt3A_231 = arith.cmpi slt, %scan3A_43, %lt3A_230 : i32
      %convert_element_type3A_232 = arith.extui %lt3A_231 : i1 to i32
      %cond3A_233 = arith.constant 0 : i32
      %cond3A_234 = arith.cmpi ne, %convert_element_type3A_232, %cond3A_233 : i32
      scf.if %cond3A_234 {
        %add3A_235 = arith.constant 3 : i32
        %add3A_236 = arith.addi %mul3A_45, %add3A_235 : i32
        %mul3A_237 = arith.constant 128 : i32
        %mul3A_238 = arith.muli %add3A_236, %mul3A_237 : i32
        %add3A_239 = arith.addi %mul3A_11, %mul3A_238 : i32
        %dma_start3A_240 = tpu.memref_slice %arg4[%add3A_239] : memref<320000xi32, #tpu.memory_space<hbm>> -> memref<128xi32, #tpu.memory_space<hbm>>
        %dma_start3A_241 = tpu.memref_slice %arg4[%add3A_239] : memref<320000xi32, #tpu.memory_space<hbm>> -> memref<128xi32, #tpu.memory_space<hbm>>
        tpu.enqueue_dma source(%dma_start3A_241 : memref<128xi32, #tpu.memory_space<hbm>>) target(%arg12 : memref<128xi32, #tpu.memory_space<vmem>>) target_semaphore(%arg20 : memref<!tpu.dma_semaphore, #tpu.memory_space<semaphore_mem>>)
        %dma_start3A_242 = tpu.memref_slice %arg5[%add3A_239] : memref<320000xi32, #tpu.memory_space<hbm>> -> memref<128xi32, #tpu.memory_space<hbm>>
        %dma_start3A_243 = tpu.memref_slice %arg5[%add3A_239] : memref<320000xi32, #tpu.memory_space<hbm>> -> memref<128xi32, #tpu.memory_space<hbm>>
        tpu.enqueue_dma source(%dma_start3A_243 : memref<128xi32, #tpu.memory_space<hbm>>) target(%arg13 : memref<128xi32, #tpu.memory_space<vmem>>) target_semaphore(%arg20 : memref<!tpu.dma_semaphore, #tpu.memory_space<semaphore_mem>>)
      } else {
      }
    }
    %scan3A_32 = arith.constant 78 : i32
    %lt3A = arith.constant 4 : i32
    %lt3A_33 = arith.cmpi slt, %arg1, %lt3A : i32
    %convert_element_type3A = arith.extui %lt3A_33 : i1 to i32
    %cond3A = arith.constant 0 : i32
    %cond3A_34 = arith.cmpi ne, %convert_element_type3A, %cond3A : i32
    scf.if %cond3A_34 {
      %add3A_43 = arith.constant 2496 : i32
      %add3A_44 = arith.addi %add3A_43, %arg1 : i32
      %mul3A_45 = arith.constant 128 : i32
      %mul3A_46 = arith.muli %add3A_44, %mul3A_45 : i32
      "tpu.region"() ({
        %run_scoped3A = tpu.sem_alloc : memref<!tpu.dma_semaphore, #tpu.memory_space<semaphore_mem>>
        %dma_start3A_128 = tpu.memref_slice %arg4[%mul3A_46] : memref<320000xi32, #tpu.memory_space<hbm>> -> memref<128xi32, #tpu.memory_space<hbm>>
        %dma_start3A_129 = tpu.memref_slice %arg4[%mul3A_46] : memref<320000xi32, #tpu.memory_space<hbm>> -> memref<128xi32, #tpu.memory_space<hbm>>
        tpu.enqueue_dma source(%dma_start3A_129 : memref<128xi32, #tpu.memory_space<hbm>>) target(%arg7 : memref<128xi32, #tpu.memory_space<vmem>>) target_semaphore(%run_scoped3A : memref<!tpu.dma_semaphore, #tpu.memory_space<semaphore_mem>>)
        %dma_wait3A_130 = tpu.memref_slice %arg4[%mul3A_46] : memref<320000xi32, #tpu.memory_space<hbm>> -> memref<128xi32, #tpu.memory_space<hbm>>
        %dma_wait3A_131 = tpu.memref_slice %arg4[%mul3A_46] : memref<320000xi32, #tpu.memory_space<hbm>> -> memref<128xi32, #tpu.memory_space<hbm>>
        tpu.wait_dma2 semaphore(%run_scoped3A : memref<!tpu.dma_semaphore, #tpu.memory_space<semaphore_mem>>) src(%dma_wait3A_131 : memref<128xi32, #tpu.memory_space<hbm>>) dst(%arg7 : memref<128xi32, #tpu.memory_space<vmem>>)
        tpu.yield
      }) : () -> ()
      "tpu.region"() ({
        %run_scoped3A = tpu.sem_alloc : memref<!tpu.dma_semaphore, #tpu.memory_space<semaphore_mem>>
        %dma_start3A_128 = tpu.memref_slice %arg5[%mul3A_46] : memref<320000xi32, #tpu.memory_space<hbm>> -> memref<128xi32, #tpu.memory_space<hbm>>
        %dma_start3A_129 = tpu.memref_slice %arg5[%mul3A_46] : memref<320000xi32, #tpu.memory_space<hbm>> -> memref<128xi32, #tpu.memory_space<hbm>>
        tpu.enqueue_dma source(%dma_start3A_129 : memref<128xi32, #tpu.memory_space<hbm>>) target(%arg8 : memref<128xi32, #tpu.memory_space<vmem>>) target_semaphore(%run_scoped3A : memref<!tpu.dma_semaphore, #tpu.memory_space<semaphore_mem>>)
        %dma_wait3A_130 = tpu.memref_slice %arg5[%mul3A_46] : memref<320000xi32, #tpu.memory_space<hbm>> -> memref<128xi32, #tpu.memory_space<hbm>>
        %dma_wait3A_131 = tpu.memref_slice %arg5[%mul3A_46] : memref<320000xi32, #tpu.memory_space<hbm>> -> memref<128xi32, #tpu.memory_space<hbm>>
        tpu.wait_dma2 semaphore(%run_scoped3A : memref<!tpu.dma_semaphore, #tpu.memory_space<semaphore_mem>>) src(%dma_wait3A_131 : memref<128xi32, #tpu.memory_space<hbm>>) dst(%arg8 : memref<128xi32, #tpu.memory_space<vmem>>)
        tpu.yield
      }) : () -> ()
      "tpu.region"() ({
        %run_scoped3A = tpu.sem_alloc : memref<!tpu.dma_semaphore, #tpu.memory_space<semaphore_mem>>
        %dma_start3A_128 = tpu.memref_slice %arg3[%mul3A_46, %mul3A_0] : memref<320000x128xf32, #tpu.memory_space<hbm>> -> memref<128x64xf32, #tpu.memory_space<hbm>>
        %dma_start3A_129 = tpu.memref_slice %arg3[%mul3A_46, %mul3A_0] : memref<320000x128xf32, #tpu.memory_space<hbm>> -> memref<128x64xf32, #tpu.memory_space<hbm>>
        tpu.enqueue_dma source(%dma_start3A_129 : memref<128x64xf32, #tpu.memory_space<hbm>>) target(%arg11 : memref<128x64xf32, #tpu.memory_space<vmem>>) target_semaphore(%run_scoped3A : memref<!tpu.dma_semaphore, #tpu.memory_space<semaphore_mem>>)
        %dma_wait3A_130 = tpu.memref_slice %arg3[%mul3A_46, %mul3A_0] : memref<320000x128xf32, #tpu.memory_space<hbm>> -> memref<128x64xf32, #tpu.memory_space<hbm>>
        %dma_wait3A_131 = tpu.memref_slice %arg3[%mul3A_46, %mul3A_0] : memref<320000x128xf32, #tpu.memory_space<hbm>> -> memref<128x64xf32, #tpu.memory_space<hbm>>
        tpu.wait_dma2 semaphore(%run_scoped3A : memref<!tpu.dma_semaphore, #tpu.memory_space<semaphore_mem>>) src(%dma_wait3A_131 : memref<128x64xf32, #tpu.memory_space<hbm>>) dst(%arg11 : memref<128x64xf32, #tpu.memory_space<vmem>>)
        tpu.yield
      }) : () -> ()
      %dma_start3A_47 = arith.constant 0 : i32
      %dma_start3A_48 = arith.constant 0 : i32
      %dma_start3A_49 = tpu.memref_slice %arg2[%arg0, %dma_start3A_47, %dma_start3A_48] : memref<2x10000x64xf32, #tpu.memory_space<hbm>> -> memref<1x10000x64xf32, #tpu.memory_space<hbm>>
      %dma_start3A_50 = tpu.memref_squeeze %dma_start3A_49 : memref<1x10000x64xf32, #tpu.memory_space<hbm>> -> memref<10000x64xf32, #tpu.memory_space<hbm>>
      %dma_start3A_51 = arith.constant 0 : i32
      %dma_start3A_52 = arith.constant 0 : i32
      %dma_start3A_53 = tpu.memref_slice %dma_start3A_50[%dma_start3A_51, %dma_start3A_52] : memref<10000x64xf32, #tpu.memory_space<hbm>> -> memref<10000x64xf32, #tpu.memory_space<hbm>>
      tpu.enqueue_indirect_dma source(%dma_start3A_53 : memref<10000x64xf32, #tpu.memory_space<hbm>>) target(%arg10 : memref<128x64xf32, #tpu.memory_space<vmem>>) offsets(%arg7 : memref<128xi32, #tpu.memory_space<vmem>>) semaphore(%arg21 : memref<!tpu.dma_semaphore, #tpu.memory_space<semaphore_mem>>)
      %dma_wait3A_54 = arith.constant 0 : i32
      %dma_wait3A_55 = arith.constant 0 : i32
      %dma_wait3A_56 = tpu.memref_slice %arg2[%arg0, %dma_wait3A_54, %dma_wait3A_55] : memref<2x10000x64xf32, #tpu.memory_space<hbm>> -> memref<1x10000x64xf32, #tpu.memory_space<hbm>>
      %dma_wait3A_57 = tpu.memref_squeeze %dma_wait3A_56 : memref<1x10000x64xf32, #tpu.memory_space<hbm>> -> memref<10000x64xf32, #tpu.memory_space<hbm>>
      %dma_wait3A_58 = arith.constant 0 : i32
      %dma_wait3A_59 = arith.constant 0 : i32
      %dma_wait3A_60 = tpu.memref_slice %dma_wait3A_57[%dma_wait3A_58, %dma_wait3A_59] : memref<10000x64xf32, #tpu.memory_space<hbm>> -> memref<10000x64xf32, #tpu.memory_space<hbm>>
      tpu.wait_indirect_dma semaphore(%arg21 : memref<!tpu.dma_semaphore, #tpu.memory_space<semaphore_mem>>) src(%dma_wait3A_60 : memref<10000x64xf32, #tpu.memory_space<hbm>>) dst(%arg10 : memref<128x64xf32, #tpu.memory_space<vmem>>)
      %scan3A_61 = arith.constant 0 : i32
      %scan3A_62 = arith.constant 0 : i32
      %scan3A_63 = arith.constant 128 : i32
      %scan3A_64 = arith.addi %scan3A_62, %scan3A_63 : i32
      %scan3A_65 = arith.constant 1 : i32
      scf.for %scan3A_128 = %scan3A_62 to %scan3A_64 step %scan3A_65  : i32 {
        %get3A_129 = arith.index_cast %scan3A_128 : i32 to index
        %get3A_130 = arith.constant 0 : index
        %get3A_131 = tpu.vector_load %arg10[%get3A_129, %get3A_130] {strides = array<i32>} : memref<128x64xf32, #tpu.memory_space<vmem>>, vector<1x16xf32>,
        %get3A_132 = vector.shape_cast %get3A_131 : vector<1x16xf32> to vector<16xf32>
        %get3A_133 = arith.index_cast %scan3A_128 : i32 to index
        %get3A_134 = arith.constant 0 : index
        %get3A_135 = tpu.vector_load %arg11[%get3A_133, %get3A_134] {strides = array<i32>} : memref<128x64xf32, #tpu.memory_space<vmem>>, vector<1x16xf32>,
        %get3A_136 = vector.shape_cast %get3A_135 : vector<1x16xf32> to vector<16xf32>
        %add3A_137 = arith.addf %get3A_132, %get3A_136 : vector<16xf32>
        %max3A = arith.constant 0.000000e+00 : f32
        %max3A_138 = vector.broadcast %max3A : f32 to vector<16xf32>
        %max3A_139 = arith.maximumf %add3A_137, %max3A_138 : vector<16xf32>
        %swap3A_140 = arith.index_cast %scan3A_128 : i32 to index
        %swap3A_141 = arith.constant 0 : index
        %swap3A_142 = tpu.vector_load %arg11[%swap3A_140, %swap3A_141] {strides = array<i32>} : memref<128x64xf32, #tpu.memory_space<vmem>>, vector<1x16xf32>,
        %swap3A_143 = vector.shape_cast %swap3A_142 : vector<1x16xf32> to vector<16xf32>
        %swap3A_144 = vector.shape_cast %max3A_139 : vector<16xf32> to vector<1x16xf32>
        tpu.vector_store %arg11[%swap3A_140, %swap3A_141], %swap3A_144 {strides = array<i32>} : memref<128x64xf32, #tpu.memory_space<vmem>>, vector<1x16xf32>,
        %get3A_145 = arith.index_cast %scan3A_128 : i32 to index
        %get3A_146 = arith.constant 16 : index
        %get3A_147 = tpu.vector_load %arg10[%get3A_145, %get3A_146] {strides = array<i32>} : memref<128x64xf32, #tpu.memory_space<vmem>>, vector<1x16xf32>,
        %get3A_148 = vector.shape_cast %get3A_147 : vector<1x16xf32> to vector<16xf32>
        %get3A_149 = arith.index_cast %scan3A_128 : i32 to index
        %get3A_150 = arith.constant 16 : index
        %get3A_151 = tpu.vector_load %arg11[%get3A_149, %get3A_150] {strides = array<i32>} : memref<128x64xf32, #tpu.memory_space<vmem>>, vector<1x16xf32>,
        %get3A_152 = vector.shape_cast %get3A_151 : vector<1x16xf32> to vector<16xf32>
        %add3A_153 = arith.addf %get3A_148, %get3A_152 : vector<16xf32>
        %max3A_154 = arith.constant 0.000000e+00 : f32
        %max3A_155 = vector.broadcast %max3A_154 : f32 to vector<16xf32>
        %max3A_156 = arith.maximumf %add3A_153, %max3A_155 : vector<16xf32>
        %swap3A_157 = arith.index_cast %scan3A_128 : i32 to index
        %swap3A_158 = arith.constant 16 : index
        %swap3A_159 = tpu.vector_load %arg11[%swap3A_157, %swap3A_158] {strides = array<i32>} : memref<128x64xf32, #tpu.memory_space<vmem>>, vector<1x16xf32>,
        %swap3A_160 = vector.shape_cast %swap3A_159 : vector<1x16xf32> to vector<16xf32>
        %swap3A_161 = vector.shape_cast %max3A_156 : vector<16xf32> to vector<1x16xf32>
        tpu.vector_store %arg11[%swap3A_157, %swap3A_158], %swap3A_161 {strides = array<i32>} : memref<128x64xf32, #tpu.memory_space<vmem>>, vector<1x16xf32>,
        %get3A_162 = arith.index_cast %scan3A_128 : i32 to index
        %get3A_163 = arith.constant 32 : index
        %get3A_164 = tpu.vector_load %arg10[%get3A_162, %get3A_163] {strides = array<i32>} : memref<128x64xf32, #tpu.memory_space<vmem>>, vector<1x16xf32>,
        %get3A_165 = vector.shape_cast %get3A_164 : vector<1x16xf32> to vector<16xf32>
        %get3A_166 = arith.index_cast %scan3A_128 : i32 to index
        %get3A_167 = arith.constant 32 : index
        %get3A_168 = tpu.vector_load %arg11[%get3A_166, %get3A_167] {strides = array<i32>} : memref<128x64xf32, #tpu.memory_space<vmem>>, vector<1x16xf32>,
        %get3A_169 = vector.shape_cast %get3A_168 : vector<1x16xf32> to vector<16xf32>
        %add3A_170 = arith.addf %get3A_165, %get3A_169 : vector<16xf32>
        %max3A_171 = arith.constant 0.000000e+00 : f32
        %max3A_172 = vector.broadcast %max3A_171 : f32 to vector<16xf32>
        %max3A_173 = arith.maximumf %add3A_170, %max3A_172 : vector<16xf32>
        %swap3A_174 = arith.index_cast %scan3A_128 : i32 to index
        %swap3A_175 = arith.constant 32 : index
        %swap3A_176 = tpu.vector_load %arg11[%swap3A_174, %swap3A_175] {strides = array<i32>} : memref<128x64xf32, #tpu.memory_space<vmem>>, vector<1x16xf32>,
        %swap3A_177 = vector.shape_cast %swap3A_176 : vector<1x16xf32> to vector<16xf32>
        %swap3A_178 = vector.shape_cast %max3A_173 : vector<16xf32> to vector<1x16xf32>
        tpu.vector_store %arg11[%swap3A_174, %swap3A_175], %swap3A_178 {strides = array<i32>} : memref<128x64xf32, #tpu.memory_space<vmem>>, vector<1x16xf32>,
        %get3A_179 = arith.index_cast %scan3A_128 : i32 to index
        %get3A_180 = arith.constant 48 : index
        %get3A_181 = tpu.vector_load %arg10[%get3A_179, %get3A_180] {strides = array<i32>} : memref<128x64xf32, #tpu.memory_space<vmem>>, vector<1x16xf32>,
        %get3A_182 = vector.shape_cast %get3A_181 : vector<1x16xf32> to vector<16xf32>
        %get3A_183 = arith.index_cast %scan3A_128 : i32 to index
        %get3A_184 = arith.constant 48 : index
        %get3A_185 = tpu.vector_load %arg11[%get3A_183, %get3A_184] {strides = array<i32>} : memref<128x64xf32, #tpu.memory_space<vmem>>, vector<1x16xf32>,
        %get3A_186 = vector.shape_cast %get3A_185 : vector<1x16xf32> to vector<16xf32>
        %add3A_187 = arith.addf %get3A_182, %get3A_186 : vector<16xf32>
        %max3A_188 = arith.constant 0.000000e+00 : f32
        %max3A_189 = vector.broadcast %max3A_188 : f32 to vector<16xf32>
        %max3A_190 = arith.maximumf %add3A_187, %max3A_189 : vector<16xf32>
        %swap3A_191 = arith.index_cast %scan3A_128 : i32 to index
        %swap3A_192 = arith.constant 48 : index
        %swap3A_193 = tpu.vector_load %arg11[%swap3A_191, %swap3A_192] {strides = array<i32>} : memref<128x64xf32, #tpu.memory_space<vmem>>, vector<1x16xf32>,
        %swap3A_194 = vector.shape_cast %swap3A_193 : vector<1x16xf32> to vector<16xf32>
        %swap3A_195 = vector.shape_cast %max3A_190 : vector<16xf32> to vector<1x16xf32>
        tpu.vector_store %arg11[%swap3A_191, %swap3A_192], %swap3A_195 {strides = array<i32>} : memref<128x64xf32, #tpu.memory_space<vmem>>, vector<1x16xf32>,
      }
      %scan3A_66 = arith.constant 128 : i32
      %get3A = arith.constant 0 : index
      %get3A_67 = tpu.vector_load %arg8[%get3A] {strides = array<i32>} : memref<128xi32, #tpu.memory_space<vmem>>, vector<16xi32>,
      %get3A_68 = vector.shape_cast %get3A_67 : vector<16xi32> to vector<16xi32>
      %swap3A = arith.constant 0 : index
      %swap3A_69 = tpu.vector_load %arg9[%swap3A] {strides = array<i32>} : memref<128xi32, #tpu.memory_space<vmem>>, vector<16xi32>,
      %swap3A_70 = vector.shape_cast %swap3A_69 : vector<16xi32> to vector<16xi32>
      %swap3A_71 = vector.shape_cast %get3A_68 : vector<16xi32> to vector<16xi32>
      tpu.vector_store %arg9[%swap3A], %swap3A_71 {strides = array<i32>} : memref<128xi32, #tpu.memory_space<vmem>>, vector<16xi32>,
      %get3A_72 = arith.constant 16 : index
      %get3A_73 = tpu.vector_load %arg8[%get3A_72] {strides = array<i32>} : memref<128xi32, #tpu.memory_space<vmem>>, vector<16xi32>,
      %get3A_74 = vector.shape_cast %get3A_73 : vector<16xi32> to vector<16xi32>
      %swap3A_75 = arith.constant 16 : index
      %swap3A_76 = tpu.vector_load %arg9[%swap3A_75] {strides = array<i32>} : memref<128xi32, #tpu.memory_space<vmem>>, vector<16xi32>,
      %swap3A_77 = vector.shape_cast %swap3A_76 : vector<16xi32> to vector<16xi32>
      %swap3A_78 = vector.shape_cast %get3A_74 : vector<16xi32> to vector<16xi32>
      tpu.vector_store %arg9[%swap3A_75], %swap3A_78 {strides = array<i32>} : memref<128xi32, #tpu.memory_space<vmem>>, vector<16xi32>,
      %get3A_79 = arith.constant 32 : index
      %get3A_80 = tpu.vector_load %arg8[%get3A_79] {strides = array<i32>} : memref<128xi32, #tpu.memory_space<vmem>>, vector<16xi32>,
      %get3A_81 = vector.shape_cast %get3A_80 : vector<16xi32> to vector<16xi32>
      %swap3A_82 = arith.constant 32 : index
      %swap3A_83 = tpu.vector_load %arg9[%swap3A_82] {strides = array<i32>} : memref<128xi32, #tpu.memory_space<vmem>>, vector<16xi32>,
      %swap3A_84 = vector.shape_cast %swap3A_83 : vector<16xi32> to vector<16xi32>
      %swap3A_85 = vector.shape_cast %get3A_81 : vector<16xi32> to vector<16xi32>
      tpu.vector_store %arg9[%swap3A_82], %swap3A_85 {strides = array<i32>} : memref<128xi32, #tpu.memory_space<vmem>>, vector<16xi32>,
      %get3A_86 = arith.constant 48 : index
      %get3A_87 = tpu.vector_load %arg8[%get3A_86] {strides = array<i32>} : memref<128xi32, #tpu.memory_space<vmem>>, vector<16xi32>,
      %get3A_88 = vector.shape_cast %get3A_87 : vector<16xi32> to vector<16xi32>
      %swap3A_89 = arith.constant 48 : index
      %swap3A_90 = tpu.vector_load %arg9[%swap3A_89] {strides = array<i32>} : memref<128xi32, #tpu.memory_space<vmem>>, vector<16xi32>,
      %swap3A_91 = vector.shape_cast %swap3A_90 : vector<16xi32> to vector<16xi32>
      %swap3A_92 = vector.shape_cast %get3A_88 : vector<16xi32> to vector<16xi32>
      tpu.vector_store %arg9[%swap3A_89], %swap3A_92 {strides = array<i32>} : memref<128xi32, #tpu.memory_space<vmem>>, vector<16xi32>,
      %get3A_93 = arith.constant 64 : index
      %get3A_94 = tpu.vector_load %arg8[%get3A_93] {strides = array<i32>} : memref<128xi32, #tpu.memory_space<vmem>>, vector<16xi32>,
      %get3A_95 = vector.shape_cast %get3A_94 : vector<16xi32> to vector<16xi32>
      %swap3A_96 = arith.constant 64 : index
      %swap3A_97 = tpu.vector_load %arg9[%swap3A_96] {strides = array<i32>} : memref<128xi32, #tpu.memory_space<vmem>>, vector<16xi32>,
      %swap3A_98 = vector.shape_cast %swap3A_97 : vector<16xi32> to vector<16xi32>
      %swap3A_99 = vector.shape_cast %get3A_95 : vector<16xi32> to vector<16xi32>
      tpu.vector_store %arg9[%swap3A_96], %swap3A_99 {strides = array<i32>} : memref<128xi32, #tpu.memory_space<vmem>>, vector<16xi32>,
      %get3A_100 = arith.constant 80 : index
      %get3A_101 = tpu.vector_load %arg8[%get3A_100] {strides = array<i32>} : memref<128xi32, #tpu.memory_space<vmem>>, vector<16xi32>,
      %get3A_102 = vector.shape_cast %get3A_101 : vector<16xi32> to vector<16xi32>
      %swap3A_103 = arith.constant 80 : index
      %swap3A_104 = tpu.vector_load %arg9[%swap3A_103] {strides = array<i32>} : memref<128xi32, #tpu.memory_space<vmem>>, vector<16xi32>,
      %swap3A_105 = vector.shape_cast %swap3A_104 : vector<16xi32> to vector<16xi32>
      %swap3A_106 = vector.shape_cast %get3A_102 : vector<16xi32> to vector<16xi32>
      tpu.vector_store %arg9[%swap3A_103], %swap3A_106 {strides = array<i32>} : memref<128xi32, #tpu.memory_space<vmem>>, vector<16xi32>,
      %get3A_107 = arith.constant 96 : index
      %get3A_108 = tpu.vector_load %arg8[%get3A_107] {strides = array<i32>} : memref<128xi32, #tpu.memory_space<vmem>>, vector<16xi32>,
      %get3A_109 = vector.shape_cast %get3A_108 : vector<16xi32> to vector<16xi32>
      %swap3A_110 = arith.constant 96 : index
      %swap3A_111 = tpu.vector_load %arg9[%swap3A_110] {strides = array<i32>} : memref<128xi32, #tpu.memory_space<vmem>>, vector<16xi32>,
      %swap3A_112 = vector.shape_cast %swap3A_111 : vector<16xi32> to vector<16xi32>
      %swap3A_113 = vector.shape_cast %get3A_109 : vector<16xi32> to vector<16xi32>
      tpu.vector_store %arg9[%swap3A_110], %swap3A_113 {strides = array<i32>} : memref<128xi32, #tpu.memory_space<vmem>>, vector<16xi32>,
      %get3A_114 = arith.constant 112 : index
      %get3A_115 = tpu.vector_load %arg8[%get3A_114] {strides = array<i32>} : memref<128xi32, #tpu.memory_space<vmem>>, vector<16xi32>,
      %get3A_116 = vector.shape_cast %get3A_115 : vector<16xi32> to vector<16xi32>
      %swap3A_117 = arith.constant 112 : index
      %swap3A_118 = tpu.vector_load %arg9[%swap3A_117] {strides = array<i32>} : memref<128xi32, #tpu.memory_space<vmem>>, vector<16xi32>,
      %swap3A_119 = vector.shape_cast %swap3A_118 : vector<16xi32> to vector<16xi32>
      %swap3A_120 = vector.shape_cast %get3A_116 : vector<16xi32> to vector<16xi32>
      tpu.vector_store %arg9[%swap3A_117], %swap3A_120 {strides = array<i32>} : memref<128xi32, #tpu.memory_space<vmem>>, vector<16xi32>,
      %dma_start3A_121 = arith.constant 0 : i32
      %dma_start3A_122 = arith.constant 0 : i32
      %dma_start3A_123 = tpu.memref_slice %arg18[%dma_start3A_121, %dma_start3A_122] : memref<10240x64xf32, #tpu.memory_space<vmem_shared>> -> memref<10240x64xf32, #tpu.memory_space<vmem_shared>>
      tpu.enqueue_indirect_dma source(%arg11 : memref<128x64xf32, #tpu.memory_space<vmem>>) target(%dma_start3A_123 : memref<10240x64xf32, #tpu.memory_space<vmem_shared>>) offsets(%arg9 : memref<128xi32, #tpu.memory_space<vmem>>) semaphore(%arg23 : memref<!tpu.dma_semaphore, #tpu.memory_space<semaphore_mem>>) {add = true}
      %dma_wait3A_124 = arith.constant 0 : i32
      %dma_wait3A_125 = tpu.memref_slice %arg3[%dma_wait3A_124, %mul3A_0] : memref<320000x128xf32, #tpu.memory_space<hbm>> -> memref<128x64xf32, #tpu.memory_space<hbm>>
      %dma_wait3A_126 = arith.constant 0 : i32
      %dma_wait3A_127 = tpu.memref_slice %arg3[%dma_wait3A_126, %mul3A_0] : memref<320000x128xf32, #tpu.memory_space<hbm>> -> memref<128x64xf32, #tpu.memory_space<hbm>>
      tpu.wait_dma2 semaphore(%arg23 : memref<!tpu.dma_semaphore, #tpu.memory_space<semaphore_mem>>) src(%dma_wait3A_127 : memref<128x64xf32, #tpu.memory_space<hbm>>) dst(%arg11 : memref<128x64xf32, #tpu.memory_space<vmem>>)
    } else {
    }
    %dma_wait3A = arith.constant 0 : i32
    %dma_wait3A_35 = tpu.memref_slice %arg3[%dma_wait3A, %mul3A_0] : memref<320000x128xf32, #tpu.memory_space<hbm>> -> memref<128x64xf32, #tpu.memory_space<hbm>>
    %dma_wait3A_36 = arith.constant 0 : i32
    %dma_wait3A_37 = tpu.memref_slice %arg3[%dma_wait3A_36, %mul3A_0] : memref<320000x128xf32, #tpu.memory_space<hbm>> -> memref<128x64xf32, #tpu.memory_space<hbm>>
    tpu.wait_dma2 semaphore(%arg24 : memref<!tpu.dma_semaphore, #tpu.memory_space<semaphore_mem>>) src(%dma_wait3A_37 : memref<128x64xf32, #tpu.memory_space<hbm>>) dst(%arg16 : memref<128x64xf32, #tpu.memory_space<vmem>>)
    %barrier3A_38 = arith.constant 0 : index
    tpu.barrier barrier_id(%barrier3A_38)
    %mul3A_39 = arith.constant 640 : i32
    %mul3A_40 = arith.muli %arg1, %mul3A_39 : i32
    "tpu.region"() ({
      %run_scoped3A = tpu.sem_alloc : memref<!tpu.dma_semaphore, #tpu.memory_space<semaphore_mem>>
      %dma_start3A_43 = arith.constant 0 : i32
      %dma_start3A_44 = tpu.memref_slice %arg18[%mul3A_40, %dma_start3A_43] : memref<10240x64xf32, #tpu.memory_space<vmem_shared>> -> memref<640x64xf32, #tpu.memory_space<vmem_shared>>
      %dma_start3A_45 = arith.constant 0 : i32
      %dma_start3A_46 = tpu.memref_slice %arg18[%mul3A_40, %dma_start3A_45] : memref<10240x64xf32, #tpu.memory_space<vmem_shared>> -> memref<640x64xf32, #tpu.memory_space<vmem_shared>>
      tpu.enqueue_dma source(%dma_start3A_46 : memref<640x64xf32, #tpu.memory_space<vmem_shared>>) target(%arg17 : memref<640x64xf32, #tpu.memory_space<vmem>>) target_semaphore(%run_scoped3A : memref<!tpu.dma_semaphore, #tpu.memory_space<semaphore_mem>>)
      %dma_wait3A_47 = arith.constant 0 : i32
      %dma_wait3A_48 = tpu.memref_slice %arg18[%mul3A_40, %dma_wait3A_47] : memref<10240x64xf32, #tpu.memory_space<vmem_shared>> -> memref<640x64xf32, #tpu.memory_space<vmem_shared>>
      %dma_wait3A_49 = arith.constant 0 : i32
      %dma_wait3A_50 = tpu.memref_slice %arg18[%mul3A_40, %dma_wait3A_49] : memref<10240x64xf32, #tpu.memory_space<vmem_shared>> -> memref<640x64xf32, #tpu.memory_space<vmem_shared>>
      tpu.wait_dma2 semaphore(%run_scoped3A : memref<!tpu.dma_semaphore, #tpu.memory_space<semaphore_mem>>) src(%dma_wait3A_50 : memref<640x64xf32, #tpu.memory_space<vmem_shared>>) dst(%arg17 : memref<640x64xf32, #tpu.memory_space<vmem>>)
      tpu.yield
    }) : () -> ()
    %mul3A_41 = arith.constant 640 : i32
    %mul3A_42 = arith.muli %arg1, %mul3A_41 : i32
    "tpu.region"() ({
      %run_scoped3A = tpu.sem_alloc : memref<!tpu.dma_semaphore, #tpu.memory_space<semaphore_mem>>
      %dma_start3A_43 = tpu.memref_slice %arg6[%mul3A_42, %mul3A_0] : memref<10240x128xf32, #tpu.memory_space<hbm>> -> memref<640x64xf32, #tpu.memory_space<hbm>>
      %dma_start3A_44 = tpu.memref_slice %arg6[%mul3A_42, %mul3A_0] : memref<10240x128xf32, #tpu.memory_space<hbm>> -> memref<640x64xf32, #tpu.memory_space<hbm>>
      tpu.enqueue_dma source(%arg17 : memref<640x64xf32, #tpu.memory_space<vmem>>) target(%dma_start3A_44 : memref<640x64xf32, #tpu.memory_space<hbm>>) target_semaphore(%run_scoped3A : memref<!tpu.dma_semaphore, #tpu.memory_space<semaphore_mem>>)
      %dma_wait3A_45 = tpu.memref_slice %arg6[%mul3A_42, %mul3A_0] : memref<10240x128xf32, #tpu.memory_space<hbm>> -> memref<640x64xf32, #tpu.memory_space<hbm>>
      %dma_wait3A_46 = tpu.memref_slice %arg6[%mul3A_42, %mul3A_0] : memref<10240x128xf32, #tpu.memory_space<hbm>> -> memref<640x64xf32, #tpu.memory_space<hbm>>
      tpu.wait_dma2 semaphore(%run_scoped3A : memref<!tpu.dma_semaphore, #tpu.memory_space<semaphore_mem>>) src(%arg17 : memref<640x64xf32, #tpu.memory_space<vmem>>) dst(%dma_wait3A_46 : memref<640x64xf32, #tpu.memory_space<hbm>>)
      tpu.yield
    }) : () -> ()
    return
  }
}

#map = affine_map<(d0, d1) -> (0, 0, 0)>
#map1 = affine_map<(d0, d1) -> (0, 0)>
#map2 = affine_map<(d0, d1) -> (0)>
module attributes {stable_mosaic.version = 14 : i64} {
  func.func @_sc_aggregate_body(%arg0: i32, %arg1: i32, %arg2: memref<2x10000x64xf32, #tpu.memory_space<hbm>>, %arg3: memref<320000x128xf32, #tpu.memory_space<hbm>>, %arg4: memref<320000xi32, #tpu.memory_space<hbm>>, %arg5: memref<320000xi32, #tpu.memory_space<hbm>>, %arg6: memref<10240x128xf32, #tpu.memory_space<hbm>>, %arg7: memref<128xi32, #tpu.memory_space<vmem>>, %arg8: memref<128xi32, #tpu.memory_space<vmem>>, %arg9: memref<128xi32, #tpu.memory_space<vmem>>, %arg10: memref<128x64xf32, #tpu.memory_space<vmem>>, %arg11: memref<128x64xf32, #tpu.memory_space<vmem>>, %arg12: memref<128xi32, #tpu.memory_space<vmem>>, %arg13: memref<128xi32, #tpu.memory_space<vmem>>, %arg14: memref<128xi32, #tpu.memory_space<vmem>>, %arg15: memref<128x64xf32, #tpu.memory_space<vmem>>, %arg16: memref<128x64xf32, #tpu.memory_space<vmem>>, %arg17: memref<640x64xf32, #tpu.memory_space<vmem>>, %arg18: memref<10240x64xf32, #tpu.memory_space<vmem_shared>>, %arg19: memref<!tpu.dma_semaphore, #tpu.memory_space<semaphore_mem>>, %arg20: memref<!tpu.dma_semaphore, #tpu.memory_space<semaphore_mem>>, %arg21: memref<!tpu.dma_semaphore, #tpu.memory_space<semaphore_mem>>, %arg22: memref<!tpu.dma_semaphore, #tpu.memory_space<semaphore_mem>>, %arg23: memref<!tpu.dma_semaphore, #tpu.memory_space<semaphore_mem>>, %arg24: memref<!tpu.dma_semaphore, #tpu.memory_space<semaphore_mem>>) attributes {dimension_semantics = [#tpu.dimension_semantics<core_parallel>, #tpu.dimension_semantics<subcore_parallel>], iteration_bounds = array<i64: 2, 16>, scalar_prefetch = 0 : i64, scratch_operands = 18 : i64, tpu.core_type = #tpu.core_type<sc_vector_subcore>, window_params = [{transform_indices = #map}, {transform_indices = #map1}, {transform_indices = #map2}, {transform_indices = #map2}, {transform_indices = #map1}]} {
    %mul3A = arith.constant 64 : i32
    %mul3A_0 = arith.muli %arg0, %mul3A : i32
    %scan3A = arith.constant 0 : i32
    %scan3A_1 = arith.constant 0 : i32
    %scan3A_2 = arith.constant 2560 : i32
    %scan3A_3 = arith.addi %scan3A_1, %scan3A_2 : i32
    %scan3A_4 = arith.constant 1 : i32
    scf.for %scan3A_43 = %scan3A_1 to %scan3A_3 step %scan3A_4  : i32 {
      %jit3A = arith.constant 4 : i32
      %div3A = arith.divsi %scan3A_43, %jit3A : i32
      %sign3A = arith.constant 0 : i32
      %sign3A_44 = arith.cmpi sgt, %scan3A_43, %sign3A : i32
      %sign3A_45 = arith.extui %sign3A_44 : i1 to i32
      %sign3A_46 = arith.constant 0 : i32
      %sign3A_47 = arith.cmpi slt, %scan3A_43, %sign3A_46 : i32
      %sign3A_48 = arith.extui %sign3A_47 : i1 to i32
      %sign3A_49 = arith.subi %sign3A_45, %sign3A_48 : i32
      %sign3A_50 = arith.constant 0 : i32
      %sign3A_51 = arith.cmpi sgt, %jit3A, %sign3A_50 : i32
      %sign3A_52 = arith.extui %sign3A_51 : i1 to i32
      %sign3A_53 = arith.constant 0 : i32
      %sign3A_54 = arith.cmpi slt, %jit3A, %sign3A_53 : i32
      %sign3A_55 = arith.extui %sign3A_54 : i1 to i32
      %sign3A_56 = arith.subi %sign3A_52, %sign3A_55 : i32
      %ne3A = arith.cmpi ne, %sign3A_49, %sign3A_56 : i32
      %rem3A = arith.remsi %scan3A_43, %jit3A : i32
      %ne3A_57 = arith.constant 0 : i32
      %ne3A_58 = arith.cmpi ne, %rem3A, %ne3A_57 : i32
      %and3A = arith.andi %ne3A, %ne3A_58 : i1
      %sub3A = arith.constant 1 : i32
      %sub3A_59 = arith.subi %div3A, %sub3A : i32
      %select_n3A = arith.select %and3A, %sub3A_59, %div3A : i32
      %jit3A_60 = arith.constant 4 : i32
      %eq3A = arith.constant 0 : i32
      %eq3A_61 = arith.cmpi eq, %jit3A_60, %eq3A : i32
      %jit3A_62 = arith.constant 1 : i32
      %select_n3A_63 = arith.select %eq3A_61, %jit3A_62, %jit3A_60 : i32
      %rem3A_64 = arith.remsi %scan3A_43, %select_n3A_63 : i32
      %ne3A_65 = arith.constant 0 : i32
      %ne3A_66 = arith.cmpi ne, %rem3A_64, %ne3A_65 : i32
      %lt3A_67 = arith.constant 0 : i32
      %lt3A_68 = arith.cmpi slt, %rem3A_64, %lt3A_67 : i32
      %lt3A_69 = arith.constant 0 : i32
      %lt3A_70 = arith.cmpi slt, %select_n3A_63, %lt3A_69 : i32
      %ne3A_71 = arith.xori %lt3A_68, %lt3A_70 : i1
      %and3A_72 = arith.andi %ne3A_71, %ne3A_66 : i1
      %add3A_73 = arith.addi %rem3A_64, %select_n3A_63 : i32
      %select_n3A_74 = arith.select %and3A_72, %add3A_73, %rem3A_64 : i32
      %broadcast_in_dim3A = arith.constant 0.000000e+00 : f32
      %broadcast_in_dim3A_75 = vector.broadcast %broadcast_in_dim3A : f32 to vector<16xf32>
      %mul3A_76 = arith.constant 16 : i32
      %mul3A_77 = arith.muli %select_n3A_74, %mul3A_76 : i32
      %swap3A = arith.index_cast %select_n3A : i32 to index
      %swap3A_78 = arith.index_cast %mul3A_77 : i32 to index
      %swap3A_79 = tpu.vector_load %arg17[%swap3A, %swap3A_78] {strides = array<i32>} : memref<640x64xf32, #tpu.memory_space<vmem>>, vector<1x16xf32>,
      %swap3A_80 = vector.shape_cast %swap3A_79 : vector<1x16xf32> to vector<16xf32>
      %swap3A_81 = vector.shape_cast %broadcast_in_dim3A_75 : vector<16xf32> to vector<1x16xf32>
      tpu.vector_store %arg17[%swap3A, %swap3A_78], %swap3A_81 {strides = array<i32>} : memref<640x64xf32, #tpu.memory_space<vmem>>, vector<1x16xf32>,
    }
    %scan3A_5 = arith.constant 2560 : i32
    %mul3A_6 = arith.constant 640 : i32
    %mul3A_7 = arith.muli %arg1, %mul3A_6 : i32
    "tpu.region"() ({
      %run_scoped3A = tpu.sem_alloc : memref<!tpu.dma_semaphore, #tpu.memory_space<semaphore_mem>>
      %dma_start3A_43 = arith.constant 0 : i32
      %dma_start3A_44 = tpu.memref_slice %arg18[%mul3A_7, %dma_start3A_43] : memref<10240x64xf32, #tpu.memory_space<vmem_shared>> -> memref<640x64xf32, #tpu.memory_space<vmem_shared>>
      %dma_start3A_45 = arith.constant 0 : i32
      %dma_start3A_46 = tpu.memref_slice %arg18[%mul3A_7, %dma_start3A_45] : memref<10240x64xf32, #tpu.memory_space<vmem_shared>> -> memref<640x64xf32, #tpu.memory_space<vmem_shared>>
      tpu.enqueue_dma source(%arg17 : memref<640x64xf32, #tpu.memory_space<vmem>>) target(%dma_start3A_46 : memref<640x64xf32, #tpu.memory_space<vmem_shared>>) target_semaphore(%run_scoped3A : memref<!tpu.dma_semaphore, #tpu.memory_space<semaphore_mem>>)
      %dma_wait3A_47 = arith.constant 0 : i32
      %dma_wait3A_48 = tpu.memref_slice %arg18[%mul3A_7, %dma_wait3A_47] : memref<10240x64xf32, #tpu.memory_space<vmem_shared>> -> memref<640x64xf32, #tpu.memory_space<vmem_shared>>
      %dma_wait3A_49 = arith.constant 0 : i32
      %dma_wait3A_50 = tpu.memref_slice %arg18[%mul3A_7, %dma_wait3A_49] : memref<10240x64xf32, #tpu.memory_space<vmem_shared>> -> memref<640x64xf32, #tpu.memory_space<vmem_shared>>
      tpu.wait_dma2 semaphore(%run_scoped3A : memref<!tpu.dma_semaphore, #tpu.memory_space<semaphore_mem>>) src(%arg17 : memref<640x64xf32, #tpu.memory_space<vmem>>) dst(%dma_wait3A_50 : memref<640x64xf32, #tpu.memory_space<vmem_shared>>)
      tpu.yield
    }) : () -> ()
    %barrier3A = arith.constant 0 : index
    tpu.barrier barrier_id(%barrier3A)
    %mul3A_8 = arith.constant 156 : i32
    %mul3A_9 = arith.muli %arg1, %mul3A_8 : i32
    %mul3A_10 = arith.constant 128 : i32
    %mul3A_11 = arith.muli %mul3A_9, %mul3A_10 : i32
    "tpu.region"() ({
      %run_scoped3A = tpu.sem_alloc : memref<!tpu.dma_semaphore, #tpu.memory_space<semaphore_mem>>
      %dma_start3A_43 = tpu.memref_slice %arg4[%mul3A_11] : memref<320000xi32, #tpu.memory_space<hbm>> -> memref<128xi32, #tpu.memory_space<hbm>>
      %dma_start3A_44 = tpu.memref_slice %arg4[%mul3A_11] : memref<320000xi32, #tpu.memory_space<hbm>> -> memref<128xi32, #tpu.memory_space<hbm>>
      tpu.enqueue_dma source(%dma_start3A_44 : memref<128xi32, #tpu.memory_space<hbm>>) target(%arg7 : memref<128xi32, #tpu.memory_space<vmem>>) target_semaphore(%run_scoped3A : memref<!tpu.dma_semaphore, #tpu.memory_space<semaphore_mem>>)
      %dma_wait3A_45 = tpu.memref_slice %arg4[%mul3A_11] : memref<320000xi32, #tpu.memory_space<hbm>> -> memref<128xi32, #tpu.memory_space<hbm>>
      %dma_wait3A_46 = tpu.memref_slice %arg4[%mul3A_11] : memref<320000xi32, #tpu.memory_space<hbm>> -> memref<128xi32, #tpu.memory_space<hbm>>
      tpu.wait_dma2 semaphore(%run_scoped3A : memref<!tpu.dma_semaphore, #tpu.memory_space<semaphore_mem>>) src(%dma_wait3A_46 : memref<128xi32, #tpu.memory_space<hbm>>) dst(%arg7 : memref<128xi32, #tpu.memory_space<vmem>>)
      tpu.yield
    }) : () -> ()
    "tpu.region"() ({
      %run_scoped3A = tpu.sem_alloc : memref<!tpu.dma_semaphore, #tpu.memory_space<semaphore_mem>>
      %dma_start3A_43 = tpu.memref_slice %arg5[%mul3A_11] : memref<320000xi32, #tpu.memory_space<hbm>> -> memref<128xi32, #tpu.memory_space<hbm>>
      %dma_start3A_44 = tpu.memref_slice %arg5[%mul3A_11] : memref<320000xi32, #tpu.memory_space<hbm>> -> memref<128xi32, #tpu.memory_space<hbm>>
      tpu.enqueue_dma source(%dma_start3A_44 : memref<128xi32, #tpu.memory_space<hbm>>) target(%arg8 : memref<128xi32, #tpu.memory_space<vmem>>) target_semaphore(%run_scoped3A : memref<!tpu.dma_semaphore, #tpu.memory_space<semaphore_mem>>)
      %dma_wait3A_45 = tpu.memref_slice %arg5[%mul3A_11] : memref<320000xi32, #tpu.memory_space<hbm>> -> memref<128xi32, #tpu.memory_space<hbm>>
      %dma_wait3A_46 = tpu.memref_slice %arg5[%mul3A_11] : memref<320000xi32, #tpu.memory_space<hbm>> -> memref<128xi32, #tpu.memory_space<hbm>>
      tpu.wait_dma2 semaphore(%run_scoped3A : memref<!tpu.dma_semaphore, #tpu.memory_space<semaphore_mem>>) src(%dma_wait3A_46 : memref<128xi32, #tpu.memory_space<hbm>>) dst(%arg8 : memref<128xi32, #tpu.memory_space<vmem>>)
      tpu.yield
    }) : () -> ()
    %add3A = arith.constant 0 : i32
    %add3A_12 = arith.addi %mul3A_11, %add3A : i32
    %dma_start3A = tpu.memref_slice %arg3[%add3A_12, %mul3A_0] : memref<320000x128xf32, #tpu.memory_space<hbm>> -> memref<128x64xf32, #tpu.memory_space<hbm>>
    %dma_start3A_13 = tpu.memref_slice %arg3[%add3A_12, %mul3A_0] : memref<320000x128xf32, #tpu.memory_space<hbm>> -> memref<128x64xf32, #tpu.memory_space<hbm>>
    tpu.enqueue_dma source(%dma_start3A_13 : memref<128x64xf32, #tpu.memory_space<hbm>>) target(%arg11 : memref<128x64xf32, #tpu.memory_space<vmem>>) target_semaphore(%arg21 : memref<!tpu.dma_semaphore, #tpu.memory_space<semaphore_mem>>)
    %dma_start3A_14 = arith.constant 0 : i32
    %dma_start3A_15 = arith.constant 0 : i32
    %dma_start3A_16 = tpu.memref_slice %arg2[%arg0, %dma_start3A_14, %dma_start3A_15] : memref<2x10000x64xf32, #tpu.memory_space<hbm>> -> memref<1x10000x64xf32, #tpu.memory_space<hbm>>
    %dma_start3A_17 = tpu.memref_squeeze %dma_start3A_16 : memref<1x10000x64xf32, #tpu.memory_space<hbm>> -> memref<10000x64xf32, #tpu.memory_space<hbm>>
    %dma_start3A_18 = arith.constant 0 : i32
    %dma_start3A_19 = arith.constant 0 : i32
    %dma_start3A_20 = tpu.memref_slice %dma_start3A_17[%dma_start3A_18, %dma_start3A_19] : memref<10000x64xf32, #tpu.memory_space<hbm>> -> memref<10000x64xf32, #tpu.memory_space<hbm>>
    tpu.enqueue_indirect_dma source(%dma_start3A_20 : memref<10000x64xf32, #tpu.memory_space<hbm>>) target(%arg10 : memref<128x64xf32, #tpu.memory_space<vmem>>) offsets(%arg7 : memref<128xi32, #tpu.memory_space<vmem>>) semaphore(%arg21 : memref<!tpu.dma_semaphore, #tpu.memory_space<semaphore_mem>>)
    %add3A_21 = arith.constant 128 : i32
    %add3A_22 = arith.addi %mul3A_11, %add3A_21 : i32
    %dma_start3A_23 = tpu.memref_slice %arg4[%add3A_22] : memref<320000xi32, #tpu.memory_space<hbm>> -> memref<128xi32, #tpu.memory_space<hbm>>
    %dma_start3A_24 = tpu.memref_slice %arg4[%add3A_22] : memref<320000xi32, #tpu.memory_space<hbm>> -> memref<128xi32, #tpu.memory_space<hbm>>
    tpu.enqueue_dma source(%dma_start3A_24 : memref<128xi32, #tpu.memory_space<hbm>>) target(%arg12 : memref<128xi32, #tpu.memory_space<vmem>>) target_semaphore(%arg20 : memref<!tpu.dma_semaphore, #tpu.memory_space<semaphore_mem>>)
    %dma_start3A_25 = tpu.memref_slice %arg5[%add3A_22] : memref<320000xi32, #tpu.memory_space<hbm>> -> memref<128xi32, #tpu.memory_space<hbm>>
    %dma_start3A_26 = tpu.memref_slice %arg5[%add3A_22] : memref<320000xi32, #tpu.memory_space<hbm>> -> memref<128xi32, #tpu.memory_space<hbm>>
    tpu.enqueue_dma source(%dma_start3A_26 : memref<128xi32, #tpu.memory_space<hbm>>) target(%arg13 : memref<128xi32, #tpu.memory_space<vmem>>) target_semaphore(%arg20 : memref<!tpu.dma_semaphore, #tpu.memory_space<semaphore_mem>>)
    %scan3A_27 = arith.constant 0 : i32
    %scan3A_28 = arith.constant 0 : i32
    %scan3A_29 = arith.constant 78 : i32
    %scan3A_30 = arith.addi %scan3A_28, %scan3A_29 : i32
    %scan3A_31 = arith.constant 1 : i32
    scf.for %scan3A_43 = %scan3A_28 to %scan3A_30 step %scan3A_31  : i32 {
      %mul3A_44 = arith.constant 2 : i32
      %mul3A_45 = arith.muli %mul3A_44, %scan3A_43 : i32
      %dma_wait3A_46 = arith.constant 0 : i32
      %dma_wait3A_47 = tpu.memref_slice %arg3[%dma_wait3A_46, %mul3A_0] : memref<320000x128xf32, #tpu.memory_space<hbm>> -> memref<128x64xf32, #tpu.memory_space<hbm>>
      %dma_wait3A_48 = arith.constant 0 : i32
      %dma_wait3A_49 = tpu.memref_slice %arg3[%dma_wait3A_48, %mul3A_0] : memref<320000x128xf32, #tpu.memory_space<hbm>> -> memref<128x64xf32, #tpu.memory_space<hbm>>
      tpu.wait_dma2 semaphore(%arg21 : memref<!tpu.dma_semaphore, #tpu.memory_space<semaphore_mem>>) src(%dma_wait3A_49 : memref<128x64xf32, #tpu.memory_space<hbm>>) dst(%arg11 : memref<128x64xf32, #tpu.memory_space<vmem>>)
      %dma_wait3A_50 = arith.constant 0 : i32
      %dma_wait3A_51 = tpu.memref_slice %arg3[%dma_wait3A_50, %mul3A_0] : memref<320000x128xf32, #tpu.memory_space<hbm>> -> memref<128x64xf32, #tpu.memory_space<hbm>>
      %dma_wait3A_52 = arith.constant 0 : i32
      %dma_wait3A_53 = tpu.memref_slice %arg3[%dma_wait3A_52, %mul3A_0] : memref<320000x128xf32, #tpu.memory_space<hbm>> -> memref<128x64xf32, #tpu.memory_space<hbm>>
      tpu.wait_dma2 semaphore(%arg21 : memref<!tpu.dma_semaphore, #tpu.memory_space<semaphore_mem>>) src(%dma_wait3A_53 : memref<128x64xf32, #tpu.memory_space<hbm>>) dst(%arg10 : memref<128x64xf32, #tpu.memory_space<vmem>>)
      %dma_wait3A_54 = arith.constant 0 : i32
      %dma_wait3A_55 = tpu.memref_slice %arg4[%dma_wait3A_54] : memref<320000xi32, #tpu.memory_space<hbm>> -> memref<128xi32, #tpu.memory_space<hbm>>
      %dma_wait3A_56 = arith.constant 0 : i32
      %dma_wait3A_57 = tpu.memref_slice %arg4[%dma_wait3A_56] : memref<320000xi32, #tpu.memory_space<hbm>> -> memref<128xi32, #tpu.memory_space<hbm>>
      tpu.wait_dma2 semaphore(%arg20 : memref<!tpu.dma_semaphore, #tpu.memory_space<semaphore_mem>>) src(%dma_wait3A_57 : memref<128xi32, #tpu.memory_space<hbm>>) dst(%arg12 : memref<128xi32, #tpu.memory_space<vmem>>)
      %dma_wait3A_58 = arith.constant 0 : i32
      %dma_wait3A_59 = tpu.memref_slice %arg5[%dma_wait3A_58] : memref<320000xi32, #tpu.memory_space<hbm>> -> memref<128xi32, #tpu.memory_space<hbm>>
      %dma_wait3A_60 = arith.constant 0 : i32
      %dma_wait3A_61 = tpu.memref_slice %arg5[%dma_wait3A_60] : memref<320000xi32, #tpu.memory_space<hbm>> -> memref<128xi32, #tpu.memory_space<hbm>>
      tpu.wait_dma2 semaphore(%arg20 : memref<!tpu.dma_semaphore, #tpu.memory_space<semaphore_mem>>) src(%dma_wait3A_61 : memref<128xi32, #tpu.memory_space<hbm>>) dst(%arg13 : memref<128xi32, #tpu.memory_space<vmem>>)
      %gt3A = arith.constant 0 : i32
      %gt3A_62 = arith.cmpi sgt, %scan3A_43, %gt3A : i32
      %convert_element_type3A_63 = arith.extui %gt3A_62 : i1 to i32
      %cond3A_64 = arith.constant 0 : i32
      %cond3A_65 = arith.cmpi ne, %convert_element_type3A_63, %cond3A_64 : i32
      scf.if %cond3A_65 {
        %dma_wait3A_235 = arith.constant 0 : i32
        %dma_wait3A_236 = tpu.memref_slice %arg3[%dma_wait3A_235, %mul3A_0] : memref<320000x128xf32, #tpu.memory_space<hbm>> -> memref<128x64xf32, #tpu.memory_space<hbm>>
        %dma_wait3A_237 = arith.constant 0 : i32
        %dma_wait3A_238 = tpu.memref_slice %arg3[%dma_wait3A_237, %mul3A_0] : memref<320000x128xf32, #tpu.memory_space<hbm>> -> memref<128x64xf32, #tpu.memory_space<hbm>>
        tpu.wait_dma2 semaphore(%arg24 : memref<!tpu.dma_semaphore, #tpu.memory_space<semaphore_mem>>) src(%dma_wait3A_238 : memref<128x64xf32, #tpu.memory_space<hbm>>) dst(%arg16 : memref<128x64xf32, #tpu.memory_space<vmem>>)
      } else {
      }
      %add3A_66 = arith.constant 1 : i32
      %add3A_67 = arith.addi %mul3A_45, %add3A_66 : i32
      %mul3A_68 = arith.constant 128 : i32
      %mul3A_69 = arith.muli %add3A_67, %mul3A_68 : i32
      %add3A_70 = arith.addi %mul3A_11, %mul3A_69 : i32
      %dma_start3A_71 = tpu.memref_slice %arg3[%add3A_70, %mul3A_0] : memref<320000x128xf32, #tpu.memory_space<hbm>> -> memref<128x64xf32, #tpu.memory_space<hbm>>
      %dma_start3A_72 = tpu.memref_slice %arg3[%add3A_70, %mul3A_0] : memref<320000x128xf32, #tpu.memory_space<hbm>> -> memref<128x64xf32, #tpu.memory_space<hbm>>
      tpu.enqueue_dma source(%dma_start3A_72 : memref<128x64xf32, #tpu.memory_space<hbm>>) target(%arg16 : memref<128x64xf32, #tpu.memory_space<vmem>>) target_semaphore(%arg22 : memref<!tpu.dma_semaphore, #tpu.memory_space<semaphore_mem>>)
      %dma_start3A_73 = arith.constant 0 : i32
      %dma_start3A_74 = arith.constant 0 : i32
      %dma_start3A_75 = tpu.memref_slice %arg2[%arg0, %dma_start3A_73, %dma_start3A_74] : memref<2x10000x64xf32, #tpu.memory_space<hbm>> -> memref<1x10000x64xf32, #tpu.memory_space<hbm>>
      %dma_start3A_76 = tpu.memref_squeeze %dma_start3A_75 : memref<1x10000x64xf32, #tpu.memory_space<hbm>> -> memref<10000x64xf32, #tpu.memory_space<hbm>>
      %dma_start3A_77 = arith.constant 0 : i32
      %dma_start3A_78 = arith.constant 0 : i32
      %dma_start3A_79 = tpu.memref_slice %dma_start3A_76[%dma_start3A_77, %dma_start3A_78] : memref<10000x64xf32, #tpu.memory_space<hbm>> -> memref<10000x64xf32, #tpu.memory_space<hbm>>
      tpu.enqueue_indirect_dma source(%dma_start3A_79 : memref<10000x64xf32, #tpu.memory_space<hbm>>) target(%arg15 : memref<128x64xf32, #tpu.memory_space<vmem>>) offsets(%arg12 : memref<128xi32, #tpu.memory_space<vmem>>) semaphore(%arg22 : memref<!tpu.dma_semaphore, #tpu.memory_space<semaphore_mem>>)
      %scan3A_80 = arith.constant 0 : i32
      %scan3A_81 = arith.constant 0 : i32
      %scan3A_82 = arith.constant 128 : i32
      %scan3A_83 = arith.addi %scan3A_81, %scan3A_82 : i32
      %scan3A_84 = arith.constant 1 : i32
      scf.for %scan3A_235 = %scan3A_81 to %scan3A_83 step %scan3A_84  : i32 {
        %get3A_236 = arith.index_cast %scan3A_235 : i32 to index
        %get3A_237 = arith.constant 0 : index
        %get3A_238 = tpu.vector_load %arg10[%get3A_236, %get3A_237] {strides = array<i32>} : memref<128x64xf32, #tpu.memory_space<vmem>>, vector<1x16xf32>,
        %get3A_239 = vector.shape_cast %get3A_238 : vector<1x16xf32> to vector<16xf32>
        %get3A_240 = arith.index_cast %scan3A_235 : i32 to index
        %get3A_241 = arith.constant 0 : index
        %get3A_242 = tpu.vector_load %arg11[%get3A_240, %get3A_241] {strides = array<i32>} : memref<128x64xf32, #tpu.memory_space<vmem>>, vector<1x16xf32>,
        %get3A_243 = vector.shape_cast %get3A_242 : vector<1x16xf32> to vector<16xf32>
        %add3A_244 = arith.addf %get3A_239, %get3A_243 : vector<16xf32>
        %max3A = arith.constant 0.000000e+00 : f32
        %max3A_245 = vector.broadcast %max3A : f32 to vector<16xf32>
        %max3A_246 = arith.maximumf %add3A_244, %max3A_245 : vector<16xf32>
        %swap3A_247 = arith.index_cast %scan3A_235 : i32 to index
        %swap3A_248 = arith.constant 0 : index
        %swap3A_249 = tpu.vector_load %arg11[%swap3A_247, %swap3A_248] {strides = array<i32>} : memref<128x64xf32, #tpu.memory_space<vmem>>, vector<1x16xf32>,
        %swap3A_250 = vector.shape_cast %swap3A_249 : vector<1x16xf32> to vector<16xf32>
        %swap3A_251 = vector.shape_cast %max3A_246 : vector<16xf32> to vector<1x16xf32>
        tpu.vector_store %arg11[%swap3A_247, %swap3A_248], %swap3A_251 {strides = array<i32>} : memref<128x64xf32, #tpu.memory_space<vmem>>, vector<1x16xf32>,
        %get3A_252 = arith.index_cast %scan3A_235 : i32 to index
        %get3A_253 = arith.constant 16 : index
        %get3A_254 = tpu.vector_load %arg10[%get3A_252, %get3A_253] {strides = array<i32>} : memref<128x64xf32, #tpu.memory_space<vmem>>, vector<1x16xf32>,
        %get3A_255 = vector.shape_cast %get3A_254 : vector<1x16xf32> to vector<16xf32>
        %get3A_256 = arith.index_cast %scan3A_235 : i32 to index
        %get3A_257 = arith.constant 16 : index
        %get3A_258 = tpu.vector_load %arg11[%get3A_256, %get3A_257] {strides = array<i32>} : memref<128x64xf32, #tpu.memory_space<vmem>>, vector<1x16xf32>,
        %get3A_259 = vector.shape_cast %get3A_258 : vector<1x16xf32> to vector<16xf32>
        %add3A_260 = arith.addf %get3A_255, %get3A_259 : vector<16xf32>
        %max3A_261 = arith.constant 0.000000e+00 : f32
        %max3A_262 = vector.broadcast %max3A_261 : f32 to vector<16xf32>
        %max3A_263 = arith.maximumf %add3A_260, %max3A_262 : vector<16xf32>
        %swap3A_264 = arith.index_cast %scan3A_235 : i32 to index
        %swap3A_265 = arith.constant 16 : index
        %swap3A_266 = tpu.vector_load %arg11[%swap3A_264, %swap3A_265] {strides = array<i32>} : memref<128x64xf32, #tpu.memory_space<vmem>>, vector<1x16xf32>,
        %swap3A_267 = vector.shape_cast %swap3A_266 : vector<1x16xf32> to vector<16xf32>
        %swap3A_268 = vector.shape_cast %max3A_263 : vector<16xf32> to vector<1x16xf32>
        tpu.vector_store %arg11[%swap3A_264, %swap3A_265], %swap3A_268 {strides = array<i32>} : memref<128x64xf32, #tpu.memory_space<vmem>>, vector<1x16xf32>,
        %get3A_269 = arith.index_cast %scan3A_235 : i32 to index
        %get3A_270 = arith.constant 32 : index
        %get3A_271 = tpu.vector_load %arg10[%get3A_269, %get3A_270] {strides = array<i32>} : memref<128x64xf32, #tpu.memory_space<vmem>>, vector<1x16xf32>,
        %get3A_272 = vector.shape_cast %get3A_271 : vector<1x16xf32> to vector<16xf32>
        %get3A_273 = arith.index_cast %scan3A_235 : i32 to index
        %get3A_274 = arith.constant 32 : index
        %get3A_275 = tpu.vector_load %arg11[%get3A_273, %get3A_274] {strides = array<i32>} : memref<128x64xf32, #tpu.memory_space<vmem>>, vector<1x16xf32>,
        %get3A_276 = vector.shape_cast %get3A_275 : vector<1x16xf32> to vector<16xf32>
        %add3A_277 = arith.addf %get3A_272, %get3A_276 : vector<16xf32>
        %max3A_278 = arith.constant 0.000000e+00 : f32
        %max3A_279 = vector.broadcast %max3A_278 : f32 to vector<16xf32>
        %max3A_280 = arith.maximumf %add3A_277, %max3A_279 : vector<16xf32>
        %swap3A_281 = arith.index_cast %scan3A_235 : i32 to index
        %swap3A_282 = arith.constant 32 : index
        %swap3A_283 = tpu.vector_load %arg11[%swap3A_281, %swap3A_282] {strides = array<i32>} : memref<128x64xf32, #tpu.memory_space<vmem>>, vector<1x16xf32>,
        %swap3A_284 = vector.shape_cast %swap3A_283 : vector<1x16xf32> to vector<16xf32>
        %swap3A_285 = vector.shape_cast %max3A_280 : vector<16xf32> to vector<1x16xf32>
        tpu.vector_store %arg11[%swap3A_281, %swap3A_282], %swap3A_285 {strides = array<i32>} : memref<128x64xf32, #tpu.memory_space<vmem>>, vector<1x16xf32>,
        %get3A_286 = arith.index_cast %scan3A_235 : i32 to index
        %get3A_287 = arith.constant 48 : index
        %get3A_288 = tpu.vector_load %arg10[%get3A_286, %get3A_287] {strides = array<i32>} : memref<128x64xf32, #tpu.memory_space<vmem>>, vector<1x16xf32>,
        %get3A_289 = vector.shape_cast %get3A_288 : vector<1x16xf32> to vector<16xf32>
        %get3A_290 = arith.index_cast %scan3A_235 : i32 to index
        %get3A_291 = arith.constant 48 : index
        %get3A_292 = tpu.vector_load %arg11[%get3A_290, %get3A_291] {strides = array<i32>} : memref<128x64xf32, #tpu.memory_space<vmem>>, vector<1x16xf32>,
        %get3A_293 = vector.shape_cast %get3A_292 : vector<1x16xf32> to vector<16xf32>
        %add3A_294 = arith.addf %get3A_289, %get3A_293 : vector<16xf32>
        %max3A_295 = arith.constant 0.000000e+00 : f32
        %max3A_296 = vector.broadcast %max3A_295 : f32 to vector<16xf32>
        %max3A_297 = arith.maximumf %add3A_294, %max3A_296 : vector<16xf32>
        %swap3A_298 = arith.index_cast %scan3A_235 : i32 to index
        %swap3A_299 = arith.constant 48 : index
        %swap3A_300 = tpu.vector_load %arg11[%swap3A_298, %swap3A_299] {strides = array<i32>} : memref<128x64xf32, #tpu.memory_space<vmem>>, vector<1x16xf32>,
        %swap3A_301 = vector.shape_cast %swap3A_300 : vector<1x16xf32> to vector<16xf32>
        %swap3A_302 = vector.shape_cast %max3A_297 : vector<16xf32> to vector<1x16xf32>
        tpu.vector_store %arg11[%swap3A_298, %swap3A_299], %swap3A_302 {strides = array<i32>} : memref<128x64xf32, #tpu.memory_space<vmem>>, vector<1x16xf32>,
      }
      %scan3A_85 = arith.constant 128 : i32
      %get3A = arith.constant 0 : index
      %get3A_86 = tpu.vector_load %arg8[%get3A] {strides = array<i32>} : memref<128xi32, #tpu.memory_space<vmem>>, vector<16xi32>,
      %get3A_87 = vector.shape_cast %get3A_86 : vector<16xi32> to vector<16xi32>
      %swap3A = arith.constant 0 : index
      %swap3A_88 = tpu.vector_load %arg9[%swap3A] {strides = array<i32>} : memref<128xi32, #tpu.memory_space<vmem>>, vector<16xi32>,
      %swap3A_89 = vector.shape_cast %swap3A_88 : vector<16xi32> to vector<16xi32>
      %swap3A_90 = vector.shape_cast %get3A_87 : vector<16xi32> to vector<16xi32>
      tpu.vector_store %arg9[%swap3A], %swap3A_90 {strides = array<i32>} : memref<128xi32, #tpu.memory_space<vmem>>, vector<16xi32>,
      %get3A_91 = arith.constant 16 : index
      %get3A_92 = tpu.vector_load %arg8[%get3A_91] {strides = array<i32>} : memref<128xi32, #tpu.memory_space<vmem>>, vector<16xi32>,
      %get3A_93 = vector.shape_cast %get3A_92 : vector<16xi32> to vector<16xi32>
      %swap3A_94 = arith.constant 16 : index
      %swap3A_95 = tpu.vector_load %arg9[%swap3A_94] {strides = array<i32>} : memref<128xi32, #tpu.memory_space<vmem>>, vector<16xi32>,
      %swap3A_96 = vector.shape_cast %swap3A_95 : vector<16xi32> to vector<16xi32>
      %swap3A_97 = vector.shape_cast %get3A_93 : vector<16xi32> to vector<16xi32>
      tpu.vector_store %arg9[%swap3A_94], %swap3A_97 {strides = array<i32>} : memref<128xi32, #tpu.memory_space<vmem>>, vector<16xi32>,
      %get3A_98 = arith.constant 32 : index
      %get3A_99 = tpu.vector_load %arg8[%get3A_98] {strides = array<i32>} : memref<128xi32, #tpu.memory_space<vmem>>, vector<16xi32>,
      %get3A_100 = vector.shape_cast %get3A_99 : vector<16xi32> to vector<16xi32>
      %swap3A_101 = arith.constant 32 : index
      %swap3A_102 = tpu.vector_load %arg9[%swap3A_101] {strides = array<i32>} : memref<128xi32, #tpu.memory_space<vmem>>, vector<16xi32>,
      %swap3A_103 = vector.shape_cast %swap3A_102 : vector<16xi32> to vector<16xi32>
      %swap3A_104 = vector.shape_cast %get3A_100 : vector<16xi32> to vector<16xi32>
      tpu.vector_store %arg9[%swap3A_101], %swap3A_104 {strides = array<i32>} : memref<128xi32, #tpu.memory_space<vmem>>, vector<16xi32>,
      %get3A_105 = arith.constant 48 : index
      %get3A_106 = tpu.vector_load %arg8[%get3A_105] {strides = array<i32>} : memref<128xi32, #tpu.memory_space<vmem>>, vector<16xi32>,
      %get3A_107 = vector.shape_cast %get3A_106 : vector<16xi32> to vector<16xi32>
      %swap3A_108 = arith.constant 48 : index
      %swap3A_109 = tpu.vector_load %arg9[%swap3A_108] {strides = array<i32>} : memref<128xi32, #tpu.memory_space<vmem>>, vector<16xi32>,
      %swap3A_110 = vector.shape_cast %swap3A_109 : vector<16xi32> to vector<16xi32>
      %swap3A_111 = vector.shape_cast %get3A_107 : vector<16xi32> to vector<16xi32>
      tpu.vector_store %arg9[%swap3A_108], %swap3A_111 {strides = array<i32>} : memref<128xi32, #tpu.memory_space<vmem>>, vector<16xi32>,
      %get3A_112 = arith.constant 64 : index
      %get3A_113 = tpu.vector_load %arg8[%get3A_112] {strides = array<i32>} : memref<128xi32, #tpu.memory_space<vmem>>, vector<16xi32>,
      %get3A_114 = vector.shape_cast %get3A_113 : vector<16xi32> to vector<16xi32>
      %swap3A_115 = arith.constant 64 : index
      %swap3A_116 = tpu.vector_load %arg9[%swap3A_115] {strides = array<i32>} : memref<128xi32, #tpu.memory_space<vmem>>, vector<16xi32>,
      %swap3A_117 = vector.shape_cast %swap3A_116 : vector<16xi32> to vector<16xi32>
      %swap3A_118 = vector.shape_cast %get3A_114 : vector<16xi32> to vector<16xi32>
      tpu.vector_store %arg9[%swap3A_115], %swap3A_118 {strides = array<i32>} : memref<128xi32, #tpu.memory_space<vmem>>, vector<16xi32>,
      %get3A_119 = arith.constant 80 : index
      %get3A_120 = tpu.vector_load %arg8[%get3A_119] {strides = array<i32>} : memref<128xi32, #tpu.memory_space<vmem>>, vector<16xi32>,
      %get3A_121 = vector.shape_cast %get3A_120 : vector<16xi32> to vector<16xi32>
      %swap3A_122 = arith.constant 80 : index
      %swap3A_123 = tpu.vector_load %arg9[%swap3A_122] {strides = array<i32>} : memref<128xi32, #tpu.memory_space<vmem>>, vector<16xi32>,
      %swap3A_124 = vector.shape_cast %swap3A_123 : vector<16xi32> to vector<16xi32>
      %swap3A_125 = vector.shape_cast %get3A_121 : vector<16xi32> to vector<16xi32>
      tpu.vector_store %arg9[%swap3A_122], %swap3A_125 {strides = array<i32>} : memref<128xi32, #tpu.memory_space<vmem>>, vector<16xi32>,
      %get3A_126 = arith.constant 96 : index
      %get3A_127 = tpu.vector_load %arg8[%get3A_126] {strides = array<i32>} : memref<128xi32, #tpu.memory_space<vmem>>, vector<16xi32>,
      %get3A_128 = vector.shape_cast %get3A_127 : vector<16xi32> to vector<16xi32>
      %swap3A_129 = arith.constant 96 : index
      %swap3A_130 = tpu.vector_load %arg9[%swap3A_129] {strides = array<i32>} : memref<128xi32, #tpu.memory_space<vmem>>, vector<16xi32>,
      %swap3A_131 = vector.shape_cast %swap3A_130 : vector<16xi32> to vector<16xi32>
      %swap3A_132 = vector.shape_cast %get3A_128 : vector<16xi32> to vector<16xi32>
      tpu.vector_store %arg9[%swap3A_129], %swap3A_132 {strides = array<i32>} : memref<128xi32, #tpu.memory_space<vmem>>, vector<16xi32>,
      %get3A_133 = arith.constant 112 : index
      %get3A_134 = tpu.vector_load %arg8[%get3A_133] {strides = array<i32>} : memref<128xi32, #tpu.memory_space<vmem>>, vector<16xi32>,
      %get3A_135 = vector.shape_cast %get3A_134 : vector<16xi32> to vector<16xi32>
      %swap3A_136 = arith.constant 112 : index
      %swap3A_137 = tpu.vector_load %arg9[%swap3A_136] {strides = array<i32>} : memref<128xi32, #tpu.memory_space<vmem>>, vector<16xi32>,
      %swap3A_138 = vector.shape_cast %swap3A_137 : vector<16xi32> to vector<16xi32>
      %swap3A_139 = vector.shape_cast %get3A_135 : vector<16xi32> to vector<16xi32>
      tpu.vector_store %arg9[%swap3A_136], %swap3A_139 {strides = array<i32>} : memref<128xi32, #tpu.memory_space<vmem>>, vector<16xi32>,
      %dma_start3A_140 = arith.constant 0 : i32
      %dma_start3A_141 = arith.constant 0 : i32
      %dma_start3A_142 = tpu.memref_slice %arg18[%dma_start3A_140, %dma_start3A_141] : memref<10240x64xf32, #tpu.memory_space<vmem_shared>> -> memref<10240x64xf32, #tpu.memory_space<vmem_shared>>
      tpu.enqueue_indirect_dma source(%arg11 : memref<128x64xf32, #tpu.memory_space<vmem>>) target(%dma_start3A_142 : memref<10240x64xf32, #tpu.memory_space<vmem_shared>>) offsets(%arg9 : memref<128xi32, #tpu.memory_space<vmem>>) semaphore(%arg23 : memref<!tpu.dma_semaphore, #tpu.memory_space<semaphore_mem>>) {add = true}
      %lt3A_143 = arith.constant 77 : i32
      %lt3A_144 = arith.cmpi slt, %scan3A_43, %lt3A_143 : i32
      %convert_element_type3A_145 = arith.extui %lt3A_144 : i1 to i32
      %cond3A_146 = arith.constant 0 : i32
      %cond3A_147 = arith.cmpi ne, %convert_element_type3A_145, %cond3A_146 : i32
      scf.if %cond3A_147 {
        %add3A_235 = arith.constant 2 : i32
        %add3A_236 = arith.addi %mul3A_45, %add3A_235 : i32
        %mul3A_237 = arith.constant 128 : i32
        %mul3A_238 = arith.muli %add3A_236, %mul3A_237 : i32
        %add3A_239 = arith.addi %mul3A_11, %mul3A_238 : i32
        %dma_start3A_240 = tpu.memref_slice %arg4[%add3A_239] : memref<320000xi32, #tpu.memory_space<hbm>> -> memref<128xi32, #tpu.memory_space<hbm>>
        %dma_start3A_241 = tpu.memref_slice %arg4[%add3A_239] : memref<320000xi32, #tpu.memory_space<hbm>> -> memref<128xi32, #tpu.memory_space<hbm>>
        tpu.enqueue_dma source(%dma_start3A_241 : memref<128xi32, #tpu.memory_space<hbm>>) target(%arg7 : memref<128xi32, #tpu.memory_space<vmem>>) target_semaphore(%arg19 : memref<!tpu.dma_semaphore, #tpu.memory_space<semaphore_mem>>)
        %dma_start3A_242 = tpu.memref_slice %arg5[%add3A_239] : memref<320000xi32, #tpu.memory_space<hbm>> -> memref<128xi32, #tpu.memory_space<hbm>>
        %dma_start3A_243 = tpu.memref_slice %arg5[%add3A_239] : memref<320000xi32, #tpu.memory_space<hbm>> -> memref<128xi32, #tpu.memory_space<hbm>>
        tpu.enqueue_dma source(%dma_start3A_243 : memref<128xi32, #tpu.memory_space<hbm>>) target(%arg8 : memref<128xi32, #tpu.memory_space<vmem>>) target_semaphore(%arg19 : memref<!tpu.dma_semaphore, #tpu.memory_space<semaphore_mem>>)
      } else {
      }
      %dma_wait3A_148 = arith.constant 0 : i32
      %dma_wait3A_149 = tpu.memref_slice %arg3[%dma_wait3A_148, %mul3A_0] : memref<320000x128xf32, #tpu.memory_space<hbm>> -> memref<128x64xf32, #tpu.memory_space<hbm>>
      %dma_wait3A_150 = arith.constant 0 : i32
      %dma_wait3A_151 = tpu.memref_slice %arg3[%dma_wait3A_150, %mul3A_0] : memref<320000x128xf32, #tpu.memory_space<hbm>> -> memref<128x64xf32, #tpu.memory_space<hbm>>
      tpu.wait_dma2 semaphore(%arg22 : memref<!tpu.dma_semaphore, #tpu.memory_space<semaphore_mem>>) src(%dma_wait3A_151 : memref<128x64xf32, #tpu.memory_space<hbm>>) dst(%arg16 : memref<128x64xf32, #tpu.memory_space<vmem>>)
      %dma_wait3A_152 = arith.constant 0 : i32
      %dma_wait3A_153 = tpu.memref_slice %arg3[%dma_wait3A_152, %mul3A_0] : memref<320000x128xf32, #tpu.memory_space<hbm>> -> memref<128x64xf32, #tpu.memory_space<hbm>>
      %dma_wait3A_154 = arith.constant 0 : i32
      %dma_wait3A_155 = tpu.memref_slice %arg3[%dma_wait3A_154, %mul3A_0] : memref<320000x128xf32, #tpu.memory_space<hbm>> -> memref<128x64xf32, #tpu.memory_space<hbm>>
      tpu.wait_dma2 semaphore(%arg22 : memref<!tpu.dma_semaphore, #tpu.memory_space<semaphore_mem>>) src(%dma_wait3A_155 : memref<128x64xf32, #tpu.memory_space<hbm>>) dst(%arg15 : memref<128x64xf32, #tpu.memory_space<vmem>>)
      %dma_wait3A_156 = arith.constant 0 : i32
      %dma_wait3A_157 = tpu.memref_slice %arg3[%dma_wait3A_156, %mul3A_0] : memref<320000x128xf32, #tpu.memory_space<hbm>> -> memref<128x64xf32, #tpu.memory_space<hbm>>
      %dma_wait3A_158 = arith.constant 0 : i32
      %dma_wait3A_159 = tpu.memref_slice %arg3[%dma_wait3A_158, %mul3A_0] : memref<320000x128xf32, #tpu.memory_space<hbm>> -> memref<128x64xf32, #tpu.memory_space<hbm>>
      tpu.wait_dma2 semaphore(%arg23 : memref<!tpu.dma_semaphore, #tpu.memory_space<semaphore_mem>>) src(%dma_wait3A_159 : memref<128x64xf32, #tpu.memory_space<hbm>>) dst(%arg11 : memref<128x64xf32, #tpu.memory_space<vmem>>)
      %lt3A_160 = arith.constant 77 : i32
      %lt3A_161 = arith.cmpi slt, %scan3A_43, %lt3A_160 : i32
      %convert_element_type3A_162 = arith.extui %lt3A_161 : i1 to i32
      %cond3A_163 = arith.constant 0 : i32
      %cond3A_164 = arith.cmpi ne, %convert_element_type3A_162, %cond3A_163 : i32
      scf.if %cond3A_164 {
        %dma_wait3A_235 = arith.constant 0 : i32
        %dma_wait3A_236 = tpu.memref_slice %arg4[%dma_wait3A_235] : memref<320000xi32, #tpu.memory_space<hbm>> -> memref<128xi32, #tpu.memory_space<hbm>>
        %dma_wait3A_237 = arith.constant 0 : i32
        %dma_wait3A_238 = tpu.memref_slice %arg4[%dma_wait3A_237] : memref<320000xi32, #tpu.memory_space<hbm>> -> memref<128xi32, #tpu.memory_space<hbm>>
        tpu.wait_dma2 semaphore(%arg19 : memref<!tpu.dma_semaphore, #tpu.memory_space<semaphore_mem>>) src(%dma_wait3A_238 : memref<128xi32, #tpu.memory_space<hbm>>) dst(%arg7 : memref<128xi32, #tpu.memory_space<vmem>>)
        %dma_wait3A_239 = arith.constant 0 : i32
        %dma_wait3A_240 = tpu.memref_slice %arg5[%dma_wait3A_239] : memref<320000xi32, #tpu.memory_space<hbm>> -> memref<128xi32, #tpu.memory_space<hbm>>
        %dma_wait3A_241 = arith.constant 0 : i32
        %dma_wait3A_242 = tpu.memref_slice %arg5[%dma_wait3A_241] : memref<320000xi32, #tpu.memory_space<hbm>> -> memref<128xi32, #tpu.memory_space<hbm>>
        tpu.wait_dma2 semaphore(%arg19 : memref<!tpu.dma_semaphore, #tpu.memory_space<semaphore_mem>>) src(%dma_wait3A_242 : memref<128xi32, #tpu.memory_space<hbm>>) dst(%arg8 : memref<128xi32, #tpu.memory_space<vmem>>)
        %add3A_243 = arith.constant 2 : i32
        %add3A_244 = arith.addi %mul3A_45, %add3A_243 : i32
        %mul3A_245 = arith.constant 128 : i32
        %mul3A_246 = arith.muli %add3A_244, %mul3A_245 : i32
        %add3A_247 = arith.addi %mul3A_11, %mul3A_246 : i32
        %dma_start3A_248 = tpu.memref_slice %arg3[%add3A_247, %mul3A_0] : memref<320000x128xf32, #tpu.memory_space<hbm>> -> memref<128x64xf32, #tpu.memory_space<hbm>>
        %dma_start3A_249 = tpu.memref_slice %arg3[%add3A_247, %mul3A_0] : memref<320000x128xf32, #tpu.memory_space<hbm>> -> memref<128x64xf32, #tpu.memory_space<hbm>>
        tpu.enqueue_dma source(%dma_start3A_249 : memref<128x64xf32, #tpu.memory_space<hbm>>) target(%arg11 : memref<128x64xf32, #tpu.memory_space<vmem>>) target_semaphore(%arg21 : memref<!tpu.dma_semaphore, #tpu.memory_space<semaphore_mem>>)
        %dma_start3A_250 = arith.constant 0 : i32
        %dma_start3A_251 = arith.constant 0 : i32
        %dma_start3A_252 = tpu.memref_slice %arg2[%arg0, %dma_start3A_250, %dma_start3A_251] : memref<2x10000x64xf32, #tpu.memory_space<hbm>> -> memref<1x10000x64xf32, #tpu.memory_space<hbm>>
        %dma_start3A_253 = tpu.memref_squeeze %dma_start3A_252 : memref<1x10000x64xf32, #tpu.memory_space<hbm>> -> memref<10000x64xf32, #tpu.memory_space<hbm>>
        %dma_start3A_254 = arith.constant 0 : i32
        %dma_start3A_255 = arith.constant 0 : i32
        %dma_start3A_256 = tpu.memref_slice %dma_start3A_253[%dma_start3A_254, %dma_start3A_255] : memref<10000x64xf32, #tpu.memory_space<hbm>> -> memref<10000x64xf32, #tpu.memory_space<hbm>>
        tpu.enqueue_indirect_dma source(%dma_start3A_256 : memref<10000x64xf32, #tpu.memory_space<hbm>>) target(%arg10 : memref<128x64xf32, #tpu.memory_space<vmem>>) offsets(%arg7 : memref<128xi32, #tpu.memory_space<vmem>>) semaphore(%arg21 : memref<!tpu.dma_semaphore, #tpu.memory_space<semaphore_mem>>)
      } else {
      }
      %scan3A_165 = arith.constant 0 : i32
      %scan3A_166 = arith.constant 0 : i32
      %scan3A_167 = arith.constant 128 : i32
      %scan3A_168 = arith.addi %scan3A_166, %scan3A_167 : i32
      %scan3A_169 = arith.constant 1 : i32
      scf.for %scan3A_235 = %scan3A_166 to %scan3A_168 step %scan3A_169  : i32 {
        %get3A_236 = arith.index_cast %scan3A_235 : i32 to index
        %get3A_237 = arith.constant 0 : index
        %get3A_238 = tpu.vector_load %arg15[%get3A_236, %get3A_237] {strides = array<i32>} : memref<128x64xf32, #tpu.memory_space<vmem>>, vector<1x16xf32>,
        %get3A_239 = vector.shape_cast %get3A_238 : vector<1x16xf32> to vector<16xf32>
        %get3A_240 = arith.index_cast %scan3A_235 : i32 to index
        %get3A_241 = arith.constant 0 : index
        %get3A_242 = tpu.vector_load %arg16[%get3A_240, %get3A_241] {strides = array<i32>} : memref<128x64xf32, #tpu.memory_space<vmem>>, vector<1x16xf32>,
        %get3A_243 = vector.shape_cast %get3A_242 : vector<1x16xf32> to vector<16xf32>
        %add3A_244 = arith.addf %get3A_239, %get3A_243 : vector<16xf32>
        %max3A = arith.constant 0.000000e+00 : f32
        %max3A_245 = vector.broadcast %max3A : f32 to vector<16xf32>
        %max3A_246 = arith.maximumf %add3A_244, %max3A_245 : vector<16xf32>
        %swap3A_247 = arith.index_cast %scan3A_235 : i32 to index
        %swap3A_248 = arith.constant 0 : index
        %swap3A_249 = tpu.vector_load %arg16[%swap3A_247, %swap3A_248] {strides = array<i32>} : memref<128x64xf32, #tpu.memory_space<vmem>>, vector<1x16xf32>,
        %swap3A_250 = vector.shape_cast %swap3A_249 : vector<1x16xf32> to vector<16xf32>
        %swap3A_251 = vector.shape_cast %max3A_246 : vector<16xf32> to vector<1x16xf32>
        tpu.vector_store %arg16[%swap3A_247, %swap3A_248], %swap3A_251 {strides = array<i32>} : memref<128x64xf32, #tpu.memory_space<vmem>>, vector<1x16xf32>,
        %get3A_252 = arith.index_cast %scan3A_235 : i32 to index
        %get3A_253 = arith.constant 16 : index
        %get3A_254 = tpu.vector_load %arg15[%get3A_252, %get3A_253] {strides = array<i32>} : memref<128x64xf32, #tpu.memory_space<vmem>>, vector<1x16xf32>,
        %get3A_255 = vector.shape_cast %get3A_254 : vector<1x16xf32> to vector<16xf32>
        %get3A_256 = arith.index_cast %scan3A_235 : i32 to index
        %get3A_257 = arith.constant 16 : index
        %get3A_258 = tpu.vector_load %arg16[%get3A_256, %get3A_257] {strides = array<i32>} : memref<128x64xf32, #tpu.memory_space<vmem>>, vector<1x16xf32>,
        %get3A_259 = vector.shape_cast %get3A_258 : vector<1x16xf32> to vector<16xf32>
        %add3A_260 = arith.addf %get3A_255, %get3A_259 : vector<16xf32>
        %max3A_261 = arith.constant 0.000000e+00 : f32
        %max3A_262 = vector.broadcast %max3A_261 : f32 to vector<16xf32>
        %max3A_263 = arith.maximumf %add3A_260, %max3A_262 : vector<16xf32>
        %swap3A_264 = arith.index_cast %scan3A_235 : i32 to index
        %swap3A_265 = arith.constant 16 : index
        %swap3A_266 = tpu.vector_load %arg16[%swap3A_264, %swap3A_265] {strides = array<i32>} : memref<128x64xf32, #tpu.memory_space<vmem>>, vector<1x16xf32>,
        %swap3A_267 = vector.shape_cast %swap3A_266 : vector<1x16xf32> to vector<16xf32>
        %swap3A_268 = vector.shape_cast %max3A_263 : vector<16xf32> to vector<1x16xf32>
        tpu.vector_store %arg16[%swap3A_264, %swap3A_265], %swap3A_268 {strides = array<i32>} : memref<128x64xf32, #tpu.memory_space<vmem>>, vector<1x16xf32>,
        %get3A_269 = arith.index_cast %scan3A_235 : i32 to index
        %get3A_270 = arith.constant 32 : index
        %get3A_271 = tpu.vector_load %arg15[%get3A_269, %get3A_270] {strides = array<i32>} : memref<128x64xf32, #tpu.memory_space<vmem>>, vector<1x16xf32>,
        %get3A_272 = vector.shape_cast %get3A_271 : vector<1x16xf32> to vector<16xf32>
        %get3A_273 = arith.index_cast %scan3A_235 : i32 to index
        %get3A_274 = arith.constant 32 : index
        %get3A_275 = tpu.vector_load %arg16[%get3A_273, %get3A_274] {strides = array<i32>} : memref<128x64xf32, #tpu.memory_space<vmem>>, vector<1x16xf32>,
        %get3A_276 = vector.shape_cast %get3A_275 : vector<1x16xf32> to vector<16xf32>
        %add3A_277 = arith.addf %get3A_272, %get3A_276 : vector<16xf32>
        %max3A_278 = arith.constant 0.000000e+00 : f32
        %max3A_279 = vector.broadcast %max3A_278 : f32 to vector<16xf32>
        %max3A_280 = arith.maximumf %add3A_277, %max3A_279 : vector<16xf32>
        %swap3A_281 = arith.index_cast %scan3A_235 : i32 to index
        %swap3A_282 = arith.constant 32 : index
        %swap3A_283 = tpu.vector_load %arg16[%swap3A_281, %swap3A_282] {strides = array<i32>} : memref<128x64xf32, #tpu.memory_space<vmem>>, vector<1x16xf32>,
        %swap3A_284 = vector.shape_cast %swap3A_283 : vector<1x16xf32> to vector<16xf32>
        %swap3A_285 = vector.shape_cast %max3A_280 : vector<16xf32> to vector<1x16xf32>
        tpu.vector_store %arg16[%swap3A_281, %swap3A_282], %swap3A_285 {strides = array<i32>} : memref<128x64xf32, #tpu.memory_space<vmem>>, vector<1x16xf32>,
        %get3A_286 = arith.index_cast %scan3A_235 : i32 to index
        %get3A_287 = arith.constant 48 : index
        %get3A_288 = tpu.vector_load %arg15[%get3A_286, %get3A_287] {strides = array<i32>} : memref<128x64xf32, #tpu.memory_space<vmem>>, vector<1x16xf32>,
        %get3A_289 = vector.shape_cast %get3A_288 : vector<1x16xf32> to vector<16xf32>
        %get3A_290 = arith.index_cast %scan3A_235 : i32 to index
        %get3A_291 = arith.constant 48 : index
        %get3A_292 = tpu.vector_load %arg16[%get3A_290, %get3A_291] {strides = array<i32>} : memref<128x64xf32, #tpu.memory_space<vmem>>, vector<1x16xf32>,
        %get3A_293 = vector.shape_cast %get3A_292 : vector<1x16xf32> to vector<16xf32>
        %add3A_294 = arith.addf %get3A_289, %get3A_293 : vector<16xf32>
        %max3A_295 = arith.constant 0.000000e+00 : f32
        %max3A_296 = vector.broadcast %max3A_295 : f32 to vector<16xf32>
        %max3A_297 = arith.maximumf %add3A_294, %max3A_296 : vector<16xf32>
        %swap3A_298 = arith.index_cast %scan3A_235 : i32 to index
        %swap3A_299 = arith.constant 48 : index
        %swap3A_300 = tpu.vector_load %arg16[%swap3A_298, %swap3A_299] {strides = array<i32>} : memref<128x64xf32, #tpu.memory_space<vmem>>, vector<1x16xf32>,
        %swap3A_301 = vector.shape_cast %swap3A_300 : vector<1x16xf32> to vector<16xf32>
        %swap3A_302 = vector.shape_cast %max3A_297 : vector<16xf32> to vector<1x16xf32>
        tpu.vector_store %arg16[%swap3A_298, %swap3A_299], %swap3A_302 {strides = array<i32>} : memref<128x64xf32, #tpu.memory_space<vmem>>, vector<1x16xf32>,
      }
      %scan3A_170 = arith.constant 128 : i32
      %get3A_171 = arith.constant 0 : index
      %get3A_172 = tpu.vector_load %arg13[%get3A_171] {strides = array<i32>} : memref<128xi32, #tpu.memory_space<vmem>>, vector<16xi32>,
      %get3A_173 = vector.shape_cast %get3A_172 : vector<16xi32> to vector<16xi32>
      %swap3A_174 = arith.constant 0 : index
      %swap3A_175 = tpu.vector_load %arg14[%swap3A_174] {strides = array<i32>} : memref<128xi32, #tpu.memory_space<vmem>>, vector<16xi32>,
      %swap3A_176 = vector.shape_cast %swap3A_175 : vector<16xi32> to vector<16xi32>
      %swap3A_177 = vector.shape_cast %get3A_173 : vector<16xi32> to vector<16xi32>
      tpu.vector_store %arg14[%swap3A_174], %swap3A_177 {strides = array<i32>} : memref<128xi32, #tpu.memory_space<vmem>>, vector<16xi32>,
      %get3A_178 = arith.constant 16 : index
      %get3A_179 = tpu.vector_load %arg13[%get3A_178] {strides = array<i32>} : memref<128xi32, #tpu.memory_space<vmem>>, vector<16xi32>,
      %get3A_180 = vector.shape_cast %get3A_179 : vector<16xi32> to vector<16xi32>
      %swap3A_181 = arith.constant 16 : index
      %swap3A_182 = tpu.vector_load %arg14[%swap3A_181] {strides = array<i32>} : memref<128xi32, #tpu.memory_space<vmem>>, vector<16xi32>,
      %swap3A_183 = vector.shape_cast %swap3A_182 : vector<16xi32> to vector<16xi32>
      %swap3A_184 = vector.shape_cast %get3A_180 : vector<16xi32> to vector<16xi32>
      tpu.vector_store %arg14[%swap3A_181], %swap3A_184 {strides = array<i32>} : memref<128xi32, #tpu.memory_space<vmem>>, vector<16xi32>,
      %get3A_185 = arith.constant 32 : index
      %get3A_186 = tpu.vector_load %arg13[%get3A_185] {strides = array<i32>} : memref<128xi32, #tpu.memory_space<vmem>>, vector<16xi32>,
      %get3A_187 = vector.shape_cast %get3A_186 : vector<16xi32> to vector<16xi32>
      %swap3A_188 = arith.constant 32 : index
      %swap3A_189 = tpu.vector_load %arg14[%swap3A_188] {strides = array<i32>} : memref<128xi32, #tpu.memory_space<vmem>>, vector<16xi32>,
      %swap3A_190 = vector.shape_cast %swap3A_189 : vector<16xi32> to vector<16xi32>
      %swap3A_191 = vector.shape_cast %get3A_187 : vector<16xi32> to vector<16xi32>
      tpu.vector_store %arg14[%swap3A_188], %swap3A_191 {strides = array<i32>} : memref<128xi32, #tpu.memory_space<vmem>>, vector<16xi32>,
      %get3A_192 = arith.constant 48 : index
      %get3A_193 = tpu.vector_load %arg13[%get3A_192] {strides = array<i32>} : memref<128xi32, #tpu.memory_space<vmem>>, vector<16xi32>,
      %get3A_194 = vector.shape_cast %get3A_193 : vector<16xi32> to vector<16xi32>
      %swap3A_195 = arith.constant 48 : index
      %swap3A_196 = tpu.vector_load %arg14[%swap3A_195] {strides = array<i32>} : memref<128xi32, #tpu.memory_space<vmem>>, vector<16xi32>,
      %swap3A_197 = vector.shape_cast %swap3A_196 : vector<16xi32> to vector<16xi32>
      %swap3A_198 = vector.shape_cast %get3A_194 : vector<16xi32> to vector<16xi32>
      tpu.vector_store %arg14[%swap3A_195], %swap3A_198 {strides = array<i32>} : memref<128xi32, #tpu.memory_space<vmem>>, vector<16xi32>,
      %get3A_199 = arith.constant 64 : index
      %get3A_200 = tpu.vector_load %arg13[%get3A_199] {strides = array<i32>} : memref<128xi32, #tpu.memory_space<vmem>>, vector<16xi32>,
      %get3A_201 = vector.shape_cast %get3A_200 : vector<16xi32> to vector<16xi32>
      %swap3A_202 = arith.constant 64 : index
      %swap3A_203 = tpu.vector_load %arg14[%swap3A_202] {strides = array<i32>} : memref<128xi32, #tpu.memory_space<vmem>>, vector<16xi32>,
      %swap3A_204 = vector.shape_cast %swap3A_203 : vector<16xi32> to vector<16xi32>
      %swap3A_205 = vector.shape_cast %get3A_201 : vector<16xi32> to vector<16xi32>
      tpu.vector_store %arg14[%swap3A_202], %swap3A_205 {strides = array<i32>} : memref<128xi32, #tpu.memory_space<vmem>>, vector<16xi32>,
      %get3A_206 = arith.constant 80 : index
      %get3A_207 = tpu.vector_load %arg13[%get3A_206] {strides = array<i32>} : memref<128xi32, #tpu.memory_space<vmem>>, vector<16xi32>,
      %get3A_208 = vector.shape_cast %get3A_207 : vector<16xi32> to vector<16xi32>
      %swap3A_209 = arith.constant 80 : index
      %swap3A_210 = tpu.vector_load %arg14[%swap3A_209] {strides = array<i32>} : memref<128xi32, #tpu.memory_space<vmem>>, vector<16xi32>,
      %swap3A_211 = vector.shape_cast %swap3A_210 : vector<16xi32> to vector<16xi32>
      %swap3A_212 = vector.shape_cast %get3A_208 : vector<16xi32> to vector<16xi32>
      tpu.vector_store %arg14[%swap3A_209], %swap3A_212 {strides = array<i32>} : memref<128xi32, #tpu.memory_space<vmem>>, vector<16xi32>,
      %get3A_213 = arith.constant 96 : index
      %get3A_214 = tpu.vector_load %arg13[%get3A_213] {strides = array<i32>} : memref<128xi32, #tpu.memory_space<vmem>>, vector<16xi32>,
      %get3A_215 = vector.shape_cast %get3A_214 : vector<16xi32> to vector<16xi32>
      %swap3A_216 = arith.constant 96 : index
      %swap3A_217 = tpu.vector_load %arg14[%swap3A_216] {strides = array<i32>} : memref<128xi32, #tpu.memory_space<vmem>>, vector<16xi32>,
      %swap3A_218 = vector.shape_cast %swap3A_217 : vector<16xi32> to vector<16xi32>
      %swap3A_219 = vector.shape_cast %get3A_215 : vector<16xi32> to vector<16xi32>
      tpu.vector_store %arg14[%swap3A_216], %swap3A_219 {strides = array<i32>} : memref<128xi32, #tpu.memory_space<vmem>>, vector<16xi32>,
      %get3A_220 = arith.constant 112 : index
      %get3A_221 = tpu.vector_load %arg13[%get3A_220] {strides = array<i32>} : memref<128xi32, #tpu.memory_space<vmem>>, vector<16xi32>,
      %get3A_222 = vector.shape_cast %get3A_221 : vector<16xi32> to vector<16xi32>
      %swap3A_223 = arith.constant 112 : index
      %swap3A_224 = tpu.vector_load %arg14[%swap3A_223] {strides = array<i32>} : memref<128xi32, #tpu.memory_space<vmem>>, vector<16xi32>,
      %swap3A_225 = vector.shape_cast %swap3A_224 : vector<16xi32> to vector<16xi32>
      %swap3A_226 = vector.shape_cast %get3A_222 : vector<16xi32> to vector<16xi32>
      tpu.vector_store %arg14[%swap3A_223], %swap3A_226 {strides = array<i32>} : memref<128xi32, #tpu.memory_space<vmem>>, vector<16xi32>,
      %dma_start3A_227 = arith.constant 0 : i32
      %dma_start3A_228 = arith.constant 0 : i32
      %dma_start3A_229 = tpu.memref_slice %arg18[%dma_start3A_227, %dma_start3A_228] : memref<10240x64xf32, #tpu.memory_space<vmem_shared>> -> memref<10240x64xf32, #tpu.memory_space<vmem_shared>>
      tpu.enqueue_indirect_dma source(%arg16 : memref<128x64xf32, #tpu.memory_space<vmem>>) target(%dma_start3A_229 : memref<10240x64xf32, #tpu.memory_space<vmem_shared>>) offsets(%arg14 : memref<128xi32, #tpu.memory_space<vmem>>) semaphore(%arg24 : memref<!tpu.dma_semaphore, #tpu.memory_space<semaphore_mem>>) {add = true}
      %lt3A_230 = arith.constant 77 : i32
      %lt3A_231 = arith.cmpi slt, %scan3A_43, %lt3A_230 : i32
      %convert_element_type3A_232 = arith.extui %lt3A_231 : i1 to i32
      %cond3A_233 = arith.constant 0 : i32
      %cond3A_234 = arith.cmpi ne, %convert_element_type3A_232, %cond3A_233 : i32
      scf.if %cond3A_234 {
        %add3A_235 = arith.constant 3 : i32
        %add3A_236 = arith.addi %mul3A_45, %add3A_235 : i32
        %mul3A_237 = arith.constant 128 : i32
        %mul3A_238 = arith.muli %add3A_236, %mul3A_237 : i32
        %add3A_239 = arith.addi %mul3A_11, %mul3A_238 : i32
        %dma_start3A_240 = tpu.memref_slice %arg4[%add3A_239] : memref<320000xi32, #tpu.memory_space<hbm>> -> memref<128xi32, #tpu.memory_space<hbm>>
        %dma_start3A_241 = tpu.memref_slice %arg4[%add3A_239] : memref<320000xi32, #tpu.memory_space<hbm>> -> memref<128xi32, #tpu.memory_space<hbm>>
        tpu.enqueue_dma source(%dma_start3A_241 : memref<128xi32, #tpu.memory_space<hbm>>) target(%arg12 : memref<128xi32, #tpu.memory_space<vmem>>) target_semaphore(%arg20 : memref<!tpu.dma_semaphore, #tpu.memory_space<semaphore_mem>>)
        %dma_start3A_242 = tpu.memref_slice %arg5[%add3A_239] : memref<320000xi32, #tpu.memory_space<hbm>> -> memref<128xi32, #tpu.memory_space<hbm>>
        %dma_start3A_243 = tpu.memref_slice %arg5[%add3A_239] : memref<320000xi32, #tpu.memory_space<hbm>> -> memref<128xi32, #tpu.memory_space<hbm>>
        tpu.enqueue_dma source(%dma_start3A_243 : memref<128xi32, #tpu.memory_space<hbm>>) target(%arg13 : memref<128xi32, #tpu.memory_space<vmem>>) target_semaphore(%arg20 : memref<!tpu.dma_semaphore, #tpu.memory_space<semaphore_mem>>)
      } else {
      }
    }
    %scan3A_32 = arith.constant 78 : i32
    %lt3A = arith.constant 4 : i32
    %lt3A_33 = arith.cmpi slt, %arg1, %lt3A : i32
    %convert_element_type3A = arith.extui %lt3A_33 : i1 to i32
    %cond3A = arith.constant 0 : i32
    %cond3A_34 = arith.cmpi ne, %convert_element_type3A, %cond3A : i32
    scf.if %cond3A_34 {
      %add3A_43 = arith.constant 2496 : i32
      %add3A_44 = arith.addi %add3A_43, %arg1 : i32
      %mul3A_45 = arith.constant 128 : i32
      %mul3A_46 = arith.muli %add3A_44, %mul3A_45 : i32
      "tpu.region"() ({
        %run_scoped3A = tpu.sem_alloc : memref<!tpu.dma_semaphore, #tpu.memory_space<semaphore_mem>>
        %dma_start3A_128 = tpu.memref_slice %arg4[%mul3A_46] : memref<320000xi32, #tpu.memory_space<hbm>> -> memref<128xi32, #tpu.memory_space<hbm>>
        %dma_start3A_129 = tpu.memref_slice %arg4[%mul3A_46] : memref<320000xi32, #tpu.memory_space<hbm>> -> memref<128xi32, #tpu.memory_space<hbm>>
        tpu.enqueue_dma source(%dma_start3A_129 : memref<128xi32, #tpu.memory_space<hbm>>) target(%arg7 : memref<128xi32, #tpu.memory_space<vmem>>) target_semaphore(%run_scoped3A : memref<!tpu.dma_semaphore, #tpu.memory_space<semaphore_mem>>)
        %dma_wait3A_130 = tpu.memref_slice %arg4[%mul3A_46] : memref<320000xi32, #tpu.memory_space<hbm>> -> memref<128xi32, #tpu.memory_space<hbm>>
        %dma_wait3A_131 = tpu.memref_slice %arg4[%mul3A_46] : memref<320000xi32, #tpu.memory_space<hbm>> -> memref<128xi32, #tpu.memory_space<hbm>>
        tpu.wait_dma2 semaphore(%run_scoped3A : memref<!tpu.dma_semaphore, #tpu.memory_space<semaphore_mem>>) src(%dma_wait3A_131 : memref<128xi32, #tpu.memory_space<hbm>>) dst(%arg7 : memref<128xi32, #tpu.memory_space<vmem>>)
        tpu.yield
      }) : () -> ()
      "tpu.region"() ({
        %run_scoped3A = tpu.sem_alloc : memref<!tpu.dma_semaphore, #tpu.memory_space<semaphore_mem>>
        %dma_start3A_128 = tpu.memref_slice %arg5[%mul3A_46] : memref<320000xi32, #tpu.memory_space<hbm>> -> memref<128xi32, #tpu.memory_space<hbm>>
        %dma_start3A_129 = tpu.memref_slice %arg5[%mul3A_46] : memref<320000xi32, #tpu.memory_space<hbm>> -> memref<128xi32, #tpu.memory_space<hbm>>
        tpu.enqueue_dma source(%dma_start3A_129 : memref<128xi32, #tpu.memory_space<hbm>>) target(%arg8 : memref<128xi32, #tpu.memory_space<vmem>>) target_semaphore(%run_scoped3A : memref<!tpu.dma_semaphore, #tpu.memory_space<semaphore_mem>>)
        %dma_wait3A_130 = tpu.memref_slice %arg5[%mul3A_46] : memref<320000xi32, #tpu.memory_space<hbm>> -> memref<128xi32, #tpu.memory_space<hbm>>
        %dma_wait3A_131 = tpu.memref_slice %arg5[%mul3A_46] : memref<320000xi32, #tpu.memory_space<hbm>> -> memref<128xi32, #tpu.memory_space<hbm>>
        tpu.wait_dma2 semaphore(%run_scoped3A : memref<!tpu.dma_semaphore, #tpu.memory_space<semaphore_mem>>) src(%dma_wait3A_131 : memref<128xi32, #tpu.memory_space<hbm>>) dst(%arg8 : memref<128xi32, #tpu.memory_space<vmem>>)
        tpu.yield
      }) : () -> ()
      "tpu.region"() ({
        %run_scoped3A = tpu.sem_alloc : memref<!tpu.dma_semaphore, #tpu.memory_space<semaphore_mem>>
        %dma_start3A_128 = tpu.memref_slice %arg3[%mul3A_46, %mul3A_0] : memref<320000x128xf32, #tpu.memory_space<hbm>> -> memref<128x64xf32, #tpu.memory_space<hbm>>
        %dma_start3A_129 = tpu.memref_slice %arg3[%mul3A_46, %mul3A_0] : memref<320000x128xf32, #tpu.memory_space<hbm>> -> memref<128x64xf32, #tpu.memory_space<hbm>>
        tpu.enqueue_dma source(%dma_start3A_129 : memref<128x64xf32, #tpu.memory_space<hbm>>) target(%arg11 : memref<128x64xf32, #tpu.memory_space<vmem>>) target_semaphore(%run_scoped3A : memref<!tpu.dma_semaphore, #tpu.memory_space<semaphore_mem>>)
        %dma_wait3A_130 = tpu.memref_slice %arg3[%mul3A_46, %mul3A_0] : memref<320000x128xf32, #tpu.memory_space<hbm>> -> memref<128x64xf32, #tpu.memory_space<hbm>>
        %dma_wait3A_131 = tpu.memref_slice %arg3[%mul3A_46, %mul3A_0] : memref<320000x128xf32, #tpu.memory_space<hbm>> -> memref<128x64xf32, #tpu.memory_space<hbm>>
        tpu.wait_dma2 semaphore(%run_scoped3A : memref<!tpu.dma_semaphore, #tpu.memory_space<semaphore_mem>>) src(%dma_wait3A_131 : memref<128x64xf32, #tpu.memory_space<hbm>>) dst(%arg11 : memref<128x64xf32, #tpu.memory_space<vmem>>)
        tpu.yield
      }) : () -> ()
      %dma_start3A_47 = arith.constant 0 : i32
      %dma_start3A_48 = arith.constant 0 : i32
      %dma_start3A_49 = tpu.memref_slice %arg2[%arg0, %dma_start3A_47, %dma_start3A_48] : memref<2x10000x64xf32, #tpu.memory_space<hbm>> -> memref<1x10000x64xf32, #tpu.memory_space<hbm>>
      %dma_start3A_50 = tpu.memref_squeeze %dma_start3A_49 : memref<1x10000x64xf32, #tpu.memory_space<hbm>> -> memref<10000x64xf32, #tpu.memory_space<hbm>>
      %dma_start3A_51 = arith.constant 0 : i32
      %dma_start3A_52 = arith.constant 0 : i32
      %dma_start3A_53 = tpu.memref_slice %dma_start3A_50[%dma_start3A_51, %dma_start3A_52] : memref<10000x64xf32, #tpu.memory_space<hbm>> -> memref<10000x64xf32, #tpu.memory_space<hbm>>
      tpu.enqueue_indirect_dma source(%dma_start3A_53 : memref<10000x64xf32, #tpu.memory_space<hbm>>) target(%arg10 : memref<128x64xf32, #tpu.memory_space<vmem>>) offsets(%arg7 : memref<128xi32, #tpu.memory_space<vmem>>) semaphore(%arg21 : memref<!tpu.dma_semaphore, #tpu.memory_space<semaphore_mem>>)
      %dma_wait3A_54 = arith.constant 0 : i32
      %dma_wait3A_55 = arith.constant 0 : i32
      %dma_wait3A_56 = tpu.memref_slice %arg2[%arg0, %dma_wait3A_54, %dma_wait3A_55] : memref<2x10000x64xf32, #tpu.memory_space<hbm>> -> memref<1x10000x64xf32, #tpu.memory_space<hbm>>
      %dma_wait3A_57 = tpu.memref_squeeze %dma_wait3A_56 : memref<1x10000x64xf32, #tpu.memory_space<hbm>> -> memref<10000x64xf32, #tpu.memory_space<hbm>>
      %dma_wait3A_58 = arith.constant 0 : i32
      %dma_wait3A_59 = arith.constant 0 : i32
      %dma_wait3A_60 = tpu.memref_slice %dma_wait3A_57[%dma_wait3A_58, %dma_wait3A_59] : memref<10000x64xf32, #tpu.memory_space<hbm>> -> memref<10000x64xf32, #tpu.memory_space<hbm>>
      tpu.wait_indirect_dma semaphore(%arg21 : memref<!tpu.dma_semaphore, #tpu.memory_space<semaphore_mem>>) src(%dma_wait3A_60 : memref<10000x64xf32, #tpu.memory_space<hbm>>) dst(%arg10 : memref<128x64xf32, #tpu.memory_space<vmem>>)
      %scan3A_61 = arith.constant 0 : i32
      %scan3A_62 = arith.constant 0 : i32
      %scan3A_63 = arith.constant 128 : i32
      %scan3A_64 = arith.addi %scan3A_62, %scan3A_63 : i32
      %scan3A_65 = arith.constant 1 : i32
      scf.for %scan3A_128 = %scan3A_62 to %scan3A_64 step %scan3A_65  : i32 {
        %get3A_129 = arith.index_cast %scan3A_128 : i32 to index
        %get3A_130 = arith.constant 0 : index
        %get3A_131 = tpu.vector_load %arg10[%get3A_129, %get3A_130] {strides = array<i32>} : memref<128x64xf32, #tpu.memory_space<vmem>>, vector<1x16xf32>,
        %get3A_132 = vector.shape_cast %get3A_131 : vector<1x16xf32> to vector<16xf32>
        %get3A_133 = arith.index_cast %scan3A_128 : i32 to index
        %get3A_134 = arith.constant 0 : index
        %get3A_135 = tpu.vector_load %arg11[%get3A_133, %get3A_134] {strides = array<i32>} : memref<128x64xf32, #tpu.memory_space<vmem>>, vector<1x16xf32>,
        %get3A_136 = vector.shape_cast %get3A_135 : vector<1x16xf32> to vector<16xf32>
        %add3A_137 = arith.addf %get3A_132, %get3A_136 : vector<16xf32>
        %max3A = arith.constant 0.000000e+00 : f32
        %max3A_138 = vector.broadcast %max3A : f32 to vector<16xf32>
        %max3A_139 = arith.maximumf %add3A_137, %max3A_138 : vector<16xf32>
        %swap3A_140 = arith.index_cast %scan3A_128 : i32 to index
        %swap3A_141 = arith.constant 0 : index
        %swap3A_142 = tpu.vector_load %arg11[%swap3A_140, %swap3A_141] {strides = array<i32>} : memref<128x64xf32, #tpu.memory_space<vmem>>, vector<1x16xf32>,
        %swap3A_143 = vector.shape_cast %swap3A_142 : vector<1x16xf32> to vector<16xf32>
        %swap3A_144 = vector.shape_cast %max3A_139 : vector<16xf32> to vector<1x16xf32>
        tpu.vector_store %arg11[%swap3A_140, %swap3A_141], %swap3A_144 {strides = array<i32>} : memref<128x64xf32, #tpu.memory_space<vmem>>, vector<1x16xf32>,
        %get3A_145 = arith.index_cast %scan3A_128 : i32 to index
        %get3A_146 = arith.constant 16 : index
        %get3A_147 = tpu.vector_load %arg10[%get3A_145, %get3A_146] {strides = array<i32>} : memref<128x64xf32, #tpu.memory_space<vmem>>, vector<1x16xf32>,
        %get3A_148 = vector.shape_cast %get3A_147 : vector<1x16xf32> to vector<16xf32>
        %get3A_149 = arith.index_cast %scan3A_128 : i32 to index
        %get3A_150 = arith.constant 16 : index
        %get3A_151 = tpu.vector_load %arg11[%get3A_149, %get3A_150] {strides = array<i32>} : memref<128x64xf32, #tpu.memory_space<vmem>>, vector<1x16xf32>,
        %get3A_152 = vector.shape_cast %get3A_151 : vector<1x16xf32> to vector<16xf32>
        %add3A_153 = arith.addf %get3A_148, %get3A_152 : vector<16xf32>
        %max3A_154 = arith.constant 0.000000e+00 : f32
        %max3A_155 = vector.broadcast %max3A_154 : f32 to vector<16xf32>
        %max3A_156 = arith.maximumf %add3A_153, %max3A_155 : vector<16xf32>
        %swap3A_157 = arith.index_cast %scan3A_128 : i32 to index
        %swap3A_158 = arith.constant 16 : index
        %swap3A_159 = tpu.vector_load %arg11[%swap3A_157, %swap3A_158] {strides = array<i32>} : memref<128x64xf32, #tpu.memory_space<vmem>>, vector<1x16xf32>,
        %swap3A_160 = vector.shape_cast %swap3A_159 : vector<1x16xf32> to vector<16xf32>
        %swap3A_161 = vector.shape_cast %max3A_156 : vector<16xf32> to vector<1x16xf32>
        tpu.vector_store %arg11[%swap3A_157, %swap3A_158], %swap3A_161 {strides = array<i32>} : memref<128x64xf32, #tpu.memory_space<vmem>>, vector<1x16xf32>,
        %get3A_162 = arith.index_cast %scan3A_128 : i32 to index
        %get3A_163 = arith.constant 32 : index
        %get3A_164 = tpu.vector_load %arg10[%get3A_162, %get3A_163] {strides = array<i32>} : memref<128x64xf32, #tpu.memory_space<vmem>>, vector<1x16xf32>,
        %get3A_165 = vector.shape_cast %get3A_164 : vector<1x16xf32> to vector<16xf32>
        %get3A_166 = arith.index_cast %scan3A_128 : i32 to index
        %get3A_167 = arith.constant 32 : index
        %get3A_168 = tpu.vector_load %arg11[%get3A_166, %get3A_167] {strides = array<i32>} : memref<128x64xf32, #tpu.memory_space<vmem>>, vector<1x16xf32>,
        %get3A_169 = vector.shape_cast %get3A_168 : vector<1x16xf32> to vector<16xf32>
        %add3A_170 = arith.addf %get3A_165, %get3A_169 : vector<16xf32>
        %max3A_171 = arith.constant 0.000000e+00 : f32
        %max3A_172 = vector.broadcast %max3A_171 : f32 to vector<16xf32>
        %max3A_173 = arith.maximumf %add3A_170, %max3A_172 : vector<16xf32>
        %swap3A_174 = arith.index_cast %scan3A_128 : i32 to index
        %swap3A_175 = arith.constant 32 : index
        %swap3A_176 = tpu.vector_load %arg11[%swap3A_174, %swap3A_175] {strides = array<i32>} : memref<128x64xf32, #tpu.memory_space<vmem>>, vector<1x16xf32>,
        %swap3A_177 = vector.shape_cast %swap3A_176 : vector<1x16xf32> to vector<16xf32>
        %swap3A_178 = vector.shape_cast %max3A_173 : vector<16xf32> to vector<1x16xf32>
        tpu.vector_store %arg11[%swap3A_174, %swap3A_175], %swap3A_178 {strides = array<i32>} : memref<128x64xf32, #tpu.memory_space<vmem>>, vector<1x16xf32>,
        %get3A_179 = arith.index_cast %scan3A_128 : i32 to index
        %get3A_180 = arith.constant 48 : index
        %get3A_181 = tpu.vector_load %arg10[%get3A_179, %get3A_180] {strides = array<i32>} : memref<128x64xf32, #tpu.memory_space<vmem>>, vector<1x16xf32>,
        %get3A_182 = vector.shape_cast %get3A_181 : vector<1x16xf32> to vector<16xf32>
        %get3A_183 = arith.index_cast %scan3A_128 : i32 to index
        %get3A_184 = arith.constant 48 : index
        %get3A_185 = tpu.vector_load %arg11[%get3A_183, %get3A_184] {strides = array<i32>} : memref<128x64xf32, #tpu.memory_space<vmem>>, vector<1x16xf32>,
        %get3A_186 = vector.shape_cast %get3A_185 : vector<1x16xf32> to vector<16xf32>
        %add3A_187 = arith.addf %get3A_182, %get3A_186 : vector<16xf32>
        %max3A_188 = arith.constant 0.000000e+00 : f32
        %max3A_189 = vector.broadcast %max3A_188 : f32 to vector<16xf32>
        %max3A_190 = arith.maximumf %add3A_187, %max3A_189 : vector<16xf32>
        %swap3A_191 = arith.index_cast %scan3A_128 : i32 to index
        %swap3A_192 = arith.constant 48 : index
        %swap3A_193 = tpu.vector_load %arg11[%swap3A_191, %swap3A_192] {strides = array<i32>} : memref<128x64xf32, #tpu.memory_space<vmem>>, vector<1x16xf32>,
        %swap3A_194 = vector.shape_cast %swap3A_193 : vector<1x16xf32> to vector<16xf32>
        %swap3A_195 = vector.shape_cast %max3A_190 : vector<16xf32> to vector<1x16xf32>
        tpu.vector_store %arg11[%swap3A_191, %swap3A_192], %swap3A_195 {strides = array<i32>} : memref<128x64xf32, #tpu.memory_space<vmem>>, vector<1x16xf32>,
      }
      %scan3A_66 = arith.constant 128 : i32
      %get3A = arith.constant 0 : index
      %get3A_67 = tpu.vector_load %arg8[%get3A] {strides = array<i32>} : memref<128xi32, #tpu.memory_space<vmem>>, vector<16xi32>,
      %get3A_68 = vector.shape_cast %get3A_67 : vector<16xi32> to vector<16xi32>
      %swap3A = arith.constant 0 : index
      %swap3A_69 = tpu.vector_load %arg9[%swap3A] {strides = array<i32>} : memref<128xi32, #tpu.memory_space<vmem>>, vector<16xi32>,
      %swap3A_70 = vector.shape_cast %swap3A_69 : vector<16xi32> to vector<16xi32>
      %swap3A_71 = vector.shape_cast %get3A_68 : vector<16xi32> to vector<16xi32>
      tpu.vector_store %arg9[%swap3A], %swap3A_71 {strides = array<i32>} : memref<128xi32, #tpu.memory_space<vmem>>, vector<16xi32>,
      %get3A_72 = arith.constant 16 : index
      %get3A_73 = tpu.vector_load %arg8[%get3A_72] {strides = array<i32>} : memref<128xi32, #tpu.memory_space<vmem>>, vector<16xi32>,
      %get3A_74 = vector.shape_cast %get3A_73 : vector<16xi32> to vector<16xi32>
      %swap3A_75 = arith.constant 16 : index
      %swap3A_76 = tpu.vector_load %arg9[%swap3A_75] {strides = array<i32>} : memref<128xi32, #tpu.memory_space<vmem>>, vector<16xi32>,
      %swap3A_77 = vector.shape_cast %swap3A_76 : vector<16xi32> to vector<16xi32>
      %swap3A_78 = vector.shape_cast %get3A_74 : vector<16xi32> to vector<16xi32>
      tpu.vector_store %arg9[%swap3A_75], %swap3A_78 {strides = array<i32>} : memref<128xi32, #tpu.memory_space<vmem>>, vector<16xi32>,
      %get3A_79 = arith.constant 32 : index
      %get3A_80 = tpu.vector_load %arg8[%get3A_79] {strides = array<i32>} : memref<128xi32, #tpu.memory_space<vmem>>, vector<16xi32>,
      %get3A_81 = vector.shape_cast %get3A_80 : vector<16xi32> to vector<16xi32>
      %swap3A_82 = arith.constant 32 : index
      %swap3A_83 = tpu.vector_load %arg9[%swap3A_82] {strides = array<i32>} : memref<128xi32, #tpu.memory_space<vmem>>, vector<16xi32>,
      %swap3A_84 = vector.shape_cast %swap3A_83 : vector<16xi32> to vector<16xi32>
      %swap3A_85 = vector.shape_cast %get3A_81 : vector<16xi32> to vector<16xi32>
      tpu.vector_store %arg9[%swap3A_82], %swap3A_85 {strides = array<i32>} : memref<128xi32, #tpu.memory_space<vmem>>, vector<16xi32>,
      %get3A_86 = arith.constant 48 : index
      %get3A_87 = tpu.vector_load %arg8[%get3A_86] {strides = array<i32>} : memref<128xi32, #tpu.memory_space<vmem>>, vector<16xi32>,
      %get3A_88 = vector.shape_cast %get3A_87 : vector<16xi32> to vector<16xi32>
      %swap3A_89 = arith.constant 48 : index
      %swap3A_90 = tpu.vector_load %arg9[%swap3A_89] {strides = array<i32>} : memref<128xi32, #tpu.memory_space<vmem>>, vector<16xi32>,
      %swap3A_91 = vector.shape_cast %swap3A_90 : vector<16xi32> to vector<16xi32>
      %swap3A_92 = vector.shape_cast %get3A_88 : vector<16xi32> to vector<16xi32>
      tpu.vector_store %arg9[%swap3A_89], %swap3A_92 {strides = array<i32>} : memref<128xi32, #tpu.memory_space<vmem>>, vector<16xi32>,
      %get3A_93 = arith.constant 64 : index
      %get3A_94 = tpu.vector_load %arg8[%get3A_93] {strides = array<i32>} : memref<128xi32, #tpu.memory_space<vmem>>, vector<16xi32>,
      %get3A_95 = vector.shape_cast %get3A_94 : vector<16xi32> to vector<16xi32>
      %swap3A_96 = arith.constant 64 : index
      %swap3A_97 = tpu.vector_load %arg9[%swap3A_96] {strides = array<i32>} : memref<128xi32, #tpu.memory_space<vmem>>, vector<16xi32>,
      %swap3A_98 = vector.shape_cast %swap3A_97 : vector<16xi32> to vector<16xi32>
      %swap3A_99 = vector.shape_cast %get3A_95 : vector<16xi32> to vector<16xi32>
      tpu.vector_store %arg9[%swap3A_96], %swap3A_99 {strides = array<i32>} : memref<128xi32, #tpu.memory_space<vmem>>, vector<16xi32>,
      %get3A_100 = arith.constant 80 : index
      %get3A_101 = tpu.vector_load %arg8[%get3A_100] {strides = array<i32>} : memref<128xi32, #tpu.memory_space<vmem>>, vector<16xi32>,
      %get3A_102 = vector.shape_cast %get3A_101 : vector<16xi32> to vector<16xi32>
      %swap3A_103 = arith.constant 80 : index
      %swap3A_104 = tpu.vector_load %arg9[%swap3A_103] {strides = array<i32>} : memref<128xi32, #tpu.memory_space<vmem>>, vector<16xi32>,
      %swap3A_105 = vector.shape_cast %swap3A_104 : vector<16xi32> to vector<16xi32>
      %swap3A_106 = vector.shape_cast %get3A_102 : vector<16xi32> to vector<16xi32>
      tpu.vector_store %arg9[%swap3A_103], %swap3A_106 {strides = array<i32>} : memref<128xi32, #tpu.memory_space<vmem>>, vector<16xi32>,
      %get3A_107 = arith.constant 96 : index
      %get3A_108 = tpu.vector_load %arg8[%get3A_107] {strides = array<i32>} : memref<128xi32, #tpu.memory_space<vmem>>, vector<16xi32>,
      %get3A_109 = vector.shape_cast %get3A_108 : vector<16xi32> to vector<16xi32>
      %swap3A_110 = arith.constant 96 : index
      %swap3A_111 = tpu.vector_load %arg9[%swap3A_110] {strides = array<i32>} : memref<128xi32, #tpu.memory_space<vmem>>, vector<16xi32>,
      %swap3A_112 = vector.shape_cast %swap3A_111 : vector<16xi32> to vector<16xi32>
      %swap3A_113 = vector.shape_cast %get3A_109 : vector<16xi32> to vector<16xi32>
      tpu.vector_store %arg9[%swap3A_110], %swap3A_113 {strides = array<i32>} : memref<128xi32, #tpu.memory_space<vmem>>, vector<16xi32>,
      %get3A_114 = arith.constant 112 : index
      %get3A_115 = tpu.vector_load %arg8[%get3A_114] {strides = array<i32>} : memref<128xi32, #tpu.memory_space<vmem>>, vector<16xi32>,
      %get3A_116 = vector.shape_cast %get3A_115 : vector<16xi32> to vector<16xi32>
      %swap3A_117 = arith.constant 112 : index
      %swap3A_118 = tpu.vector_load %arg9[%swap3A_117] {strides = array<i32>} : memref<128xi32, #tpu.memory_space<vmem>>, vector<16xi32>,
      %swap3A_119 = vector.shape_cast %swap3A_118 : vector<16xi32> to vector<16xi32>
      %swap3A_120 = vector.shape_cast %get3A_116 : vector<16xi32> to vector<16xi32>
      tpu.vector_store %arg9[%swap3A_117], %swap3A_120 {strides = array<i32>} : memref<128xi32, #tpu.memory_space<vmem>>, vector<16xi32>,
      %dma_start3A_121 = arith.constant 0 : i32
      %dma_start3A_122 = arith.constant 0 : i32
      %dma_start3A_123 = tpu.memref_slice %arg18[%dma_start3A_121, %dma_start3A_122] : memref<10240x64xf32, #tpu.memory_space<vmem_shared>> -> memref<10240x64xf32, #tpu.memory_space<vmem_shared>>
      tpu.enqueue_indirect_dma source(%arg11 : memref<128x64xf32, #tpu.memory_space<vmem>>) target(%dma_start3A_123 : memref<10240x64xf32, #tpu.memory_space<vmem_shared>>) offsets(%arg9 : memref<128xi32, #tpu.memory_space<vmem>>) semaphore(%arg23 : memref<!tpu.dma_semaphore, #tpu.memory_space<semaphore_mem>>) {add = true}
      %dma_wait3A_124 = arith.constant 0 : i32
      %dma_wait3A_125 = tpu.memref_slice %arg3[%dma_wait3A_124, %mul3A_0] : memref<320000x128xf32, #tpu.memory_space<hbm>> -> memref<128x64xf32, #tpu.memory_space<hbm>>
      %dma_wait3A_126 = arith.constant 0 : i32
      %dma_wait3A_127 = tpu.memref_slice %arg3[%dma_wait3A_126, %mul3A_0] : memref<320000x128xf32, #tpu.memory_space<hbm>> -> memref<128x64xf32, #tpu.memory_space<hbm>>
      tpu.wait_dma2 semaphore(%arg23 : memref<!tpu.dma_semaphore, #tpu.memory_space<semaphore_mem>>) src(%dma_wait3A_127 : memref<128x64xf32, #tpu.memory_space<hbm>>) dst(%arg11 : memref<128x64xf32, #tpu.memory_space<vmem>>)
    } else {
    }
    %dma_wait3A = arith.constant 0 : i32
    %dma_wait3A_35 = tpu.memref_slice %arg3[%dma_wait3A, %mul3A_0] : memref<320000x128xf32, #tpu.memory_space<hbm>> -> memref<128x64xf32, #tpu.memory_space<hbm>>
    %dma_wait3A_36 = arith.constant 0 : i32
    %dma_wait3A_37 = tpu.memref_slice %arg3[%dma_wait3A_36, %mul3A_0] : memref<320000x128xf32, #tpu.memory_space<hbm>> -> memref<128x64xf32, #tpu.memory_space<hbm>>
    tpu.wait_dma2 semaphore(%arg24 : memref<!tpu.dma_semaphore, #tpu.memory_space<semaphore_mem>>) src(%dma_wait3A_37 : memref<128x64xf32, #tpu.memory_space<hbm>>) dst(%arg16 : memref<128x64xf32, #tpu.memory_space<vmem>>)
    %barrier3A_38 = arith.constant 0 : index
    tpu.barrier barrier_id(%barrier3A_38)
    %mul3A_39 = arith.constant 640 : i32
    %mul3A_40 = arith.muli %arg1, %mul3A_39 : i32
    "tpu.region"() ({
      %run_scoped3A = tpu.sem_alloc : memref<!tpu.dma_semaphore, #tpu.memory_space<semaphore_mem>>
      %dma_start3A_43 = arith.constant 0 : i32
      %dma_start3A_44 = tpu.memref_slice %arg18[%mul3A_40, %dma_start3A_43] : memref<10240x64xf32, #tpu.memory_space<vmem_shared>> -> memref<640x64xf32, #tpu.memory_space<vmem_shared>>
      %dma_start3A_45 = arith.constant 0 : i32
      %dma_start3A_46 = tpu.memref_slice %arg18[%mul3A_40, %dma_start3A_45] : memref<10240x64xf32, #tpu.memory_space<vmem_shared>> -> memref<640x64xf32, #tpu.memory_space<vmem_shared>>
      tpu.enqueue_dma source(%dma_start3A_46 : memref<640x64xf32, #tpu.memory_space<vmem_shared>>) target(%arg17 : memref<640x64xf32, #tpu.memory_space<vmem>>) target_semaphore(%run_scoped3A : memref<!tpu.dma_semaphore, #tpu.memory_space<semaphore_mem>>)
      %dma_wait3A_47 = arith.constant 0 : i32
      %dma_wait3A_48 = tpu.memref_slice %arg18[%mul3A_40, %dma_wait3A_47] : memref<10240x64xf32, #tpu.memory_space<vmem_shared>> -> memref<640x64xf32, #tpu.memory_space<vmem_shared>>
      %dma_wait3A_49 = arith.constant 0 : i32
      %dma_wait3A_50 = tpu.memref_slice %arg18[%mul3A_40, %dma_wait3A_49] : memref<10240x64xf32, #tpu.memory_space<vmem_shared>> -> memref<640x64xf32, #tpu.memory_space<vmem_shared>>
      tpu.wait_dma2 semaphore(%run_scoped3A : memref<!tpu.dma_semaphore, #tpu.memory_space<semaphore_mem>>) src(%dma_wait3A_50 : memref<640x64xf32, #tpu.memory_space<vmem_shared>>) dst(%arg17 : memref<640x64xf32, #tpu.memory_space<vmem>>)
      tpu.yield
    }) : () -> ()
    %mul3A_41 = arith.constant 640 : i32
    %mul3A_42 = arith.muli %arg1, %mul3A_41 : i32
    "tpu.region"() ({
      %run_scoped3A = tpu.sem_alloc : memref<!tpu.dma_semaphore, #tpu.memory_space<semaphore_mem>>
      %dma_start3A_43 = tpu.memref_slice %arg6[%mul3A_42, %mul3A_0] : memref<10240x128xf32, #tpu.memory_space<hbm>> -> memref<640x64xf32, #tpu.memory_space<hbm>>
      %dma_start3A_44 = tpu.memref_slice %arg6[%mul3A_42, %mul3A_0] : memref<10240x128xf32, #tpu.memory_space<hbm>> -> memref<640x64xf32, #tpu.memory_space<hbm>>
      tpu.enqueue_dma source(%arg17 : memref<640x64xf32, #tpu.memory_space<vmem>>) target(%dma_start3A_44 : memref<640x64xf32, #tpu.memory_space<hbm>>) target_semaphore(%run_scoped3A : memref<!tpu.dma_semaphore, #tpu.memory_space<semaphore_mem>>)
      %dma_wait3A_45 = tpu.memref_slice %arg6[%mul3A_42, %mul3A_0] : memref<10240x128xf32, #tpu.memory_space<hbm>> -> memref<640x64xf32, #tpu.memory_space<hbm>>
      %dma_wait3A_46 = tpu.memref_slice %arg6[%mul3A_42, %mul3A_0] : memref<10240x128xf32, #tpu.memory_space<hbm>> -> memref<640x64xf32, #tpu.memory_space<hbm>>
      tpu.wait_dma2 semaphore(%run_scoped3A : memref<!tpu.dma_semaphore, #tpu.memory_space<semaphore_mem>>) src(%arg17 : memref<640x64xf32, #tpu.memory_space<vmem>>) dst(%dma_wait3A_46 : memref<640x64xf32, #tpu.memory_space<hbm>>)
      tpu.yield
    }) : () -> ()
    return
  }
}

#map = affine_map<(d0, d1) -> (0, 0, 0)>
#map1 = affine_map<(d0, d1) -> (0, 0)>
#map2 = affine_map<(d0, d1) -> (0)>
module attributes {stable_mosaic.version = 14 : i64} {
  func.func @_sc_aggregate_body(%arg0: i32, %arg1: i32, %arg2: memref<2x10000x64xf32, #tpu.memory_space<hbm>>, %arg3: memref<320000x128xf32, #tpu.memory_space<hbm>>, %arg4: memref<320000xi32, #tpu.memory_space<hbm>>, %arg5: memref<320000xi32, #tpu.memory_space<hbm>>, %arg6: memref<10240x128xf32, #tpu.memory_space<hbm>>, %arg7: memref<128xi32, #tpu.memory_space<vmem>>, %arg8: memref<128xi32, #tpu.memory_space<vmem>>, %arg9: memref<128xi32, #tpu.memory_space<vmem>>, %arg10: memref<128x64xf32, #tpu.memory_space<vmem>>, %arg11: memref<128x64xf32, #tpu.memory_space<vmem>>, %arg12: memref<128xi32, #tpu.memory_space<vmem>>, %arg13: memref<128xi32, #tpu.memory_space<vmem>>, %arg14: memref<128xi32, #tpu.memory_space<vmem>>, %arg15: memref<128x64xf32, #tpu.memory_space<vmem>>, %arg16: memref<128x64xf32, #tpu.memory_space<vmem>>, %arg17: memref<640x64xf32, #tpu.memory_space<vmem>>, %arg18: memref<10240x64xf32, #tpu.memory_space<vmem_shared>>, %arg19: memref<!tpu.dma_semaphore, #tpu.memory_space<semaphore_mem>>, %arg20: memref<!tpu.dma_semaphore, #tpu.memory_space<semaphore_mem>>, %arg21: memref<!tpu.dma_semaphore, #tpu.memory_space<semaphore_mem>>, %arg22: memref<!tpu.dma_semaphore, #tpu.memory_space<semaphore_mem>>, %arg23: memref<!tpu.dma_semaphore, #tpu.memory_space<semaphore_mem>>, %arg24: memref<!tpu.dma_semaphore, #tpu.memory_space<semaphore_mem>>) attributes {dimension_semantics = [#tpu.dimension_semantics<core_parallel>, #tpu.dimension_semantics<subcore_parallel>], iteration_bounds = array<i64: 2, 16>, scalar_prefetch = 0 : i64, scratch_operands = 18 : i64, tpu.core_type = #tpu.core_type<sc_vector_subcore>, window_params = [{transform_indices = #map}, {transform_indices = #map1}, {transform_indices = #map2}, {transform_indices = #map2}, {transform_indices = #map1}]} {
    %mul3A = arith.constant 64 : i32
    %mul3A_0 = arith.muli %arg0, %mul3A : i32
    %scan3A = arith.constant 0 : i32
    %scan3A_1 = arith.constant 0 : i32
    %scan3A_2 = arith.constant 2560 : i32
    %scan3A_3 = arith.addi %scan3A_1, %scan3A_2 : i32
    %scan3A_4 = arith.constant 1 : i32
    scf.for %scan3A_43 = %scan3A_1 to %scan3A_3 step %scan3A_4  : i32 {
      %jit3A = arith.constant 4 : i32
      %div3A = arith.divsi %scan3A_43, %jit3A : i32
      %sign3A = arith.constant 0 : i32
      %sign3A_44 = arith.cmpi sgt, %scan3A_43, %sign3A : i32
      %sign3A_45 = arith.extui %sign3A_44 : i1 to i32
      %sign3A_46 = arith.constant 0 : i32
      %sign3A_47 = arith.cmpi slt, %scan3A_43, %sign3A_46 : i32
      %sign3A_48 = arith.extui %sign3A_47 : i1 to i32
      %sign3A_49 = arith.subi %sign3A_45, %sign3A_48 : i32
      %sign3A_50 = arith.constant 0 : i32
      %sign3A_51 = arith.cmpi sgt, %jit3A, %sign3A_50 : i32
      %sign3A_52 = arith.extui %sign3A_51 : i1 to i32
      %sign3A_53 = arith.constant 0 : i32
      %sign3A_54 = arith.cmpi slt, %jit3A, %sign3A_53 : i32
      %sign3A_55 = arith.extui %sign3A_54 : i1 to i32
      %sign3A_56 = arith.subi %sign3A_52, %sign3A_55 : i32
      %ne3A = arith.cmpi ne, %sign3A_49, %sign3A_56 : i32
      %rem3A = arith.remsi %scan3A_43, %jit3A : i32
      %ne3A_57 = arith.constant 0 : i32
      %ne3A_58 = arith.cmpi ne, %rem3A, %ne3A_57 : i32
      %and3A = arith.andi %ne3A, %ne3A_58 : i1
      %sub3A = arith.constant 1 : i32
      %sub3A_59 = arith.subi %div3A, %sub3A : i32
      %select_n3A = arith.select %and3A, %sub3A_59, %div3A : i32
      %jit3A_60 = arith.constant 4 : i32
      %eq3A = arith.constant 0 : i32
      %eq3A_61 = arith.cmpi eq, %jit3A_60, %eq3A : i32
      %jit3A_62 = arith.constant 1 : i32
      %select_n3A_63 = arith.select %eq3A_61, %jit3A_62, %jit3A_60 : i32
      %rem3A_64 = arith.remsi %scan3A_43, %select_n3A_63 : i32
      %ne3A_65 = arith.constant 0 : i32
      %ne3A_66 = arith.cmpi ne, %rem3A_64, %ne3A_65 : i32
      %lt3A_67 = arith.constant 0 : i32
      %lt3A_68 = arith.cmpi slt, %rem3A_64, %lt3A_67 : i32
      %lt3A_69 = arith.constant 0 : i32
      %lt3A_70 = arith.cmpi slt, %select_n3A_63, %lt3A_69 : i32
      %ne3A_71 = arith.xori %lt3A_68, %lt3A_70 : i1
      %and3A_72 = arith.andi %ne3A_71, %ne3A_66 : i1
      %add3A_73 = arith.addi %rem3A_64, %select_n3A_63 : i32
      %select_n3A_74 = arith.select %and3A_72, %add3A_73, %rem3A_64 : i32
      %broadcast_in_dim3A = arith.constant 0.000000e+00 : f32
      %broadcast_in_dim3A_75 = vector.broadcast %broadcast_in_dim3A : f32 to vector<16xf32>
      %mul3A_76 = arith.constant 16 : i32
      %mul3A_77 = arith.muli %select_n3A_74, %mul3A_76 : i32
      %swap3A = arith.index_cast %select_n3A : i32 to index
      %swap3A_78 = arith.index_cast %mul3A_77 : i32 to index
      %swap3A_79 = tpu.vector_load %arg17[%swap3A, %swap3A_78] {strides = array<i32>} : memref<640x64xf32, #tpu.memory_space<vmem>>, vector<1x16xf32>,
      %swap3A_80 = vector.shape_cast %swap3A_79 : vector<1x16xf32> to vector<16xf32>
      %swap3A_81 = vector.shape_cast %broadcast_in_dim3A_75 : vector<16xf32> to vector<1x16xf32>
      tpu.vector_store %arg17[%swap3A, %swap3A_78], %swap3A_81 {strides = array<i32>} : memref<640x64xf32, #tpu.memory_space<vmem>>, vector<1x16xf32>,
    }
    %scan3A_5 = arith.constant 2560 : i32
    %mul3A_6 = arith.constant 640 : i32
    %mul3A_7 = arith.muli %arg1, %mul3A_6 : i32
    "tpu.region"() ({
      %run_scoped3A = tpu.sem_alloc : memref<!tpu.dma_semaphore, #tpu.memory_space<semaphore_mem>>
      %dma_start3A_43 = arith.constant 0 : i32
      %dma_start3A_44 = tpu.memref_slice %arg18[%mul3A_7, %dma_start3A_43] : memref<10240x64xf32, #tpu.memory_space<vmem_shared>> -> memref<640x64xf32, #tpu.memory_space<vmem_shared>>
      %dma_start3A_45 = arith.constant 0 : i32
      %dma_start3A_46 = tpu.memref_slice %arg18[%mul3A_7, %dma_start3A_45] : memref<10240x64xf32, #tpu.memory_space<vmem_shared>> -> memref<640x64xf32, #tpu.memory_space<vmem_shared>>
      tpu.enqueue_dma source(%arg17 : memref<640x64xf32, #tpu.memory_space<vmem>>) target(%dma_start3A_46 : memref<640x64xf32, #tpu.memory_space<vmem_shared>>) target_semaphore(%run_scoped3A : memref<!tpu.dma_semaphore, #tpu.memory_space<semaphore_mem>>)
      %dma_wait3A_47 = arith.constant 0 : i32
      %dma_wait3A_48 = tpu.memref_slice %arg18[%mul3A_7, %dma_wait3A_47] : memref<10240x64xf32, #tpu.memory_space<vmem_shared>> -> memref<640x64xf32, #tpu.memory_space<vmem_shared>>
      %dma_wait3A_49 = arith.constant 0 : i32
      %dma_wait3A_50 = tpu.memref_slice %arg18[%mul3A_7, %dma_wait3A_49] : memref<10240x64xf32, #tpu.memory_space<vmem_shared>> -> memref<640x64xf32, #tpu.memory_space<vmem_shared>>
      tpu.wait_dma2 semaphore(%run_scoped3A : memref<!tpu.dma_semaphore, #tpu.memory_space<semaphore_mem>>) src(%arg17 : memref<640x64xf32, #tpu.memory_space<vmem>>) dst(%dma_wait3A_50 : memref<640x64xf32, #tpu.memory_space<vmem_shared>>)
      tpu.yield
    }) : () -> ()
    %barrier3A = arith.constant 0 : index
    tpu.barrier barrier_id(%barrier3A)
    %mul3A_8 = arith.constant 156 : i32
    %mul3A_9 = arith.muli %arg1, %mul3A_8 : i32
    %mul3A_10 = arith.constant 128 : i32
    %mul3A_11 = arith.muli %mul3A_9, %mul3A_10 : i32
    "tpu.region"() ({
      %run_scoped3A = tpu.sem_alloc : memref<!tpu.dma_semaphore, #tpu.memory_space<semaphore_mem>>
      %dma_start3A_43 = tpu.memref_slice %arg4[%mul3A_11] : memref<320000xi32, #tpu.memory_space<hbm>> -> memref<128xi32, #tpu.memory_space<hbm>>
      %dma_start3A_44 = tpu.memref_slice %arg4[%mul3A_11] : memref<320000xi32, #tpu.memory_space<hbm>> -> memref<128xi32, #tpu.memory_space<hbm>>
      tpu.enqueue_dma source(%dma_start3A_44 : memref<128xi32, #tpu.memory_space<hbm>>) target(%arg7 : memref<128xi32, #tpu.memory_space<vmem>>) target_semaphore(%run_scoped3A : memref<!tpu.dma_semaphore, #tpu.memory_space<semaphore_mem>>)
      %dma_wait3A_45 = tpu.memref_slice %arg4[%mul3A_11] : memref<320000xi32, #tpu.memory_space<hbm>> -> memref<128xi32, #tpu.memory_space<hbm>>
      %dma_wait3A_46 = tpu.memref_slice %arg4[%mul3A_11] : memref<320000xi32, #tpu.memory_space<hbm>> -> memref<128xi32, #tpu.memory_space<hbm>>
      tpu.wait_dma2 semaphore(%run_scoped3A : memref<!tpu.dma_semaphore, #tpu.memory_space<semaphore_mem>>) src(%dma_wait3A_46 : memref<128xi32, #tpu.memory_space<hbm>>) dst(%arg7 : memref<128xi32, #tpu.memory_space<vmem>>)
      tpu.yield
    }) : () -> ()
    "tpu.region"() ({
      %run_scoped3A = tpu.sem_alloc : memref<!tpu.dma_semaphore, #tpu.memory_space<semaphore_mem>>
      %dma_start3A_43 = tpu.memref_slice %arg5[%mul3A_11] : memref<320000xi32, #tpu.memory_space<hbm>> -> memref<128xi32, #tpu.memory_space<hbm>>
      %dma_start3A_44 = tpu.memref_slice %arg5[%mul3A_11] : memref<320000xi32, #tpu.memory_space<hbm>> -> memref<128xi32, #tpu.memory_space<hbm>>
      tpu.enqueue_dma source(%dma_start3A_44 : memref<128xi32, #tpu.memory_space<hbm>>) target(%arg8 : memref<128xi32, #tpu.memory_space<vmem>>) target_semaphore(%run_scoped3A : memref<!tpu.dma_semaphore, #tpu.memory_space<semaphore_mem>>)
      %dma_wait3A_45 = tpu.memref_slice %arg5[%mul3A_11] : memref<320000xi32, #tpu.memory_space<hbm>> -> memref<128xi32, #tpu.memory_space<hbm>>
      %dma_wait3A_46 = tpu.memref_slice %arg5[%mul3A_11] : memref<320000xi32, #tpu.memory_space<hbm>> -> memref<128xi32, #tpu.memory_space<hbm>>
      tpu.wait_dma2 semaphore(%run_scoped3A : memref<!tpu.dma_semaphore, #tpu.memory_space<semaphore_mem>>) src(%dma_wait3A_46 : memref<128xi32, #tpu.memory_space<hbm>>) dst(%arg8 : memref<128xi32, #tpu.memory_space<vmem>>)
      tpu.yield
    }) : () -> ()
    %add3A = arith.constant 0 : i32
    %add3A_12 = arith.addi %mul3A_11, %add3A : i32
    %dma_start3A = tpu.memref_slice %arg3[%add3A_12, %mul3A_0] : memref<320000x128xf32, #tpu.memory_space<hbm>> -> memref<128x64xf32, #tpu.memory_space<hbm>>
    %dma_start3A_13 = tpu.memref_slice %arg3[%add3A_12, %mul3A_0] : memref<320000x128xf32, #tpu.memory_space<hbm>> -> memref<128x64xf32, #tpu.memory_space<hbm>>
    tpu.enqueue_dma source(%dma_start3A_13 : memref<128x64xf32, #tpu.memory_space<hbm>>) target(%arg11 : memref<128x64xf32, #tpu.memory_space<vmem>>) target_semaphore(%arg21 : memref<!tpu.dma_semaphore, #tpu.memory_space<semaphore_mem>>)
    %dma_start3A_14 = arith.constant 0 : i32
    %dma_start3A_15 = arith.constant 0 : i32
    %dma_start3A_16 = tpu.memref_slice %arg2[%arg0, %dma_start3A_14, %dma_start3A_15] : memref<2x10000x64xf32, #tpu.memory_space<hbm>> -> memref<1x10000x64xf32, #tpu.memory_space<hbm>>
    %dma_start3A_17 = tpu.memref_squeeze %dma_start3A_16 : memref<1x10000x64xf32, #tpu.memory_space<hbm>> -> memref<10000x64xf32, #tpu.memory_space<hbm>>
    %dma_start3A_18 = arith.constant 0 : i32
    %dma_start3A_19 = arith.constant 0 : i32
    %dma_start3A_20 = tpu.memref_slice %dma_start3A_17[%dma_start3A_18, %dma_start3A_19] : memref<10000x64xf32, #tpu.memory_space<hbm>> -> memref<10000x64xf32, #tpu.memory_space<hbm>>
    tpu.enqueue_indirect_dma source(%dma_start3A_20 : memref<10000x64xf32, #tpu.memory_space<hbm>>) target(%arg10 : memref<128x64xf32, #tpu.memory_space<vmem>>) offsets(%arg7 : memref<128xi32, #tpu.memory_space<vmem>>) semaphore(%arg21 : memref<!tpu.dma_semaphore, #tpu.memory_space<semaphore_mem>>)
    %add3A_21 = arith.constant 128 : i32
    %add3A_22 = arith.addi %mul3A_11, %add3A_21 : i32
    %dma_start3A_23 = tpu.memref_slice %arg4[%add3A_22] : memref<320000xi32, #tpu.memory_space<hbm>> -> memref<128xi32, #tpu.memory_space<hbm>>
    %dma_start3A_24 = tpu.memref_slice %arg4[%add3A_22] : memref<320000xi32, #tpu.memory_space<hbm>> -> memref<128xi32, #tpu.memory_space<hbm>>
    tpu.enqueue_dma source(%dma_start3A_24 : memref<128xi32, #tpu.memory_space<hbm>>) target(%arg12 : memref<128xi32, #tpu.memory_space<vmem>>) target_semaphore(%arg20 : memref<!tpu.dma_semaphore, #tpu.memory_space<semaphore_mem>>)
    %dma_start3A_25 = tpu.memref_slice %arg5[%add3A_22] : memref<320000xi32, #tpu.memory_space<hbm>> -> memref<128xi32, #tpu.memory_space<hbm>>
    %dma_start3A_26 = tpu.memref_slice %arg5[%add3A_22] : memref<320000xi32, #tpu.memory_space<hbm>> -> memref<128xi32, #tpu.memory_space<hbm>>
    tpu.enqueue_dma source(%dma_start3A_26 : memref<128xi32, #tpu.memory_space<hbm>>) target(%arg13 : memref<128xi32, #tpu.memory_space<vmem>>) target_semaphore(%arg20 : memref<!tpu.dma_semaphore, #tpu.memory_space<semaphore_mem>>)
    %scan3A_27 = arith.constant 0 : i32
    %scan3A_28 = arith.constant 0 : i32
    %scan3A_29 = arith.constant 78 : i32
    %scan3A_30 = arith.addi %scan3A_28, %scan3A_29 : i32
    %scan3A_31 = arith.constant 1 : i32
    scf.for %scan3A_43 = %scan3A_28 to %scan3A_30 step %scan3A_31  : i32 {
      %mul3A_44 = arith.constant 2 : i32
      %mul3A_45 = arith.muli %mul3A_44, %scan3A_43 : i32
      %dma_wait3A_46 = arith.constant 0 : i32
      %dma_wait3A_47 = tpu.memref_slice %arg3[%dma_wait3A_46, %mul3A_0] : memref<320000x128xf32, #tpu.memory_space<hbm>> -> memref<128x64xf32, #tpu.memory_space<hbm>>
      %dma_wait3A_48 = arith.constant 0 : i32
      %dma_wait3A_49 = tpu.memref_slice %arg3[%dma_wait3A_48, %mul3A_0] : memref<320000x128xf32, #tpu.memory_space<hbm>> -> memref<128x64xf32, #tpu.memory_space<hbm>>
      tpu.wait_dma2 semaphore(%arg21 : memref<!tpu.dma_semaphore, #tpu.memory_space<semaphore_mem>>) src(%dma_wait3A_49 : memref<128x64xf32, #tpu.memory_space<hbm>>) dst(%arg11 : memref<128x64xf32, #tpu.memory_space<vmem>>)
      %dma_wait3A_50 = arith.constant 0 : i32
      %dma_wait3A_51 = tpu.memref_slice %arg3[%dma_wait3A_50, %mul3A_0] : memref<320000x128xf32, #tpu.memory_space<hbm>> -> memref<128x64xf32, #tpu.memory_space<hbm>>
      %dma_wait3A_52 = arith.constant 0 : i32
      %dma_wait3A_53 = tpu.memref_slice %arg3[%dma_wait3A_52, %mul3A_0] : memref<320000x128xf32, #tpu.memory_space<hbm>> -> memref<128x64xf32, #tpu.memory_space<hbm>>
      tpu.wait_dma2 semaphore(%arg21 : memref<!tpu.dma_semaphore, #tpu.memory_space<semaphore_mem>>) src(%dma_wait3A_53 : memref<128x64xf32, #tpu.memory_space<hbm>>) dst(%arg10 : memref<128x64xf32, #tpu.memory_space<vmem>>)
      %dma_wait3A_54 = arith.constant 0 : i32
      %dma_wait3A_55 = tpu.memref_slice %arg4[%dma_wait3A_54] : memref<320000xi32, #tpu.memory_space<hbm>> -> memref<128xi32, #tpu.memory_space<hbm>>
      %dma_wait3A_56 = arith.constant 0 : i32
      %dma_wait3A_57 = tpu.memref_slice %arg4[%dma_wait3A_56] : memref<320000xi32, #tpu.memory_space<hbm>> -> memref<128xi32, #tpu.memory_space<hbm>>
      tpu.wait_dma2 semaphore(%arg20 : memref<!tpu.dma_semaphore, #tpu.memory_space<semaphore_mem>>) src(%dma_wait3A_57 : memref<128xi32, #tpu.memory_space<hbm>>) dst(%arg12 : memref<128xi32, #tpu.memory_space<vmem>>)
      %dma_wait3A_58 = arith.constant 0 : i32
      %dma_wait3A_59 = tpu.memref_slice %arg5[%dma_wait3A_58] : memref<320000xi32, #tpu.memory_space<hbm>> -> memref<128xi32, #tpu.memory_space<hbm>>
      %dma_wait3A_60 = arith.constant 0 : i32
      %dma_wait3A_61 = tpu.memref_slice %arg5[%dma_wait3A_60] : memref<320000xi32, #tpu.memory_space<hbm>> -> memref<128xi32, #tpu.memory_space<hbm>>
      tpu.wait_dma2 semaphore(%arg20 : memref<!tpu.dma_semaphore, #tpu.memory_space<semaphore_mem>>) src(%dma_wait3A_61 : memref<128xi32, #tpu.memory_space<hbm>>) dst(%arg13 : memref<128xi32, #tpu.memory_space<vmem>>)
      %gt3A = arith.constant 0 : i32
      %gt3A_62 = arith.cmpi sgt, %scan3A_43, %gt3A : i32
      %convert_element_type3A_63 = arith.extui %gt3A_62 : i1 to i32
      %cond3A_64 = arith.constant 0 : i32
      %cond3A_65 = arith.cmpi ne, %convert_element_type3A_63, %cond3A_64 : i32
      scf.if %cond3A_65 {
        %dma_wait3A_235 = arith.constant 0 : i32
        %dma_wait3A_236 = tpu.memref_slice %arg3[%dma_wait3A_235, %mul3A_0] : memref<320000x128xf32, #tpu.memory_space<hbm>> -> memref<128x64xf32, #tpu.memory_space<hbm>>
        %dma_wait3A_237 = arith.constant 0 : i32
        %dma_wait3A_238 = tpu.memref_slice %arg3[%dma_wait3A_237, %mul3A_0] : memref<320000x128xf32, #tpu.memory_space<hbm>> -> memref<128x64xf32, #tpu.memory_space<hbm>>
        tpu.wait_dma2 semaphore(%arg24 : memref<!tpu.dma_semaphore, #tpu.memory_space<semaphore_mem>>) src(%dma_wait3A_238 : memref<128x64xf32, #tpu.memory_space<hbm>>) dst(%arg16 : memref<128x64xf32, #tpu.memory_space<vmem>>)
      } else {
      }
      %add3A_66 = arith.constant 1 : i32
      %add3A_67 = arith.addi %mul3A_45, %add3A_66 : i32
      %mul3A_68 = arith.constant 128 : i32
      %mul3A_69 = arith.muli %add3A_67, %mul3A_68 : i32
      %add3A_70 = arith.addi %mul3A_11, %mul3A_69 : i32
      %dma_start3A_71 = tpu.memref_slice %arg3[%add3A_70, %mul3A_0] : memref<320000x128xf32, #tpu.memory_space<hbm>> -> memref<128x64xf32, #tpu.memory_space<hbm>>
      %dma_start3A_72 = tpu.memref_slice %arg3[%add3A_70, %mul3A_0] : memref<320000x128xf32, #tpu.memory_space<hbm>> -> memref<128x64xf32, #tpu.memory_space<hbm>>
      tpu.enqueue_dma source(%dma_start3A_72 : memref<128x64xf32, #tpu.memory_space<hbm>>) target(%arg16 : memref<128x64xf32, #tpu.memory_space<vmem>>) target_semaphore(%arg22 : memref<!tpu.dma_semaphore, #tpu.memory_space<semaphore_mem>>)
      %dma_start3A_73 = arith.constant 0 : i32
      %dma_start3A_74 = arith.constant 0 : i32
      %dma_start3A_75 = tpu.memref_slice %arg2[%arg0, %dma_start3A_73, %dma_start3A_74] : memref<2x10000x64xf32, #tpu.memory_space<hbm>> -> memref<1x10000x64xf32, #tpu.memory_space<hbm>>
      %dma_start3A_76 = tpu.memref_squeeze %dma_start3A_75 : memref<1x10000x64xf32, #tpu.memory_space<hbm>> -> memref<10000x64xf32, #tpu.memory_space<hbm>>
      %dma_start3A_77 = arith.constant 0 : i32
      %dma_start3A_78 = arith.constant 0 : i32
      %dma_start3A_79 = tpu.memref_slice %dma_start3A_76[%dma_start3A_77, %dma_start3A_78] : memref<10000x64xf32, #tpu.memory_space<hbm>> -> memref<10000x64xf32, #tpu.memory_space<hbm>>
      tpu.enqueue_indirect_dma source(%dma_start3A_79 : memref<10000x64xf32, #tpu.memory_space<hbm>>) target(%arg15 : memref<128x64xf32, #tpu.memory_space<vmem>>) offsets(%arg12 : memref<128xi32, #tpu.memory_space<vmem>>) semaphore(%arg22 : memref<!tpu.dma_semaphore, #tpu.memory_space<semaphore_mem>>)
      %scan3A_80 = arith.constant 0 : i32
      %scan3A_81 = arith.constant 0 : i32
      %scan3A_82 = arith.constant 128 : i32
      %scan3A_83 = arith.addi %scan3A_81, %scan3A_82 : i32
      %scan3A_84 = arith.constant 1 : i32
      scf.for %scan3A_235 = %scan3A_81 to %scan3A_83 step %scan3A_84  : i32 {
        %get3A_236 = arith.index_cast %scan3A_235 : i32 to index
        %get3A_237 = arith.constant 0 : index
        %get3A_238 = tpu.vector_load %arg10[%get3A_236, %get3A_237] {strides = array<i32>} : memref<128x64xf32, #tpu.memory_space<vmem>>, vector<1x16xf32>,
        %get3A_239 = vector.shape_cast %get3A_238 : vector<1x16xf32> to vector<16xf32>
        %get3A_240 = arith.index_cast %scan3A_235 : i32 to index
        %get3A_241 = arith.constant 0 : index
        %get3A_242 = tpu.vector_load %arg11[%get3A_240, %get3A_241] {strides = array<i32>} : memref<128x64xf32, #tpu.memory_space<vmem>>, vector<1x16xf32>,
        %get3A_243 = vector.shape_cast %get3A_242 : vector<1x16xf32> to vector<16xf32>
        %add3A_244 = arith.addf %get3A_239, %get3A_243 : vector<16xf32>
        %max3A = arith.constant 0.000000e+00 : f32
        %max3A_245 = vector.broadcast %max3A : f32 to vector<16xf32>
        %max3A_246 = arith.maximumf %add3A_244, %max3A_245 : vector<16xf32>
        %swap3A_247 = arith.index_cast %scan3A_235 : i32 to index
        %swap3A_248 = arith.constant 0 : index
        %swap3A_249 = tpu.vector_load %arg11[%swap3A_247, %swap3A_248] {strides = array<i32>} : memref<128x64xf32, #tpu.memory_space<vmem>>, vector<1x16xf32>,
        %swap3A_250 = vector.shape_cast %swap3A_249 : vector<1x16xf32> to vector<16xf32>
        %swap3A_251 = vector.shape_cast %max3A_246 : vector<16xf32> to vector<1x16xf32>
        tpu.vector_store %arg11[%swap3A_247, %swap3A_248], %swap3A_251 {strides = array<i32>} : memref<128x64xf32, #tpu.memory_space<vmem>>, vector<1x16xf32>,
        %get3A_252 = arith.index_cast %scan3A_235 : i32 to index
        %get3A_253 = arith.constant 16 : index
        %get3A_254 = tpu.vector_load %arg10[%get3A_252, %get3A_253] {strides = array<i32>} : memref<128x64xf32, #tpu.memory_space<vmem>>, vector<1x16xf32>,
        %get3A_255 = vector.shape_cast %get3A_254 : vector<1x16xf32> to vector<16xf32>
        %get3A_256 = arith.index_cast %scan3A_235 : i32 to index
        %get3A_257 = arith.constant 16 : index
        %get3A_258 = tpu.vector_load %arg11[%get3A_256, %get3A_257] {strides = array<i32>} : memref<128x64xf32, #tpu.memory_space<vmem>>, vector<1x16xf32>,
        %get3A_259 = vector.shape_cast %get3A_258 : vector<1x16xf32> to vector<16xf32>
        %add3A_260 = arith.addf %get3A_255, %get3A_259 : vector<16xf32>
        %max3A_261 = arith.constant 0.000000e+00 : f32
        %max3A_262 = vector.broadcast %max3A_261 : f32 to vector<16xf32>
        %max3A_263 = arith.maximumf %add3A_260, %max3A_262 : vector<16xf32>
        %swap3A_264 = arith.index_cast %scan3A_235 : i32 to index
        %swap3A_265 = arith.constant 16 : index
        %swap3A_266 = tpu.vector_load %arg11[%swap3A_264, %swap3A_265] {strides = array<i32>} : memref<128x64xf32, #tpu.memory_space<vmem>>, vector<1x16xf32>,
        %swap3A_267 = vector.shape_cast %swap3A_266 : vector<1x16xf32> to vector<16xf32>
        %swap3A_268 = vector.shape_cast %max3A_263 : vector<16xf32> to vector<1x16xf32>
        tpu.vector_store %arg11[%swap3A_264, %swap3A_265], %swap3A_268 {strides = array<i32>} : memref<128x64xf32, #tpu.memory_space<vmem>>, vector<1x16xf32>,
        %get3A_269 = arith.index_cast %scan3A_235 : i32 to index
        %get3A_270 = arith.constant 32 : index
        %get3A_271 = tpu.vector_load %arg10[%get3A_269, %get3A_270] {strides = array<i32>} : memref<128x64xf32, #tpu.memory_space<vmem>>, vector<1x16xf32>,
        %get3A_272 = vector.shape_cast %get3A_271 : vector<1x16xf32> to vector<16xf32>
        %get3A_273 = arith.index_cast %scan3A_235 : i32 to index
        %get3A_274 = arith.constant 32 : index
        %get3A_275 = tpu.vector_load %arg11[%get3A_273, %get3A_274] {strides = array<i32>} : memref<128x64xf32, #tpu.memory_space<vmem>>, vector<1x16xf32>,
        %get3A_276 = vector.shape_cast %get3A_275 : vector<1x16xf32> to vector<16xf32>
        %add3A_277 = arith.addf %get3A_272, %get3A_276 : vector<16xf32>
        %max3A_278 = arith.constant 0.000000e+00 : f32
        %max3A_279 = vector.broadcast %max3A_278 : f32 to vector<16xf32>
        %max3A_280 = arith.maximumf %add3A_277, %max3A_279 : vector<16xf32>
        %swap3A_281 = arith.index_cast %scan3A_235 : i32 to index
        %swap3A_282 = arith.constant 32 : index
        %swap3A_283 = tpu.vector_load %arg11[%swap3A_281, %swap3A_282] {strides = array<i32>} : memref<128x64xf32, #tpu.memory_space<vmem>>, vector<1x16xf32>,
        %swap3A_284 = vector.shape_cast %swap3A_283 : vector<1x16xf32> to vector<16xf32>
        %swap3A_285 = vector.shape_cast %max3A_280 : vector<16xf32> to vector<1x16xf32>
        tpu.vector_store %arg11[%swap3A_281, %swap3A_282], %swap3A_285 {strides = array<i32>} : memref<128x64xf32, #tpu.memory_space<vmem>>, vector<1x16xf32>,
        %get3A_286 = arith.index_cast %scan3A_235 : i32 to index
        %get3A_287 = arith.constant 48 : index
        %get3A_288 = tpu.vector_load %arg10[%get3A_286, %get3A_287] {strides = array<i32>} : memref<128x64xf32, #tpu.memory_space<vmem>>, vector<1x16xf32>,
        %get3A_289 = vector.shape_cast %get3A_288 : vector<1x16xf32> to vector<16xf32>
        %get3A_290 = arith.index_cast %scan3A_235 : i32 to index
        %get3A_291 = arith.constant 48 : index
        %get3A_292 = tpu.vector_load %arg11[%get3A_290, %get3A_291] {strides = array<i32>} : memref<128x64xf32, #tpu.memory_space<vmem>>, vector<1x16xf32>,
        %get3A_293 = vector.shape_cast %get3A_292 : vector<1x16xf32> to vector<16xf32>
        %add3A_294 = arith.addf %get3A_289, %get3A_293 : vector<16xf32>
        %max3A_295 = arith.constant 0.000000e+00 : f32
        %max3A_296 = vector.broadcast %max3A_295 : f32 to vector<16xf32>
        %max3A_297 = arith.maximumf %add3A_294, %max3A_296 : vector<16xf32>
        %swap3A_298 = arith.index_cast %scan3A_235 : i32 to index
        %swap3A_299 = arith.constant 48 : index
        %swap3A_300 = tpu.vector_load %arg11[%swap3A_298, %swap3A_299] {strides = array<i32>} : memref<128x64xf32, #tpu.memory_space<vmem>>, vector<1x16xf32>,
        %swap3A_301 = vector.shape_cast %swap3A_300 : vector<1x16xf32> to vector<16xf32>
        %swap3A_302 = vector.shape_cast %max3A_297 : vector<16xf32> to vector<1x16xf32>
        tpu.vector_store %arg11[%swap3A_298, %swap3A_299], %swap3A_302 {strides = array<i32>} : memref<128x64xf32, #tpu.memory_space<vmem>>, vector<1x16xf32>,
      }
      %scan3A_85 = arith.constant 128 : i32
      %get3A = arith.constant 0 : index
      %get3A_86 = tpu.vector_load %arg8[%get3A] {strides = array<i32>} : memref<128xi32, #tpu.memory_space<vmem>>, vector<16xi32>,
      %get3A_87 = vector.shape_cast %get3A_86 : vector<16xi32> to vector<16xi32>
      %swap3A = arith.constant 0 : index
      %swap3A_88 = tpu.vector_load %arg9[%swap3A] {strides = array<i32>} : memref<128xi32, #tpu.memory_space<vmem>>, vector<16xi32>,
      %swap3A_89 = vector.shape_cast %swap3A_88 : vector<16xi32> to vector<16xi32>
      %swap3A_90 = vector.shape_cast %get3A_87 : vector<16xi32> to vector<16xi32>
      tpu.vector_store %arg9[%swap3A], %swap3A_90 {strides = array<i32>} : memref<128xi32, #tpu.memory_space<vmem>>, vector<16xi32>,
      %get3A_91 = arith.constant 16 : index
      %get3A_92 = tpu.vector_load %arg8[%get3A_91] {strides = array<i32>} : memref<128xi32, #tpu.memory_space<vmem>>, vector<16xi32>,
      %get3A_93 = vector.shape_cast %get3A_92 : vector<16xi32> to vector<16xi32>
      %swap3A_94 = arith.constant 16 : index
      %swap3A_95 = tpu.vector_load %arg9[%swap3A_94] {strides = array<i32>} : memref<128xi32, #tpu.memory_space<vmem>>, vector<16xi32>,
      %swap3A_96 = vector.shape_cast %swap3A_95 : vector<16xi32> to vector<16xi32>
      %swap3A_97 = vector.shape_cast %get3A_93 : vector<16xi32> to vector<16xi32>
      tpu.vector_store %arg9[%swap3A_94], %swap3A_97 {strides = array<i32>} : memref<128xi32, #tpu.memory_space<vmem>>, vector<16xi32>,
      %get3A_98 = arith.constant 32 : index
      %get3A_99 = tpu.vector_load %arg8[%get3A_98] {strides = array<i32>} : memref<128xi32, #tpu.memory_space<vmem>>, vector<16xi32>,
      %get3A_100 = vector.shape_cast %get3A_99 : vector<16xi32> to vector<16xi32>
      %swap3A_101 = arith.constant 32 : index
      %swap3A_102 = tpu.vector_load %arg9[%swap3A_101] {strides = array<i32>} : memref<128xi32, #tpu.memory_space<vmem>>, vector<16xi32>,
      %swap3A_103 = vector.shape_cast %swap3A_102 : vector<16xi32> to vector<16xi32>
      %swap3A_104 = vector.shape_cast %get3A_100 : vector<16xi32> to vector<16xi32>
      tpu.vector_store %arg9[%swap3A_101], %swap3A_104 {strides = array<i32>} : memref<128xi32, #tpu.memory_space<vmem>>, vector<16xi32>,
      %get3A_105 = arith.constant 48 : index
      %get3A_106 = tpu.vector_load %arg8[%get3A_105] {strides = array<i32>} : memref<128xi32, #tpu.memory_space<vmem>>, vector<16xi32>,
      %get3A_107 = vector.shape_cast %get3A_106 : vector<16xi32> to vector<16xi32>
      %swap3A_108 = arith.constant 48 : index
      %swap3A_109 = tpu.vector_load %arg9[%swap3A_108] {strides = array<i32>} : memref<128xi32, #tpu.memory_space<vmem>>, vector<16xi32>,
      %swap3A_110 = vector.shape_cast %swap3A_109 : vector<16xi32> to vector<16xi32>
      %swap3A_111 = vector.shape_cast %get3A_107 : vector<16xi32> to vector<16xi32>
      tpu.vector_store %arg9[%swap3A_108], %swap3A_111 {strides = array<i32>} : memref<128xi32, #tpu.memory_space<vmem>>, vector<16xi32>,
      %get3A_112 = arith.constant 64 : index
      %get3A_113 = tpu.vector_load %arg8[%get3A_112] {strides = array<i32>} : memref<128xi32, #tpu.memory_space<vmem>>, vector<16xi32>,
      %get3A_114 = vector.shape_cast %get3A_113 : vector<16xi32> to vector<16xi32>
      %swap3A_115 = arith.constant 64 : index
      %swap3A_116 = tpu.vector_load %arg9[%swap3A_115] {strides = array<i32>} : memref<128xi32, #tpu.memory_space<vmem>>, vector<16xi32>,
      %swap3A_117 = vector.shape_cast %swap3A_116 : vector<16xi32> to vector<16xi32>
      %swap3A_118 = vector.shape_cast %get3A_114 : vector<16xi32> to vector<16xi32>
      tpu.vector_store %arg9[%swap3A_115], %swap3A_118 {strides = array<i32>} : memref<128xi32, #tpu.memory_space<vmem>>, vector<16xi32>,
      %get3A_119 = arith.constant 80 : index
      %get3A_120 = tpu.vector_load %arg8[%get3A_119] {strides = array<i32>} : memref<128xi32, #tpu.memory_space<vmem>>, vector<16xi32>,
      %get3A_121 = vector.shape_cast %get3A_120 : vector<16xi32> to vector<16xi32>
      %swap3A_122 = arith.constant 80 : index
      %swap3A_123 = tpu.vector_load %arg9[%swap3A_122] {strides = array<i32>} : memref<128xi32, #tpu.memory_space<vmem>>, vector<16xi32>,
      %swap3A_124 = vector.shape_cast %swap3A_123 : vector<16xi32> to vector<16xi32>
      %swap3A_125 = vector.shape_cast %get3A_121 : vector<16xi32> to vector<16xi32>
      tpu.vector_store %arg9[%swap3A_122], %swap3A_125 {strides = array<i32>} : memref<128xi32, #tpu.memory_space<vmem>>, vector<16xi32>,
      %get3A_126 = arith.constant 96 : index
      %get3A_127 = tpu.vector_load %arg8[%get3A_126] {strides = array<i32>} : memref<128xi32, #tpu.memory_space<vmem>>, vector<16xi32>,
      %get3A_128 = vector.shape_cast %get3A_127 : vector<16xi32> to vector<16xi32>
      %swap3A_129 = arith.constant 96 : index
      %swap3A_130 = tpu.vector_load %arg9[%swap3A_129] {strides = array<i32>} : memref<128xi32, #tpu.memory_space<vmem>>, vector<16xi32>,
      %swap3A_131 = vector.shape_cast %swap3A_130 : vector<16xi32> to vector<16xi32>
      %swap3A_132 = vector.shape_cast %get3A_128 : vector<16xi32> to vector<16xi32>
      tpu.vector_store %arg9[%swap3A_129], %swap3A_132 {strides = array<i32>} : memref<128xi32, #tpu.memory_space<vmem>>, vector<16xi32>,
      %get3A_133 = arith.constant 112 : index
      %get3A_134 = tpu.vector_load %arg8[%get3A_133] {strides = array<i32>} : memref<128xi32, #tpu.memory_space<vmem>>, vector<16xi32>,
      %get3A_135 = vector.shape_cast %get3A_134 : vector<16xi32> to vector<16xi32>
      %swap3A_136 = arith.constant 112 : index
      %swap3A_137 = tpu.vector_load %arg9[%swap3A_136] {strides = array<i32>} : memref<128xi32, #tpu.memory_space<vmem>>, vector<16xi32>,
      %swap3A_138 = vector.shape_cast %swap3A_137 : vector<16xi32> to vector<16xi32>
      %swap3A_139 = vector.shape_cast %get3A_135 : vector<16xi32> to vector<16xi32>
      tpu.vector_store %arg9[%swap3A_136], %swap3A_139 {strides = array<i32>} : memref<128xi32, #tpu.memory_space<vmem>>, vector<16xi32>,
      %dma_start3A_140 = arith.constant 0 : i32
      %dma_start3A_141 = arith.constant 0 : i32
      %dma_start3A_142 = tpu.memref_slice %arg18[%dma_start3A_140, %dma_start3A_141] : memref<10240x64xf32, #tpu.memory_space<vmem_shared>> -> memref<10240x64xf32, #tpu.memory_space<vmem_shared>>
      tpu.enqueue_indirect_dma source(%arg11 : memref<128x64xf32, #tpu.memory_space<vmem>>) target(%dma_start3A_142 : memref<10240x64xf32, #tpu.memory_space<vmem_shared>>) offsets(%arg9 : memref<128xi32, #tpu.memory_space<vmem>>) semaphore(%arg23 : memref<!tpu.dma_semaphore, #tpu.memory_space<semaphore_mem>>) {add = true}
      %lt3A_143 = arith.constant 77 : i32
      %lt3A_144 = arith.cmpi slt, %scan3A_43, %lt3A_143 : i32
      %convert_element_type3A_145 = arith.extui %lt3A_144 : i1 to i32
      %cond3A_146 = arith.constant 0 : i32
      %cond3A_147 = arith.cmpi ne, %convert_element_type3A_145, %cond3A_146 : i32
      scf.if %cond3A_147 {
        %add3A_235 = arith.constant 2 : i32
        %add3A_236 = arith.addi %mul3A_45, %add3A_235 : i32
        %mul3A_237 = arith.constant 128 : i32
        %mul3A_238 = arith.muli %add3A_236, %mul3A_237 : i32
        %add3A_239 = arith.addi %mul3A_11, %mul3A_238 : i32
        %dma_start3A_240 = tpu.memref_slice %arg4[%add3A_239] : memref<320000xi32, #tpu.memory_space<hbm>> -> memref<128xi32, #tpu.memory_space<hbm>>
        %dma_start3A_241 = tpu.memref_slice %arg4[%add3A_239] : memref<320000xi32, #tpu.memory_space<hbm>> -> memref<128xi32, #tpu.memory_space<hbm>>
        tpu.enqueue_dma source(%dma_start3A_241 : memref<128xi32, #tpu.memory_space<hbm>>) target(%arg7 : memref<128xi32, #tpu.memory_space<vmem>>) target_semaphore(%arg19 : memref<!tpu.dma_semaphore, #tpu.memory_space<semaphore_mem>>)
        %dma_start3A_242 = tpu.memref_slice %arg5[%add3A_239] : memref<320000xi32, #tpu.memory_space<hbm>> -> memref<128xi32, #tpu.memory_space<hbm>>
        %dma_start3A_243 = tpu.memref_slice %arg5[%add3A_239] : memref<320000xi32, #tpu.memory_space<hbm>> -> memref<128xi32, #tpu.memory_space<hbm>>
        tpu.enqueue_dma source(%dma_start3A_243 : memref<128xi32, #tpu.memory_space<hbm>>) target(%arg8 : memref<128xi32, #tpu.memory_space<vmem>>) target_semaphore(%arg19 : memref<!tpu.dma_semaphore, #tpu.memory_space<semaphore_mem>>)
      } else {
      }
      %dma_wait3A_148 = arith.constant 0 : i32
      %dma_wait3A_149 = tpu.memref_slice %arg3[%dma_wait3A_148, %mul3A_0] : memref<320000x128xf32, #tpu.memory_space<hbm>> -> memref<128x64xf32, #tpu.memory_space<hbm>>
      %dma_wait3A_150 = arith.constant 0 : i32
      %dma_wait3A_151 = tpu.memref_slice %arg3[%dma_wait3A_150, %mul3A_0] : memref<320000x128xf32, #tpu.memory_space<hbm>> -> memref<128x64xf32, #tpu.memory_space<hbm>>
      tpu.wait_dma2 semaphore(%arg22 : memref<!tpu.dma_semaphore, #tpu.memory_space<semaphore_mem>>) src(%dma_wait3A_151 : memref<128x64xf32, #tpu.memory_space<hbm>>) dst(%arg16 : memref<128x64xf32, #tpu.memory_space<vmem>>)
      %dma_wait3A_152 = arith.constant 0 : i32
      %dma_wait3A_153 = tpu.memref_slice %arg3[%dma_wait3A_152, %mul3A_0] : memref<320000x128xf32, #tpu.memory_space<hbm>> -> memref<128x64xf32, #tpu.memory_space<hbm>>
      %dma_wait3A_154 = arith.constant 0 : i32
      %dma_wait3A_155 = tpu.memref_slice %arg3[%dma_wait3A_154, %mul3A_0] : memref<320000x128xf32, #tpu.memory_space<hbm>> -> memref<128x64xf32, #tpu.memory_space<hbm>>
      tpu.wait_dma2 semaphore(%arg22 : memref<!tpu.dma_semaphore, #tpu.memory_space<semaphore_mem>>) src(%dma_wait3A_155 : memref<128x64xf32, #tpu.memory_space<hbm>>) dst(%arg15 : memref<128x64xf32, #tpu.memory_space<vmem>>)
      %dma_wait3A_156 = arith.constant 0 : i32
      %dma_wait3A_157 = tpu.memref_slice %arg3[%dma_wait3A_156, %mul3A_0] : memref<320000x128xf32, #tpu.memory_space<hbm>> -> memref<128x64xf32, #tpu.memory_space<hbm>>
      %dma_wait3A_158 = arith.constant 0 : i32
      %dma_wait3A_159 = tpu.memref_slice %arg3[%dma_wait3A_158, %mul3A_0] : memref<320000x128xf32, #tpu.memory_space<hbm>> -> memref<128x64xf32, #tpu.memory_space<hbm>>
      tpu.wait_dma2 semaphore(%arg23 : memref<!tpu.dma_semaphore, #tpu.memory_space<semaphore_mem>>) src(%dma_wait3A_159 : memref<128x64xf32, #tpu.memory_space<hbm>>) dst(%arg11 : memref<128x64xf32, #tpu.memory_space<vmem>>)
      %lt3A_160 = arith.constant 77 : i32
      %lt3A_161 = arith.cmpi slt, %scan3A_43, %lt3A_160 : i32
      %convert_element_type3A_162 = arith.extui %lt3A_161 : i1 to i32
      %cond3A_163 = arith.constant 0 : i32
      %cond3A_164 = arith.cmpi ne, %convert_element_type3A_162, %cond3A_163 : i32
      scf.if %cond3A_164 {
        %dma_wait3A_235 = arith.constant 0 : i32
        %dma_wait3A_236 = tpu.memref_slice %arg4[%dma_wait3A_235] : memref<320000xi32, #tpu.memory_space<hbm>> -> memref<128xi32, #tpu.memory_space<hbm>>
        %dma_wait3A_237 = arith.constant 0 : i32
        %dma_wait3A_238 = tpu.memref_slice %arg4[%dma_wait3A_237] : memref<320000xi32, #tpu.memory_space<hbm>> -> memref<128xi32, #tpu.memory_space<hbm>>
        tpu.wait_dma2 semaphore(%arg19 : memref<!tpu.dma_semaphore, #tpu.memory_space<semaphore_mem>>) src(%dma_wait3A_238 : memref<128xi32, #tpu.memory_space<hbm>>) dst(%arg7 : memref<128xi32, #tpu.memory_space<vmem>>)
        %dma_wait3A_239 = arith.constant 0 : i32
        %dma_wait3A_240 = tpu.memref_slice %arg5[%dma_wait3A_239] : memref<320000xi32, #tpu.memory_space<hbm>> -> memref<128xi32, #tpu.memory_space<hbm>>
        %dma_wait3A_241 = arith.constant 0 : i32
        %dma_wait3A_242 = tpu.memref_slice %arg5[%dma_wait3A_241] : memref<320000xi32, #tpu.memory_space<hbm>> -> memref<128xi32, #tpu.memory_space<hbm>>
        tpu.wait_dma2 semaphore(%arg19 : memref<!tpu.dma_semaphore, #tpu.memory_space<semaphore_mem>>) src(%dma_wait3A_242 : memref<128xi32, #tpu.memory_space<hbm>>) dst(%arg8 : memref<128xi32, #tpu.memory_space<vmem>>)
        %add3A_243 = arith.constant 2 : i32
        %add3A_244 = arith.addi %mul3A_45, %add3A_243 : i32
        %mul3A_245 = arith.constant 128 : i32
        %mul3A_246 = arith.muli %add3A_244, %mul3A_245 : i32
        %add3A_247 = arith.addi %mul3A_11, %mul3A_246 : i32
        %dma_start3A_248 = tpu.memref_slice %arg3[%add3A_247, %mul3A_0] : memref<320000x128xf32, #tpu.memory_space<hbm>> -> memref<128x64xf32, #tpu.memory_space<hbm>>
        %dma_start3A_249 = tpu.memref_slice %arg3[%add3A_247, %mul3A_0] : memref<320000x128xf32, #tpu.memory_space<hbm>> -> memref<128x64xf32, #tpu.memory_space<hbm>>
        tpu.enqueue_dma source(%dma_start3A_249 : memref<128x64xf32, #tpu.memory_space<hbm>>) target(%arg11 : memref<128x64xf32, #tpu.memory_space<vmem>>) target_semaphore(%arg21 : memref<!tpu.dma_semaphore, #tpu.memory_space<semaphore_mem>>)
        %dma_start3A_250 = arith.constant 0 : i32
        %dma_start3A_251 = arith.constant 0 : i32
        %dma_start3A_252 = tpu.memref_slice %arg2[%arg0, %dma_start3A_250, %dma_start3A_251] : memref<2x10000x64xf32, #tpu.memory_space<hbm>> -> memref<1x10000x64xf32, #tpu.memory_space<hbm>>
        %dma_start3A_253 = tpu.memref_squeeze %dma_start3A_252 : memref<1x10000x64xf32, #tpu.memory_space<hbm>> -> memref<10000x64xf32, #tpu.memory_space<hbm>>
        %dma_start3A_254 = arith.constant 0 : i32
        %dma_start3A_255 = arith.constant 0 : i32
        %dma_start3A_256 = tpu.memref_slice %dma_start3A_253[%dma_start3A_254, %dma_start3A_255] : memref<10000x64xf32, #tpu.memory_space<hbm>> -> memref<10000x64xf32, #tpu.memory_space<hbm>>
        tpu.enqueue_indirect_dma source(%dma_start3A_256 : memref<10000x64xf32, #tpu.memory_space<hbm>>) target(%arg10 : memref<128x64xf32, #tpu.memory_space<vmem>>) offsets(%arg7 : memref<128xi32, #tpu.memory_space<vmem>>) semaphore(%arg21 : memref<!tpu.dma_semaphore, #tpu.memory_space<semaphore_mem>>)
      } else {
      }
      %scan3A_165 = arith.constant 0 : i32
      %scan3A_166 = arith.constant 0 : i32
      %scan3A_167 = arith.constant 128 : i32
      %scan3A_168 = arith.addi %scan3A_166, %scan3A_167 : i32
      %scan3A_169 = arith.constant 1 : i32
      scf.for %scan3A_235 = %scan3A_166 to %scan3A_168 step %scan3A_169  : i32 {
        %get3A_236 = arith.index_cast %scan3A_235 : i32 to index
        %get3A_237 = arith.constant 0 : index
        %get3A_238 = tpu.vector_load %arg15[%get3A_236, %get3A_237] {strides = array<i32>} : memref<128x64xf32, #tpu.memory_space<vmem>>, vector<1x16xf32>,
        %get3A_239 = vector.shape_cast %get3A_238 : vector<1x16xf32> to vector<16xf32>
        %get3A_240 = arith.index_cast %scan3A_235 : i32 to index
        %get3A_241 = arith.constant 0 : index
        %get3A_242 = tpu.vector_load %arg16[%get3A_240, %get3A_241] {strides = array<i32>} : memref<128x64xf32, #tpu.memory_space<vmem>>, vector<1x16xf32>,
        %get3A_243 = vector.shape_cast %get3A_242 : vector<1x16xf32> to vector<16xf32>
        %add3A_244 = arith.addf %get3A_239, %get3A_243 : vector<16xf32>
        %max3A = arith.constant 0.000000e+00 : f32
        %max3A_245 = vector.broadcast %max3A : f32 to vector<16xf32>
        %max3A_246 = arith.maximumf %add3A_244, %max3A_245 : vector<16xf32>
        %swap3A_247 = arith.index_cast %scan3A_235 : i32 to index
        %swap3A_248 = arith.constant 0 : index
        %swap3A_249 = tpu.vector_load %arg16[%swap3A_247, %swap3A_248] {strides = array<i32>} : memref<128x64xf32, #tpu.memory_space<vmem>>, vector<1x16xf32>,
        %swap3A_250 = vector.shape_cast %swap3A_249 : vector<1x16xf32> to vector<16xf32>
        %swap3A_251 = vector.shape_cast %max3A_246 : vector<16xf32> to vector<1x16xf32>
        tpu.vector_store %arg16[%swap3A_247, %swap3A_248], %swap3A_251 {strides = array<i32>} : memref<128x64xf32, #tpu.memory_space<vmem>>, vector<1x16xf32>,
        %get3A_252 = arith.index_cast %scan3A_235 : i32 to index
        %get3A_253 = arith.constant 16 : index
        %get3A_254 = tpu.vector_load %arg15[%get3A_252, %get3A_253] {strides = array<i32>} : memref<128x64xf32, #tpu.memory_space<vmem>>, vector<1x16xf32>,
        %get3A_255 = vector.shape_cast %get3A_254 : vector<1x16xf32> to vector<16xf32>
        %get3A_256 = arith.index_cast %scan3A_235 : i32 to index
        %get3A_257 = arith.constant 16 : index
        %get3A_258 = tpu.vector_load %arg16[%get3A_256, %get3A_257] {strides = array<i32>} : memref<128x64xf32, #tpu.memory_space<vmem>>, vector<1x16xf32>,
        %get3A_259 = vector.shape_cast %get3A_258 : vector<1x16xf32> to vector<16xf32>
        %add3A_260 = arith.addf %get3A_255, %get3A_259 : vector<16xf32>
        %max3A_261 = arith.constant 0.000000e+00 : f32
        %max3A_262 = vector.broadcast %max3A_261 : f32 to vector<16xf32>
        %max3A_263 = arith.maximumf %add3A_260, %max3A_262 : vector<16xf32>
        %swap3A_264 = arith.index_cast %scan3A_235 : i32 to index
        %swap3A_265 = arith.constant 16 : index
        %swap3A_266 = tpu.vector_load %arg16[%swap3A_264, %swap3A_265] {strides = array<i32>} : memref<128x64xf32, #tpu.memory_space<vmem>>, vector<1x16xf32>,
        %swap3A_267 = vector.shape_cast %swap3A_266 : vector<1x16xf32> to vector<16xf32>
        %swap3A_268 = vector.shape_cast %max3A_263 : vector<16xf32> to vector<1x16xf32>
        tpu.vector_store %arg16[%swap3A_264, %swap3A_265], %swap3A_268 {strides = array<i32>} : memref<128x64xf32, #tpu.memory_space<vmem>>, vector<1x16xf32>,
        %get3A_269 = arith.index_cast %scan3A_235 : i32 to index
        %get3A_270 = arith.constant 32 : index
        %get3A_271 = tpu.vector_load %arg15[%get3A_269, %get3A_270] {strides = array<i32>} : memref<128x64xf32, #tpu.memory_space<vmem>>, vector<1x16xf32>,
        %get3A_272 = vector.shape_cast %get3A_271 : vector<1x16xf32> to vector<16xf32>
        %get3A_273 = arith.index_cast %scan3A_235 : i32 to index
        %get3A_274 = arith.constant 32 : index
        %get3A_275 = tpu.vector_load %arg16[%get3A_273, %get3A_274] {strides = array<i32>} : memref<128x64xf32, #tpu.memory_space<vmem>>, vector<1x16xf32>,
        %get3A_276 = vector.shape_cast %get3A_275 : vector<1x16xf32> to vector<16xf32>
        %add3A_277 = arith.addf %get3A_272, %get3A_276 : vector<16xf32>
        %max3A_278 = arith.constant 0.000000e+00 : f32
        %max3A_279 = vector.broadcast %max3A_278 : f32 to vector<16xf32>
        %max3A_280 = arith.maximumf %add3A_277, %max3A_279 : vector<16xf32>
        %swap3A_281 = arith.index_cast %scan3A_235 : i32 to index
        %swap3A_282 = arith.constant 32 : index
        %swap3A_283 = tpu.vector_load %arg16[%swap3A_281, %swap3A_282] {strides = array<i32>} : memref<128x64xf32, #tpu.memory_space<vmem>>, vector<1x16xf32>,
        %swap3A_284 = vector.shape_cast %swap3A_283 : vector<1x16xf32> to vector<16xf32>
        %swap3A_285 = vector.shape_cast %max3A_280 : vector<16xf32> to vector<1x16xf32>
        tpu.vector_store %arg16[%swap3A_281, %swap3A_282], %swap3A_285 {strides = array<i32>} : memref<128x64xf32, #tpu.memory_space<vmem>>, vector<1x16xf32>,
        %get3A_286 = arith.index_cast %scan3A_235 : i32 to index
        %get3A_287 = arith.constant 48 : index
        %get3A_288 = tpu.vector_load %arg15[%get3A_286, %get3A_287] {strides = array<i32>} : memref<128x64xf32, #tpu.memory_space<vmem>>, vector<1x16xf32>,
        %get3A_289 = vector.shape_cast %get3A_288 : vector<1x16xf32> to vector<16xf32>
        %get3A_290 = arith.index_cast %scan3A_235 : i32 to index
        %get3A_291 = arith.constant 48 : index
        %get3A_292 = tpu.vector_load %arg16[%get3A_290, %get3A_291] {strides = array<i32>} : memref<128x64xf32, #tpu.memory_space<vmem>>, vector<1x16xf32>,
        %get3A_293 = vector.shape_cast %get3A_292 : vector<1x16xf32> to vector<16xf32>
        %add3A_294 = arith.addf %get3A_289, %get3A_293 : vector<16xf32>
        %max3A_295 = arith.constant 0.000000e+00 : f32
        %max3A_296 = vector.broadcast %max3A_295 : f32 to vector<16xf32>
        %max3A_297 = arith.maximumf %add3A_294, %max3A_296 : vector<16xf32>
        %swap3A_298 = arith.index_cast %scan3A_235 : i32 to index
        %swap3A_299 = arith.constant 48 : index
        %swap3A_300 = tpu.vector_load %arg16[%swap3A_298, %swap3A_299] {strides = array<i32>} : memref<128x64xf32, #tpu.memory_space<vmem>>, vector<1x16xf32>,
        %swap3A_301 = vector.shape_cast %swap3A_300 : vector<1x16xf32> to vector<16xf32>
        %swap3A_302 = vector.shape_cast %max3A_297 : vector<16xf32> to vector<1x16xf32>
        tpu.vector_store %arg16[%swap3A_298, %swap3A_299], %swap3A_302 {strides = array<i32>} : memref<128x64xf32, #tpu.memory_space<vmem>>, vector<1x16xf32>,
      }
      %scan3A_170 = arith.constant 128 : i32
      %get3A_171 = arith.constant 0 : index
      %get3A_172 = tpu.vector_load %arg13[%get3A_171] {strides = array<i32>} : memref<128xi32, #tpu.memory_space<vmem>>, vector<16xi32>,
      %get3A_173 = vector.shape_cast %get3A_172 : vector<16xi32> to vector<16xi32>
      %swap3A_174 = arith.constant 0 : index
      %swap3A_175 = tpu.vector_load %arg14[%swap3A_174] {strides = array<i32>} : memref<128xi32, #tpu.memory_space<vmem>>, vector<16xi32>,
      %swap3A_176 = vector.shape_cast %swap3A_175 : vector<16xi32> to vector<16xi32>
      %swap3A_177 = vector.shape_cast %get3A_173 : vector<16xi32> to vector<16xi32>
      tpu.vector_store %arg14[%swap3A_174], %swap3A_177 {strides = array<i32>} : memref<128xi32, #tpu.memory_space<vmem>>, vector<16xi32>,
      %get3A_178 = arith.constant 16 : index
      %get3A_179 = tpu.vector_load %arg13[%get3A_178] {strides = array<i32>} : memref<128xi32, #tpu.memory_space<vmem>>, vector<16xi32>,
      %get3A_180 = vector.shape_cast %get3A_179 : vector<16xi32> to vector<16xi32>
      %swap3A_181 = arith.constant 16 : index
      %swap3A_182 = tpu.vector_load %arg14[%swap3A_181] {strides = array<i32>} : memref<128xi32, #tpu.memory_space<vmem>>, vector<16xi32>,
      %swap3A_183 = vector.shape_cast %swap3A_182 : vector<16xi32> to vector<16xi32>
      %swap3A_184 = vector.shape_cast %get3A_180 : vector<16xi32> to vector<16xi32>
      tpu.vector_store %arg14[%swap3A_181], %swap3A_184 {strides = array<i32>} : memref<128xi32, #tpu.memory_space<vmem>>, vector<16xi32>,
      %get3A_185 = arith.constant 32 : index
      %get3A_186 = tpu.vector_load %arg13[%get3A_185] {strides = array<i32>} : memref<128xi32, #tpu.memory_space<vmem>>, vector<16xi32>,
      %get3A_187 = vector.shape_cast %get3A_186 : vector<16xi32> to vector<16xi32>
      %swap3A_188 = arith.constant 32 : index
      %swap3A_189 = tpu.vector_load %arg14[%swap3A_188] {strides = array<i32>} : memref<128xi32, #tpu.memory_space<vmem>>, vector<16xi32>,
      %swap3A_190 = vector.shape_cast %swap3A_189 : vector<16xi32> to vector<16xi32>
      %swap3A_191 = vector.shape_cast %get3A_187 : vector<16xi32> to vector<16xi32>
      tpu.vector_store %arg14[%swap3A_188], %swap3A_191 {strides = array<i32>} : memref<128xi32, #tpu.memory_space<vmem>>, vector<16xi32>,
      %get3A_192 = arith.constant 48 : index
      %get3A_193 = tpu.vector_load %arg13[%get3A_192] {strides = array<i32>} : memref<128xi32, #tpu.memory_space<vmem>>, vector<16xi32>,
      %get3A_194 = vector.shape_cast %get3A_193 : vector<16xi32> to vector<16xi32>
      %swap3A_195 = arith.constant 48 : index
      %swap3A_196 = tpu.vector_load %arg14[%swap3A_195] {strides = array<i32>} : memref<128xi32, #tpu.memory_space<vmem>>, vector<16xi32>,
      %swap3A_197 = vector.shape_cast %swap3A_196 : vector<16xi32> to vector<16xi32>
      %swap3A_198 = vector.shape_cast %get3A_194 : vector<16xi32> to vector<16xi32>
      tpu.vector_store %arg14[%swap3A_195], %swap3A_198 {strides = array<i32>} : memref<128xi32, #tpu.memory_space<vmem>>, vector<16xi32>,
      %get3A_199 = arith.constant 64 : index
      %get3A_200 = tpu.vector_load %arg13[%get3A_199] {strides = array<i32>} : memref<128xi32, #tpu.memory_space<vmem>>, vector<16xi32>,
      %get3A_201 = vector.shape_cast %get3A_200 : vector<16xi32> to vector<16xi32>
      %swap3A_202 = arith.constant 64 : index
      %swap3A_203 = tpu.vector_load %arg14[%swap3A_202] {strides = array<i32>} : memref<128xi32, #tpu.memory_space<vmem>>, vector<16xi32>,
      %swap3A_204 = vector.shape_cast %swap3A_203 : vector<16xi32> to vector<16xi32>
      %swap3A_205 = vector.shape_cast %get3A_201 : vector<16xi32> to vector<16xi32>
      tpu.vector_store %arg14[%swap3A_202], %swap3A_205 {strides = array<i32>} : memref<128xi32, #tpu.memory_space<vmem>>, vector<16xi32>,
      %get3A_206 = arith.constant 80 : index
      %get3A_207 = tpu.vector_load %arg13[%get3A_206] {strides = array<i32>} : memref<128xi32, #tpu.memory_space<vmem>>, vector<16xi32>,
      %get3A_208 = vector.shape_cast %get3A_207 : vector<16xi32> to vector<16xi32>
      %swap3A_209 = arith.constant 80 : index
      %swap3A_210 = tpu.vector_load %arg14[%swap3A_209] {strides = array<i32>} : memref<128xi32, #tpu.memory_space<vmem>>, vector<16xi32>,
      %swap3A_211 = vector.shape_cast %swap3A_210 : vector<16xi32> to vector<16xi32>
      %swap3A_212 = vector.shape_cast %get3A_208 : vector<16xi32> to vector<16xi32>
      tpu.vector_store %arg14[%swap3A_209], %swap3A_212 {strides = array<i32>} : memref<128xi32, #tpu.memory_space<vmem>>, vector<16xi32>,
      %get3A_213 = arith.constant 96 : index
      %get3A_214 = tpu.vector_load %arg13[%get3A_213] {strides = array<i32>} : memref<128xi32, #tpu.memory_space<vmem>>, vector<16xi32>,
      %get3A_215 = vector.shape_cast %get3A_214 : vector<16xi32> to vector<16xi32>
      %swap3A_216 = arith.constant 96 : index
      %swap3A_217 = tpu.vector_load %arg14[%swap3A_216] {strides = array<i32>} : memref<128xi32, #tpu.memory_space<vmem>>, vector<16xi32>,
      %swap3A_218 = vector.shape_cast %swap3A_217 : vector<16xi32> to vector<16xi32>
      %swap3A_219 = vector.shape_cast %get3A_215 : vector<16xi32> to vector<16xi32>
      tpu.vector_store %arg14[%swap3A_216], %swap3A_219 {strides = array<i32>} : memref<128xi32, #tpu.memory_space<vmem>>, vector<16xi32>,
      %get3A_220 = arith.constant 112 : index
      %get3A_221 = tpu.vector_load %arg13[%get3A_220] {strides = array<i32>} : memref<128xi32, #tpu.memory_space<vmem>>, vector<16xi32>,
      %get3A_222 = vector.shape_cast %get3A_221 : vector<16xi32> to vector<16xi32>
      %swap3A_223 = arith.constant 112 : index
      %swap3A_224 = tpu.vector_load %arg14[%swap3A_223] {strides = array<i32>} : memref<128xi32, #tpu.memory_space<vmem>>, vector<16xi32>,
      %swap3A_225 = vector.shape_cast %swap3A_224 : vector<16xi32> to vector<16xi32>
      %swap3A_226 = vector.shape_cast %get3A_222 : vector<16xi32> to vector<16xi32>
      tpu.vector_store %arg14[%swap3A_223], %swap3A_226 {strides = array<i32>} : memref<128xi32, #tpu.memory_space<vmem>>, vector<16xi32>,
      %dma_start3A_227 = arith.constant 0 : i32
      %dma_start3A_228 = arith.constant 0 : i32
      %dma_start3A_229 = tpu.memref_slice %arg18[%dma_start3A_227, %dma_start3A_228] : memref<10240x64xf32, #tpu.memory_space<vmem_shared>> -> memref<10240x64xf32, #tpu.memory_space<vmem_shared>>
      tpu.enqueue_indirect_dma source(%arg16 : memref<128x64xf32, #tpu.memory_space<vmem>>) target(%dma_start3A_229 : memref<10240x64xf32, #tpu.memory_space<vmem_shared>>) offsets(%arg14 : memref<128xi32, #tpu.memory_space<vmem>>) semaphore(%arg24 : memref<!tpu.dma_semaphore, #tpu.memory_space<semaphore_mem>>) {add = true}
      %lt3A_230 = arith.constant 77 : i32
      %lt3A_231 = arith.cmpi slt, %scan3A_43, %lt3A_230 : i32
      %convert_element_type3A_232 = arith.extui %lt3A_231 : i1 to i32
      %cond3A_233 = arith.constant 0 : i32
      %cond3A_234 = arith.cmpi ne, %convert_element_type3A_232, %cond3A_233 : i32
      scf.if %cond3A_234 {
        %add3A_235 = arith.constant 3 : i32
        %add3A_236 = arith.addi %mul3A_45, %add3A_235 : i32
        %mul3A_237 = arith.constant 128 : i32
        %mul3A_238 = arith.muli %add3A_236, %mul3A_237 : i32
        %add3A_239 = arith.addi %mul3A_11, %mul3A_238 : i32
        %dma_start3A_240 = tpu.memref_slice %arg4[%add3A_239] : memref<320000xi32, #tpu.memory_space<hbm>> -> memref<128xi32, #tpu.memory_space<hbm>>
        %dma_start3A_241 = tpu.memref_slice %arg4[%add3A_239] : memref<320000xi32, #tpu.memory_space<hbm>> -> memref<128xi32, #tpu.memory_space<hbm>>
        tpu.enqueue_dma source(%dma_start3A_241 : memref<128xi32, #tpu.memory_space<hbm>>) target(%arg12 : memref<128xi32, #tpu.memory_space<vmem>>) target_semaphore(%arg20 : memref<!tpu.dma_semaphore, #tpu.memory_space<semaphore_mem>>)
        %dma_start3A_242 = tpu.memref_slice %arg5[%add3A_239] : memref<320000xi32, #tpu.memory_space<hbm>> -> memref<128xi32, #tpu.memory_space<hbm>>
        %dma_start3A_243 = tpu.memref_slice %arg5[%add3A_239] : memref<320000xi32, #tpu.memory_space<hbm>> -> memref<128xi32, #tpu.memory_space<hbm>>
        tpu.enqueue_dma source(%dma_start3A_243 : memref<128xi32, #tpu.memory_space<hbm>>) target(%arg13 : memref<128xi32, #tpu.memory_space<vmem>>) target_semaphore(%arg20 : memref<!tpu.dma_semaphore, #tpu.memory_space<semaphore_mem>>)
      } else {
      }
    }
    %scan3A_32 = arith.constant 78 : i32
    %lt3A = arith.constant 4 : i32
    %lt3A_33 = arith.cmpi slt, %arg1, %lt3A : i32
    %convert_element_type3A = arith.extui %lt3A_33 : i1 to i32
    %cond3A = arith.constant 0 : i32
    %cond3A_34 = arith.cmpi ne, %convert_element_type3A, %cond3A : i32
    scf.if %cond3A_34 {
      %add3A_43 = arith.constant 2496 : i32
      %add3A_44 = arith.addi %add3A_43, %arg1 : i32
      %mul3A_45 = arith.constant 128 : i32
      %mul3A_46 = arith.muli %add3A_44, %mul3A_45 : i32
      "tpu.region"() ({
        %run_scoped3A = tpu.sem_alloc : memref<!tpu.dma_semaphore, #tpu.memory_space<semaphore_mem>>
        %dma_start3A_128 = tpu.memref_slice %arg4[%mul3A_46] : memref<320000xi32, #tpu.memory_space<hbm>> -> memref<128xi32, #tpu.memory_space<hbm>>
        %dma_start3A_129 = tpu.memref_slice %arg4[%mul3A_46] : memref<320000xi32, #tpu.memory_space<hbm>> -> memref<128xi32, #tpu.memory_space<hbm>>
        tpu.enqueue_dma source(%dma_start3A_129 : memref<128xi32, #tpu.memory_space<hbm>>) target(%arg7 : memref<128xi32, #tpu.memory_space<vmem>>) target_semaphore(%run_scoped3A : memref<!tpu.dma_semaphore, #tpu.memory_space<semaphore_mem>>)
        %dma_wait3A_130 = tpu.memref_slice %arg4[%mul3A_46] : memref<320000xi32, #tpu.memory_space<hbm>> -> memref<128xi32, #tpu.memory_space<hbm>>
        %dma_wait3A_131 = tpu.memref_slice %arg4[%mul3A_46] : memref<320000xi32, #tpu.memory_space<hbm>> -> memref<128xi32, #tpu.memory_space<hbm>>
        tpu.wait_dma2 semaphore(%run_scoped3A : memref<!tpu.dma_semaphore, #tpu.memory_space<semaphore_mem>>) src(%dma_wait3A_131 : memref<128xi32, #tpu.memory_space<hbm>>) dst(%arg7 : memref<128xi32, #tpu.memory_space<vmem>>)
        tpu.yield
      }) : () -> ()
      "tpu.region"() ({
        %run_scoped3A = tpu.sem_alloc : memref<!tpu.dma_semaphore, #tpu.memory_space<semaphore_mem>>
        %dma_start3A_128 = tpu.memref_slice %arg5[%mul3A_46] : memref<320000xi32, #tpu.memory_space<hbm>> -> memref<128xi32, #tpu.memory_space<hbm>>
        %dma_start3A_129 = tpu.memref_slice %arg5[%mul3A_46] : memref<320000xi32, #tpu.memory_space<hbm>> -> memref<128xi32, #tpu.memory_space<hbm>>
        tpu.enqueue_dma source(%dma_start3A_129 : memref<128xi32, #tpu.memory_space<hbm>>) target(%arg8 : memref<128xi32, #tpu.memory_space<vmem>>) target_semaphore(%run_scoped3A : memref<!tpu.dma_semaphore, #tpu.memory_space<semaphore_mem>>)
        %dma_wait3A_130 = tpu.memref_slice %arg5[%mul3A_46] : memref<320000xi32, #tpu.memory_space<hbm>> -> memref<128xi32, #tpu.memory_space<hbm>>
        %dma_wait3A_131 = tpu.memref_slice %arg5[%mul3A_46] : memref<320000xi32, #tpu.memory_space<hbm>> -> memref<128xi32, #tpu.memory_space<hbm>>
        tpu.wait_dma2 semaphore(%run_scoped3A : memref<!tpu.dma_semaphore, #tpu.memory_space<semaphore_mem>>) src(%dma_wait3A_131 : memref<128xi32, #tpu.memory_space<hbm>>) dst(%arg8 : memref<128xi32, #tpu.memory_space<vmem>>)
        tpu.yield
      }) : () -> ()
      "tpu.region"() ({
        %run_scoped3A = tpu.sem_alloc : memref<!tpu.dma_semaphore, #tpu.memory_space<semaphore_mem>>
        %dma_start3A_128 = tpu.memref_slice %arg3[%mul3A_46, %mul3A_0] : memref<320000x128xf32, #tpu.memory_space<hbm>> -> memref<128x64xf32, #tpu.memory_space<hbm>>
        %dma_start3A_129 = tpu.memref_slice %arg3[%mul3A_46, %mul3A_0] : memref<320000x128xf32, #tpu.memory_space<hbm>> -> memref<128x64xf32, #tpu.memory_space<hbm>>
        tpu.enqueue_dma source(%dma_start3A_129 : memref<128x64xf32, #tpu.memory_space<hbm>>) target(%arg11 : memref<128x64xf32, #tpu.memory_space<vmem>>) target_semaphore(%run_scoped3A : memref<!tpu.dma_semaphore, #tpu.memory_space<semaphore_mem>>)
        %dma_wait3A_130 = tpu.memref_slice %arg3[%mul3A_46, %mul3A_0] : memref<320000x128xf32, #tpu.memory_space<hbm>> -> memref<128x64xf32, #tpu.memory_space<hbm>>
        %dma_wait3A_131 = tpu.memref_slice %arg3[%mul3A_46, %mul3A_0] : memref<320000x128xf32, #tpu.memory_space<hbm>> -> memref<128x64xf32, #tpu.memory_space<hbm>>
        tpu.wait_dma2 semaphore(%run_scoped3A : memref<!tpu.dma_semaphore, #tpu.memory_space<semaphore_mem>>) src(%dma_wait3A_131 : memref<128x64xf32, #tpu.memory_space<hbm>>) dst(%arg11 : memref<128x64xf32, #tpu.memory_space<vmem>>)
        tpu.yield
      }) : () -> ()
      %dma_start3A_47 = arith.constant 0 : i32
      %dma_start3A_48 = arith.constant 0 : i32
      %dma_start3A_49 = tpu.memref_slice %arg2[%arg0, %dma_start3A_47, %dma_start3A_48] : memref<2x10000x64xf32, #tpu.memory_space<hbm>> -> memref<1x10000x64xf32, #tpu.memory_space<hbm>>
      %dma_start3A_50 = tpu.memref_squeeze %dma_start3A_49 : memref<1x10000x64xf32, #tpu.memory_space<hbm>> -> memref<10000x64xf32, #tpu.memory_space<hbm>>
      %dma_start3A_51 = arith.constant 0 : i32
      %dma_start3A_52 = arith.constant 0 : i32
      %dma_start3A_53 = tpu.memref_slice %dma_start3A_50[%dma_start3A_51, %dma_start3A_52] : memref<10000x64xf32, #tpu.memory_space<hbm>> -> memref<10000x64xf32, #tpu.memory_space<hbm>>
      tpu.enqueue_indirect_dma source(%dma_start3A_53 : memref<10000x64xf32, #tpu.memory_space<hbm>>) target(%arg10 : memref<128x64xf32, #tpu.memory_space<vmem>>) offsets(%arg7 : memref<128xi32, #tpu.memory_space<vmem>>) semaphore(%arg21 : memref<!tpu.dma_semaphore, #tpu.memory_space<semaphore_mem>>)
      %dma_wait3A_54 = arith.constant 0 : i32
      %dma_wait3A_55 = arith.constant 0 : i32
      %dma_wait3A_56 = tpu.memref_slice %arg2[%arg0, %dma_wait3A_54, %dma_wait3A_55] : memref<2x10000x64xf32, #tpu.memory_space<hbm>> -> memref<1x10000x64xf32, #tpu.memory_space<hbm>>
      %dma_wait3A_57 = tpu.memref_squeeze %dma_wait3A_56 : memref<1x10000x64xf32, #tpu.memory_space<hbm>> -> memref<10000x64xf32, #tpu.memory_space<hbm>>
      %dma_wait3A_58 = arith.constant 0 : i32
      %dma_wait3A_59 = arith.constant 0 : i32
      %dma_wait3A_60 = tpu.memref_slice %dma_wait3A_57[%dma_wait3A_58, %dma_wait3A_59] : memref<10000x64xf32, #tpu.memory_space<hbm>> -> memref<10000x64xf32, #tpu.memory_space<hbm>>
      tpu.wait_indirect_dma semaphore(%arg21 : memref<!tpu.dma_semaphore, #tpu.memory_space<semaphore_mem>>) src(%dma_wait3A_60 : memref<10000x64xf32, #tpu.memory_space<hbm>>) dst(%arg10 : memref<128x64xf32, #tpu.memory_space<vmem>>)
      %scan3A_61 = arith.constant 0 : i32
      %scan3A_62 = arith.constant 0 : i32
      %scan3A_63 = arith.constant 128 : i32
      %scan3A_64 = arith.addi %scan3A_62, %scan3A_63 : i32
      %scan3A_65 = arith.constant 1 : i32
      scf.for %scan3A_128 = %scan3A_62 to %scan3A_64 step %scan3A_65  : i32 {
        %get3A_129 = arith.index_cast %scan3A_128 : i32 to index
        %get3A_130 = arith.constant 0 : index
        %get3A_131 = tpu.vector_load %arg10[%get3A_129, %get3A_130] {strides = array<i32>} : memref<128x64xf32, #tpu.memory_space<vmem>>, vector<1x16xf32>,
        %get3A_132 = vector.shape_cast %get3A_131 : vector<1x16xf32> to vector<16xf32>
        %get3A_133 = arith.index_cast %scan3A_128 : i32 to index
        %get3A_134 = arith.constant 0 : index
        %get3A_135 = tpu.vector_load %arg11[%get3A_133, %get3A_134] {strides = array<i32>} : memref<128x64xf32, #tpu.memory_space<vmem>>, vector<1x16xf32>,
        %get3A_136 = vector.shape_cast %get3A_135 : vector<1x16xf32> to vector<16xf32>
        %add3A_137 = arith.addf %get3A_132, %get3A_136 : vector<16xf32>
        %max3A = arith.constant 0.000000e+00 : f32
        %max3A_138 = vector.broadcast %max3A : f32 to vector<16xf32>
        %max3A_139 = arith.maximumf %add3A_137, %max3A_138 : vector<16xf32>
        %swap3A_140 = arith.index_cast %scan3A_128 : i32 to index
        %swap3A_141 = arith.constant 0 : index
        %swap3A_142 = tpu.vector_load %arg11[%swap3A_140, %swap3A_141] {strides = array<i32>} : memref<128x64xf32, #tpu.memory_space<vmem>>, vector<1x16xf32>,
        %swap3A_143 = vector.shape_cast %swap3A_142 : vector<1x16xf32> to vector<16xf32>
        %swap3A_144 = vector.shape_cast %max3A_139 : vector<16xf32> to vector<1x16xf32>
        tpu.vector_store %arg11[%swap3A_140, %swap3A_141], %swap3A_144 {strides = array<i32>} : memref<128x64xf32, #tpu.memory_space<vmem>>, vector<1x16xf32>,
        %get3A_145 = arith.index_cast %scan3A_128 : i32 to index
        %get3A_146 = arith.constant 16 : index
        %get3A_147 = tpu.vector_load %arg10[%get3A_145, %get3A_146] {strides = array<i32>} : memref<128x64xf32, #tpu.memory_space<vmem>>, vector<1x16xf32>,
        %get3A_148 = vector.shape_cast %get3A_147 : vector<1x16xf32> to vector<16xf32>
        %get3A_149 = arith.index_cast %scan3A_128 : i32 to index
        %get3A_150 = arith.constant 16 : index
        %get3A_151 = tpu.vector_load %arg11[%get3A_149, %get3A_150] {strides = array<i32>} : memref<128x64xf32, #tpu.memory_space<vmem>>, vector<1x16xf32>,
        %get3A_152 = vector.shape_cast %get3A_151 : vector<1x16xf32> to vector<16xf32>
        %add3A_153 = arith.addf %get3A_148, %get3A_152 : vector<16xf32>
        %max3A_154 = arith.constant 0.000000e+00 : f32
        %max3A_155 = vector.broadcast %max3A_154 : f32 to vector<16xf32>
        %max3A_156 = arith.maximumf %add3A_153, %max3A_155 : vector<16xf32>
        %swap3A_157 = arith.index_cast %scan3A_128 : i32 to index
        %swap3A_158 = arith.constant 16 : index
        %swap3A_159 = tpu.vector_load %arg11[%swap3A_157, %swap3A_158] {strides = array<i32>} : memref<128x64xf32, #tpu.memory_space<vmem>>, vector<1x16xf32>,
        %swap3A_160 = vector.shape_cast %swap3A_159 : vector<1x16xf32> to vector<16xf32>
        %swap3A_161 = vector.shape_cast %max3A_156 : vector<16xf32> to vector<1x16xf32>
        tpu.vector_store %arg11[%swap3A_157, %swap3A_158], %swap3A_161 {strides = array<i32>} : memref<128x64xf32, #tpu.memory_space<vmem>>, vector<1x16xf32>,
        %get3A_162 = arith.index_cast %scan3A_128 : i32 to index
        %get3A_163 = arith.constant 32 : index
        %get3A_164 = tpu.vector_load %arg10[%get3A_162, %get3A_163] {strides = array<i32>} : memref<128x64xf32, #tpu.memory_space<vmem>>, vector<1x16xf32>,
        %get3A_165 = vector.shape_cast %get3A_164 : vector<1x16xf32> to vector<16xf32>
        %get3A_166 = arith.index_cast %scan3A_128 : i32 to index
        %get3A_167 = arith.constant 32 : index
        %get3A_168 = tpu.vector_load %arg11[%get3A_166, %get3A_167] {strides = array<i32>} : memref<128x64xf32, #tpu.memory_space<vmem>>, vector<1x16xf32>,
        %get3A_169 = vector.shape_cast %get3A_168 : vector<1x16xf32> to vector<16xf32>
        %add3A_170 = arith.addf %get3A_165, %get3A_169 : vector<16xf32>
        %max3A_171 = arith.constant 0.000000e+00 : f32
        %max3A_172 = vector.broadcast %max3A_171 : f32 to vector<16xf32>
        %max3A_173 = arith.maximumf %add3A_170, %max3A_172 : vector<16xf32>
        %swap3A_174 = arith.index_cast %scan3A_128 : i32 to index
        %swap3A_175 = arith.constant 32 : index
        %swap3A_176 = tpu.vector_load %arg11[%swap3A_174, %swap3A_175] {strides = array<i32>} : memref<128x64xf32, #tpu.memory_space<vmem>>, vector<1x16xf32>,
        %swap3A_177 = vector.shape_cast %swap3A_176 : vector<1x16xf32> to vector<16xf32>
        %swap3A_178 = vector.shape_cast %max3A_173 : vector<16xf32> to vector<1x16xf32>
        tpu.vector_store %arg11[%swap3A_174, %swap3A_175], %swap3A_178 {strides = array<i32>} : memref<128x64xf32, #tpu.memory_space<vmem>>, vector<1x16xf32>,
        %get3A_179 = arith.index_cast %scan3A_128 : i32 to index
        %get3A_180 = arith.constant 48 : index
        %get3A_181 = tpu.vector_load %arg10[%get3A_179, %get3A_180] {strides = array<i32>} : memref<128x64xf32, #tpu.memory_space<vmem>>, vector<1x16xf32>,
        %get3A_182 = vector.shape_cast %get3A_181 : vector<1x16xf32> to vector<16xf32>
        %get3A_183 = arith.index_cast %scan3A_128 : i32 to index
        %get3A_184 = arith.constant 48 : index
        %get3A_185 = tpu.vector_load %arg11[%get3A_183, %get3A_184] {strides = array<i32>} : memref<128x64xf32, #tpu.memory_space<vmem>>, vector<1x16xf32>,
        %get3A_186 = vector.shape_cast %get3A_185 : vector<1x16xf32> to vector<16xf32>
        %add3A_187 = arith.addf %get3A_182, %get3A_186 : vector<16xf32>
        %max3A_188 = arith.constant 0.000000e+00 : f32
        %max3A_189 = vector.broadcast %max3A_188 : f32 to vector<16xf32>
        %max3A_190 = arith.maximumf %add3A_187, %max3A_189 : vector<16xf32>
        %swap3A_191 = arith.index_cast %scan3A_128 : i32 to index
        %swap3A_192 = arith.constant 48 : index
        %swap3A_193 = tpu.vector_load %arg11[%swap3A_191, %swap3A_192] {strides = array<i32>} : memref<128x64xf32, #tpu.memory_space<vmem>>, vector<1x16xf32>,
        %swap3A_194 = vector.shape_cast %swap3A_193 : vector<1x16xf32> to vector<16xf32>
        %swap3A_195 = vector.shape_cast %max3A_190 : vector<16xf32> to vector<1x16xf32>
        tpu.vector_store %arg11[%swap3A_191, %swap3A_192], %swap3A_195 {strides = array<i32>} : memref<128x64xf32, #tpu.memory_space<vmem>>, vector<1x16xf32>,
      }
      %scan3A_66 = arith.constant 128 : i32
      %get3A = arith.constant 0 : index
      %get3A_67 = tpu.vector_load %arg8[%get3A] {strides = array<i32>} : memref<128xi32, #tpu.memory_space<vmem>>, vector<16xi32>,
      %get3A_68 = vector.shape_cast %get3A_67 : vector<16xi32> to vector<16xi32>
      %swap3A = arith.constant 0 : index
      %swap3A_69 = tpu.vector_load %arg9[%swap3A] {strides = array<i32>} : memref<128xi32, #tpu.memory_space<vmem>>, vector<16xi32>,
      %swap3A_70 = vector.shape_cast %swap3A_69 : vector<16xi32> to vector<16xi32>
      %swap3A_71 = vector.shape_cast %get3A_68 : vector<16xi32> to vector<16xi32>
      tpu.vector_store %arg9[%swap3A], %swap3A_71 {strides = array<i32>} : memref<128xi32, #tpu.memory_space<vmem>>, vector<16xi32>,
      %get3A_72 = arith.constant 16 : index
      %get3A_73 = tpu.vector_load %arg8[%get3A_72] {strides = array<i32>} : memref<128xi32, #tpu.memory_space<vmem>>, vector<16xi32>,
      %get3A_74 = vector.shape_cast %get3A_73 : vector<16xi32> to vector<16xi32>
      %swap3A_75 = arith.constant 16 : index
      %swap3A_76 = tpu.vector_load %arg9[%swap3A_75] {strides = array<i32>} : memref<128xi32, #tpu.memory_space<vmem>>, vector<16xi32>,
      %swap3A_77 = vector.shape_cast %swap3A_76 : vector<16xi32> to vector<16xi32>
      %swap3A_78 = vector.shape_cast %get3A_74 : vector<16xi32> to vector<16xi32>
      tpu.vector_store %arg9[%swap3A_75], %swap3A_78 {strides = array<i32>} : memref<128xi32, #tpu.memory_space<vmem>>, vector<16xi32>,
      %get3A_79 = arith.constant 32 : index
      %get3A_80 = tpu.vector_load %arg8[%get3A_79] {strides = array<i32>} : memref<128xi32, #tpu.memory_space<vmem>>, vector<16xi32>,
      %get3A_81 = vector.shape_cast %get3A_80 : vector<16xi32> to vector<16xi32>
      %swap3A_82 = arith.constant 32 : index
      %swap3A_83 = tpu.vector_load %arg9[%swap3A_82] {strides = array<i32>} : memref<128xi32, #tpu.memory_space<vmem>>, vector<16xi32>,
      %swap3A_84 = vector.shape_cast %swap3A_83 : vector<16xi32> to vector<16xi32>
      %swap3A_85 = vector.shape_cast %get3A_81 : vector<16xi32> to vector<16xi32>
      tpu.vector_store %arg9[%swap3A_82], %swap3A_85 {strides = array<i32>} : memref<128xi32, #tpu.memory_space<vmem>>, vector<16xi32>,
      %get3A_86 = arith.constant 48 : index
      %get3A_87 = tpu.vector_load %arg8[%get3A_86] {strides = array<i32>} : memref<128xi32, #tpu.memory_space<vmem>>, vector<16xi32>,
      %get3A_88 = vector.shape_cast %get3A_87 : vector<16xi32> to vector<16xi32>
      %swap3A_89 = arith.constant 48 : index
      %swap3A_90 = tpu.vector_load %arg9[%swap3A_89] {strides = array<i32>} : memref<128xi32, #tpu.memory_space<vmem>>, vector<16xi32>,
      %swap3A_91 = vector.shape_cast %swap3A_90 : vector<16xi32> to vector<16xi32>
      %swap3A_92 = vector.shape_cast %get3A_88 : vector<16xi32> to vector<16xi32>
      tpu.vector_store %arg9[%swap3A_89], %swap3A_92 {strides = array<i32>} : memref<128xi32, #tpu.memory_space<vmem>>, vector<16xi32>,
      %get3A_93 = arith.constant 64 : index
      %get3A_94 = tpu.vector_load %arg8[%get3A_93] {strides = array<i32>} : memref<128xi32, #tpu.memory_space<vmem>>, vector<16xi32>,
      %get3A_95 = vector.shape_cast %get3A_94 : vector<16xi32> to vector<16xi32>
      %swap3A_96 = arith.constant 64 : index
      %swap3A_97 = tpu.vector_load %arg9[%swap3A_96] {strides = array<i32>} : memref<128xi32, #tpu.memory_space<vmem>>, vector<16xi32>,
      %swap3A_98 = vector.shape_cast %swap3A_97 : vector<16xi32> to vector<16xi32>
      %swap3A_99 = vector.shape_cast %get3A_95 : vector<16xi32> to vector<16xi32>
      tpu.vector_store %arg9[%swap3A_96], %swap3A_99 {strides = array<i32>} : memref<128xi32, #tpu.memory_space<vmem>>, vector<16xi32>,
      %get3A_100 = arith.constant 80 : index
      %get3A_101 = tpu.vector_load %arg8[%get3A_100] {strides = array<i32>} : memref<128xi32, #tpu.memory_space<vmem>>, vector<16xi32>,
      %get3A_102 = vector.shape_cast %get3A_101 : vector<16xi32> to vector<16xi32>
      %swap3A_103 = arith.constant 80 : index
      %swap3A_104 = tpu.vector_load %arg9[%swap3A_103] {strides = array<i32>} : memref<128xi32, #tpu.memory_space<vmem>>, vector<16xi32>,
      %swap3A_105 = vector.shape_cast %swap3A_104 : vector<16xi32> to vector<16xi32>
      %swap3A_106 = vector.shape_cast %get3A_102 : vector<16xi32> to vector<16xi32>
      tpu.vector_store %arg9[%swap3A_103], %swap3A_106 {strides = array<i32>} : memref<128xi32, #tpu.memory_space<vmem>>, vector<16xi32>,
      %get3A_107 = arith.constant 96 : index
      %get3A_108 = tpu.vector_load %arg8[%get3A_107] {strides = array<i32>} : memref<128xi32, #tpu.memory_space<vmem>>, vector<16xi32>,
      %get3A_109 = vector.shape_cast %get3A_108 : vector<16xi32> to vector<16xi32>
      %swap3A_110 = arith.constant 96 : index
      %swap3A_111 = tpu.vector_load %arg9[%swap3A_110] {strides = array<i32>} : memref<128xi32, #tpu.memory_space<vmem>>, vector<16xi32>,
      %swap3A_112 = vector.shape_cast %swap3A_111 : vector<16xi32> to vector<16xi32>
      %swap3A_113 = vector.shape_cast %get3A_109 : vector<16xi32> to vector<16xi32>
      tpu.vector_store %arg9[%swap3A_110], %swap3A_113 {strides = array<i32>} : memref<128xi32, #tpu.memory_space<vmem>>, vector<16xi32>,
      %get3A_114 = arith.constant 112 : index
      %get3A_115 = tpu.vector_load %arg8[%get3A_114] {strides = array<i32>} : memref<128xi32, #tpu.memory_space<vmem>>, vector<16xi32>,
      %get3A_116 = vector.shape_cast %get3A_115 : vector<16xi32> to vector<16xi32>
      %swap3A_117 = arith.constant 112 : index
      %swap3A_118 = tpu.vector_load %arg9[%swap3A_117] {strides = array<i32>} : memref<128xi32, #tpu.memory_space<vmem>>, vector<16xi32>,
      %swap3A_119 = vector.shape_cast %swap3A_118 : vector<16xi32> to vector<16xi32>
      %swap3A_120 = vector.shape_cast %get3A_116 : vector<16xi32> to vector<16xi32>
      tpu.vector_store %arg9[%swap3A_117], %swap3A_120 {strides = array<i32>} : memref<128xi32, #tpu.memory_space<vmem>>, vector<16xi32>,
      %dma_start3A_121 = arith.constant 0 : i32
      %dma_start3A_122 = arith.constant 0 : i32
      %dma_start3A_123 = tpu.memref_slice %arg18[%dma_start3A_121, %dma_start3A_122] : memref<10240x64xf32, #tpu.memory_space<vmem_shared>> -> memref<10240x64xf32, #tpu.memory_space<vmem_shared>>
      tpu.enqueue_indirect_dma source(%arg11 : memref<128x64xf32, #tpu.memory_space<vmem>>) target(%dma_start3A_123 : memref<10240x64xf32, #tpu.memory_space<vmem_shared>>) offsets(%arg9 : memref<128xi32, #tpu.memory_space<vmem>>) semaphore(%arg23 : memref<!tpu.dma_semaphore, #tpu.memory_space<semaphore_mem>>) {add = true}
      %dma_wait3A_124 = arith.constant 0 : i32
      %dma_wait3A_125 = tpu.memref_slice %arg3[%dma_wait3A_124, %mul3A_0] : memref<320000x128xf32, #tpu.memory_space<hbm>> -> memref<128x64xf32, #tpu.memory_space<hbm>>
      %dma_wait3A_126 = arith.constant 0 : i32
      %dma_wait3A_127 = tpu.memref_slice %arg3[%dma_wait3A_126, %mul3A_0] : memref<320000x128xf32, #tpu.memory_space<hbm>> -> memref<128x64xf32, #tpu.memory_space<hbm>>
      tpu.wait_dma2 semaphore(%arg23 : memref<!tpu.dma_semaphore, #tpu.memory_space<semaphore_mem>>) src(%dma_wait3A_127 : memref<128x64xf32, #tpu.memory_space<hbm>>) dst(%arg11 : memref<128x64xf32, #tpu.memory_space<vmem>>)
    } else {
    }
    %dma_wait3A = arith.constant 0 : i32
    %dma_wait3A_35 = tpu.memref_slice %arg3[%dma_wait3A, %mul3A_0] : memref<320000x128xf32, #tpu.memory_space<hbm>> -> memref<128x64xf32, #tpu.memory_space<hbm>>
    %dma_wait3A_36 = arith.constant 0 : i32
    %dma_wait3A_37 = tpu.memref_slice %arg3[%dma_wait3A_36, %mul3A_0] : memref<320000x128xf32, #tpu.memory_space<hbm>> -> memref<128x64xf32, #tpu.memory_space<hbm>>
    tpu.wait_dma2 semaphore(%arg24 : memref<!tpu.dma_semaphore, #tpu.memory_space<semaphore_mem>>) src(%dma_wait3A_37 : memref<128x64xf32, #tpu.memory_space<hbm>>) dst(%arg16 : memref<128x64xf32, #tpu.memory_space<vmem>>)
    %barrier3A_38 = arith.constant 0 : index
    tpu.barrier barrier_id(%barrier3A_38)
    %mul3A_39 = arith.constant 640 : i32
    %mul3A_40 = arith.muli %arg1, %mul3A_39 : i32
    "tpu.region"() ({
      %run_scoped3A = tpu.sem_alloc : memref<!tpu.dma_semaphore, #tpu.memory_space<semaphore_mem>>
      %dma_start3A_43 = arith.constant 0 : i32
      %dma_start3A_44 = tpu.memref_slice %arg18[%mul3A_40, %dma_start3A_43] : memref<10240x64xf32, #tpu.memory_space<vmem_shared>> -> memref<640x64xf32, #tpu.memory_space<vmem_shared>>
      %dma_start3A_45 = arith.constant 0 : i32
      %dma_start3A_46 = tpu.memref_slice %arg18[%mul3A_40, %dma_start3A_45] : memref<10240x64xf32, #tpu.memory_space<vmem_shared>> -> memref<640x64xf32, #tpu.memory_space<vmem_shared>>
      tpu.enqueue_dma source(%dma_start3A_46 : memref<640x64xf32, #tpu.memory_space<vmem_shared>>) target(%arg17 : memref<640x64xf32, #tpu.memory_space<vmem>>) target_semaphore(%run_scoped3A : memref<!tpu.dma_semaphore, #tpu.memory_space<semaphore_mem>>)
      %dma_wait3A_47 = arith.constant 0 : i32
      %dma_wait3A_48 = tpu.memref_slice %arg18[%mul3A_40, %dma_wait3A_47] : memref<10240x64xf32, #tpu.memory_space<vmem_shared>> -> memref<640x64xf32, #tpu.memory_space<vmem_shared>>
      %dma_wait3A_49 = arith.constant 0 : i32
      %dma_wait3A_50 = tpu.memref_slice %arg18[%mul3A_40, %dma_wait3A_49] : memref<10240x64xf32, #tpu.memory_space<vmem_shared>> -> memref<640x64xf32, #tpu.memory_space<vmem_shared>>
      tpu.wait_dma2 semaphore(%run_scoped3A : memref<!tpu.dma_semaphore, #tpu.memory_space<semaphore_mem>>) src(%dma_wait3A_50 : memref<640x64xf32, #tpu.memory_space<vmem_shared>>) dst(%arg17 : memref<640x64xf32, #tpu.memory_space<vmem>>)
      tpu.yield
    }) : () -> ()
    %mul3A_41 = arith.constant 640 : i32
    %mul3A_42 = arith.muli %arg1, %mul3A_41 : i32
    "tpu.region"() ({
      %run_scoped3A = tpu.sem_alloc : memref<!tpu.dma_semaphore, #tpu.memory_space<semaphore_mem>>
      %dma_start3A_43 = tpu.memref_slice %arg6[%mul3A_42, %mul3A_0] : memref<10240x128xf32, #tpu.memory_space<hbm>> -> memref<640x64xf32, #tpu.memory_space<hbm>>
      %dma_start3A_44 = tpu.memref_slice %arg6[%mul3A_42, %mul3A_0] : memref<10240x128xf32, #tpu.memory_space<hbm>> -> memref<640x64xf32, #tpu.memory_space<hbm>>
      tpu.enqueue_dma source(%arg17 : memref<640x64xf32, #tpu.memory_space<vmem>>) target(%dma_start3A_44 : memref<640x64xf32, #tpu.memory_space<hbm>>) target_semaphore(%run_scoped3A : memref<!tpu.dma_semaphore, #tpu.memory_space<semaphore_mem>>)
      %dma_wait3A_45 = tpu.memref_slice %arg6[%mul3A_42, %mul3A_0] : memref<10240x128xf32, #tpu.memory_space<hbm>> -> memref<640x64xf32, #tpu.memory_space<hbm>>
      %dma_wait3A_46 = tpu.memref_slice %arg6[%mul3A_42, %mul3A_0] : memref<10240x128xf32, #tpu.memory_space<hbm>> -> memref<640x64xf32, #tpu.memory_space<hbm>>
      tpu.wait_dma2 semaphore(%run_scoped3A : memref<!tpu.dma_semaphore, #tpu.memory_space<semaphore_mem>>) src(%arg17 : memref<640x64xf32, #tpu.memory_space<vmem>>) dst(%dma_wait3A_46 : memref<640x64xf32, #tpu.memory_space<hbm>>)
      tpu.yield
    }) : () -> ()
    return
  }
}

module attributes {stable_mosaic.version = 14 : i64} {
  func.func @_split_body(%arg0: i32, %arg1: memref<2000x128xf32, #tpu.memory_space<vmem>>, %arg2: memref<2x2000x64xf32, #tpu.memory_space<vmem>>) attributes {dimension_semantics = [#tpu.dimension_semantics<arbitrary>], iteration_bounds = array<i64: 5>, scalar_prefetch = 0 : i64, scratch_operands = 0 : i64, tpu.core_type = #tpu.core_type<tc>, window_params = [{transform_indices = @transform_0, window_bounds = array<i64: 2000, 128>}, {transform_indices = @transform_1, window_bounds = array<i64: 2, 2000, 64>}]} {
    %get3A = arith.constant 0 : index
    %get3A_0 = arith.constant 0 : index
    %get3A_1 = vector.load %arg1[%get3A, %get3A_0] : memref<2000x128xf32, #tpu.memory_space<vmem>>, vector<2000x64xf32>
    %swap3A = arith.constant 0 : index
    %swap3A_2 = arith.constant 0 : index
    %swap3A_3 = arith.constant 0 : index
    %swap3A_4 = vector.load %arg2[%swap3A, %swap3A_2, %swap3A_3] : memref<2x2000x64xf32, #tpu.memory_space<vmem>>, vector<1x2000x64xf32>
    %swap3A_5 = vector.shape_cast %swap3A_4 : vector<1x2000x64xf32> to vector<2000x64xf32>
    %swap3A_6 = vector.shape_cast %get3A_1 : vector<2000x64xf32> to vector<1x2000x64xf32>
    tpu.vector_store %arg2[%swap3A, %swap3A_2, %swap3A_3], %swap3A_6 {strides = array<i32>} : memref<2x2000x64xf32, #tpu.memory_space<vmem>>, vector<1x2000x64xf32>,
    %get3A_7 = arith.constant 0 : index
    %get3A_8 = arith.constant 64 : index
    %get3A_9 = vector.load %arg1[%get3A_7, %get3A_8] : memref<2000x128xf32, #tpu.memory_space<vmem>>, vector<2000x64xf32>
    %swap3A_10 = arith.constant 1 : index
    %swap3A_11 = arith.constant 0 : index
    %swap3A_12 = arith.constant 0 : index
    %swap3A_13 = vector.load %arg2[%swap3A_10, %swap3A_11, %swap3A_12] : memref<2x2000x64xf32, #tpu.memory_space<vmem>>, vector<1x2000x64xf32>
    %swap3A_14 = vector.shape_cast %swap3A_13 : vector<1x2000x64xf32> to vector<2000x64xf32>
    %swap3A_15 = vector.shape_cast %get3A_9 : vector<2000x64xf32> to vector<1x2000x64xf32>
    tpu.vector_store %arg2[%swap3A_10, %swap3A_11, %swap3A_12], %swap3A_15 {strides = array<i32>} : memref<2x2000x64xf32, #tpu.memory_space<vmem>>, vector<1x2000x64xf32>,
    return
  }
  func.func @transform_0(%arg0: i32) -> (i32, i32) {
    %c0_i32 = arith.constant 0 : i32
    %c0_i32_0 = arith.constant 0 : i32
    return %arg0, %c0_i32 : i32, i32
  }
  func.func @transform_1(%arg0: i32) -> (i32, i32, i32) {
    %c0_i32 = arith.constant 0 : i32
    %c0_i32_0 = arith.constant 0 : i32
    %c0_i32_1 = arith.constant 0 : i32
    return %c0_i32, %arg0, %c0_i32_0 : i32, i32, i32
  }
}

module attributes {stable_mosaic.version = 14 : i64} {
  func.func @_extract_body(%arg0: memref<2x320000xi32, #tpu.memory_space<vmem>>, %arg1: memref<320000xi32, #tpu.memory_space<vmem>>, %arg2: memref<320000xi32, #tpu.memory_space<vmem>>) attributes {dimension_semantics = [], scalar_prefetch = 0 : i64, scratch_operands = 0 : i64, tpu.core_type = #tpu.core_type<tc>} {
    %get3A = arith.constant 0 : index
    %get3A_0 = arith.constant 0 : index
    %get3A_1 = vector.load %arg0[%get3A, %get3A_0] : memref<2x320000xi32, #tpu.memory_space<vmem>>, vector<1x320000xi32>
    %get3A_2 = vector.shape_cast %get3A_1 : vector<1x320000xi32> to vector<320000xi32>
    %swap3A = arith.constant 0 : index
    %swap3A_3 = vector.load %arg1[%swap3A] : memref<320000xi32, #tpu.memory_space<vmem>>, vector<320000xi32>
    tpu.vector_store %arg1[%swap3A], %get3A_2 {strides = array<i32>} : memref<320000xi32, #tpu.memory_space<vmem>>, vector<320000xi32>,
    %get3A_4 = arith.constant 1 : index
    %get3A_5 = arith.constant 0 : index
    %get3A_6 = vector.load %arg0[%get3A_4, %get3A_5] : memref<2x320000xi32, #tpu.memory_space<vmem>>, vector<1x320000xi32>
    %get3A_7 = vector.shape_cast %get3A_6 : vector<1x320000xi32> to vector<320000xi32>
    %swap3A_8 = arith.constant 0 : index
    %swap3A_9 = vector.load %arg2[%swap3A_8] : memref<320000xi32, #tpu.memory_space<vmem>>, vector<320000xi32>
    tpu.vector_store %arg2[%swap3A_8], %get3A_7 {strides = array<i32>} : memref<320000xi32, #tpu.memory_space<vmem>>, vector<320000xi32>,
    return
  }
}

module attributes {stable_mosaic.version = 14 : i64} {
  func.func @_ea_proj_body(%arg0: i32, %arg1: memref<16x16000xf32, #tpu.memory_space<vmem>>, %arg2: memref<16x128xf32, #tpu.memory_space<vmem>>, %arg3: memref<1x128xf32, #tpu.memory_space<vmem>>, %arg4: memref<16000x128xf32, #tpu.memory_space<vmem>>) attributes {dimension_semantics = [#tpu.dimension_semantics<arbitrary>], iteration_bounds = array<i64: 20>, scalar_prefetch = 0 : i64, scratch_operands = 0 : i64, tpu.core_type = #tpu.core_type<tc>, window_params = [{transform_indices = @transform_0, window_bounds = array<i64: 16, 16000>}, {pipeline_mode = #tpu.pipeline_mode<synchronous>, transform_indices = @transform_1, window_bounds = array<i64: 16, 128>}, {pipeline_mode = #tpu.pipeline_mode<synchronous>, transform_indices = @transform_2, window_bounds = array<i64: 1, 128>}, {transform_indices = @transform_3, window_bounds = array<i64: 16000, 128>}]} {
    %get3A = arith.constant 0 : index
    %get3A_0 = arith.constant 0 : index
    %get3A_1 = vector.load %arg1[%get3A, %get3A_0] : memref<16x16000xf32, #tpu.memory_space<vmem>>, vector<16x16000xf32>
    %get3A_2 = arith.constant 0 : index
    %get3A_3 = arith.constant 0 : index
    %get3A_4 = vector.load %arg2[%get3A_2, %get3A_3] : memref<16x128xf32, #tpu.memory_space<vmem>>, vector<16x128xf32>
    %dot_general3A = arith.constant dense<0.000000e+00> : vector<16000x128xf32>
    %dot_general3A_5 = tpu.matmul %get3A_1, %get3A_4, %dot_general3A {dimension_numbers = #tpu.dot_dimension_numbers<[0], [0], [1], [1], [0, 1, 1, 1], [], []>, transpose_lhs_hint = false} : vector<16x16000xf32>, vector<16x128xf32>, vector<16000x128xf32> -> vector<16000x128xf32>
    %get3A_6 = arith.constant 0 : index
    %get3A_7 = arith.constant 0 : index
    %get3A_8 = vector.load %arg3[%get3A_6, %get3A_7] : memref<1x128xf32, #tpu.memory_space<vmem>>, vector<1x128xf32>
    %get3A_9 = vector.shape_cast %get3A_8 : vector<1x128xf32> to vector<128xf32>
    %broadcast_in_dim3A = vector.shape_cast %get3A_9 : vector<128xf32> to vector<1x128xf32>
    %add3A = vector.broadcast %broadcast_in_dim3A : vector<1x128xf32> to vector<16000x128xf32>
    %add3A_10 = arith.addf %dot_general3A_5, %add3A : vector<16000x128xf32>
    %swap3A = arith.constant 0 : index
    %swap3A_11 = arith.constant 0 : index
    %swap3A_12 = vector.load %arg4[%swap3A, %swap3A_11] : memref<16000x128xf32, #tpu.memory_space<vmem>>, vector<16000x128xf32>
    tpu.vector_store %arg4[%swap3A, %swap3A_11], %add3A_10 {strides = array<i32>} : memref<16000x128xf32, #tpu.memory_space<vmem>>, vector<16000x128xf32>,
    return
  }
  func.func @transform_0(%arg0: i32) -> (i32, i32) {
    %c0_i32 = arith.constant 0 : i32
    %c0_i32_0 = arith.constant 0 : i32
    return %c0_i32, %arg0 : i32, i32
  }
  func.func @transform_1(%arg0: i32) -> (i32, i32) {
    %c0_i32 = arith.constant 0 : i32
    %c0_i32_0 = arith.constant 0 : i32
    %c0_i32_1 = arith.constant 0 : i32
    return %c0_i32, %c0_i32_0 : i32, i32
  }
  func.func @transform_2(%arg0: i32) -> (i32, i32) {
    %c0_i32 = arith.constant 0 : i32
    %c0_i32_0 = arith.constant 0 : i32
    %c0_i32_1 = arith.constant 0 : i32
    return %c0_i32, %c0_i32_0 : i32, i32
  }
  func.func @transform_3(%arg0: i32) -> (i32, i32) {
    %c0_i32 = arith.constant 0 : i32
    %c0_i32_0 = arith.constant 0 : i32
    return %arg0, %c0_i32 : i32, i32
  }
}

module attributes {stable_mosaic.version = 14 : i64} {
  func.func @_node_body(%arg0: i32, %arg1: memref<2000x128xf32, #tpu.memory_space<vmem>>, %arg2: memref<2000x128xf32, #tpu.memory_space<vmem>>, %arg3: memref<128x128xf32, #tpu.memory_space<vmem>>, %arg4: memref<1x128xf32, #tpu.memory_space<vmem>>, %arg5: memref<128x128xf32, #tpu.memory_space<vmem>>, %arg6: memref<1x128xf32, #tpu.memory_space<vmem>>, %arg7: memref<1x128xf32, #tpu.memory_space<vmem>>, %arg8: memref<1x128xf32, #tpu.memory_space<vmem>>, %arg9: memref<2000x128xf32, #tpu.memory_space<vmem>>, %arg10: memref<2x2000x64xf32, #tpu.memory_space<vmem>>) attributes {dimension_semantics = [#tpu.dimension_semantics<arbitrary>], iteration_bounds = array<i64: 5>, scalar_prefetch = 0 : i64, scratch_operands = 0 : i64, tpu.core_type = #tpu.core_type<tc>, window_params = [{transform_indices = @transform_0, window_bounds = array<i64: 2000, 128>}, {transform_indices = @transform_1, window_bounds = array<i64: 2000, 128>}, {pipeline_mode = #tpu.pipeline_mode<synchronous>, transform_indices = @transform_2, window_bounds = array<i64: 128, 128>}, {pipeline_mode = #tpu.pipeline_mode<synchronous>, transform_indices = @transform_3, window_bounds = array<i64: 1, 128>}, {pipeline_mode = #tpu.pipeline_mode<synchronous>, transform_indices = @transform_4, window_bounds = array<i64: 128, 128>}, {pipeline_mode = #tpu.pipeline_mode<synchronous>, transform_indices = @transform_5, window_bounds = array<i64: 1, 128>}, {pipeline_mode = #tpu.pipeline_mode<synchronous>, transform_indices = @transform_6, window_bounds = array<i64: 1, 128>}, {pipeline_mode = #tpu.pipeline_mode<synchronous>, transform_indices = @transform_7, window_bounds = array<i64: 1, 128>}, {transform_indices = @transform_8, window_bounds = array<i64: 2000, 128>}, {transform_indices = @transform_9, window_bounds = array<i64: 2, 2000, 64>}]} {
    %get3A = arith.constant 0 : index
    %get3A_0 = arith.constant 0 : index
    %get3A_1 = vector.load %arg1[%get3A, %get3A_0] : memref<2000x128xf32, #tpu.memory_space<vmem>>, vector<2000x128xf32>
    %get3A_2 = arith.constant 0 : index
    %get3A_3 = arith.constant 0 : index
    %get3A_4 = vector.load %arg2[%get3A_2, %get3A_3] : memref<2000x128xf32, #tpu.memory_space<vmem>>, vector<2000x128xf32>
    %add3A = arith.addf %get3A_1, %get3A_4 : vector<2000x128xf32>
    %get3A_5 = arith.constant 0 : index
    %get3A_6 = arith.constant 0 : index
    %get3A_7 = vector.load %arg3[%get3A_5, %get3A_6] : memref<128x128xf32, #tpu.memory_space<vmem>>, vector<128x128xf32>
    %dot_general3A = arith.constant dense<0.000000e+00> : vector<2000x128xf32>
    %dot_general3A_8 = tpu.matmul %add3A, %get3A_7, %dot_general3A {dimension_numbers = #tpu.dot_dimension_numbers<[1], [0], [0], [1], [0, 0, 1, 1], [], []>, transpose_lhs_hint = false} : vector<2000x128xf32>, vector<128x128xf32>, vector<2000x128xf32> -> vector<2000x128xf32>
    %get3A_9 = arith.constant 0 : index
    %get3A_10 = arith.constant 0 : index
    %get3A_11 = vector.load %arg4[%get3A_9, %get3A_10] : memref<1x128xf32, #tpu.memory_space<vmem>>, vector<1x128xf32>
    %get3A_12 = vector.shape_cast %get3A_11 : vector<1x128xf32> to vector<128xf32>
    %broadcast_in_dim3A = vector.shape_cast %get3A_12 : vector<128xf32> to vector<1x128xf32>
    %add3A_13 = vector.broadcast %broadcast_in_dim3A : vector<1x128xf32> to vector<2000x128xf32>
    %add3A_14 = arith.addf %dot_general3A_8, %add3A_13 : vector<2000x128xf32>
    %logistic3A = arith.negf %add3A_14 : vector<2000x128xf32>
    %logistic3A_15 = math.exp %logistic3A : vector<2000x128xf32>
    %logistic3A_16 = arith.constant 1.000000e+00 : f32
    %logistic3A_17 = vector.broadcast %logistic3A_16 : f32 to vector<2000x128xf32>
    %logistic3A_18 = arith.addf %logistic3A_17, %logistic3A_15 : vector<2000x128xf32>
    %logistic3A_19 = arith.divf %logistic3A_17, %logistic3A_18 : vector<2000x128xf32>
    %mul3A = arith.mulf %add3A_14, %logistic3A_19 : vector<2000x128xf32>
    %get3A_20 = arith.constant 0 : index
    %get3A_21 = arith.constant 0 : index
    %get3A_22 = vector.load %arg5[%get3A_20, %get3A_21] : memref<128x128xf32, #tpu.memory_space<vmem>>, vector<128x128xf32>
    %dot_general3A_23 = arith.constant dense<0.000000e+00> : vector<2000x128xf32>
    %dot_general3A_24 = tpu.matmul %mul3A, %get3A_22, %dot_general3A_23 {dimension_numbers = #tpu.dot_dimension_numbers<[1], [0], [0], [1], [0, 0, 1, 1], [], []>, transpose_lhs_hint = false} : vector<2000x128xf32>, vector<128x128xf32>, vector<2000x128xf32> -> vector<2000x128xf32>
    %get3A_25 = arith.constant 0 : index
    %get3A_26 = arith.constant 0 : index
    %get3A_27 = vector.load %arg6[%get3A_25, %get3A_26] : memref<1x128xf32, #tpu.memory_space<vmem>>, vector<1x128xf32>
    %get3A_28 = vector.shape_cast %get3A_27 : vector<1x128xf32> to vector<128xf32>
    %broadcast_in_dim3A_29 = vector.shape_cast %get3A_28 : vector<128xf32> to vector<1x128xf32>
    %add3A_30 = vector.broadcast %broadcast_in_dim3A_29 : vector<1x128xf32> to vector<2000x128xf32>
    %add3A_31 = arith.addf %dot_general3A_24, %add3A_30 : vector<2000x128xf32>
    %add3A_32 = arith.addf %get3A_1, %add3A_31 : vector<2000x128xf32>
    %reduce_sum3A = arith.constant dense<0.000000e+00> : vector<2000xf32>
    %reduce_sum3A_33 = vector.multi_reduction <add>, %add3A_32, %reduce_sum3A [1] : vector<2000x128xf32> to vector<2000xf32>
    %broadcast_in_dim3A_34 = vector.shape_cast %reduce_sum3A_33 : vector<2000xf32> to vector<2000x1xf32>
    %div3A = arith.constant 1.280000e+02 : f32
    %div3A_35 = vector.broadcast %div3A : f32 to vector<2000x1xf32>
    %div3A_36 = arith.divf %broadcast_in_dim3A_34, %div3A_35 : vector<2000x1xf32>
    %sub3A = vector.broadcast %div3A_36 : vector<2000x1xf32> to vector<2000x128xf32>
    %sub3A_37 = arith.subf %add3A_32, %sub3A : vector<2000x128xf32>
    %integer_pow3A = arith.mulf %sub3A_37, %sub3A_37 : vector<2000x128xf32>
    %reduce_sum3A_38 = arith.constant dense<0.000000e+00> : vector<2000xf32>
    %reduce_sum3A_39 = vector.multi_reduction <add>, %integer_pow3A, %reduce_sum3A_38 [1] : vector<2000x128xf32> to vector<2000xf32>
    %broadcast_in_dim3A_40 = vector.shape_cast %reduce_sum3A_39 : vector<2000xf32> to vector<2000x1xf32>
    %div3A_41 = arith.constant 1.280000e+02 : f32
    %div3A_42 = vector.broadcast %div3A_41 : f32 to vector<2000x1xf32>
    %div3A_43 = arith.divf %broadcast_in_dim3A_40, %div3A_42 : vector<2000x1xf32>
    %sub3A_44 = vector.broadcast %div3A_36 : vector<2000x1xf32> to vector<2000x128xf32>
    %sub3A_45 = arith.subf %add3A_32, %sub3A_44 : vector<2000x128xf32>
    %add3A_46 = arith.constant 9.99999974E-6 : f32
    %add3A_47 = vector.broadcast %add3A_46 : f32 to vector<2000x1xf32>
    %add3A_48 = arith.addf %div3A_43, %add3A_47 : vector<2000x1xf32>
    %rsqrt3A = math.rsqrt %add3A_48 : vector<2000x1xf32>
    %mul3A_49 = vector.broadcast %rsqrt3A : vector<2000x1xf32> to vector<2000x128xf32>
    %mul3A_50 = arith.mulf %sub3A_45, %mul3A_49 : vector<2000x128xf32>
    %get3A_51 = arith.constant 0 : index
    %get3A_52 = arith.constant 0 : index
    %get3A_53 = vector.load %arg7[%get3A_51, %get3A_52] : memref<1x128xf32, #tpu.memory_space<vmem>>, vector<1x128xf32>
    %get3A_54 = vector.shape_cast %get3A_53 : vector<1x128xf32> to vector<128xf32>
    %broadcast_in_dim3A_55 = vector.shape_cast %get3A_54 : vector<128xf32> to vector<1x128xf32>
    %mul3A_56 = vector.broadcast %broadcast_in_dim3A_55 : vector<1x128xf32> to vector<2000x128xf32>
    %mul3A_57 = arith.mulf %mul3A_50, %mul3A_56 : vector<2000x128xf32>
    %get3A_58 = arith.constant 0 : index
    %get3A_59 = arith.constant 0 : index
    %get3A_60 = vector.load %arg8[%get3A_58, %get3A_59] : memref<1x128xf32, #tpu.memory_space<vmem>>, vector<1x128xf32>
    %get3A_61 = vector.shape_cast %get3A_60 : vector<1x128xf32> to vector<128xf32>
    %broadcast_in_dim3A_62 = vector.shape_cast %get3A_61 : vector<128xf32> to vector<1x128xf32>
    %add3A_63 = vector.broadcast %broadcast_in_dim3A_62 : vector<1x128xf32> to vector<2000x128xf32>
    %add3A_64 = arith.addf %mul3A_57, %add3A_63 : vector<2000x128xf32>
    %logistic3A_65 = arith.negf %add3A_64 : vector<2000x128xf32>
    %logistic3A_66 = math.exp %logistic3A_65 : vector<2000x128xf32>
    %logistic3A_67 = arith.constant 1.000000e+00 : f32
    %logistic3A_68 = vector.broadcast %logistic3A_67 : f32 to vector<2000x128xf32>
    %logistic3A_69 = arith.addf %logistic3A_68, %logistic3A_66 : vector<2000x128xf32>
    %logistic3A_70 = arith.divf %logistic3A_68, %logistic3A_69 : vector<2000x128xf32>
    %mul3A_71 = arith.mulf %add3A_64, %logistic3A_70 : vector<2000x128xf32>
    %swap3A = arith.constant 0 : index
    %swap3A_72 = arith.constant 0 : index
    %swap3A_73 = vector.load %arg9[%swap3A, %swap3A_72] : memref<2000x128xf32, #tpu.memory_space<vmem>>, vector<2000x128xf32>
    tpu.vector_store %arg9[%swap3A, %swap3A_72], %mul3A_71 {strides = array<i32>} : memref<2000x128xf32, #tpu.memory_space<vmem>>, vector<2000x128xf32>,
    %slice3A = vector.extract_strided_slice %mul3A_71 {offsets = [0, 0], sizes = [2000, 64], strides = [1, 1]} : vector<2000x128xf32> to vector<2000x64xf32>
    %swap3A_74 = arith.constant 0 : index
    %swap3A_75 = arith.constant 0 : index
    %swap3A_76 = arith.constant 0 : index
    %swap3A_77 = vector.load %arg10[%swap3A_74, %swap3A_75, %swap3A_76] : memref<2x2000x64xf32, #tpu.memory_space<vmem>>, vector<1x2000x64xf32>
    %swap3A_78 = vector.shape_cast %swap3A_77 : vector<1x2000x64xf32> to vector<2000x64xf32>
    %swap3A_79 = vector.shape_cast %slice3A : vector<2000x64xf32> to vector<1x2000x64xf32>
    tpu.vector_store %arg10[%swap3A_74, %swap3A_75, %swap3A_76], %swap3A_79 {strides = array<i32>} : memref<2x2000x64xf32, #tpu.memory_space<vmem>>, vector<1x2000x64xf32>,
    %slice3A_80 = vector.extract_strided_slice %mul3A_71 {offsets = [0, 64], sizes = [2000, 64], strides = [1, 1]} : vector<2000x128xf32> to vector<2000x64xf32>
    %swap3A_81 = arith.constant 1 : index
    %swap3A_82 = arith.constant 0 : index
    %swap3A_83 = arith.constant 0 : index
    %swap3A_84 = vector.load %arg10[%swap3A_81, %swap3A_82, %swap3A_83] : memref<2x2000x64xf32, #tpu.memory_space<vmem>>, vector<1x2000x64xf32>
    %swap3A_85 = vector.shape_cast %swap3A_84 : vector<1x2000x64xf32> to vector<2000x64xf32>
    %swap3A_86 = vector.shape_cast %slice3A_80 : vector<2000x64xf32> to vector<1x2000x64xf32>
    tpu.vector_store %arg10[%swap3A_81, %swap3A_82, %swap3A_83], %swap3A_86 {strides = array<i32>} : memref<2x2000x64xf32, #tpu.memory_space<vmem>>, vector<1x2000x64xf32>,
    return
  }
  func.func @transform_0(%arg0: i32) -> (i32, i32) {
    %c0_i32 = arith.constant 0 : i32
    %c0_i32_0 = arith.constant 0 : i32
    return %arg0, %c0_i32 : i32, i32
  }
  func.func @transform_1(%arg0: i32) -> (i32, i32) {
    %c0_i32 = arith.constant 0 : i32
    %c0_i32_0 = arith.constant 0 : i32
    return %arg0, %c0_i32 : i32, i32
  }
  func.func @transform_2(%arg0: i32) -> (i32, i32) {
    %c0_i32 = arith.constant 0 : i32
    %c0_i32_0 = arith.constant 0 : i32
    %c0_i32_1 = arith.constant 0 : i32
    return %c0_i32, %c0_i32_0 : i32, i32
  }
  func.func @transform_3(%arg0: i32) -> (i32, i32) {
    %c0_i32 = arith.constant 0 : i32
    %c0_i32_0 = arith.constant 0 : i32
    %c0_i32_1 = arith.constant 0 : i32
    return %c0_i32, %c0_i32_0 : i32, i32
  }
  func.func @transform_4(%arg0: i32) -> (i32, i32) {
    %c0_i32 = arith.constant 0 : i32
    %c0_i32_0 = arith.constant 0 : i32
    %c0_i32_1 = arith.constant 0 : i32
    return %c0_i32, %c0_i32_0 : i32, i32
  }
  func.func @transform_5(%arg0: i32) -> (i32, i32) {
    %c0_i32 = arith.constant 0 : i32
    %c0_i32_0 = arith.constant 0 : i32
    %c0_i32_1 = arith.constant 0 : i32
    return %c0_i32, %c0_i32_0 : i32, i32
  }
  func.func @transform_6(%arg0: i32) -> (i32, i32) {
    %c0_i32 = arith.constant 0 : i32
    %c0_i32_0 = arith.constant 0 : i32
    %c0_i32_1 = arith.constant 0 : i32
    return %c0_i32, %c0_i32_0 : i32, i32
  }
  func.func @transform_7(%arg0: i32) -> (i32, i32) {
    %c0_i32 = arith.constant 0 : i32
    %c0_i32_0 = arith.constant 0 : i32
    %c0_i32_1 = arith.constant 0 : i32
    return %c0_i32, %c0_i32_0 : i32, i32
  }
  func.func @transform_8(%arg0: i32) -> (i32, i32) {
    %c0_i32 = arith.constant 0 : i32
    %c0_i32_0 = arith.constant 0 : i32
    return %arg0, %c0_i32 : i32, i32
  }
  func.func @transform_9(%arg0: i32) -> (i32, i32, i32) {
    %c0_i32 = arith.constant 0 : i32
    %c0_i32_0 = arith.constant 0 : i32
    %c0_i32_1 = arith.constant 0 : i32
    return %c0_i32, %arg0, %c0_i32_0 : i32, i32, i32
  }
}

module attributes {stable_mosaic.version = 14 : i64} {
  func.func @_node_body(%arg0: i32, %arg1: memref<2000x128xf32, #tpu.memory_space<vmem>>, %arg2: memref<2000x128xf32, #tpu.memory_space<vmem>>, %arg3: memref<128x128xf32, #tpu.memory_space<vmem>>, %arg4: memref<1x128xf32, #tpu.memory_space<vmem>>, %arg5: memref<128x128xf32, #tpu.memory_space<vmem>>, %arg6: memref<1x128xf32, #tpu.memory_space<vmem>>, %arg7: memref<1x128xf32, #tpu.memory_space<vmem>>, %arg8: memref<1x128xf32, #tpu.memory_space<vmem>>, %arg9: memref<2000x128xf32, #tpu.memory_space<vmem>>, %arg10: memref<2x2000x64xf32, #tpu.memory_space<vmem>>) attributes {dimension_semantics = [#tpu.dimension_semantics<arbitrary>], iteration_bounds = array<i64: 5>, scalar_prefetch = 0 : i64, scratch_operands = 0 : i64, tpu.core_type = #tpu.core_type<tc>, window_params = [{transform_indices = @transform_0, window_bounds = array<i64: 2000, 128>}, {transform_indices = @transform_1, window_bounds = array<i64: 2000, 128>}, {pipeline_mode = #tpu.pipeline_mode<synchronous>, transform_indices = @transform_2, window_bounds = array<i64: 128, 128>}, {pipeline_mode = #tpu.pipeline_mode<synchronous>, transform_indices = @transform_3, window_bounds = array<i64: 1, 128>}, {pipeline_mode = #tpu.pipeline_mode<synchronous>, transform_indices = @transform_4, window_bounds = array<i64: 128, 128>}, {pipeline_mode = #tpu.pipeline_mode<synchronous>, transform_indices = @transform_5, window_bounds = array<i64: 1, 128>}, {pipeline_mode = #tpu.pipeline_mode<synchronous>, transform_indices = @transform_6, window_bounds = array<i64: 1, 128>}, {pipeline_mode = #tpu.pipeline_mode<synchronous>, transform_indices = @transform_7, window_bounds = array<i64: 1, 128>}, {transform_indices = @transform_8, window_bounds = array<i64: 2000, 128>}, {transform_indices = @transform_9, window_bounds = array<i64: 2, 2000, 64>}]} {
    %get3A = arith.constant 0 : index
    %get3A_0 = arith.constant 0 : index
    %get3A_1 = vector.load %arg1[%get3A, %get3A_0] : memref<2000x128xf32, #tpu.memory_space<vmem>>, vector<2000x128xf32>
    %get3A_2 = arith.constant 0 : index
    %get3A_3 = arith.constant 0 : index
    %get3A_4 = vector.load %arg2[%get3A_2, %get3A_3] : memref<2000x128xf32, #tpu.memory_space<vmem>>, vector<2000x128xf32>
    %add3A = arith.addf %get3A_1, %get3A_4 : vector<2000x128xf32>
    %get3A_5 = arith.constant 0 : index
    %get3A_6 = arith.constant 0 : index
    %get3A_7 = vector.load %arg3[%get3A_5, %get3A_6] : memref<128x128xf32, #tpu.memory_space<vmem>>, vector<128x128xf32>
    %dot_general3A = arith.constant dense<0.000000e+00> : vector<2000x128xf32>
    %dot_general3A_8 = tpu.matmul %add3A, %get3A_7, %dot_general3A {dimension_numbers = #tpu.dot_dimension_numbers<[1], [0], [0], [1], [0, 0, 1, 1], [], []>, transpose_lhs_hint = false} : vector<2000x128xf32>, vector<128x128xf32>, vector<2000x128xf32> -> vector<2000x128xf32>
    %get3A_9 = arith.constant 0 : index
    %get3A_10 = arith.constant 0 : index
    %get3A_11 = vector.load %arg4[%get3A_9, %get3A_10] : memref<1x128xf32, #tpu.memory_space<vmem>>, vector<1x128xf32>
    %get3A_12 = vector.shape_cast %get3A_11 : vector<1x128xf32> to vector<128xf32>
    %broadcast_in_dim3A = vector.shape_cast %get3A_12 : vector<128xf32> to vector<1x128xf32>
    %add3A_13 = vector.broadcast %broadcast_in_dim3A : vector<1x128xf32> to vector<2000x128xf32>
    %add3A_14 = arith.addf %dot_general3A_8, %add3A_13 : vector<2000x128xf32>
    %logistic3A = arith.negf %add3A_14 : vector<2000x128xf32>
    %logistic3A_15 = math.exp %logistic3A : vector<2000x128xf32>
    %logistic3A_16 = arith.constant 1.000000e+00 : f32
    %logistic3A_17 = vector.broadcast %logistic3A_16 : f32 to vector<2000x128xf32>
    %logistic3A_18 = arith.addf %logistic3A_17, %logistic3A_15 : vector<2000x128xf32>
    %logistic3A_19 = arith.divf %logistic3A_17, %logistic3A_18 : vector<2000x128xf32>
    %mul3A = arith.mulf %add3A_14, %logistic3A_19 : vector<2000x128xf32>
    %get3A_20 = arith.constant 0 : index
    %get3A_21 = arith.constant 0 : index
    %get3A_22 = vector.load %arg5[%get3A_20, %get3A_21] : memref<128x128xf32, #tpu.memory_space<vmem>>, vector<128x128xf32>
    %dot_general3A_23 = arith.constant dense<0.000000e+00> : vector<2000x128xf32>
    %dot_general3A_24 = tpu.matmul %mul3A, %get3A_22, %dot_general3A_23 {dimension_numbers = #tpu.dot_dimension_numbers<[1], [0], [0], [1], [0, 0, 1, 1], [], []>, transpose_lhs_hint = false} : vector<2000x128xf32>, vector<128x128xf32>, vector<2000x128xf32> -> vector<2000x128xf32>
    %get3A_25 = arith.constant 0 : index
    %get3A_26 = arith.constant 0 : index
    %get3A_27 = vector.load %arg6[%get3A_25, %get3A_26] : memref<1x128xf32, #tpu.memory_space<vmem>>, vector<1x128xf32>
    %get3A_28 = vector.shape_cast %get3A_27 : vector<1x128xf32> to vector<128xf32>
    %broadcast_in_dim3A_29 = vector.shape_cast %get3A_28 : vector<128xf32> to vector<1x128xf32>
    %add3A_30 = vector.broadcast %broadcast_in_dim3A_29 : vector<1x128xf32> to vector<2000x128xf32>
    %add3A_31 = arith.addf %dot_general3A_24, %add3A_30 : vector<2000x128xf32>
    %add3A_32 = arith.addf %get3A_1, %add3A_31 : vector<2000x128xf32>
    %reduce_sum3A = arith.constant dense<0.000000e+00> : vector<2000xf32>
    %reduce_sum3A_33 = vector.multi_reduction <add>, %add3A_32, %reduce_sum3A [1] : vector<2000x128xf32> to vector<2000xf32>
    %broadcast_in_dim3A_34 = vector.shape_cast %reduce_sum3A_33 : vector<2000xf32> to vector<2000x1xf32>
    %div3A = arith.constant 1.280000e+02 : f32
    %div3A_35 = vector.broadcast %div3A : f32 to vector<2000x1xf32>
    %div3A_36 = arith.divf %broadcast_in_dim3A_34, %div3A_35 : vector<2000x1xf32>
    %sub3A = vector.broadcast %div3A_36 : vector<2000x1xf32> to vector<2000x128xf32>
    %sub3A_37 = arith.subf %add3A_32, %sub3A : vector<2000x128xf32>
    %integer_pow3A = arith.mulf %sub3A_37, %sub3A_37 : vector<2000x128xf32>
    %reduce_sum3A_38 = arith.constant dense<0.000000e+00> : vector<2000xf32>
    %reduce_sum3A_39 = vector.multi_reduction <add>, %integer_pow3A, %reduce_sum3A_38 [1] : vector<2000x128xf32> to vector<2000xf32>
    %broadcast_in_dim3A_40 = vector.shape_cast %reduce_sum3A_39 : vector<2000xf32> to vector<2000x1xf32>
    %div3A_41 = arith.constant 1.280000e+02 : f32
    %div3A_42 = vector.broadcast %div3A_41 : f32 to vector<2000x1xf32>
    %div3A_43 = arith.divf %broadcast_in_dim3A_40, %div3A_42 : vector<2000x1xf32>
    %sub3A_44 = vector.broadcast %div3A_36 : vector<2000x1xf32> to vector<2000x128xf32>
    %sub3A_45 = arith.subf %add3A_32, %sub3A_44 : vector<2000x128xf32>
    %add3A_46 = arith.constant 9.99999974E-6 : f32
    %add3A_47 = vector.broadcast %add3A_46 : f32 to vector<2000x1xf32>
    %add3A_48 = arith.addf %div3A_43, %add3A_47 : vector<2000x1xf32>
    %rsqrt3A = math.rsqrt %add3A_48 : vector<2000x1xf32>
    %mul3A_49 = vector.broadcast %rsqrt3A : vector<2000x1xf32> to vector<2000x128xf32>
    %mul3A_50 = arith.mulf %sub3A_45, %mul3A_49 : vector<2000x128xf32>
    %get3A_51 = arith.constant 0 : index
    %get3A_52 = arith.constant 0 : index
    %get3A_53 = vector.load %arg7[%get3A_51, %get3A_52] : memref<1x128xf32, #tpu.memory_space<vmem>>, vector<1x128xf32>
    %get3A_54 = vector.shape_cast %get3A_53 : vector<1x128xf32> to vector<128xf32>
    %broadcast_in_dim3A_55 = vector.shape_cast %get3A_54 : vector<128xf32> to vector<1x128xf32>
    %mul3A_56 = vector.broadcast %broadcast_in_dim3A_55 : vector<1x128xf32> to vector<2000x128xf32>
    %mul3A_57 = arith.mulf %mul3A_50, %mul3A_56 : vector<2000x128xf32>
    %get3A_58 = arith.constant 0 : index
    %get3A_59 = arith.constant 0 : index
    %get3A_60 = vector.load %arg8[%get3A_58, %get3A_59] : memref<1x128xf32, #tpu.memory_space<vmem>>, vector<1x128xf32>
    %get3A_61 = vector.shape_cast %get3A_60 : vector<1x128xf32> to vector<128xf32>
    %broadcast_in_dim3A_62 = vector.shape_cast %get3A_61 : vector<128xf32> to vector<1x128xf32>
    %add3A_63 = vector.broadcast %broadcast_in_dim3A_62 : vector<1x128xf32> to vector<2000x128xf32>
    %add3A_64 = arith.addf %mul3A_57, %add3A_63 : vector<2000x128xf32>
    %logistic3A_65 = arith.negf %add3A_64 : vector<2000x128xf32>
    %logistic3A_66 = math.exp %logistic3A_65 : vector<2000x128xf32>
    %logistic3A_67 = arith.constant 1.000000e+00 : f32
    %logistic3A_68 = vector.broadcast %logistic3A_67 : f32 to vector<2000x128xf32>
    %logistic3A_69 = arith.addf %logistic3A_68, %logistic3A_66 : vector<2000x128xf32>
    %logistic3A_70 = arith.divf %logistic3A_68, %logistic3A_69 : vector<2000x128xf32>
    %mul3A_71 = arith.mulf %add3A_64, %logistic3A_70 : vector<2000x128xf32>
    %swap3A = arith.constant 0 : index
    %swap3A_72 = arith.constant 0 : index
    %swap3A_73 = vector.load %arg9[%swap3A, %swap3A_72] : memref<2000x128xf32, #tpu.memory_space<vmem>>, vector<2000x128xf32>
    tpu.vector_store %arg9[%swap3A, %swap3A_72], %mul3A_71 {strides = array<i32>} : memref<2000x128xf32, #tpu.memory_space<vmem>>, vector<2000x128xf32>,
    %slice3A = vector.extract_strided_slice %mul3A_71 {offsets = [0, 0], sizes = [2000, 64], strides = [1, 1]} : vector<2000x128xf32> to vector<2000x64xf32>
    %swap3A_74 = arith.constant 0 : index
    %swap3A_75 = arith.constant 0 : index
    %swap3A_76 = arith.constant 0 : index
    %swap3A_77 = vector.load %arg10[%swap3A_74, %swap3A_75, %swap3A_76] : memref<2x2000x64xf32, #tpu.memory_space<vmem>>, vector<1x2000x64xf32>
    %swap3A_78 = vector.shape_cast %swap3A_77 : vector<1x2000x64xf32> to vector<2000x64xf32>
    %swap3A_79 = vector.shape_cast %slice3A : vector<2000x64xf32> to vector<1x2000x64xf32>
    tpu.vector_store %arg10[%swap3A_74, %swap3A_75, %swap3A_76], %swap3A_79 {strides = array<i32>} : memref<2x2000x64xf32, #tpu.memory_space<vmem>>, vector<1x2000x64xf32>,
    %slice3A_80 = vector.extract_strided_slice %mul3A_71 {offsets = [0, 64], sizes = [2000, 64], strides = [1, 1]} : vector<2000x128xf32> to vector<2000x64xf32>
    %swap3A_81 = arith.constant 1 : index
    %swap3A_82 = arith.constant 0 : index
    %swap3A_83 = arith.constant 0 : index
    %swap3A_84 = vector.load %arg10[%swap3A_81, %swap3A_82, %swap3A_83] : memref<2x2000x64xf32, #tpu.memory_space<vmem>>, vector<1x2000x64xf32>
    %swap3A_85 = vector.shape_cast %swap3A_84 : vector<1x2000x64xf32> to vector<2000x64xf32>
    %swap3A_86 = vector.shape_cast %slice3A_80 : vector<2000x64xf32> to vector<1x2000x64xf32>
    tpu.vector_store %arg10[%swap3A_81, %swap3A_82, %swap3A_83], %swap3A_86 {strides = array<i32>} : memref<2x2000x64xf32, #tpu.memory_space<vmem>>, vector<1x2000x64xf32>,
    return
  }
  func.func @transform_0(%arg0: i32) -> (i32, i32) {
    %c0_i32 = arith.constant 0 : i32
    %c0_i32_0 = arith.constant 0 : i32
    return %arg0, %c0_i32 : i32, i32
  }
  func.func @transform_1(%arg0: i32) -> (i32, i32) {
    %c0_i32 = arith.constant 0 : i32
    %c0_i32_0 = arith.constant 0 : i32
    return %arg0, %c0_i32 : i32, i32
  }
  func.func @transform_2(%arg0: i32) -> (i32, i32) {
    %c0_i32 = arith.constant 0 : i32
    %c0_i32_0 = arith.constant 0 : i32
    %c0_i32_1 = arith.constant 0 : i32
    return %c0_i32, %c0_i32_0 : i32, i32
  }
  func.func @transform_3(%arg0: i32) -> (i32, i32) {
    %c0_i32 = arith.constant 0 : i32
    %c0_i32_0 = arith.constant 0 : i32
    %c0_i32_1 = arith.constant 0 : i32
    return %c0_i32, %c0_i32_0 : i32, i32
  }
  func.func @transform_4(%arg0: i32) -> (i32, i32) {
    %c0_i32 = arith.constant 0 : i32
    %c0_i32_0 = arith.constant 0 : i32
    %c0_i32_1 = arith.constant 0 : i32
    return %c0_i32, %c0_i32_0 : i32, i32
  }
  func.func @transform_5(%arg0: i32) -> (i32, i32) {
    %c0_i32 = arith.constant 0 : i32
    %c0_i32_0 = arith.constant 0 : i32
    %c0_i32_1 = arith.constant 0 : i32
    return %c0_i32, %c0_i32_0 : i32, i32
  }
  func.func @transform_6(%arg0: i32) -> (i32, i32) {
    %c0_i32 = arith.constant 0 : i32
    %c0_i32_0 = arith.constant 0 : i32
    %c0_i32_1 = arith.constant 0 : i32
    return %c0_i32, %c0_i32_0 : i32, i32
  }
  func.func @transform_7(%arg0: i32) -> (i32, i32) {
    %c0_i32 = arith.constant 0 : i32
    %c0_i32_0 = arith.constant 0 : i32
    %c0_i32_1 = arith.constant 0 : i32
    return %c0_i32, %c0_i32_0 : i32, i32
  }
  func.func @transform_8(%arg0: i32) -> (i32, i32) {
    %c0_i32 = arith.constant 0 : i32
    %c0_i32_0 = arith.constant 0 : i32
    return %arg0, %c0_i32 : i32, i32
  }
  func.func @transform_9(%arg0: i32) -> (i32, i32, i32) {
    %c0_i32 = arith.constant 0 : i32
    %c0_i32_0 = arith.constant 0 : i32
    %c0_i32_1 = arith.constant 0 : i32
    return %c0_i32, %arg0, %c0_i32_0 : i32, i32, i32
  }
}

</mosaic_0001>

<sc_bundles>
// kernel: kernel.13.cloned.1.call-start
scs
__scs_entry_jumppad:
0x0: {  	(pc) =	sbr.rel $0x88, $3  }
0x1: {  	(tag) =	ssettag $0x0;
	lr =	simm.s32 $0x1  }
0x2: {  	[smem:$0x3F96] =	sst lr;
	_ =	strace $0xD0000000  }
0x3: {  	_ = 	snop  }
0x4: {  	_ = 	snop  }
0x5: {  	_ = 	snop  }
0x6: {  	_ = 	snop  }
0x7: {  	_ = 	snop  }
__scs_overlays_trampoline_lowered:
0x8: {  	[smem:$0x3FA5] =	sst s0  }
0x9: {  	[smem:$0x3FA6] =	sst s1  }
0xa: {  	[smem:$0x3FA7] =	sst s2  }
0xb: {  	[smem:$0x3FA8] =	sst s3  }
0xc: {  	[smem:$0x3FA9] =	sst s4  }
0xd: {  	[smem:$0x3FAA] =	sst s5  }
0xe: {  	[smem:$0x3FAB] =	sst s6  }
0xf: {  	[smem:$0x3FAC] =	sst s7  }
0x10: {  	[smem:$0x3FAD] =	sst s8  }
0x11: {  	[smem:$0x3FAE] =	sst s9;
	s0 =	simm.s32 @!p0 $0x0  }
0x12: {  	s1 =	sld [smem:$0x3F94];
	s0 =	simm.s32 @p0 $0x1  }
0x13: {  	[smem:$0x3FAF] =	sst s0;
	s0 =	simm.s32 @!p1 $0x0  }
0x14: {  	s2 =	sld [smem:$0x3F93];
	s0 =	simm.s32 @p1 $0x1  }
0x15: {  	[smem:$0x3FB0] =	sst s0;
	s0 =	simm.s32 @!p2 $0x0  }
0x16: {  	s3 =	sld [smem:$0x3FDB];
	s0 =	simm.s32 @p2 $0x1  }
0x17: {  	s4 =	simm.s32 $0x1BF5;
	[smem:$0x3FB2] =	sst s0  }
0x18: {  	s0 =	sld [smem:$0x3F95];
	_ =	swait.ge [sflag:s4], $0x0  }
0x19: {  	s7 =	sld [smem:$0x3F96]  }
0x1a: {  	s8 =	sadd.s32 $0xFFFFE003, lr  }
0x1b: {  	s9 =	sadd.s32 $0xFFFFFEF7, lr;
	s5 =	simm.s32 $0xFFFFFFFF;
	p2 =	slt.u32 s8, $0xFFFFF086  }
0x1c: {  	p1 =	slt.u32 s9, $0xF7A;
	s5 =	simm.s32 @!p2 $0x0  }
0x1d: {  	s5 =	simm.s32 @p1 $0x1;
	p0 =	seq.s32 s7, s2  }
0x1e: {  	s7 =	smul.u32 @!p0 $0xF7A, s2;
	p2 =	seq.s32 @!p0 s5, $0x0  }
0x1f: {  	s9 =	smul.u32 $0xF7A, s1;
	s8 =	simm.s32 @!p0 $0x1BF5;
	p2 =	por !p2, p0  }
0x20: {  	[sflag:s8] =	ssyncset.s32 @!p0 $0xFFFFF086;
	s6 =	sadd.s32 @!p0 s3, s7;
	s7 =	simm.s32 @!p0 $0x108  }
0x21: {  	s3 =	sadd.s32 s3, s9;
	s6 =	sadd.s32 @!p0 $0x88, s6;
	s7 =	simm.s32 @p2 $0x1082  }
0x22: {  	[simem:s7], [sflag:s8] =	dma.local @!p0 [hbm:s6], $0xF7A  }
0x23: {  	s9 =	sor.u32 $0xD0000000, s2;
	s6 =	simm.s32 $0x108;
	_ =	swait.ge @!p0 [sflag:s8], $0x0  }
0x24: {  	s3 =	sadd.s32 $0x88, s3;
	s6 =	simm.s32 @!p1 $0x1082;
	[sflag:s4] =	ssyncset.s32 $0xFFFFF086  }
0x25: {  	[simem:s6], [sflag:s4] =	dma.local [hbm:s3], $0xF7A  }
0x26: {  	[smem:$0x3F96] =	sst s1;
	(tag) =	ssettag s2;
	_ =	strace s9  }
0x27: {  	s1 =	sld [smem:$0x3FA6]  }
0x28: {  	s2 =	sld [smem:$0x3FA7]  }
0x29: {  	s4 =	sld [smem:$0x3FA9]  }
0x2a: {  	p0 =	seq.s32 s5, $0x0;
	s5 =	sld [smem:$0x3FAA]  }
0x2b: {  	s6 =	sld [smem:$0x3FAB]  }
0x2c: {  	s7 =	sld [smem:$0x3FAC]  }
0x2d: {  	s3 =	simm.s32 $0x108;
	s8 =	sld [smem:$0x3FAD]  }
0x2e: {  	s3 =	simm.s32 @!p0 $0x1082;
	s9 =	sld [smem:$0x3FAE]  }
0x2f: {  	lr =	sadd.s32 s0, s3;
	s0 =	sld [smem:$0x3FA5]  }
0x30: {  	s3 =	sld [smem:$0x3FA8]  }
0x31: {  	[smem:$0x3FB1] =	sst s10  }
0x32: {  	s10 =	sld [smem:$0x3FAF];
	_ =	sdelay $0x3  }
0x33: {  	p0 =	seq.s32 s10, $0x1;
	s10 =	sld [smem:$0x3FB1];
	_ =	sdelay $0x3  }
0x34: {  	[smem:$0x3FB1] =	sst s10  }
0x35: {  	s10 =	sld [smem:$0x3FB0];
	_ =	sdelay $0x3  }
0x36: {  	p1 =	seq.s32 s10, $0x1;
	s10 =	sld [smem:$0x3FB1];
	_ =	sdelay $0x3  }
0x37: {  	[smem:$0x3FB1] =	sst s10  }
0x38: {  	s10 =	sld [smem:$0x3FB2]  }
0x39: {  	_ = 	snop;
	(pc) =	sbr.ind lr, $3  }
0x3a: {  	_ = 	snop  }
0x3b: {  	_ = 	snop  }
0x3c: {  	p2 =	seq.s32 s10, $0x1;
	s10 =	sld [smem:$0x3FB1]  }
0x3d: {  	_ =	shalt  }
0x3e: {  	_ =	shalt  }
0x3f: {  	_ =	shalt  }
0x40: {  	_ =	shalt  }
0x41: {  	_ =	shalt  }
0x42: {  	_ =	shalt  }
0x43: {  	_ =	shalt  }
0x44: {  	_ =	shalt  }
0x45: {  	_ =	shalt  }
0x46: {  	_ =	shalt  }
0x47: {  	_ =	shalt  }
0x48: {  	_ =	shalt  }
0x49: {  	_ =	shalt  }
0x4a: {  	_ =	shalt  }
0x4b: {  	_ =	shalt  }
0x4c: {  	_ =	shalt  }
0x4d: {  	_ =	shalt  }
0x4e: {  	_ =	shalt  }
0x4f: {  	_ =	shalt  }
0x50: {  	_ =	shalt  }
0x51: {  	_ =	shalt  }
0x52: {  	_ =	shalt  }
0x53: {  	_ =	shalt  }
0x54: {  	_ =	shalt  }
0x55: {  	_ =	shalt  }
0x56: {  	_ =	shalt  }
0x57: {  	_ =	shalt  }
0x58: {  	_ =	shalt  }
0x59: {  	_ =	shalt  }
0x5a: {  	_ =	shalt  }
0x5b: {  	_ =	shalt  }
0x5c: {  	_ =	shalt  }
0x5d: {  	_ =	shalt  }
0x5e: {  	_ =	shalt  }
0x5f: {  	_ =	shalt  }
0x60: {  	_ =	shalt  }
0x61: {  	_ =	shalt  }
0x62: {  	_ =	shalt  }
0x63: {  	_ =	shalt  }
0x64: {  	_ =	shalt  }
0x65: {  	_ =	shalt  }
0x66: {  	_ =	shalt  }
0x67: {  	_ =	shalt  }
0x68: {  	_ =	shalt  }
0x69: {  	_ =	shalt  }
0x6a: {  	_ =	shalt  }
0x6b: {  	_ =	shalt  }
0x6c: {  	_ =	shalt  }
0x6d: {  	_ =	shalt  }
0x6e: {  	_ =	shalt  }
0x6f: {  	_ =	shalt  }
0x70: {  	_ =	shalt  }
0x71: {  	_ =	shalt  }
0x72: {  	_ =	shalt  }
0x73: {  	_ =	shalt  }
0x74: {  	_ =	shalt  }
0x75: {  	_ =	shalt  }
0x76: {  	_ =	shalt  }
0x77: {  	_ =	shalt  }
0x78: {  	_ =	shalt  }
0x79: {  	_ =	shalt  }
0x7a: {  	_ =	shalt  }
0x7b: {  	_ =	shalt  }
0x7c: {  	_ =	shalt  }
0x7d: {  	_ =	shalt  }
0x7e: {  	_ =	shalt  }
0x7f: {  	_ =	shalt  }
0x80: {  	_ =	shalt  }
0x81: {  	_ =	shalt  }
0x82: {  	_ =	shalt  }
0x83: {  	_ =	shalt  }
0x84: {  	_ =	shalt  }
0x85: {  	_ =	shalt  }
0x86: {  	_ =	shalt  }
0x87: {  	_ =	shalt  }
.Lfunc_end0:
.L_simem_size_0:
called_computation_lowered:
.L_overlay_start_0:
0x88: {  	s2 =	sld [smem:$0x3FD9]  }
0x89: {  	s3 =	sld [smem:$0x3FFE];
	_ =	sdelay $0x1  }
0x8a: {  	s1 =	srdreg.scid  }
0x8b: {  	s0 =	sand.u32 $0x1, s1  }
0x8c: {  	s17 =	sshll.u32 s0, $0xA;
	s2 =	sadd.s32 s3, s2  }
0x8d: {  	s2 =	sadd.s32 s2, s17  }
0x8e: {  	[smem:$0x3FBD] =	sst s2  }
0x8f: {  	_ = 	snop  }
0x90: {  	s2 =	sld [smem:$0x3FD0];
	(tm) =	ssettm $0x1  }
0x91: {  	s18 =	sld [smem:$0x3FFB];
	_ =	sdelay $0x3  }
0x92: {  	_ =	strace s18  }
0x93: {  	s3 =	sld [smem:$0x3FFC];
	_ =	sdelay $0x3  }
0x94: {  	_ =	strace s3  }
0x95: {  	s3 =	sld [smem:$0x3FFD];
	_ =	sdelay $0x3  }
0x96: {  	_ =	strace s3  }
0x97: {  	_ =	strace $0x8FFFFFFF  }
0x98: {  	s19 =	sld [smem:$0x3FDB];
	_ =	sdelay $0x1  }
0x99: {  	s4 =	simm.s32 $_scs_section_size  }
0x9a: {  	s5 =	simm.s32 $_size__tile_overlayer_lowered;
	s6 =	simm.s32 $_tile_overlayer_lowered  }
0x9b: {  	s22 =	simm.s32 $0x1BFF;
	s21 =	sshll.u32 s6, $0x1;
	s3 =	sadd.s32 s4, s19  }
0x9c: {  	s7 =	simm.s32 $0x0;
	s20 =	sshll.u32 s5, $0x1;
	s5 =	sadd.s32 s21, s3  }
0x9d: {  	[timem:s7], [sflag:s22] =	dma.local [hbm:s5], s20  }
0x9e: {  	_ =	swait.ge [sflag:s22], s20  }
0x9f: {  	s4 =	ssub.s32 $0x0, s20;
	[sflag:s22] =	ssyncset.done $0x0  }
0xa0: {  	[sflag:s22] =	ssyncadd.s32 s4;
	_ =	sdelay $0x1  }
0xa1: {  	s23 =	simm.s32 $0x1B8B  }
0xa2: {  	_ =	swait.ge [sflag:s23], $0x1  }
0xa3: {  	[sflag:s23] =	ssyncset.done $0x0  }
0xa4: {  	s25 =	simm.s32 $0x1B8E;
	s24 =	sld [smem:$0x3FFE];
	[sflag:s23] =	ssyncadd.s32 $0xFFFFFFFF  }
0xa5: {  	s26 =	simm.s32 $execute0_lowered;
	[smem:$0x3FD2] =	sst s25  }
0xa6: {  	s5 =	sshll.u32 s26, $0x1;
	_ =	strace $0x80000046;
	[dreg:$0x1] =	wrdreg $0xFFFFFFFF  }
0xa7: {  	s28 =	simm.s32 $_size_execute0_lowered;
	s3 =	sadd.s32 s3, s5;
	[dreg:$0x0] =	wrdreg $0x0  }
0xa8: {  	s5 =	sshll.u32 s28, $0x1;
	[dreg:$0x2] =	wrdreg s3  }
0xa9: {  	[dreg:$0x3] =	wrdreg s5  }
0xaa: {  	[dreg:$0x4] =	wrdreg $0xC0  }
0xab: {  	_ =	task [dreg:s7], $0x5FFFF  }
0xac: {  	[dreg:$0x1] =	wrdreg $0xFFFFFFFF  }
0xad: {  	[dreg:$0x0] =	wrdreg $0x60  }
0xae: {  	[dreg:$0x2] =	wrdreg s2  }
0xaf: {  	[dreg:$0x3] =	wrdreg s24  }
0xb0: {  	[dreg:$0x4] =	wrdreg $0x123000  }
0xb1: {  	[dreg:$0x5] =	wrdreg $0x9  }
0xb2: {  	_ =	task.clear_ibuf [dreg:s7], $0x6FFFF;
	_ =	strace $0x90000046  }
0xb3: {  	s29 =	simm.s32 $0x9;
	_ =	strace $0x80000048  }
0xb4: {  	_ =	swait.ge [sflag:s29], $0x1  }
0xb5: {  	[sflag:s29] =	ssyncadd.s32 $0xFFFFFFFF  }
0xb6: {  	_ =	strace $0x90000048  }
0xb7: {  	_ =	sfence  }
0xb8: {  	s30 =	sld [smem:$0x0];
	_ =	sdelay $0x2  }
0xb9: {  	s31 =	sshll.u32 s1, $0xD;
	s1 =	sshrl.u32 s1, $0x2  }
0xba: {  	s3 =	sand.u32 $0x4000, s31;
	s1 =	sadd.s32 s1, s30  }
0xbb: {  	s0 =	sor.u32 s3, s0;
	s1 =	sshll.u32 s1, $0x11  }
0xbc: {  	s0 =	sor.u32 s1, s0  }
0xbd: {  	s0 =	sadd.s32 $0x8F2B, s0  }
0xbe: {  	[sflag:s0] =	ssyncadd.remote.s32 $0x1  }
0xbf: {  	_ =	sfence.sel $0xFFFF  }
0xc0: {  	[dreg:$0x0] =	wrdreg $0xFFFFFFFF;
	(pc) =	sbr.abs _section_cstart, $3  }
0xc1: {  	[dreg:$0x1] =	wrdreg $0xFFFFFFFF  }
0xc2: {  	_ =	task.clear_ibuf [dreg:s7], $0x2FFFF;
	_ =	strace $0x9FFFFFFF  }
0xc3: {  	(tm) =	ssettm $0x7FFFFFFF  }
tec
execute0_lowered:
.L_overlay_start_1:
0x0: {  	(tag) =	ssettag $0x1  }
0x1: {  	s0 =	rddreg [dreg:$0x0]  }
0x2: {  	s1 =	rddreg [dreg:$0x1]  }
0x3: {  	s2 =	rddreg [dreg:$0x2];
	s3 =	simm.s32 $0x0  }
0x4: {  	s4 =	srdreg.scid;
	s18 =	stileid.u32;
	s28 =	simm.s32 $0x2180  }
0x5: {  	s30 =	simm.s32 $0x4180;
	s31 =	simm.s32 $0x4200;
	s7 =	smul.u32 $0x14000, s18  }
0x6: {  	s29 =	simm.s32 $0x4280;
	[smem:$0x7FF] =	sst s3;
	s10 =	smul.u32 $0x28000, s18  }
0x7: {  	s9 =	sand.u32 $0x1, s4;
	s5 =	sadd.s32 $0x1C000, s1;
	s11 =	smul.u32 $0x270000, s18  }
0x8: {  	s6 =	sadd.s32 $0x8400, s1;
	s13 =	smul.u32 $0x4E00, s18;
	s20 =	sshll.u32 s18, $0x7  }
0x9: {  	p0 =	sgt.u32 s18, $0x3;
	s18 =	simm.s32 $0x6300;
	_ =	strace $0x80000047  }
0xa: {  	s4 =	sshll.u32 s9, $0x6;
	s26 =	ssub.s32 $0x2, s9;
	s9 =	smul.u32 $0x13880, s9  }
0xb: {  	s22 =	sor.u32 $0x4E000, s20;
	s20 =	simm.s32 $0x100;
	s8 =	sor.u32 s4, s7  }
0xc: {  	s7 =	sadd.s32 $0x12200, s1;
	s12 =	sshrl.u32 s26, $0x1;
	s10 =	sshrl.u32 s10, $0x2  }
0xd: {  	s15 =	sshrl.u32 s13, $0x3;
	s8 =	sshrl.u32 s8, $0x3;
	s14 =	ssub.s32 s26, s12  }
0xe: {  	s12 =	sor.u32 s4, s11;
	s16 =	sadd.s32 s6, s15;
	s17 =	sadd.s32 s7, s15  }
0xf: {  	s19 =	sor.u32 $0x10, s15;
	s15 =	sor.u32 $0x80, s13;
	s1 =	sadd.s32 s8, s1  }
0x10: {  	s8 =	sadd.s32 s10, s2;
	s10 =	sshrl.u32 s12, $0x3;
	[dreg:$0x4] =	wrdreg s16  }
0x11: {  	[dreg:$0x5] =	wrdreg s17;
	s12 =	sadd.s32 s0, s9;
	s21 =	sadd.s32 s6, s19  }
0x12: {  	s0 =	sadd.s32 s7, s19;
	s16 =	sor.u32 $0x100, s13;
	s9 =	sshll.u32 s22, $0x7  }
0x13: {  	s17 =	sor.u32 $0x180, s13;
	s26 =	smax.u32 s14, $0x1;
	[dreg:$0x7] =	wrdreg s21  }
0x14: {  	s19 =	simm.s32 $0x4300;
	s10 =	sadd.s32 s5, s10;
	[dreg:$0x8] =	wrdreg s0  }
0x15: {  	s0 =	sshrl.u32 s22, $0x3;
	s9 =	sor.u32 s4, s9;
	s25 =	sadd.s32 $0x4FE000, s1  }
0x16: {  	[dreg:$0xd] =	wrdreg s26;
	s22 =	simm.s32 $0x8300;
	s26 =	simm.s32 $0x40  }
.Ltmp0:
0x17: {  	s1 =	simm.s32 $0x2;
	[dreg:$0x6] =	wrdreg s10;
	(pc) =	sbr.rel .LBB2_1-.Ltmp0, $4  }
0x18: {  	s23 =	sadd.s32 s6, s0;
	s0 =	sadd.s32 s7, s0;
	[dreg:$0xc] =	wrdreg s25  }
0x19: {  	s24 =	sshrl.u32 s9, $0x3;
	s25 =	simm.s32 $0x80;
	[dreg:$0x9] =	wrdreg s23  }
0x1a: {  	s10 =	simm.s32 $0x0;
	[dreg:$0xa] =	wrdreg s0;
	s0 =	sadd.s32 s5, s24  }
0x1b: {  	v0 =	vimm.f32 $0.0e+00;
	s24 =	simm.s32 $0x7;
	[dreg:$0xb] =	wrdreg s0;
	s0 =	simm.s32 $0x3  }
.LBB2_14:
0x1c: {  	s9 =	simm.s32 $0x6  }
0x1d: {  	_ =	swait.ge [sflag:s9], $0x2000  }
0x1e: {  	[sflag:s9] =	ssyncset.done $0x0  }
0x1f: {  	[sflag:s9] =	ssyncadd.s32 $0xFFFFE000  }
0x20: {  	s11 =	simm.s32 $0x8300;
	[bflag:$0x0] =	sbarrier.arrive $0xFFFF  }
0x21: {  	[tilespmem:s11], [sflag:$0x7] =	stream.linear.gather [spmem:s8], $0xA000, $0x38;
	[tilespmem:$0x1C300] =	vst v63  }
0x22: {  	_ =	swait.ge [sflag:s24], $0xA000  }
0x23: {  	[sflag:s24] =	ssyncset.done $0x0  }
0x24: {  	s21 =	rddreg [dreg:$0xc];
	[sflag:s24] =	ssyncadd.s32 $0xFFFF6000  }
0x25: {  	[hbm4b:s21+s26] =	stream.strided.scatter [tilespmem:s11], [sflag:$0x7], $0xA000, s25, s26, $0x38;
	[tilespmem:$0x1C300] =	vst v63  }
0x26: {  	_ =	swait.ge [sflag:s24], $0xA000  }
0x27: {  	s10 =	sadd.s32 $0x1, s10;
	s23 =	rddreg [dreg:$0xd]  }
0x28: {  	p1 =	sne.s32 s10, s23  }
.Ltmp1:
0x29: {  	_ = 	snop;
	(pc) =	sbr.rel @!p1 .LBB2_15-.Ltmp1, $3  }
0x2a: {  	_ =	sdelay $0x1  }
0x2b: {  	[sflag:s24] =	ssyncset.done $0x0  }
0x2c: {  	s22 =	simm.s32 $0x8300;
	[sflag:s24] =	ssyncadd.s32 $0xFFFF6000  }
.LBB2_1:
0x2d: {  	s11 =	sand.u32 $0x3FF00, s3  }
0x2e: {  	s13 =	sand.u32 $0x30, s3;
	s14 =	sshrl.u32 s11, $0x2  }
0x2f: {  	s11 =	simm.s32 $0x40;
	s14 =	sor.u32 s13, s14;
	s13 =	simm.s32 $0x0  }
.LBB2_2:
0x30: {  	p1 =	sne.s32 s11, $0x27FC0  }
0x31: {  	[tilespmem:s14+$0x8300] =	vst v0;
	s13 =	sadd.s32 $0x10, s13;
	s14 =	smov.u32 s11;
	s11 =	sadd.s32 $0x40, s11  }
.Ltmp2:
0x32: {  	(pc) =	sbr.rel @p1 .LBB2_2-.Ltmp2, $4  }
0x33: {  	_ = 	snop  }
0x34: {  	s14 =	sand.u32 $0x3FF00, s14  }
0x35: {  	s21 =	sand.u32 $0x30, s13;
	s14 =	sshrl.u32 s14, $0x2  }
0x36: {  	s14 =	sor.u32 s21, s14  }
0x37: {  	[tilespmem:s14+$0x8300] =	vst v0  }
0x38: {  	[spmem:s8] =	stream.linear.scatter [tilespmem:s22], [sflag:$0x7], $0xA000, $0x38;
	[tilespmem:$0x1C300] =	vst v63  }
0x39: {  	_ =	swait.ge [sflag:s24], $0xA000  }
0x3a: {  	[sflag:s24] =	ssyncset.done $0x0  }
0x3b: {  	[sflag:s24] =	ssyncadd.s32 $0xFFFF6000  }
0x3c: {  	[bflag:$0x0] =	sbarrier.arrive $0xFFFF  }
0x3d: {  	s11 =	simm.s32 $0x0;
	s9 =	rddreg [dreg:$0x4]  }
0x3e: {  	[tilespmem:s11], [sflag:$0x7] =	stream.linear.gather [hbm4b:s9+s11], $0x80, $0x38;
	[tilespmem:$0x1C300] =	vst v63  }
0x3f: {  	_ =	swait.ge [sflag:s24], $0x80  }
0x40: {  	[sflag:s24] =	ssyncset.done $0x0  }
0x41: {  	s13 =	rddreg [dreg:$0x5];
	[sflag:s24] =	ssyncadd.s32 $0xFFFFFF80  }
0x42: {  	[tilespmem:s25], [sflag:$0x7] =	stream.linear.gather [hbm4b:s13+s11], $0x80, $0x38;
	[tilespmem:$0x1C300] =	vst v63  }
0x43: {  	_ =	swait.ge [sflag:s24], $0x80  }
0x44: {  	[sflag:s24] =	ssyncset.done $0x0  }
0x45: {  	s14 =	rddreg [dreg:$0x6];
	[sflag:s24] =	ssyncadd.s32 $0xFFFFFF80  }
0x46: {  	[tilespmem:s28], [sflag:$0x3] =	stream.strided.gather [hbm4b:s14+s26], $0x2000, s25, s26, $0x38;
	[tilespmem:$0x1C300] =	vst v63  }
0x47: {  	s21 =	simm.s32 $0x180  }
0x48: {  	[tilespmem:s21], [sflag:$0x3] =	stream.indirect.gather [hbm4b:s12+s25], $0x40, s11, s25, $0xb8;
	[tilespmem:$0x1C300] =	vst v63  }
0x49: {  	s22 =	rddreg [dreg:$0x7]  }
0x4a: {  	[tilespmem:s30], [sflag:$0x2] =	stream.linear.gather [hbm4b:s22+s11], $0x80, $0x38;
	[tilespmem:$0x1C300] =	vst v63  }
0x4b: {  	s23 =	rddreg [dreg:$0x8]  }
0x4c: {  	[tilespmem:s31], [sflag:$0x2] =	stream.linear.gather [hbm4b:s23+s11], $0x80, $0x38;
	[tilespmem:$0x1C300] =	vst v63  }
.LBB2_4:
0x4d: {  	_ =	swait.ge [sflag:s0], $0x2000  }
0x4e: {  	[sflag:s0] =	ssyncset.done $0x0  }
0x4f: {  	[sflag:s0] =	ssyncadd.s32 $0xFFFFE000  }
0x50: {  	_ =	swait.ge [sflag:s0], $0x2000  }
0x51: {  	[sflag:s0] =	ssyncset.done $0x0  }
0x52: {  	[sflag:s0] =	ssyncadd.s32 $0xFFFFE000  }
0x53: {  	_ =	swait.ge [sflag:s1], $0x80  }
0x54: {  	[sflag:s1] =	ssyncset.done $0x0  }
0x55: {  	[sflag:s1] =	ssyncadd.s32 $0xFFFFFF80  }
0x56: {  	s13 =	sshll.u32 s11, $0x8;
	_ =	swait.ge [sflag:s1], $0x80  }
0x57: {  	p1 =	seq.s32 s11, $0x0;
	s14 =	sadd.s32 s13, s15;
	[sflag:s1] =	ssyncset.done $0x0  }
0x58: {  	s21 =	simm.s32 @!p1 $0x6;
	s14 =	sshll.u32 s14, $0x7;
	[sflag:s1] =	ssyncadd.s32 $0xFFFFFF80  }
0x59: {  	s14 =	sor.u32 s4, s14;
	_ =	swait.ge @!p1 [sflag:s21], $0x2000  }
0x5a: {  	s14 =	sshrl.u32 s14, $0x3;
	[sflag:s21] =	ssyncset.done @!p1 $0x0  }
0x5b: {  	s14 =	sadd.s32 s5, s14;
	[sflag:s21] =	ssyncadd.s32 @!p1 $0xFFFFE000  }
0x5c: {  	[tilespmem:s18], [sflag:$0x4] =	stream.strided.gather [hbm4b:s14+s26], $0x2000, s25, s26, $0x38;
	[tilespmem:$0x1C300] =	vst v63  }
0x5d: {  	s14 =	simm.s32 $0x0  }
0x5e: {  	[tilespmem:s19], [sflag:$0x4] =	stream.indirect.gather [hbm4b:s12+s25], $0x40, s30, s25, $0xb8;
	[tilespmem:$0x1C300] =	vst v63  }
0x5f: {  	v3 =	vld [tilespmem:s14+$0x180]  }
0x60: {  	v4 =	vld [tilespmem:s14+$0x190]  }
0x61: {  	v2 =	vld [tilespmem:s14+$0x1A0]  }
0x62: {  	v1 =	vld [tilespmem:s14+$0x1B0]  }
0x63: {  	v5 =	vld [tilespmem:s14+$0x2180]  }
0x64: {  	v7 =	vld [tilespmem:s14+$0x2190]  }
0x65: {  	s21 =	simm.s32 $0x100;
	v6 =	vld [tilespmem:s14+$0x21A0]  }
.LBB2_5:
0x66: {  	p1 =	sne.s32 s21, $0x7F00;
	v8 =	vld [tilespmem:s14+$0x21B0]  }
0x67: {  	s22 =	sshra.s32 s21, $0x2  }
0x68: {  	v5 =	vadd.f32 v5, v3;
	v3 =	vld [tilespmem:s22+$0x180]  }
0x69: {  	v7 =	vadd.f32 v7, v4;
	v4 =	vld [tilespmem:s22+$0x190]  }
.Ltmp3:
0x6a: {  	v5 =	vmax.f32 v5, $0.0e+00;
	v6 =	vadd.f32 v6, v2;
	v2 =	vld [tilespmem:s22+$0x1A0];
	(pc) =	sbr.rel @p1 .LBB2_5-.Ltmp3, $4  }
0x6b: {  	[tilespmem:s14+$0x2180] =	vst v5;
	v7 =	vmax.f32 v7, $0.0e+00;
	v8 =	vadd.f32 v8, v1;
	v1 =	vld [tilespmem:s22+$0x1B0]  }
0x6c: {  	v5 =	vld [tilespmem:s22+$0x2180];
	[tilespmem:s14+$0x2190] =	vst v7;
	v6 =	vmax.f32 v6, $0.0e+00  }
0x6d: {  	v7 =	vld [tilespmem:s22+$0x2190];
	[tilespmem:s14+$0x21A0] =	vst v6;
	v8 =	vmax.f32 v8, $0.0e+00  }
0x6e: {  	s21 =	sadd.s32 $0x100, s21;
	v6 =	vld [tilespmem:s22+$0x21A0];
	[tilespmem:s14+$0x21B0] =	vst v8;
	s14 =	smov.u32 s22  }
0x6f: {  	v8 =	vld [tilespmem:s14+$0x21B0];
	_ =	sdelay $0x1  }
0x70: {  	v3 =	vadd.f32 v5, v3  }
0x71: {  	v4 =	vadd.f32 v7, v4  }
0x72: {  	v3 =	vmax.f32 v3, $0.0e+00;
	v2 =	vadd.f32 v6, v2  }
0x73: {  	[tilespmem:s14+$0x2180] =	vst v3;
	v3 =	vmax.f32 v4, $0.0e+00;
	v1 =	vadd.f32 v8, v1  }
0x74: {  	[tilespmem:s14+$0x2190] =	vst v3;
	v2 =	vmax.f32 v2, $0.0e+00  }
0x75: {  	[tilespmem:s14+$0x21A0] =	vst v2;
	v1 =	vmax.f32 v1, $0.0e+00  }
0x76: {  	[tilespmem:s14+$0x21B0] =	vst v1  }
0x77: {  	v1 =	vld [tilespmem:$0x80]  }
0x78: {  	v2 =	vld [tilespmem:$0x90]  }
0x79: {  	v3 =	vld [tilespmem:$0xA0]  }
0x7a: {  	v4 =	vld [tilespmem:$0xB0]  }
0x7b: {  	v5 =	vld [tilespmem:$0xC0]  }
0x7c: {  	[tilespmem:$0x100] =	vst v1;
	v1 =	vld [tilespmem:$0xD0]  }
0x7d: {  	[tilespmem:$0x110] =	vst v2;
	v2 =	vld [tilespmem:$0xE0]  }
0x7e: {  	[tilespmem:$0x120] =	vst v3;
	v3 =	vld [tilespmem:$0xF0]  }
0x7f: {  	[tilespmem:$0x130] =	vst v4  }
0x80: {  	[tilespmem:$0x140] =	vst v5  }
0x81: {  	[tilespmem:$0x150] =	vst v1  }
0x82: {  	p1 =	seq.s32 s11, $0x4D;
	[tilespmem:$0x160] =	vst v2  }
0x83: {  	s14 =	simm.s32 @p1 $0x4;
	[tilespmem:$0x170] =	vst v3  }
0x84: {  	[spmem:s2] =	stream.indirect.scatter.add.f32 [tilespmem:s28], [sflag:$0x5], $0x40, s20, s25, $0xb8;
	[tilespmem:$0x1C300] =	vst v63  }
0x85: {  	_ =	swait.ge @p1 [sflag:s14], $0x2000  }
0x86: {  	[sflag:s14] =	ssyncset.done @p1 $0x0  }
0x87: {  	[sflag:s14] =	ssyncadd.s32 @p1 $0xFFFFE000  }
0x88: {  	_ =	swait.ge @p1 [sflag:s14], $0x2000  }
0x89: {  	[sflag:s14] =	ssyncset.done @p1 $0x0  }
0x8a: {  	[sflag:s14] =	ssyncadd.s32 @p1 $0xFFFFE000;
	s14 =	simm.s32 @p1 $0x5  }
0x8b: {  	s21 =	sadd.s32 @!p1 s13, s16;
	_ =	swait.ge @p1 [sflag:s14], $0x2000  }
0x8c: {  	s22 =	sshrl.u32 @!p1 s21, $0x3;
	[sflag:s14] =	ssyncset.done @p1 $0x0  }
0x8d: {  	s23 =	simm.s32 @!p1 $0x0;
	[sflag:s14] =	ssyncadd.s32 @p1 $0xFFFFE000;
	s14 =	sadd.s32 @!p1 s6, s22  }
0x8e: {  	[tilespmem:s23], [sflag:$0x1] =	stream.linear.gather @!p1 [hbm4b:s14+s23], $0x80, $0x38;
	[tilespmem:$0x1C300] =	vst v63  }
0x8f: {  	s14 =	sadd.s32 @!p1 s7, s22;
	s22 =	simm.s32 @!p1 $0x80  }
0x90: {  	[tilespmem:s22], [sflag:$0x1] =	stream.linear.gather @!p1 [hbm4b:s14+s23], $0x80, $0x38;
	[tilespmem:$0x1C300] =	vst v63  }
0x91: {  	s14 =	simm.s32 @!p1 $0x4  }
0x92: {  	_ =	swait.ge @!p1 [sflag:s14], $0x2000  }
0x93: {  	[sflag:s14] =	ssyncset.done @!p1 $0x0  }
0x94: {  	[sflag:s14] =	ssyncadd.s32 @!p1 $0xFFFFE000  }
0x95: {  	_ =	swait.ge @!p1 [sflag:s14], $0x2000  }
0x96: {  	[sflag:s14] =	ssyncset.done @!p1 $0x0  }
0x97: {  	[sflag:s14] =	ssyncadd.s32 @!p1 $0xFFFFE000;
	s14 =	simm.s32 @!p1 $0x5  }
0x98: {  	_ =	swait.ge @!p1 [sflag:s14], $0x2000  }
0x99: {  	[sflag:s14] =	ssyncset.done @!p1 $0x0  }
0x9a: {  	[sflag:s14] =	ssyncadd.s32 @!p1 $0xFFFFE000;
	s14 =	simm.s32 @!p1 $0x1  }
0x9b: {  	_ =	swait.ge @!p1 [sflag:s14], $0x80  }
0x9c: {  	[sflag:s14] =	ssyncset.done @!p1 $0x0  }
0x9d: {  	[sflag:s14] =	ssyncadd.s32 @!p1 $0xFFFFFF80  }
0x9e: {  	s21 =	sshll.u32 @!p1 s21, $0x7;
	_ =	swait.ge @!p1 [sflag:s14], $0x80  }
0x9f: {  	s21 =	sor.u32 @!p1 s4, s21;
	[sflag:s14] =	ssyncset.done @!p1 $0x0  }
0xa0: {  	[sflag:s14] =	ssyncadd.s32 @!p1 $0xFFFFFF80;
	s14 =	sshrl.u32 @!p1 s21, $0x3  }
0xa1: {  	s9 =	simm.s32 @!p1 $0x2180;
	s21 =	simm.s32 @!p1 $0x40;
	s14 =	sadd.s32 @!p1 s5, s14  }
0xa2: {  	[tilespmem:s9], [sflag:$0x3] =	stream.strided.gather @!p1 [hbm4b:s14+s21], $0x2000, s22, s21, $0x38;
	[tilespmem:$0x1C300] =	vst v63  }
0xa3: {  	s9 =	simm.s32 @!p1 $0x180;
	s14 =	simm.s32 $0x0  }
0xa4: {  	[tilespmem:s9], [sflag:$0x3] =	stream.indirect.gather @!p1 [hbm4b:s12+s22], $0x40, s23, s22, $0xb8;
	[tilespmem:$0x1C300] =	vst v63  }
0xa5: {  	v3 =	vld [tilespmem:s14+$0x4300]  }
0xa6: {  	v4 =	vld [tilespmem:s14+$0x4310]  }
0xa7: {  	v2 =	vld [tilespmem:s14+$0x4320]  }
0xa8: {  	v1 =	vld [tilespmem:s14+$0x4330]  }
0xa9: {  	v5 =	vld [tilespmem:s14+$0x6300]  }
0xaa: {  	v7 =	vld [tilespmem:s14+$0x6310]  }
0xab: {  	s21 =	simm.s32 $0x100;
	v6 =	vld [tilespmem:s14+$0x6320]  }
.LBB2_7:
0xac: {  	p2 =	sne.s32 s21, $0x7F00;
	v8 =	vld [tilespmem:s14+$0x6330]  }
0xad: {  	s9 =	sshra.s32 s21, $0x2  }
0xae: {  	v5 =	vadd.f32 v5, v3;
	v3 =	vld [tilespmem:s9+$0x4300]  }
0xaf: {  	v7 =	vadd.f32 v7, v4;
	v4 =	vld [tilespmem:s9+$0x4310]  }
.Ltmp4:
0xb0: {  	v5 =	vmax.f32 v5, $0.0e+00;
	v6 =	vadd.f32 v6, v2;
	v2 =	vld [tilespmem:s9+$0x4320];
	(pc) =	sbr.rel @p2 .LBB2_7-.Ltmp4, $4  }
0xb1: {  	[tilespmem:s14+$0x6300] =	vst v5;
	v7 =	vmax.f32 v7, $0.0e+00;
	v8 =	vadd.f32 v8, v1;
	v1 =	vld [tilespmem:s9+$0x4330]  }
0xb2: {  	v5 =	vld [tilespmem:s9+$0x6300];
	[tilespmem:s14+$0x6310] =	vst v7;
	v6 =	vmax.f32 v6, $0.0e+00  }
0xb3: {  	v7 =	vld [tilespmem:s9+$0x6310];
	[tilespmem:s14+$0x6320] =	vst v6;
	v8 =	vmax.f32 v8, $0.0e+00  }
0xb4: {  	s21 =	sadd.s32 $0x100, s21;
	v6 =	vld [tilespmem:s9+$0x6320];
	[tilespmem:s14+$0x6330] =	vst v8;
	s14 =	smov.u32 s9  }
0xb5: {  	v8 =	vld [tilespmem:s14+$0x6330];
	_ =	sdelay $0x1  }
0xb6: {  	v3 =	vadd.f32 v5, v3  }
0xb7: {  	v4 =	vadd.f32 v7, v4  }
0xb8: {  	v3 =	vmax.f32 v3, $0.0e+00;
	v2 =	vadd.f32 v6, v2  }
0xb9: {  	[tilespmem:s14+$0x6300] =	vst v3;
	v3 =	vmax.f32 v4, $0.0e+00;
	v1 =	vadd.f32 v8, v1  }
0xba: {  	[tilespmem:s14+$0x6310] =	vst v3;
	v2 =	vmax.f32 v2, $0.0e+00  }
0xbb: {  	[tilespmem:s14+$0x6320] =	vst v2;
	v1 =	vmax.f32 v1, $0.0e+00  }
0xbc: {  	[tilespmem:s14+$0x6330] =	vst v1  }
0xbd: {  	v1 =	vld [tilespmem:$0x4200]  }
0xbe: {  	v2 =	vld [tilespmem:$0x4210]  }
0xbf: {  	v3 =	vld [tilespmem:$0x4220]  }
0xc0: {  	v62 =	vld [tilespmem:$0x4230]  }
0xc1: {  	v63 =	vld [tilespmem:$0x4240]  }
0xc2: {  	[tilespmem:$0x4280] =	vst v1;
	v1 =	vld [tilespmem:$0x4250]  }
0xc3: {  	[tilespmem:$0x4290] =	vst v2;
	v2 =	vld [tilespmem:$0x4260]  }
0xc4: {  	[tilespmem:$0x42A0] =	vst v3;
	v3 =	vld [tilespmem:$0x4270]  }
0xc5: {  	[tilespmem:$0x42B0] =	vst v62  }
.Ltmp5:
0xc6: {  	[tilespmem:$0x42C0] =	vst v63;
	(pc) =	sbr.rel @p1 .LBB2_10-.Ltmp5, $4  }
0xc7: {  	[tilespmem:$0x42D0] =	vst v1  }
0xc8: {  	[tilespmem:$0x42E0] =	vst v2  }
0xc9: {  	[tilespmem:$0x42F0] =	vst v3  }
0xca: {  	[spmem:s2] =	stream.indirect.scatter.add.f32 [tilespmem:s18], [sflag:$0x6], $0x40, s29, s25, $0xb8;
	[tilespmem:$0x1C300] =	vst v63  }
0xcb: {  	s9 =	sadd.s32 s13, s17  }
.Ltmp6:
0xcc: {  	s9 =	sshrl.u32 s9, $0x3;
	(pc) =	sbr.rel .LBB2_4-.Ltmp6, $4  }
0xcd: {  	s23 =	sadd.s32 s6, s9  }
0xce: {  	[tilespmem:s30], [sflag:$0x2] =	stream.linear.gather [hbm4b:s23+s3], $0x80, $0x38;
	[tilespmem:$0x1C300] =	vst v63  }
0xcf: {  	s11 =	sadd.s32 $0x1, s11;
	s9 =	sadd.s32 s7, s9  }
0xd0: {  	[tilespmem:s31], [sflag:$0x2] =	stream.linear.gather [hbm4b:s9+s3], $0x80, $0x38;
	[tilespmem:$0x1C300] =	vst v63  }
.LBB2_10:
.Ltmp7:
0xd1: {  	(pc) =	sbr.rel @p0 .LBB2_14-.Ltmp7, $1  }
0xd2: {  	_ =	sdelay $0x3  }
0xd3: {  	s9 =	simm.s32 $0x0;
	s11 =	rddreg [dreg:$0x9]  }
0xd4: {  	[tilespmem:s9], [sflag:$0x7] =	stream.linear.gather [hbm4b:s11+s9], $0x80, $0x38;
	[tilespmem:$0x1C300] =	vst v63  }
0xd5: {  	_ =	swait.ge [sflag:s24], $0x80  }
0xd6: {  	[sflag:s24] =	ssyncset.done $0x0  }
0xd7: {  	s21 =	rddreg [dreg:$0xa];
	[sflag:s24] =	ssyncadd.s32 $0xFFFFFF80  }
0xd8: {  	[tilespmem:s25], [sflag:$0x7] =	stream.linear.gather [hbm4b:s21+s9], $0x80, $0x38;
	[tilespmem:$0x1C300] =	vst v63  }
0xd9: {  	_ =	swait.ge [sflag:s24], $0x80  }
0xda: {  	[sflag:s24] =	ssyncset.done $0x0  }
0xdb: {  	s22 =	rddreg [dreg:$0xb];
	[sflag:s24] =	ssyncadd.s32 $0xFFFFFF80  }
0xdc: {  	[tilespmem:s28], [sflag:$0x7] =	stream.strided.gather [hbm4b:s22+s26], $0x2000, s25, s26, $0x38;
	[tilespmem:$0x1C300] =	vst v63  }
0xdd: {  	_ =	swait.ge [sflag:s24], $0x2000  }
0xde: {  	[sflag:s24] =	ssyncset.done $0x0  }
0xdf: {  	s23 =	simm.s32 $0x180;
	[sflag:s24] =	ssyncadd.s32 $0xFFFFE000  }
0xe0: {  	[tilespmem:s23], [sflag:$0x3] =	stream.indirect.gather [hbm4b:s12+s25], $0x40, s9, s25, $0xb8;
	[tilespmem:$0x1C300] =	vst v63  }
0xe1: {  	_ =	swait.ge [sflag:s0], $0x2000  }
0xe2: {  	[sflag:s0] =	ssyncset.done $0x0  }
0xe3: {  	s11 =	simm.s32 $0x0;
	[sflag:s0] =	ssyncadd.s32 $0xFFFFE000  }
0xe4: {  	v3 =	vld [tilespmem:s11+$0x180]  }
0xe5: {  	v4 =	vld [tilespmem:s11+$0x190]  }
0xe6: {  	v2 =	vld [tilespmem:s11+$0x1A0]  }
0xe7: {  	v1 =	vld [tilespmem:s11+$0x1B0]  }
0xe8: {  	v5 =	vld [tilespmem:s11+$0x2180]  }
0xe9: {  	v7 =	vld [tilespmem:s11+$0x2190]  }
0xea: {  	s13 =	simm.s32 $0x100;
	v6 =	vld [tilespmem:s11+$0x21A0]  }
.LBB2_12:
0xeb: {  	p1 =	sne.s32 s13, $0x7F00;
	v8 =	vld [tilespmem:s11+$0x21B0]  }
0xec: {  	s9 =	sshra.s32 s13, $0x2  }
0xed: {  	v5 =	vadd.f32 v5, v3;
	v3 =	vld [tilespmem:s9+$0x180]  }
0xee: {  	v7 =	vadd.f32 v7, v4;
	v4 =	vld [tilespmem:s9+$0x190]  }
.Ltmp8:
0xef: {  	v5 =	vmax.f32 v5, $0.0e+00;
	v6 =	vadd.f32 v6, v2;
	v2 =	vld [tilespmem:s9+$0x1A0];
	(pc) =	sbr.rel @p1 .LBB2_12-.Ltmp8, $4  }
0xf0: {  	[tilespmem:s11+$0x2180] =	vst v5;
	v7 =	vmax.f32 v7, $0.0e+00;
	v8 =	vadd.f32 v8, v1;
	v1 =	vld [tilespmem:s9+$0x1B0]  }
0xf1: {  	v5 =	vld [tilespmem:s9+$0x2180];
	[tilespmem:s11+$0x2190] =	vst v7;
	v6 =	vmax.f32 v6, $0.0e+00  }
0xf2: {  	v7 =	vld [tilespmem:s9+$0x2190];
	[tilespmem:s11+$0x21A0] =	vst v6;
	v8 =	vmax.f32 v8, $0.0e+00  }
0xf3: {  	s13 =	sadd.s32 $0x100, s13;
	v6 =	vld [tilespmem:s9+$0x21A0];
	[tilespmem:s11+$0x21B0] =	vst v8;
	s11 =	smov.u32 s9  }
0xf4: {  	v8 =	vld [tilespmem:s11+$0x21B0];
	_ =	sdelay $0x1  }
0xf5: {  	v3 =	vadd.f32 v5, v3  }
0xf6: {  	v4 =	vadd.f32 v7, v4  }
0xf7: {  	v3 =	vmax.f32 v3, $0.0e+00;
	v2 =	vadd.f32 v6, v2  }
0xf8: {  	[tilespmem:s11+$0x2180] =	vst v3;
	v3 =	vmax.f32 v4, $0.0e+00;
	v1 =	vadd.f32 v8, v1  }
0xf9: {  	[tilespmem:s11+$0x2190] =	vst v3;
	v2 =	vmax.f32 v2, $0.0e+00  }
0xfa: {  	[tilespmem:s11+$0x21A0] =	vst v2;
	v1 =	vmax.f32 v1, $0.0e+00  }
0xfb: {  	[tilespmem:s11+$0x21B0] =	vst v1  }
0xfc: {  	v1 =	vld [tilespmem:$0x80]  }
0xfd: {  	v2 =	vld [tilespmem:$0x90]  }
0xfe: {  	v3 =	vld [tilespmem:$0xA0]  }
0xff: {  	v62 =	vld [tilespmem:$0xB0]  }
0x100: {  	v63 =	vld [tilespmem:$0xC0]  }
0x101: {  	[tilespmem:$0x100] =	vst v1;
	v1 =	vld [tilespmem:$0xD0]  }
0x102: {  	[tilespmem:$0x110] =	vst v2;
	v2 =	vld [tilespmem:$0xE0]  }
0x103: {  	[tilespmem:$0x120] =	vst v3;
	v3 =	vld [tilespmem:$0xF0]  }
0x104: {  	[tilespmem:$0x130] =	vst v62  }
0x105: {  	[tilespmem:$0x140] =	vst v63  }
0x106: {  	[tilespmem:$0x150] =	vst v1  }
0x107: {  	[tilespmem:$0x160] =	vst v2  }
.Ltmp9:
0x108: {  	s9 =	simm.s32 $0x5;
	[tilespmem:$0x170] =	vst v3;
	(pc) =	sbr.rel .LBB2_14-.Ltmp9, $4  }
0x109: {  	[spmem:s2] =	stream.indirect.scatter.add.f32 [tilespmem:s28], [sflag:$0x5], $0x40, s20, s25, $0xb8;
	[tilespmem:$0x1C300] =	vst v63  }
0x10a: {  	_ =	swait.ge [sflag:s9], $0x2000  }
0x10b: {  	[sflag:s9] =	ssyncset.done $0x0  }
0x10c: {  	[sflag:s9] =	ssyncadd.s32 $0xFFFFE000  }
.LBB2_15:
0x10d: {  	_ =	sfence.sel $0x180000  }
0x10e: {  	[bflag:$0x0] =	sbarrier.arrive $0xFFFF  }
0x10f: {  	_ =	strace $0x90000047  }
0x110: {  	s0 =	stileid.u32;
	[bflag:$0x2] =	sbarrier.arrive $0xFFFF  }
0x111: {  	p0 =	sne.s32 s0, $0x0;
	s0 =	rddreg [dreg:$0x3]  }
0x112: {  	s0 =	sadd.s32 @!p0 $0x100000, s0  }
0x113: {  	[sflag:s0] =	ssyncadd.tile.s32 @!p0 $0x1;
	_ =	shalt  }
.Lfunc_end2:
_tile_overlayer_lowered:
.L_overlay_start_2:
0x114: {  	(tag) =	ssettag $0x2  }
0x115: {  	s0 =	rddreg [dreg:$0x0];
	s2 =	stileid.u32  }
0x116: {  	s1 =	rddreg [dreg:$0x1];
	p0 =	sne.s32 s2, $0x0  }
0x117: {  	s3 =	rddreg [dreg:$0x2];
	[bflag:$0x3] =	sbarrier.arrive $0xFFFF;
	s2 =	simm.s32 @!p0 $0x1C07  }
0x118: {  	[timem:s3], [sflag:s2] =	dma.local @!p0 [hbm:s0], s1  }
0x119: {  	s0 =	simm.s32 @!p0 $0x7  }
0x11a: {  	_ =	swait.ge @!p0 [sflag:s0], s1  }
0x11b: {  	s1 =	ssub.s32 @!p0 $0x0, s1;
	[sflag:s0] =	ssyncset.done @!p0 $0x0  }
0x11c: {  	[sflag:s0] =	ssyncadd.s32 @!p0 s1  }
0x11d: {  	[bflag:$0x3] =	sbarrier.arrive $0xFFFF  }
0x11e: {  	_ =	shalt  }

// kernel: kernel.16.cloned.1.call-start
scs
__scs_entry_jumppad:
0x0: {  	(pc) =	sbr.rel $0x88, $3  }
0x1: {  	(tag) =	ssettag $0x0;
	lr =	simm.s32 $0x1  }
0x2: {  	[smem:$0x3F96] =	sst lr;
	_ =	strace $0xD0000000  }
0x3: {  	_ = 	snop  }
0x4: {  	_ = 	snop  }
0x5: {  	_ = 	snop  }
0x6: {  	_ = 	snop  }
0x7: {  	_ = 	snop  }
__scs_overlays_trampoline_lowered:
0x8: {  	[smem:$0x3FA5] =	sst s0  }
0x9: {  	[smem:$0x3FA6] =	sst s1  }
0xa: {  	[smem:$0x3FA7] =	sst s2  }
0xb: {  	[smem:$0x3FA8] =	sst s3  }
0xc: {  	[smem:$0x3FA9] =	sst s4  }
0xd: {  	[smem:$0x3FAA] =	sst s5  }
0xe: {  	[smem:$0x3FAB] =	sst s6  }
0xf: {  	[smem:$0x3FAC] =	sst s7  }
0x10: {  	[smem:$0x3FAD] =	sst s8  }
0x11: {  	[smem:$0x3FAE] =	sst s9;
	s0 =	simm.s32 @!p0 $0x0  }
0x12: {  	s1 =	sld [smem:$0x3F94];
	s0 =	simm.s32 @p0 $0x1  }
0x13: {  	[smem:$0x3FAF] =	sst s0;
	s0 =	simm.s32 @!p1 $0x0  }
0x14: {  	s2 =	sld [smem:$0x3F93];
	s0 =	simm.s32 @p1 $0x1  }
0x15: {  	[smem:$0x3FB0] =	sst s0;
	s0 =	simm.s32 @!p2 $0x0  }
0x16: {  	s3 =	sld [smem:$0x3FDB];
	s0 =	simm.s32 @p2 $0x1  }
0x17: {  	s4 =	simm.s32 $0x1BF5;
	[smem:$0x3FB2] =	sst s0  }
0x18: {  	s0 =	sld [smem:$0x3F95];
	_ =	swait.ge [sflag:s4], $0x0  }
0x19: {  	s7 =	sld [smem:$0x3F96]  }
0x1a: {  	s8 =	sadd.s32 $0xFFFFE003, lr  }
0x1b: {  	s9 =	sadd.s32 $0xFFFFFEF7, lr;
	s5 =	simm.s32 $0xFFFFFFFF;
	p2 =	slt.u32 s8, $0xFFFFF086  }
0x1c: {  	p1 =	slt.u32 s9, $0xF7A;
	s5 =	simm.s32 @!p2 $0x0  }
0x1d: {  	s5 =	simm.s32 @p1 $0x1;
	p0 =	seq.s32 s7, s2  }
0x1e: {  	s7 =	smul.u32 @!p0 $0xF7A, s2;
	p2 =	seq.s32 @!p0 s5, $0x0  }
0x1f: {  	s9 =	smul.u32 $0xF7A, s1;
	s8 =	simm.s32 @!p0 $0x1BF5;
	p2 =	por !p2, p0  }
0x20: {  	[sflag:s8] =	ssyncset.s32 @!p0 $0xFFFFF086;
	s6 =	sadd.s32 @!p0 s3, s7;
	s7 =	simm.s32 @!p0 $0x108  }
0x21: {  	s3 =	sadd.s32 s3, s9;
	s6 =	sadd.s32 @!p0 $0x88, s6;
	s7 =	simm.s32 @p2 $0x1082  }
0x22: {  	[simem:s7], [sflag:s8] =	dma.local @!p0 [hbm:s6], $0xF7A  }
0x23: {  	s9 =	sor.u32 $0xD0000000, s2;
	s6 =	simm.s32 $0x108;
	_ =	swait.ge @!p0 [sflag:s8], $0x0  }
0x24: {  	s3 =	sadd.s32 $0x88, s3;
	s6 =	simm.s32 @!p1 $0x1082;
	[sflag:s4] =	ssyncset.s32 $0xFFFFF086  }
0x25: {  	[simem:s6], [sflag:s4] =	dma.local [hbm:s3], $0xF7A  }
0x26: {  	[smem:$0x3F96] =	sst s1;
	(tag) =	ssettag s2;
	_ =	strace s9  }
0x27: {  	s1 =	sld [smem:$0x3FA6]  }
0x28: {  	s2 =	sld [smem:$0x3FA7]  }
0x29: {  	s4 =	sld [smem:$0x3FA9]  }
0x2a: {  	p0 =	seq.s32 s5, $0x0;
	s5 =	sld [smem:$0x3FAA]  }
0x2b: {  	s6 =	sld [smem:$0x3FAB]  }
0x2c: {  	s7 =	sld [smem:$0x3FAC]  }
0x2d: {  	s3 =	simm.s32 $0x108;
	s8 =	sld [smem:$0x3FAD]  }
0x2e: {  	s3 =	simm.s32 @!p0 $0x1082;
	s9 =	sld [smem:$0x3FAE]  }
0x2f: {  	lr =	sadd.s32 s0, s3;
	s0 =	sld [smem:$0x3FA5]  }
0x30: {  	s3 =	sld [smem:$0x3FA8]  }
0x31: {  	[smem:$0x3FB1] =	sst s10  }
0x32: {  	s10 =	sld [smem:$0x3FAF];
	_ =	sdelay $0x3  }
0x33: {  	p0 =	seq.s32 s10, $0x1;
	s10 =	sld [smem:$0x3FB1];
	_ =	sdelay $0x3  }
0x34: {  	[smem:$0x3FB1] =	sst s10  }
0x35: {  	s10 =	sld [smem:$0x3FB0];
	_ =	sdelay $0x3  }
0x36: {  	p1 =	seq.s32 s10, $0x1;
	s10 =	sld [smem:$0x3FB1];
	_ =	sdelay $0x3  }
0x37: {  	[smem:$0x3FB1] =	sst s10  }
0x38: {  	s10 =	sld [smem:$0x3FB2]  }
0x39: {  	_ = 	snop;
	(pc) =	sbr.ind lr, $3  }
0x3a: {  	_ = 	snop  }
0x3b: {  	_ = 	snop  }
0x3c: {  	p2 =	seq.s32 s10, $0x1;
	s10 =	sld [smem:$0x3FB1]  }
0x3d: {  	_ =	shalt  }
0x3e: {  	_ =	shalt  }
0x3f: {  	_ =	shalt  }
0x40: {  	_ =	shalt  }
0x41: {  	_ =	shalt  }
0x42: {  	_ =	shalt  }
0x43: {  	_ =	shalt  }
0x44: {  	_ =	shalt  }
0x45: {  	_ =	shalt  }
0x46: {  	_ =	shalt  }
0x47: {  	_ =	shalt  }
0x48: {  	_ =	shalt  }
0x49: {  	_ =	shalt  }
0x4a: {  	_ =	shalt  }
0x4b: {  	_ =	shalt  }
0x4c: {  	_ =	shalt  }
0x4d: {  	_ =	shalt  }
0x4e: {  	_ =	shalt  }
0x4f: {  	_ =	shalt  }
0x50: {  	_ =	shalt  }
0x51: {  	_ =	shalt  }
0x52: {  	_ =	shalt  }
0x53: {  	_ =	shalt  }
0x54: {  	_ =	shalt  }
0x55: {  	_ =	shalt  }
0x56: {  	_ =	shalt  }
0x57: {  	_ =	shalt  }
0x58: {  	_ =	shalt  }
0x59: {  	_ =	shalt  }
0x5a: {  	_ =	shalt  }
0x5b: {  	_ =	shalt  }
0x5c: {  	_ =	shalt  }
0x5d: {  	_ =	shalt  }
0x5e: {  	_ =	shalt  }
0x5f: {  	_ =	shalt  }
0x60: {  	_ =	shalt  }
0x61: {  	_ =	shalt  }
0x62: {  	_ =	shalt  }
0x63: {  	_ =	shalt  }
0x64: {  	_ =	shalt  }
0x65: {  	_ =	shalt  }
0x66: {  	_ =	shalt  }
0x67: {  	_ =	shalt  }
0x68: {  	_ =	shalt  }
0x69: {  	_ =	shalt  }
0x6a: {  	_ =	shalt  }
0x6b: {  	_ =	shalt  }
0x6c: {  	_ =	shalt  }
0x6d: {  	_ =	shalt  }
0x6e: {  	_ =	shalt  }
0x6f: {  	_ =	shalt  }
0x70: {  	_ =	shalt  }
0x71: {  	_ =	shalt  }
0x72: {  	_ =	shalt  }
0x73: {  	_ =	shalt  }
0x74: {  	_ =	shalt  }
0x75: {  	_ =	shalt  }
0x76: {  	_ =	shalt  }
0x77: {  	_ =	shalt  }
0x78: {  	_ =	shalt  }
0x79: {  	_ =	shalt  }
0x7a: {  	_ =	shalt  }
0x7b: {  	_ =	shalt  }
0x7c: {  	_ =	shalt  }
0x7d: {  	_ =	shalt  }
0x7e: {  	_ =	shalt  }
0x7f: {  	_ =	shalt  }
0x80: {  	_ =	shalt  }
0x81: {  	_ =	shalt  }
0x82: {  	_ =	shalt  }
0x83: {  	_ =	shalt  }
0x84: {  	_ =	shalt  }
0x85: {  	_ =	shalt  }
0x86: {  	_ =	shalt  }
0x87: {  	_ =	shalt  }
.Lfunc_end0:
.L_simem_size_0:
called_computation.1_lowered:
.L_overlay_start_0:
0x88: {  	s2 =	sld [smem:$0x3FD9]  }
0x89: {  	s3 =	sld [smem:$0x3FFE];
	_ =	sdelay $0x1  }
0x8a: {  	s1 =	srdreg.scid  }
0x8b: {  	s0 =	sand.u32 $0x1, s1  }
0x8c: {  	s16 =	sshll.u32 s0, $0xA;
	s2 =	sadd.s32 s3, s2  }
0x8d: {  	s2 =	sadd.s32 s2, s16  }
0x8e: {  	[smem:$0x3FBD] =	sst s2  }
0x8f: {  	_ = 	snop  }
0x90: {  	(tm) =	ssettm $0x1  }
0x91: {  	s17 =	sld [smem:$0x3FFB];
	_ =	sdelay $0x3  }
0x92: {  	_ =	strace s17  }
0x93: {  	s2 =	sld [smem:$0x3FFC];
	_ =	sdelay $0x3  }
0x94: {  	_ =	strace s2  }
0x95: {  	s2 =	sld [smem:$0x3FFD];
	_ =	sdelay $0x3  }
0x96: {  	_ =	strace s2  }
0x97: {  	_ =	strace $0x8FFFFFFF  }
0x98: {  	s18 =	sld [smem:$0x3FDB];
	_ =	sdelay $0x1  }
0x99: {  	s19 =	simm.s32 $_scs_section_size  }
0x9a: {  	s4 =	simm.s32 $_size__tile_overlayer_lowered;
	s5 =	simm.s32 $_tile_overlayer_lowered  }
0x9b: {  	s22 =	simm.s32 $0x1BFF;
	s21 =	sshll.u32 s5, $0x1;
	s2 =	sadd.s32 s19, s18  }
0x9c: {  	s6 =	simm.s32 $0x0;
	s20 =	sshll.u32 s4, $0x1;
	s4 =	sadd.s32 s21, s2  }
0x9d: {  	[timem:s6], [sflag:s22] =	dma.local [hbm:s4], s20  }
0x9e: {  	_ =	swait.ge [sflag:s22], s20  }
0x9f: {  	s3 =	ssub.s32 $0x0, s20;
	[sflag:s22] =	ssyncset.done $0x0  }
0xa0: {  	[sflag:s22] =	ssyncadd.s32 s3;
	_ =	sdelay $0x1  }
0xa1: {  	s23 =	simm.s32 $0x1B8B  }
0xa2: {  	_ =	swait.ge [sflag:s23], $0x1  }
0xa3: {  	[sflag:s23] =	ssyncset.done $0x0  }
0xa4: {  	s25 =	simm.s32 $0x1B8E;
	s24 =	sld [smem:$0x3FFE];
	[sflag:s23] =	ssyncadd.s32 $0xFFFFFFFF  }
0xa5: {  	s26 =	simm.s32 $execute0_lowered;
	[smem:$0x3FD2] =	sst s25  }
0xa6: {  	s4 =	sshll.u32 s26, $0x1;
	_ =	strace $0x80000049;
	[dreg:$0x1] =	wrdreg $0xFFFFFFFF  }
0xa7: {  	s28 =	simm.s32 $_size_execute0_lowered;
	s2 =	sadd.s32 s2, s4;
	[dreg:$0x0] =	wrdreg $0x0  }
0xa8: {  	s4 =	sshll.u32 s28, $0x1;
	[dreg:$0x2] =	wrdreg s2  }
0xa9: {  	[dreg:$0x3] =	wrdreg s4  }
0xaa: {  	[dreg:$0x4] =	wrdreg $0xC0  }
0xab: {  	_ =	task [dreg:s6], $0x5FFFF  }
0xac: {  	[dreg:$0x1] =	wrdreg $0xFFFFFFFF  }
0xad: {  	[dreg:$0x0] =	wrdreg $0x60  }
0xae: {  	[dreg:$0x2] =	wrdreg s24  }
0xaf: {  	[dreg:$0x3] =	wrdreg $0x123000  }
0xb0: {  	[dreg:$0x4] =	wrdreg $0x9  }
0xb1: {  	_ =	task.clear_ibuf [dreg:s6], $0x5FFFF;
	_ =	strace $0x90000049  }
0xb2: {  	s29 =	simm.s32 $0x9;
	_ =	strace $0x8000004B  }
0xb3: {  	_ =	swait.ge [sflag:s29], $0x1  }
0xb4: {  	[sflag:s29] =	ssyncadd.s32 $0xFFFFFFFF  }
0xb5: {  	_ =	strace $0x9000004B  }
0xb6: {  	_ =	sfence  }
0xb7: {  	s30 =	sld [smem:$0x0];
	_ =	sdelay $0x2  }
0xb8: {  	s31 =	sshll.u32 s1, $0xD;
	s1 =	sshrl.u32 s1, $0x2  }
0xb9: {  	s3 =	sand.u32 $0x4000, s31;
	s1 =	sadd.s32 s1, s30  }
0xba: {  	s0 =	sor.u32 s3, s0;
	s1 =	sshll.u32 s1, $0x11  }
0xbb: {  	s0 =	sor.u32 s1, s0  }
0xbc: {  	s0 =	sadd.s32 $0x8F2B, s0  }
0xbd: {  	[sflag:s0] =	ssyncadd.remote.s32 $0x1  }
0xbe: {  	_ =	sfence.sel $0xFFFF  }
0xbf: {  	[dreg:$0x0] =	wrdreg $0xFFFFFFFF;
	(pc) =	sbr.abs _section_cstart, $3  }
0xc0: {  	[dreg:$0x1] =	wrdreg $0xFFFFFFFF  }
0xc1: {  	_ =	task.clear_ibuf [dreg:s6], $0x2FFFF;
	_ =	strace $0x9FFFFFFF  }
0xc2: {  	(tm) =	ssettm $0x7FFFFFFF  }
0xc3: {  	_ =	shalt  }
tec
execute0_lowered:
.L_overlay_start_1:
0x0: {  	(tag) =	ssettag $0x1  }
0x1: {  	s0 =	rddreg [dreg:$0x0]  }
0x2: {  	s2 =	srdreg.scid;
	s1 =	rddreg [dreg:$0x1];
	s3 =	simm.s32 $0x0  }
0x3: {  	s14 =	stileid.u32;
	s28 =	simm.s32 $0x2180;
	s30 =	simm.s32 $0x4180  }
0x4: {  	s31 =	simm.s32 $0x4200;
	s29 =	simm.s32 $0x4280;
	s8 =	smul.u32 $0x14000, s14  }
0x5: {  	s2 =	sand.u32 $0x1, s2;
	[smem:$0x7FF] =	sst s3;
	s10 =	smul.u32 $0x28000, s14  }
0x6: {  	s5 =	sadd.s32 $0x8400, s0;
	s7 =	sadd.s32 $0x12200, s0;
	s11 =	smul.u32 $0x270000, s14  }
0x7: {  	s13 =	smul.u32 $0x4E00, s14;
	s22 =	sshll.u32 s14, $0x7;
	p0 =	sgt.u32 s14, $0x3  }
0x8: {  	s4 =	smul.u32 $0x13880, s2;
	_ =	strace $0x8000004A;
	s6 =	sshll.u32 s2, $0x6  }
0x9: {  	s2 =	ssub.s32 $0x2, s2;
	s23 =	sor.u32 $0x4E000, s22;
	s22 =	simm.s32 $0x8300  }
0xa: {  	s8 =	sor.u32 s6, s8;
	s16 =	sshrl.u32 s2, $0x1;
	s17 =	sshrl.u32 s10, $0x2  }
0xb: {  	s18 =	sor.u32 s6, s11;
	s19 =	sshrl.u32 s13, $0x3;
	s15 =	sor.u32 $0x80, s13  }
0xc: {  	s9 =	sadd.s32 s4, s0;
	s4 =	sadd.s32 $0x526000, s0;
	s8 =	sshrl.u32 s8, $0x3  }
0xd: {  	s2 =	ssub.s32 s2, s16;
	s10 =	sshrl.u32 s18, $0x3;
	s12 =	sadd.s32 s5, s19  }
0xe: {  	s20 =	sadd.s32 s7, s19;
	s21 =	sor.u32 $0x10, s19;
	s16 =	sor.u32 $0x100, s13  }
0xf: {  	s18 =	simm.s32 $0x6300;
	s19 =	simm.s32 $0x4300;
	[dreg:$0x3] =	wrdreg s12  }
0x10: {  	s0 =	sadd.s32 s8, s0;
	s8 =	sadd.s32 s17, s1;
	[dreg:$0x4] =	wrdreg s20  }
0x11: {  	s10 =	sadd.s32 s4, s10;
	s12 =	sadd.s32 $0x6A200, s9;
	s11 =	sadd.s32 s5, s21  }
0x12: {  	s9 =	sadd.s32 s7, s21;
	s17 =	sor.u32 $0x180, s13;
	[dreg:$0x5] =	wrdreg s10  }
0x13: {  	s26 =	smax.u32 s2, $0x1;
	s2 =	simm.s32 $0x2;
	[dreg:$0x6] =	wrdreg s11  }
0x14: {  	s20 =	simm.s32 $0x100;
	[dreg:$0x7] =	wrdreg s9;
	s10 =	sshll.u32 s23, $0x7  }
0x15: {  	s9 =	sshrl.u32 s23, $0x3;
	s0 =	sadd.s32 $0x1C000, s0;
	[dreg:$0xc] =	wrdreg s26  }
.Ltmp0:
0x16: {  	s26 =	simm.s32 $0x40;
	s10 =	sor.u32 s6, s10;
	(pc) =	sbr.rel .LBB2_1-.Ltmp0, $4  }
0x17: {  	s24 =	sadd.s32 s5, s9;
	s9 =	sadd.s32 s7, s9;
	[dreg:$0xb] =	wrdreg s0  }
0x18: {  	s0 =	simm.s32 $0x3;
	[dreg:$0x8] =	wrdreg s24;
	s25 =	sshrl.u32 s10, $0x3  }
0x19: {  	[dreg:$0x9] =	wrdreg s9;
	s24 =	simm.s32 $0x7;
	s9 =	sadd.s32 s4, s25  }
0x1a: {  	v0 =	vimm.f32 $0.0e+00;
	s10 =	simm.s32 $0x0;
	s25 =	simm.s32 $0x80;
	[dreg:$0xa] =	wrdreg s9  }
.LBB2_14:
0x1b: {  	s9 =	simm.s32 $0x6  }
0x1c: {  	_ =	swait.ge [sflag:s9], $0x2000  }
0x1d: {  	[sflag:s9] =	ssyncset.done $0x0  }
0x1e: {  	[sflag:s9] =	ssyncadd.s32 $0xFFFFE000  }
0x1f: {  	s11 =	simm.s32 $0x8300;
	[bflag:$0x0] =	sbarrier.arrive $0xFFFF  }
0x20: {  	[tilespmem:s11], [sflag:$0x7] =	stream.linear.gather [spmem:s8], $0xA000, $0x38;
	[tilespmem:$0x1C300] =	vst v63  }
0x21: {  	_ =	swait.ge [sflag:s24], $0xA000  }
0x22: {  	[sflag:s24] =	ssyncset.done $0x0  }
0x23: {  	s21 =	rddreg [dreg:$0xb];
	[sflag:s24] =	ssyncadd.s32 $0xFFFF6000  }
0x24: {  	[hbm4b:s21+s26] =	stream.strided.scatter [tilespmem:s11], [sflag:$0x7], $0xA000, s25, s26, $0x38;
	[tilespmem:$0x1C300] =	vst v63  }
0x25: {  	_ =	swait.ge [sflag:s24], $0xA000  }
0x26: {  	s10 =	sadd.s32 $0x1, s10;
	s23 =	rddreg [dreg:$0xc]  }
0x27: {  	p1 =	sne.s32 s10, s23  }
.Ltmp1:
0x28: {  	_ = 	snop;
	(pc) =	sbr.rel @!p1 .LBB2_15-.Ltmp1, $3  }
0x29: {  	_ =	sdelay $0x1  }
0x2a: {  	[sflag:s24] =	ssyncset.done $0x0  }
0x2b: {  	s22 =	simm.s32 $0x8300;
	[sflag:s24] =	ssyncadd.s32 $0xFFFF6000  }
.LBB2_1:
0x2c: {  	s11 =	sand.u32 $0x3FF00, s3  }
0x2d: {  	s13 =	sand.u32 $0x30, s3;
	s14 =	sshrl.u32 s11, $0x2  }
0x2e: {  	s11 =	simm.s32 $0x40;
	s14 =	sor.u32 s13, s14;
	s13 =	simm.s32 $0x0  }
.LBB2_2:
0x2f: {  	p1 =	sne.s32 s11, $0x27FC0  }
0x30: {  	[tilespmem:s14+$0x8300] =	vst v0;
	s13 =	sadd.s32 $0x10, s13;
	s14 =	smov.u32 s11;
	s11 =	sadd.s32 $0x40, s11  }
.Ltmp2:
0x31: {  	(pc) =	sbr.rel @p1 .LBB2_2-.Ltmp2, $4  }
0x32: {  	_ = 	snop  }
0x33: {  	s14 =	sand.u32 $0x3FF00, s14  }
0x34: {  	s21 =	sand.u32 $0x30, s13;
	s14 =	sshrl.u32 s14, $0x2  }
0x35: {  	s14 =	sor.u32 s21, s14  }
0x36: {  	[tilespmem:s14+$0x8300] =	vst v0  }
0x37: {  	[spmem:s8] =	stream.linear.scatter [tilespmem:s22], [sflag:$0x7], $0xA000, $0x38;
	[tilespmem:$0x1C300] =	vst v63  }
0x38: {  	_ =	swait.ge [sflag:s24], $0xA000  }
0x39: {  	[sflag:s24] =	ssyncset.done $0x0  }
0x3a: {  	[sflag:s24] =	ssyncadd.s32 $0xFFFF6000  }
0x3b: {  	[bflag:$0x0] =	sbarrier.arrive $0xFFFF  }
0x3c: {  	s11 =	simm.s32 $0x0;
	s9 =	rddreg [dreg:$0x3]  }
0x3d: {  	[tilespmem:s11], [sflag:$0x7] =	stream.linear.gather [hbm4b:s9+s11], $0x80, $0x38;
	[tilespmem:$0x1C300] =	vst v63  }
0x3e: {  	_ =	swait.ge [sflag:s24], $0x80  }
0x3f: {  	[sflag:s24] =	ssyncset.done $0x0  }
0x40: {  	s13 =	rddreg [dreg:$0x4];
	[sflag:s24] =	ssyncadd.s32 $0xFFFFFF80  }
0x41: {  	[tilespmem:s25], [sflag:$0x7] =	stream.linear.gather [hbm4b:s13+s11], $0x80, $0x38;
	[tilespmem:$0x1C300] =	vst v63  }
0x42: {  	_ =	swait.ge [sflag:s24], $0x80  }
0x43: {  	[sflag:s24] =	ssyncset.done $0x0  }
0x44: {  	s14 =	rddreg [dreg:$0x5];
	[sflag:s24] =	ssyncadd.s32 $0xFFFFFF80  }
0x45: {  	[tilespmem:s28], [sflag:$0x3] =	stream.strided.gather [hbm4b:s14+s26], $0x2000, s25, s26, $0x38;
	[tilespmem:$0x1C300] =	vst v63  }
0x46: {  	s21 =	simm.s32 $0x180  }
0x47: {  	[tilespmem:s21], [sflag:$0x3] =	stream.indirect.gather [hbm4b:s12+s25], $0x40, s11, s25, $0xb8;
	[tilespmem:$0x1C300] =	vst v63  }
0x48: {  	s22 =	rddreg [dreg:$0x6]  }
0x49: {  	[tilespmem:s30], [sflag:$0x2] =	stream.linear.gather [hbm4b:s22+s11], $0x80, $0x38;
	[tilespmem:$0x1C300] =	vst v63  }
0x4a: {  	s23 =	rddreg [dreg:$0x7]  }
0x4b: {  	[tilespmem:s31], [sflag:$0x2] =	stream.linear.gather [hbm4b:s23+s11], $0x80, $0x38;
	[tilespmem:$0x1C300] =	vst v63  }
.LBB2_4:
0x4c: {  	_ =	swait.ge [sflag:s0], $0x2000  }
0x4d: {  	[sflag:s0] =	ssyncset.done $0x0  }
0x4e: {  	[sflag:s0] =	ssyncadd.s32 $0xFFFFE000  }
0x4f: {  	_ =	swait.ge [sflag:s0], $0x2000  }
0x50: {  	[sflag:s0] =	ssyncset.done $0x0  }
0x51: {  	[sflag:s0] =	ssyncadd.s32 $0xFFFFE000  }
0x52: {  	_ =	swait.ge [sflag:s2], $0x80  }
0x53: {  	[sflag:s2] =	ssyncset.done $0x0  }
0x54: {  	[sflag:s2] =	ssyncadd.s32 $0xFFFFFF80  }
0x55: {  	s13 =	sshll.u32 s11, $0x8;
	_ =	swait.ge [sflag:s2], $0x80  }
0x56: {  	p1 =	seq.s32 s11, $0x0;
	s14 =	sadd.s32 s13, s15;
	[sflag:s2] =	ssyncset.done $0x0  }
0x57: {  	s21 =	simm.s32 @!p1 $0x6;
	s14 =	sshll.u32 s14, $0x7;
	[sflag:s2] =	ssyncadd.s32 $0xFFFFFF80  }
0x58: {  	s14 =	sor.u32 s6, s14;
	_ =	swait.ge @!p1 [sflag:s21], $0x2000  }
0x59: {  	s14 =	sshrl.u32 s14, $0x3;
	[sflag:s21] =	ssyncset.done @!p1 $0x0  }
0x5a: {  	s14 =	sadd.s32 s4, s14;
	[sflag:s21] =	ssyncadd.s32 @!p1 $0xFFFFE000  }
0x5b: {  	[tilespmem:s18], [sflag:$0x4] =	stream.strided.gather [hbm4b:s14+s26], $0x2000, s25, s26, $0x38;
	[tilespmem:$0x1C300] =	vst v63  }
0x5c: {  	s14 =	simm.s32 $0x0  }
0x5d: {  	[tilespmem:s19], [sflag:$0x4] =	stream.indirect.gather [hbm4b:s12+s25], $0x40, s30, s25, $0xb8;
	[tilespmem:$0x1C300] =	vst v63  }
0x5e: {  	v3 =	vld [tilespmem:s14+$0x180]  }
0x5f: {  	v4 =	vld [tilespmem:s14+$0x190]  }
0x60: {  	v2 =	vld [tilespmem:s14+$0x1A0]  }
0x61: {  	v1 =	vld [tilespmem:s14+$0x1B0]  }
0x62: {  	v5 =	vld [tilespmem:s14+$0x2180]  }
0x63: {  	v7 =	vld [tilespmem:s14+$0x2190]  }
0x64: {  	s21 =	simm.s32 $0x100;
	v6 =	vld [tilespmem:s14+$0x21A0]  }
.LBB2_5:
0x65: {  	p1 =	sne.s32 s21, $0x7F00;
	v8 =	vld [tilespmem:s14+$0x21B0]  }
0x66: {  	s22 =	sshra.s32 s21, $0x2  }
0x67: {  	v5 =	vadd.f32 v5, v3;
	v3 =	vld [tilespmem:s22+$0x180]  }
0x68: {  	v7 =	vadd.f32 v7, v4;
	v4 =	vld [tilespmem:s22+$0x190]  }
.Ltmp3:
0x69: {  	v5 =	vmax.f32 v5, $0.0e+00;
	v6 =	vadd.f32 v6, v2;
	v2 =	vld [tilespmem:s22+$0x1A0];
	(pc) =	sbr.rel @p1 .LBB2_5-.Ltmp3, $4  }
0x6a: {  	[tilespmem:s14+$0x2180] =	vst v5;
	v7 =	vmax.f32 v7, $0.0e+00;
	v8 =	vadd.f32 v8, v1;
	v1 =	vld [tilespmem:s22+$0x1B0]  }
0x6b: {  	v5 =	vld [tilespmem:s22+$0x2180];
	[tilespmem:s14+$0x2190] =	vst v7;
	v6 =	vmax.f32 v6, $0.0e+00  }
0x6c: {  	v7 =	vld [tilespmem:s22+$0x2190];
	[tilespmem:s14+$0x21A0] =	vst v6;
	v8 =	vmax.f32 v8, $0.0e+00  }
0x6d: {  	s21 =	sadd.s32 $0x100, s21;
	v6 =	vld [tilespmem:s22+$0x21A0];
	[tilespmem:s14+$0x21B0] =	vst v8;
	s14 =	smov.u32 s22  }
0x6e: {  	v8 =	vld [tilespmem:s14+$0x21B0];
	_ =	sdelay $0x1  }
0x6f: {  	v3 =	vadd.f32 v5, v3  }
0x70: {  	v4 =	vadd.f32 v7, v4  }
0x71: {  	v3 =	vmax.f32 v3, $0.0e+00;
	v2 =	vadd.f32 v6, v2  }
0x72: {  	[tilespmem:s14+$0x2180] =	vst v3;
	v3 =	vmax.f32 v4, $0.0e+00;
	v1 =	vadd.f32 v8, v1  }
0x73: {  	[tilespmem:s14+$0x2190] =	vst v3;
	v2 =	vmax.f32 v2, $0.0e+00  }
0x74: {  	[tilespmem:s14+$0x21A0] =	vst v2;
	v1 =	vmax.f32 v1, $0.0e+00  }
0x75: {  	[tilespmem:s14+$0x21B0] =	vst v1  }
0x76: {  	v1 =	vld [tilespmem:$0x80]  }
0x77: {  	v2 =	vld [tilespmem:$0x90]  }
0x78: {  	v3 =	vld [tilespmem:$0xA0]  }
0x79: {  	v4 =	vld [tilespmem:$0xB0]  }
0x7a: {  	v5 =	vld [tilespmem:$0xC0]  }
0x7b: {  	[tilespmem:$0x100] =	vst v1;
	v1 =	vld [tilespmem:$0xD0]  }
0x7c: {  	[tilespmem:$0x110] =	vst v2;
	v2 =	vld [tilespmem:$0xE0]  }
0x7d: {  	[tilespmem:$0x120] =	vst v3;
	v3 =	vld [tilespmem:$0xF0]  }
0x7e: {  	[tilespmem:$0x130] =	vst v4  }
0x7f: {  	[tilespmem:$0x140] =	vst v5  }
0x80: {  	[tilespmem:$0x150] =	vst v1  }
0x81: {  	p1 =	seq.s32 s11, $0x4D;
	[tilespmem:$0x160] =	vst v2  }
0x82: {  	s14 =	simm.s32 @p1 $0x4;
	[tilespmem:$0x170] =	vst v3  }
0x83: {  	[spmem:s1] =	stream.indirect.scatter.add.f32 [tilespmem:s28], [sflag:$0x5], $0x40, s20, s25, $0xb8;
	[tilespmem:$0x1C300] =	vst v63  }
0x84: {  	_ =	swait.ge @p1 [sflag:s14], $0x2000  }
0x85: {  	[sflag:s14] =	ssyncset.done @p1 $0x0  }
0x86: {  	[sflag:s14] =	ssyncadd.s32 @p1 $0xFFFFE000  }
0x87: {  	_ =	swait.ge @p1 [sflag:s14], $0x2000  }
0x88: {  	[sflag:s14] =	ssyncset.done @p1 $0x0  }
0x89: {  	[sflag:s14] =	ssyncadd.s32 @p1 $0xFFFFE000;
	s14 =	simm.s32 @p1 $0x5  }
0x8a: {  	s21 =	sadd.s32 @!p1 s13, s16;
	_ =	swait.ge @p1 [sflag:s14], $0x2000  }
0x8b: {  	s22 =	sshrl.u32 @!p1 s21, $0x3;
	[sflag:s14] =	ssyncset.done @p1 $0x0  }
0x8c: {  	s23 =	simm.s32 @!p1 $0x0;
	[sflag:s14] =	ssyncadd.s32 @p1 $0xFFFFE000;
	s14 =	sadd.s32 @!p1 s5, s22  }
0x8d: {  	[tilespmem:s23], [sflag:$0x1] =	stream.linear.gather @!p1 [hbm4b:s14+s23], $0x80, $0x38;
	[tilespmem:$0x1C300] =	vst v63  }
0x8e: {  	s14 =	sadd.s32 @!p1 s7, s22;
	s22 =	simm.s32 @!p1 $0x80  }
0x8f: {  	[tilespmem:s22], [sflag:$0x1] =	stream.linear.gather @!p1 [hbm4b:s14+s23], $0x80, $0x38;
	[tilespmem:$0x1C300] =	vst v63  }
0x90: {  	s14 =	simm.s32 @!p1 $0x4  }
0x91: {  	_ =	swait.ge @!p1 [sflag:s14], $0x2000  }
0x92: {  	[sflag:s14] =	ssyncset.done @!p1 $0x0  }
0x93: {  	[sflag:s14] =	ssyncadd.s32 @!p1 $0xFFFFE000  }
0x94: {  	_ =	swait.ge @!p1 [sflag:s14], $0x2000  }
0x95: {  	[sflag:s14] =	ssyncset.done @!p1 $0x0  }
0x96: {  	[sflag:s14] =	ssyncadd.s32 @!p1 $0xFFFFE000;
	s14 =	simm.s32 @!p1 $0x5  }
0x97: {  	_ =	swait.ge @!p1 [sflag:s14], $0x2000  }
0x98: {  	[sflag:s14] =	ssyncset.done @!p1 $0x0  }
0x99: {  	[sflag:s14] =	ssyncadd.s32 @!p1 $0xFFFFE000;
	s14 =	simm.s32 @!p1 $0x1  }
0x9a: {  	_ =	swait.ge @!p1 [sflag:s14], $0x80  }
0x9b: {  	[sflag:s14] =	ssyncset.done @!p1 $0x0  }
0x9c: {  	[sflag:s14] =	ssyncadd.s32 @!p1 $0xFFFFFF80  }
0x9d: {  	s21 =	sshll.u32 @!p1 s21, $0x7;
	_ =	swait.ge @!p1 [sflag:s14], $0x80  }
0x9e: {  	s21 =	sor.u32 @!p1 s6, s21;
	[sflag:s14] =	ssyncset.done @!p1 $0x0  }
0x9f: {  	[sflag:s14] =	ssyncadd.s32 @!p1 $0xFFFFFF80;
	s14 =	sshrl.u32 @!p1 s21, $0x3  }
0xa0: {  	s9 =	simm.s32 @!p1 $0x2180;
	s21 =	simm.s32 @!p1 $0x40;
	s14 =	sadd.s32 @!p1 s4, s14  }
0xa1: {  	[tilespmem:s9], [sflag:$0x3] =	stream.strided.gather @!p1 [hbm4b:s14+s21], $0x2000, s22, s21, $0x38;
	[tilespmem:$0x1C300] =	vst v63  }
0xa2: {  	s9 =	simm.s32 @!p1 $0x180;
	s14 =	simm.s32 $0x0  }
0xa3: {  	[tilespmem:s9], [sflag:$0x3] =	stream.indirect.gather @!p1 [hbm4b:s12+s22], $0x40, s23, s22, $0xb8;
	[tilespmem:$0x1C300] =	vst v63  }
0xa4: {  	v3 =	vld [tilespmem:s14+$0x4300]  }
0xa5: {  	v4 =	vld [tilespmem:s14+$0x4310]  }
0xa6: {  	v2 =	vld [tilespmem:s14+$0x4320]  }
0xa7: {  	v1 =	vld [tilespmem:s14+$0x4330]  }
0xa8: {  	v5 =	vld [tilespmem:s14+$0x6300]  }
0xa9: {  	v7 =	vld [tilespmem:s14+$0x6310]  }
0xaa: {  	s21 =	simm.s32 $0x100;
	v6 =	vld [tilespmem:s14+$0x6320]  }
.LBB2_7:
0xab: {  	p2 =	sne.s32 s21, $0x7F00;
	v8 =	vld [tilespmem:s14+$0x6330]  }
0xac: {  	s9 =	sshra.s32 s21, $0x2  }
0xad: {  	v5 =	vadd.f32 v5, v3;
	v3 =	vld [tilespmem:s9+$0x4300]  }
0xae: {  	v7 =	vadd.f32 v7, v4;
	v4 =	vld [tilespmem:s9+$0x4310]  }
.Ltmp4:
0xaf: {  	v5 =	vmax.f32 v5, $0.0e+00;
	v6 =	vadd.f32 v6, v2;
	v2 =	vld [tilespmem:s9+$0x4320];
	(pc) =	sbr.rel @p2 .LBB2_7-.Ltmp4, $4  }
0xb0: {  	[tilespmem:s14+$0x6300] =	vst v5;
	v7 =	vmax.f32 v7, $0.0e+00;
	v8 =	vadd.f32 v8, v1;
	v1 =	vld [tilespmem:s9+$0x4330]  }
0xb1: {  	v5 =	vld [tilespmem:s9+$0x6300];
	[tilespmem:s14+$0x6310] =	vst v7;
	v6 =	vmax.f32 v6, $0.0e+00  }
0xb2: {  	v7 =	vld [tilespmem:s9+$0x6310];
	[tilespmem:s14+$0x6320] =	vst v6;
	v8 =	vmax.f32 v8, $0.0e+00  }
0xb3: {  	s21 =	sadd.s32 $0x100, s21;
	v6 =	vld [tilespmem:s9+$0x6320];
	[tilespmem:s14+$0x6330] =	vst v8;
	s14 =	smov.u32 s9  }
0xb4: {  	v8 =	vld [tilespmem:s14+$0x6330];
	_ =	sdelay $0x1  }
0xb5: {  	v3 =	vadd.f32 v5, v3  }
0xb6: {  	v4 =	vadd.f32 v7, v4  }
0xb7: {  	v3 =	vmax.f32 v3, $0.0e+00;
	v2 =	vadd.f32 v6, v2  }
0xb8: {  	[tilespmem:s14+$0x6300] =	vst v3;
	v3 =	vmax.f32 v4, $0.0e+00;
	v1 =	vadd.f32 v8, v1  }
0xb9: {  	[tilespmem:s14+$0x6310] =	vst v3;
	v2 =	vmax.f32 v2, $0.0e+00  }
0xba: {  	[tilespmem:s14+$0x6320] =	vst v2;
	v1 =	vmax.f32 v1, $0.0e+00  }
0xbb: {  	[tilespmem:s14+$0x6330] =	vst v1  }
0xbc: {  	v1 =	vld [tilespmem:$0x4200]  }
0xbd: {  	v2 =	vld [tilespmem:$0x4210]  }
0xbe: {  	v3 =	vld [tilespmem:$0x4220]  }
0xbf: {  	v62 =	vld [tilespmem:$0x4230]  }
0xc0: {  	v63 =	vld [tilespmem:$0x4240]  }
0xc1: {  	[tilespmem:$0x4280] =	vst v1;
	v1 =	vld [tilespmem:$0x4250]  }
0xc2: {  	[tilespmem:$0x4290] =	vst v2;
	v2 =	vld [tilespmem:$0x4260]  }
0xc3: {  	[tilespmem:$0x42A0] =	vst v3;
	v3 =	vld [tilespmem:$0x4270]  }
0xc4: {  	[tilespmem:$0x42B0] =	vst v62  }
.Ltmp5:
0xc5: {  	[tilespmem:$0x42C0] =	vst v63;
	(pc) =	sbr.rel @p1 .LBB2_10-.Ltmp5, $4  }
0xc6: {  	[tilespmem:$0x42D0] =	vst v1  }
0xc7: {  	[tilespmem:$0x42E0] =	vst v2  }
0xc8: {  	[tilespmem:$0x42F0] =	vst v3  }
0xc9: {  	[spmem:s1] =	stream.indirect.scatter.add.f32 [tilespmem:s18], [sflag:$0x6], $0x40, s29, s25, $0xb8;
	[tilespmem:$0x1C300] =	vst v63  }
0xca: {  	s9 =	sadd.s32 s13, s17  }
.Ltmp6:
0xcb: {  	s9 =	sshrl.u32 s9, $0x3;
	(pc) =	sbr.rel .LBB2_4-.Ltmp6, $4  }
0xcc: {  	s23 =	sadd.s32 s5, s9  }
0xcd: {  	[tilespmem:s30], [sflag:$0x2] =	stream.linear.gather [hbm4b:s23+s3], $0x80, $0x38;
	[tilespmem:$0x1C300] =	vst v63  }
0xce: {  	s11 =	sadd.s32 $0x1, s11;
	s9 =	sadd.s32 s7, s9  }
0xcf: {  	[tilespmem:s31], [sflag:$0x2] =	stream.linear.gather [hbm4b:s9+s3], $0x80, $0x38;
	[tilespmem:$0x1C300] =	vst v63  }
.LBB2_10:
.Ltmp7:
0xd0: {  	(pc) =	sbr.rel @p0 .LBB2_14-.Ltmp7, $1  }
0xd1: {  	_ =	sdelay $0x3  }
0xd2: {  	s9 =	simm.s32 $0x0;
	s11 =	rddreg [dreg:$0x8]  }
0xd3: {  	[tilespmem:s9], [sflag:$0x7] =	stream.linear.gather [hbm4b:s11+s9], $0x80, $0x38;
	[tilespmem:$0x1C300] =	vst v63  }
0xd4: {  	_ =	swait.ge [sflag:s24], $0x80  }
0xd5: {  	[sflag:s24] =	ssyncset.done $0x0  }
0xd6: {  	s21 =	rddreg [dreg:$0x9];
	[sflag:s24] =	ssyncadd.s32 $0xFFFFFF80  }
0xd7: {  	[tilespmem:s25], [sflag:$0x7] =	stream.linear.gather [hbm4b:s21+s9], $0x80, $0x38;
	[tilespmem:$0x1C300] =	vst v63  }
0xd8: {  	_ =	swait.ge [sflag:s24], $0x80  }
0xd9: {  	[sflag:s24] =	ssyncset.done $0x0  }
0xda: {  	s22 =	rddreg [dreg:$0xa];
	[sflag:s24] =	ssyncadd.s32 $0xFFFFFF80  }
0xdb: {  	[tilespmem:s28], [sflag:$0x7] =	stream.strided.gather [hbm4b:s22+s26], $0x2000, s25, s26, $0x38;
	[tilespmem:$0x1C300] =	vst v63  }
0xdc: {  	_ =	swait.ge [sflag:s24], $0x2000  }
0xdd: {  	[sflag:s24] =	ssyncset.done $0x0  }
0xde: {  	s23 =	simm.s32 $0x180;
	[sflag:s24] =	ssyncadd.s32 $0xFFFFE000  }
0xdf: {  	[tilespmem:s23], [sflag:$0x3] =	stream.indirect.gather [hbm4b:s12+s25], $0x40, s9, s25, $0xb8;
	[tilespmem:$0x1C300] =	vst v63  }
0xe0: {  	_ =	swait.ge [sflag:s0], $0x2000  }
0xe1: {  	[sflag:s0] =	ssyncset.done $0x0  }
0xe2: {  	s11 =	simm.s32 $0x0;
	[sflag:s0] =	ssyncadd.s32 $0xFFFFE000  }
0xe3: {  	v3 =	vld [tilespmem:s11+$0x180]  }
0xe4: {  	v4 =	vld [tilespmem:s11+$0x190]  }
0xe5: {  	v2 =	vld [tilespmem:s11+$0x1A0]  }
0xe6: {  	v1 =	vld [tilespmem:s11+$0x1B0]  }
0xe7: {  	v5 =	vld [tilespmem:s11+$0x2180]  }
0xe8: {  	v7 =	vld [tilespmem:s11+$0x2190]  }
0xe9: {  	s13 =	simm.s32 $0x100;
	v6 =	vld [tilespmem:s11+$0x21A0]  }
.LBB2_12:
0xea: {  	p1 =	sne.s32 s13, $0x7F00;
	v8 =	vld [tilespmem:s11+$0x21B0]  }
0xeb: {  	s9 =	sshra.s32 s13, $0x2  }
0xec: {  	v5 =	vadd.f32 v5, v3;
	v3 =	vld [tilespmem:s9+$0x180]  }
0xed: {  	v7 =	vadd.f32 v7, v4;
	v4 =	vld [tilespmem:s9+$0x190]  }
.Ltmp8:
0xee: {  	v5 =	vmax.f32 v5, $0.0e+00;
	v6 =	vadd.f32 v6, v2;
	v2 =	vld [tilespmem:s9+$0x1A0];
	(pc) =	sbr.rel @p1 .LBB2_12-.Ltmp8, $4  }
0xef: {  	[tilespmem:s11+$0x2180] =	vst v5;
	v7 =	vmax.f32 v7, $0.0e+00;
	v8 =	vadd.f32 v8, v1;
	v1 =	vld [tilespmem:s9+$0x1B0]  }
0xf0: {  	v5 =	vld [tilespmem:s9+$0x2180];
	[tilespmem:s11+$0x2190] =	vst v7;
	v6 =	vmax.f32 v6, $0.0e+00  }
0xf1: {  	v7 =	vld [tilespmem:s9+$0x2190];
	[tilespmem:s11+$0x21A0] =	vst v6;
	v8 =	vmax.f32 v8, $0.0e+00  }
0xf2: {  	s13 =	sadd.s32 $0x100, s13;
	v6 =	vld [tilespmem:s9+$0x21A0];
	[tilespmem:s11+$0x21B0] =	vst v8;
	s11 =	smov.u32 s9  }
0xf3: {  	v8 =	vld [tilespmem:s11+$0x21B0];
	_ =	sdelay $0x1  }
0xf4: {  	v3 =	vadd.f32 v5, v3  }
0xf5: {  	v4 =	vadd.f32 v7, v4  }
0xf6: {  	v3 =	vmax.f32 v3, $0.0e+00;
	v2 =	vadd.f32 v6, v2  }
0xf7: {  	[tilespmem:s11+$0x2180] =	vst v3;
	v3 =	vmax.f32 v4, $0.0e+00;
	v1 =	vadd.f32 v8, v1  }
0xf8: {  	[tilespmem:s11+$0x2190] =	vst v3;
	v2 =	vmax.f32 v2, $0.0e+00  }
0xf9: {  	[tilespmem:s11+$0x21A0] =	vst v2;
	v1 =	vmax.f32 v1, $0.0e+00  }
0xfa: {  	[tilespmem:s11+$0x21B0] =	vst v1  }
0xfb: {  	v1 =	vld [tilespmem:$0x80]  }
0xfc: {  	v2 =	vld [tilespmem:$0x90]  }
0xfd: {  	v3 =	vld [tilespmem:$0xA0]  }
0xfe: {  	v62 =	vld [tilespmem:$0xB0]  }
0xff: {  	v63 =	vld [tilespmem:$0xC0]  }
0x100: {  	[tilespmem:$0x100] =	vst v1;
	v1 =	vld [tilespmem:$0xD0]  }
0x101: {  	[tilespmem:$0x110] =	vst v2;
	v2 =	vld [tilespmem:$0xE0]  }
0x102: {  	[tilespmem:$0x120] =	vst v3;
	v3 =	vld [tilespmem:$0xF0]  }
0x103: {  	[tilespmem:$0x130] =	vst v62  }
0x104: {  	[tilespmem:$0x140] =	vst v63  }
0x105: {  	[tilespmem:$0x150] =	vst v1  }
0x106: {  	[tilespmem:$0x160] =	vst v2  }
.Ltmp9:
0x107: {  	s9 =	simm.s32 $0x5;
	[tilespmem:$0x170] =	vst v3;
	(pc) =	sbr.rel .LBB2_14-.Ltmp9, $4  }
0x108: {  	[spmem:s1] =	stream.indirect.scatter.add.f32 [tilespmem:s28], [sflag:$0x5], $0x40, s20, s25, $0xb8;
	[tilespmem:$0x1C300] =	vst v63  }
0x109: {  	_ =	swait.ge [sflag:s9], $0x2000  }
0x10a: {  	[sflag:s9] =	ssyncset.done $0x0  }
0x10b: {  	[sflag:s9] =	ssyncadd.s32 $0xFFFFE000  }
.LBB2_15:
0x10c: {  	_ =	sfence.sel $0x180000  }
0x10d: {  	[bflag:$0x0] =	sbarrier.arrive $0xFFFF  }
0x10e: {  	_ =	strace $0x9000004A  }
0x10f: {  	s0 =	stileid.u32;
	[bflag:$0x2] =	sbarrier.arrive $0xFFFF  }
0x110: {  	p0 =	sne.s32 s0, $0x0;
	s0 =	rddreg [dreg:$0x2]  }
0x111: {  	s0 =	sadd.s32 @!p0 $0x100000, s0  }
0x112: {  	[sflag:s0] =	ssyncadd.tile.s32 @!p0 $0x1;
	_ =	shalt  }
.Lfunc_end2:
_tile_overlayer_lowered:
.L_overlay_start_2:
0x113: {  	(tag) =	ssettag $0x2  }
0x114: {  	s0 =	rddreg [dreg:$0x0];
	s2 =	stileid.u32  }
0x115: {  	s1 =	rddreg [dreg:$0x1];
	p0 =	sne.s32 s2, $0x0  }
0x116: {  	s3 =	rddreg [dreg:$0x2];
	[bflag:$0x3] =	sbarrier.arrive $0xFFFF;
	s2 =	simm.s32 @!p0 $0x1C07  }
0x117: {  	[timem:s3], [sflag:s2] =	dma.local @!p0 [hbm:s0], s1  }
0x118: {  	s0 =	simm.s32 @!p0 $0x7  }
0x119: {  	_ =	swait.ge @!p0 [sflag:s0], s1  }
0x11a: {  	s1 =	ssub.s32 @!p0 $0x0, s1;
	[sflag:s0] =	ssyncset.done @!p0 $0x0  }
0x11b: {  	[sflag:s0] =	ssyncadd.s32 @!p0 s1  }
0x11c: {  	[bflag:$0x3] =	sbarrier.arrive $0xFFFF  }
0x11d: {  	_ =	shalt  }

// kernel: kernel.19.cloned.1.call-start
scs
__scs_entry_jumppad:
0x0: {  	(pc) =	sbr.rel $0x88, $3  }
0x1: {  	(tag) =	ssettag $0x0;
	lr =	simm.s32 $0x1  }
0x2: {  	[smem:$0x3F96] =	sst lr;
	_ =	strace $0xD0000000  }
0x3: {  	_ = 	snop  }
0x4: {  	_ = 	snop  }
0x5: {  	_ = 	snop  }
0x6: {  	_ = 	snop  }
0x7: {  	_ = 	snop  }
__scs_overlays_trampoline_lowered:
0x8: {  	[smem:$0x3FA5] =	sst s0  }
0x9: {  	[smem:$0x3FA6] =	sst s1  }
0xa: {  	[smem:$0x3FA7] =	sst s2  }
0xb: {  	[smem:$0x3FA8] =	sst s3  }
0xc: {  	[smem:$0x3FA9] =	sst s4  }
0xd: {  	[smem:$0x3FAA] =	sst s5  }
0xe: {  	[smem:$0x3FAB] =	sst s6  }
0xf: {  	[smem:$0x3FAC] =	sst s7  }
0x10: {  	[smem:$0x3FAD] =	sst s8  }
0x11: {  	[smem:$0x3FAE] =	sst s9;
	s0 =	simm.s32 @!p0 $0x0  }
0x12: {  	s1 =	sld [smem:$0x3F94];
	s0 =	simm.s32 @p0 $0x1  }
0x13: {  	[smem:$0x3FAF] =	sst s0;
	s0 =	simm.s32 @!p1 $0x0  }
0x14: {  	s2 =	sld [smem:$0x3F93];
	s0 =	simm.s32 @p1 $0x1  }
0x15: {  	[smem:$0x3FB0] =	sst s0;
	s0 =	simm.s32 @!p2 $0x0  }
0x16: {  	s3 =	sld [smem:$0x3FDB];
	s0 =	simm.s32 @p2 $0x1  }
0x17: {  	s4 =	simm.s32 $0x1BF5;
	[smem:$0x3FB2] =	sst s0  }
0x18: {  	s0 =	sld [smem:$0x3F95];
	_ =	swait.ge [sflag:s4], $0x0  }
0x19: {  	s7 =	sld [smem:$0x3F96]  }
0x1a: {  	s8 =	sadd.s32 $0xFFFFE003, lr  }
0x1b: {  	s9 =	sadd.s32 $0xFFFFFEF7, lr;
	s5 =	simm.s32 $0xFFFFFFFF;
	p2 =	slt.u32 s8, $0xFFFFF086  }
0x1c: {  	p1 =	slt.u32 s9, $0xF7A;
	s5 =	simm.s32 @!p2 $0x0  }
0x1d: {  	s5 =	simm.s32 @p1 $0x1;
	p0 =	seq.s32 s7, s2  }
0x1e: {  	s7 =	smul.u32 @!p0 $0xF7A, s2;
	p2 =	seq.s32 @!p0 s5, $0x0  }
0x1f: {  	s9 =	smul.u32 $0xF7A, s1;
	s8 =	simm.s32 @!p0 $0x1BF5;
	p2 =	por !p2, p0  }
0x20: {  	[sflag:s8] =	ssyncset.s32 @!p0 $0xFFFFF086;
	s6 =	sadd.s32 @!p0 s3, s7;
	s7 =	simm.s32 @!p0 $0x108  }
0x21: {  	s3 =	sadd.s32 s3, s9;
	s6 =	sadd.s32 @!p0 $0x88, s6;
	s7 =	simm.s32 @p2 $0x1082  }
0x22: {  	[simem:s7], [sflag:s8] =	dma.local @!p0 [hbm:s6], $0xF7A  }
0x23: {  	s9 =	sor.u32 $0xD0000000, s2;
	s6 =	simm.s32 $0x108;
	_ =	swait.ge @!p0 [sflag:s8], $0x0  }
0x24: {  	s3 =	sadd.s32 $0x88, s3;
	s6 =	simm.s32 @!p1 $0x1082;
	[sflag:s4] =	ssyncset.s32 $0xFFFFF086  }
0x25: {  	[simem:s6], [sflag:s4] =	dma.local [hbm:s3], $0xF7A  }
0x26: {  	[smem:$0x3F96] =	sst s1;
	(tag) =	ssettag s2;
	_ =	strace s9  }
0x27: {  	s1 =	sld [smem:$0x3FA6]  }
0x28: {  	s2 =	sld [smem:$0x3FA7]  }
0x29: {  	s4 =	sld [smem:$0x3FA9]  }
0x2a: {  	p0 =	seq.s32 s5, $0x0;
	s5 =	sld [smem:$0x3FAA]  }
0x2b: {  	s6 =	sld [smem:$0x3FAB]  }
0x2c: {  	s7 =	sld [smem:$0x3FAC]  }
0x2d: {  	s3 =	simm.s32 $0x108;
	s8 =	sld [smem:$0x3FAD]  }
0x2e: {  	s3 =	simm.s32 @!p0 $0x1082;
	s9 =	sld [smem:$0x3FAE]  }
0x2f: {  	lr =	sadd.s32 s0, s3;
	s0 =	sld [smem:$0x3FA5]  }
0x30: {  	s3 =	sld [smem:$0x3FA8]  }
0x31: {  	[smem:$0x3FB1] =	sst s10  }
0x32: {  	s10 =	sld [smem:$0x3FAF];
	_ =	sdelay $0x3  }
0x33: {  	p0 =	seq.s32 s10, $0x1;
	s10 =	sld [smem:$0x3FB1];
	_ =	sdelay $0x3  }
0x34: {  	[smem:$0x3FB1] =	sst s10  }
0x35: {  	s10 =	sld [smem:$0x3FB0];
	_ =	sdelay $0x3  }
0x36: {  	p1 =	seq.s32 s10, $0x1;
	s10 =	sld [smem:$0x3FB1];
	_ =	sdelay $0x3  }
0x37: {  	[smem:$0x3FB1] =	sst s10  }
0x38: {  	s10 =	sld [smem:$0x3FB2]  }
0x39: {  	_ = 	snop;
	(pc) =	sbr.ind lr, $3  }
0x3a: {  	_ = 	snop  }
0x3b: {  	_ = 	snop  }
0x3c: {  	p2 =	seq.s32 s10, $0x1;
	s10 =	sld [smem:$0x3FB1]  }
0x3d: {  	_ =	shalt  }
0x3e: {  	_ =	shalt  }
0x3f: {  	_ =	shalt  }
0x40: {  	_ =	shalt  }
0x41: {  	_ =	shalt  }
0x42: {  	_ =	shalt  }
0x43: {  	_ =	shalt  }
0x44: {  	_ =	shalt  }
0x45: {  	_ =	shalt  }
0x46: {  	_ =	shalt  }
0x47: {  	_ =	shalt  }
0x48: {  	_ =	shalt  }
0x49: {  	_ =	shalt  }
0x4a: {  	_ =	shalt  }
0x4b: {  	_ =	shalt  }
0x4c: {  	_ =	shalt  }
0x4d: {  	_ =	shalt  }
0x4e: {  	_ =	shalt  }
0x4f: {  	_ =	shalt  }
0x50: {  	_ =	shalt  }
0x51: {  	_ =	shalt  }
0x52: {  	_ =	shalt  }
0x53: {  	_ =	shalt  }
0x54: {  	_ =	shalt  }
0x55: {  	_ =	shalt  }
0x56: {  	_ =	shalt  }
0x57: {  	_ =	shalt  }
0x58: {  	_ =	shalt  }
0x59: {  	_ =	shalt  }
0x5a: {  	_ =	shalt  }
0x5b: {  	_ =	shalt  }
0x5c: {  	_ =	shalt  }
0x5d: {  	_ =	shalt  }
0x5e: {  	_ =	shalt  }
0x5f: {  	_ =	shalt  }
0x60: {  	_ =	shalt  }
0x61: {  	_ =	shalt  }
0x62: {  	_ =	shalt  }
0x63: {  	_ =	shalt  }
0x64: {  	_ =	shalt  }
0x65: {  	_ =	shalt  }
0x66: {  	_ =	shalt  }
0x67: {  	_ =	shalt  }
0x68: {  	_ =	shalt  }
0x69: {  	_ =	shalt  }
0x6a: {  	_ =	shalt  }
0x6b: {  	_ =	shalt  }
0x6c: {  	_ =	shalt  }
0x6d: {  	_ =	shalt  }
0x6e: {  	_ =	shalt  }
0x6f: {  	_ =	shalt  }
0x70: {  	_ =	shalt  }
0x71: {  	_ =	shalt  }
0x72: {  	_ =	shalt  }
0x73: {  	_ =	shalt  }
0x74: {  	_ =	shalt  }
0x75: {  	_ =	shalt  }
0x76: {  	_ =	shalt  }
0x77: {  	_ =	shalt  }
0x78: {  	_ =	shalt  }
0x79: {  	_ =	shalt  }
0x7a: {  	_ =	shalt  }
0x7b: {  	_ =	shalt  }
0x7c: {  	_ =	shalt  }
0x7d: {  	_ =	shalt  }
0x7e: {  	_ =	shalt  }
0x7f: {  	_ =	shalt  }
0x80: {  	_ =	shalt  }
0x81: {  	_ =	shalt  }
0x82: {  	_ =	shalt  }
0x83: {  	_ =	shalt  }
0x84: {  	_ =	shalt  }
0x85: {  	_ =	shalt  }
0x86: {  	_ =	shalt  }
0x87: {  	_ =	shalt  }
.Lfunc_end0:
.L_simem_size_0:
called_computation.2_lowered:
.L_overlay_start_0:
0x88: {  	s2 =	sld [smem:$0x3FD9]  }
0x89: {  	s3 =	sld [smem:$0x3FFE];
	_ =	sdelay $0x1  }
0x8a: {  	s1 =	srdreg.scid  }
0x8b: {  	s0 =	sand.u32 $0x1, s1  }
0x8c: {  	s16 =	sshll.u32 s0, $0xA;
	s2 =	sadd.s32 s3, s2  }
0x8d: {  	s2 =	sadd.s32 s2, s16  }
0x8e: {  	[smem:$0x3FBD] =	sst s2  }
0x8f: {  	_ = 	snop  }
0x90: {  	(tm) =	ssettm $0x1  }
0x91: {  	s17 =	sld [smem:$0x3FFB];
	_ =	sdelay $0x3  }
0x92: {  	_ =	strace s17  }
0x93: {  	s2 =	sld [smem:$0x3FFC];
	_ =	sdelay $0x3  }
0x94: {  	_ =	strace s2  }
0x95: {  	s2 =	sld [smem:$0x3FFD];
	_ =	sdelay $0x3  }
0x96: {  	_ =	strace s2  }
0x97: {  	_ =	strace $0x8FFFFFFF  }
0x98: {  	s18 =	sld [smem:$0x3FDB];
	_ =	sdelay $0x1  }
0x99: {  	s19 =	simm.s32 $_scs_section_size  }
0x9a: {  	s4 =	simm.s32 $_size__tile_overlayer_lowered;
	s5 =	simm.s32 $_tile_overlayer_lowered  }
0x9b: {  	s22 =	simm.s32 $0x1BFF;
	s21 =	sshll.u32 s5, $0x1;
	s2 =	sadd.s32 s19, s18  }
0x9c: {  	s6 =	simm.s32 $0x0;
	s20 =	sshll.u32 s4, $0x1;
	s4 =	sadd.s32 s21, s2  }
0x9d: {  	[timem:s6], [sflag:s22] =	dma.local [hbm:s4], s20  }
0x9e: {  	_ =	swait.ge [sflag:s22], s20  }
0x9f: {  	s3 =	ssub.s32 $0x0, s20;
	[sflag:s22] =	ssyncset.done $0x0  }
0xa0: {  	[sflag:s22] =	ssyncadd.s32 s3;
	_ =	sdelay $0x1  }
0xa1: {  	s23 =	simm.s32 $0x1B8B  }
0xa2: {  	_ =	swait.ge [sflag:s23], $0x1  }
0xa3: {  	[sflag:s23] =	ssyncset.done $0x0  }
0xa4: {  	s25 =	simm.s32 $0x1B8E;
	s24 =	sld [smem:$0x3FFE];
	[sflag:s23] =	ssyncadd.s32 $0xFFFFFFFF  }
0xa5: {  	s26 =	simm.s32 $execute0_lowered;
	[smem:$0x3FD2] =	sst s25  }
0xa6: {  	s4 =	sshll.u32 s26, $0x1;
	_ =	strace $0x8000004C;
	[dreg:$0x1] =	wrdreg $0xFFFFFFFF  }
0xa7: {  	s28 =	simm.s32 $_size_execute0_lowered;
	s2 =	sadd.s32 s2, s4;
	[dreg:$0x0] =	wrdreg $0x0  }
0xa8: {  	s4 =	sshll.u32 s28, $0x1;
	[dreg:$0x2] =	wrdreg s2  }
0xa9: {  	[dreg:$0x3] =	wrdreg s4  }
0xaa: {  	[dreg:$0x4] =	wrdreg $0xC0  }
0xab: {  	_ =	task [dreg:s6], $0x5FFFF  }
0xac: {  	[dreg:$0x1] =	wrdreg $0xFFFFFFFF  }
0xad: {  	[dreg:$0x0] =	wrdreg $0x60  }
0xae: {  	[dreg:$0x2] =	wrdreg s24  }
0xaf: {  	[dreg:$0x3] =	wrdreg $0x123000  }
0xb0: {  	[dreg:$0x4] =	wrdreg $0x9  }
0xb1: {  	_ =	task.clear_ibuf [dreg:s6], $0x5FFFF;
	_ =	strace $0x9000004C  }
0xb2: {  	s29 =	simm.s32 $0x9;
	_ =	strace $0x8000004E  }
0xb3: {  	_ =	swait.ge [sflag:s29], $0x1  }
0xb4: {  	[sflag:s29] =	ssyncadd.s32 $0xFFFFFFFF  }
0xb5: {  	_ =	strace $0x9000004E  }
0xb6: {  	_ =	sfence  }
0xb7: {  	s30 =	sld [smem:$0x0];
	_ =	sdelay $0x2  }
0xb8: {  	s31 =	sshll.u32 s1, $0xD;
	s1 =	sshrl.u32 s1, $0x2  }
0xb9: {  	s3 =	sand.u32 $0x4000, s31;
	s1 =	sadd.s32 s1, s30  }
0xba: {  	s0 =	sor.u32 s3, s0;
	s1 =	sshll.u32 s1, $0x11  }
0xbb: {  	s0 =	sor.u32 s1, s0  }
0xbc: {  	s0 =	sadd.s32 $0x8F2B, s0  }
0xbd: {  	[sflag:s0] =	ssyncadd.remote.s32 $0x1  }
0xbe: {  	_ =	sfence.sel $0xFFFF  }
0xbf: {  	[dreg:$0x0] =	wrdreg $0xFFFFFFFF;
	(pc) =	sbr.abs _section_cstart, $3  }
0xc0: {  	[dreg:$0x1] =	wrdreg $0xFFFFFFFF  }
0xc1: {  	_ =	task.clear_ibuf [dreg:s6], $0x2FFFF;
	_ =	strace $0x9FFFFFFF  }
0xc2: {  	(tm) =	ssettm $0x7FFFFFFF  }
0xc3: {  	_ =	shalt  }
tec
execute0_lowered:
.L_overlay_start_1:
0x0: {  	(tag) =	ssettag $0x1  }
0x1: {  	s0 =	rddreg [dreg:$0x0]  }
0x2: {  	s2 =	srdreg.scid;
	s1 =	rddreg [dreg:$0x1];
	s3 =	simm.s32 $0x0  }
0x3: {  	s14 =	stileid.u32;
	s28 =	simm.s32 $0x2180;
	s30 =	simm.s32 $0x4180  }
0x4: {  	s31 =	simm.s32 $0x4200;
	s29 =	simm.s32 $0x4280;
	s8 =	smul.u32 $0x14000, s14  }
0x5: {  	s2 =	sand.u32 $0x1, s2;
	[smem:$0x7FF] =	sst s3;
	s10 =	smul.u32 $0x28000, s14  }
0x6: {  	s5 =	sadd.s32 $0x8400, s0;
	s7 =	sadd.s32 $0x12200, s0;
	s11 =	smul.u32 $0x270000, s14  }
0x7: {  	s13 =	smul.u32 $0x4E00, s14;
	s22 =	sshll.u32 s14, $0x7;
	p0 =	sgt.u32 s14, $0x3  }
0x8: {  	s4 =	smul.u32 $0x13880, s2;
	_ =	strace $0x8000004D;
	s6 =	sshll.u32 s2, $0x6  }
0x9: {  	s2 =	ssub.s32 $0x2, s2;
	s23 =	sor.u32 $0x4E000, s22;
	s22 =	simm.s32 $0x8300  }
0xa: {  	s8 =	sor.u32 s6, s8;
	s16 =	sshrl.u32 s2, $0x1;
	s17 =	sshrl.u32 s10, $0x2  }
0xb: {  	s18 =	sor.u32 s6, s11;
	s19 =	sshrl.u32 s13, $0x3;
	s15 =	sor.u32 $0x80, s13  }
0xc: {  	s9 =	sadd.s32 s4, s0;
	s4 =	sadd.s32 $0xA0AC00, s0;
	s8 =	sshrl.u32 s8, $0x3  }
0xd: {  	s2 =	ssub.s32 s2, s16;
	s10 =	sshrl.u32 s18, $0x3;
	s12 =	sadd.s32 s5, s19  }
0xe: {  	s20 =	sadd.s32 s7, s19;
	s21 =	sor.u32 $0x10, s19;
	s16 =	sor.u32 $0x100, s13  }
0xf: {  	s18 =	simm.s32 $0x6300;
	s19 =	simm.s32 $0x4300;
	[dreg:$0x3] =	wrdreg s12  }
0x10: {  	s0 =	sadd.s32 s8, s0;
	s8 =	sadd.s32 s17, s1;
	[dreg:$0x4] =	wrdreg s20  }
0x11: {  	s10 =	sadd.s32 s4, s10;
	s12 =	sadd.s32 $0x6A200, s9;
	s11 =	sadd.s32 s5, s21  }
0x12: {  	s9 =	sadd.s32 s7, s21;
	s17 =	sor.u32 $0x180, s13;
	[dreg:$0x5] =	wrdreg s10  }
0x13: {  	s26 =	smax.u32 s2, $0x1;
	s2 =	simm.s32 $0x2;
	[dreg:$0x6] =	wrdreg s11  }
0x14: {  	s20 =	simm.s32 $0x100;
	[dreg:$0x7] =	wrdreg s9;
	s10 =	sshll.u32 s23, $0x7  }
0x15: {  	s9 =	sshrl.u32 s23, $0x3;
	s0 =	sadd.s32 $0x1C000, s0;
	[dreg:$0xc] =	wrdreg s26  }
.Ltmp0:
0x16: {  	s26 =	simm.s32 $0x40;
	s10 =	sor.u32 s6, s10;
	(pc) =	sbr.rel .LBB2_1-.Ltmp0, $4  }
0x17: {  	s24 =	sadd.s32 s5, s9;
	s9 =	sadd.s32 s7, s9;
	[dreg:$0xb] =	wrdreg s0  }
0x18: {  	s0 =	simm.s32 $0x3;
	[dreg:$0x8] =	wrdreg s24;
	s25 =	sshrl.u32 s10, $0x3  }
0x19: {  	[dreg:$0x9] =	wrdreg s9;
	s24 =	simm.s32 $0x7;
	s9 =	sadd.s32 s4, s25  }
0x1a: {  	v0 =	vimm.f32 $0.0e+00;
	s10 =	simm.s32 $0x0;
	s25 =	simm.s32 $0x80;
	[dreg:$0xa] =	wrdreg s9  }
.LBB2_14:
0x1b: {  	s9 =	simm.s32 $0x6  }
0x1c: {  	_ =	swait.ge [sflag:s9], $0x2000  }
0x1d: {  	[sflag:s9] =	ssyncset.done $0x0  }
0x1e: {  	[sflag:s9] =	ssyncadd.s32 $0xFFFFE000  }
0x1f: {  	s11 =	simm.s32 $0x8300;
	[bflag:$0x0] =	sbarrier.arrive $0xFFFF  }
0x20: {  	[tilespmem:s11], [sflag:$0x7] =	stream.linear.gather [spmem:s8], $0xA000, $0x38;
	[tilespmem:$0x1C300] =	vst v63  }
0x21: {  	_ =	swait.ge [sflag:s24], $0xA000  }
0x22: {  	[sflag:s24] =	ssyncset.done $0x0  }
0x23: {  	s21 =	rddreg [dreg:$0xb];
	[sflag:s24] =	ssyncadd.s32 $0xFFFF6000  }
0x24: {  	[hbm4b:s21+s26] =	stream.strided.scatter [tilespmem:s11], [sflag:$0x7], $0xA000, s25, s26, $0x38;
	[tilespmem:$0x1C300] =	vst v63  }
0x25: {  	_ =	swait.ge [sflag:s24], $0xA000  }
0x26: {  	s10 =	sadd.s32 $0x1, s10;
	s23 =	rddreg [dreg:$0xc]  }
0x27: {  	p1 =	sne.s32 s10, s23  }
.Ltmp1:
0x28: {  	_ = 	snop;
	(pc) =	sbr.rel @!p1 .LBB2_15-.Ltmp1, $3  }
0x29: {  	_ =	sdelay $0x1  }
0x2a: {  	[sflag:s24] =	ssyncset.done $0x0  }
0x2b: {  	s22 =	simm.s32 $0x8300;
	[sflag:s24] =	ssyncadd.s32 $0xFFFF6000  }
.LBB2_1:
0x2c: {  	s11 =	sand.u32 $0x3FF00, s3  }
0x2d: {  	s13 =	sand.u32 $0x30, s3;
	s14 =	sshrl.u32 s11, $0x2  }
0x2e: {  	s11 =	simm.s32 $0x40;
	s14 =	sor.u32 s13, s14;
	s13 =	simm.s32 $0x0  }
.LBB2_2:
0x2f: {  	p1 =	sne.s32 s11, $0x27FC0  }
0x30: {  	[tilespmem:s14+$0x8300] =	vst v0;
	s13 =	sadd.s32 $0x10, s13;
	s14 =	smov.u32 s11;
	s11 =	sadd.s32 $0x40, s11  }
.Ltmp2:
0x31: {  	(pc) =	sbr.rel @p1 .LBB2_2-.Ltmp2, $4  }
0x32: {  	_ = 	snop  }
0x33: {  	s14 =	sand.u32 $0x3FF00, s14  }
0x34: {  	s21 =	sand.u32 $0x30, s13;
	s14 =	sshrl.u32 s14, $0x2  }
0x35: {  	s14 =	sor.u32 s21, s14  }
0x36: {  	[tilespmem:s14+$0x8300] =	vst v0  }
0x37: {  	[spmem:s8] =	stream.linear.scatter [tilespmem:s22], [sflag:$0x7], $0xA000, $0x38;
	[tilespmem:$0x1C300] =	vst v63  }
0x38: {  	_ =	swait.ge [sflag:s24], $0xA000  }
0x39: {  	[sflag:s24] =	ssyncset.done $0x0  }
0x3a: {  	[sflag:s24] =	ssyncadd.s32 $0xFFFF6000  }
0x3b: {  	[bflag:$0x0] =	sbarrier.arrive $0xFFFF  }
0x3c: {  	s11 =	simm.s32 $0x0;
	s9 =	rddreg [dreg:$0x3]  }
0x3d: {  	[tilespmem:s11], [sflag:$0x7] =	stream.linear.gather [hbm4b:s9+s11], $0x80, $0x38;
	[tilespmem:$0x1C300] =	vst v63  }
0x3e: {  	_ =	swait.ge [sflag:s24], $0x80  }
0x3f: {  	[sflag:s24] =	ssyncset.done $0x0  }
0x40: {  	s13 =	rddreg [dreg:$0x4];
	[sflag:s24] =	ssyncadd.s32 $0xFFFFFF80  }
0x41: {  	[tilespmem:s25], [sflag:$0x7] =	stream.linear.gather [hbm4b:s13+s11], $0x80, $0x38;
	[tilespmem:$0x1C300] =	vst v63  }
0x42: {  	_ =	swait.ge [sflag:s24], $0x80  }
0x43: {  	[sflag:s24] =	ssyncset.done $0x0  }
0x44: {  	s14 =	rddreg [dreg:$0x5];
	[sflag:s24] =	ssyncadd.s32 $0xFFFFFF80  }
0x45: {  	[tilespmem:s28], [sflag:$0x3] =	stream.strided.gather [hbm4b:s14+s26], $0x2000, s25, s26, $0x38;
	[tilespmem:$0x1C300] =	vst v63  }
0x46: {  	s21 =	simm.s32 $0x180  }
0x47: {  	[tilespmem:s21], [sflag:$0x3] =	stream.indirect.gather [hbm4b:s12+s25], $0x40, s11, s25, $0xb8;
	[tilespmem:$0x1C300] =	vst v63  }
0x48: {  	s22 =	rddreg [dreg:$0x6]  }
0x49: {  	[tilespmem:s30], [sflag:$0x2] =	stream.linear.gather [hbm4b:s22+s11], $0x80, $0x38;
	[tilespmem:$0x1C300] =	vst v63  }
0x4a: {  	s23 =	rddreg [dreg:$0x7]  }
0x4b: {  	[tilespmem:s31], [sflag:$0x2] =	stream.linear.gather [hbm4b:s23+s11], $0x80, $0x38;
	[tilespmem:$0x1C300] =	vst v63  }
.LBB2_4:
0x4c: {  	_ =	swait.ge [sflag:s0], $0x2000  }
0x4d: {  	[sflag:s0] =	ssyncset.done $0x0  }
0x4e: {  	[sflag:s0] =	ssyncadd.s32 $0xFFFFE000  }
0x4f: {  	_ =	swait.ge [sflag:s0], $0x2000  }
0x50: {  	[sflag:s0] =	ssyncset.done $0x0  }
0x51: {  	[sflag:s0] =	ssyncadd.s32 $0xFFFFE000  }
0x52: {  	_ =	swait.ge [sflag:s2], $0x80  }
0x53: {  	[sflag:s2] =	ssyncset.done $0x0  }
0x54: {  	[sflag:s2] =	ssyncadd.s32 $0xFFFFFF80  }
0x55: {  	s13 =	sshll.u32 s11, $0x8;
	_ =	swait.ge [sflag:s2], $0x80  }
0x56: {  	p1 =	seq.s32 s11, $0x0;
	s14 =	sadd.s32 s13, s15;
	[sflag:s2] =	ssyncset.done $0x0  }
0x57: {  	s21 =	simm.s32 @!p1 $0x6;
	s14 =	sshll.u32 s14, $0x7;
	[sflag:s2] =	ssyncadd.s32 $0xFFFFFF80  }
0x58: {  	s14 =	sor.u32 s6, s14;
	_ =	swait.ge @!p1 [sflag:s21], $0x2000  }
0x59: {  	s14 =	sshrl.u32 s14, $0x3;
	[sflag:s21] =	ssyncset.done @!p1 $0x0  }
0x5a: {  	s14 =	sadd.s32 s4, s14;
	[sflag:s21] =	ssyncadd.s32 @!p1 $0xFFFFE000  }
0x5b: {  	[tilespmem:s18], [sflag:$0x4] =	stream.strided.gather [hbm4b:s14+s26], $0x2000, s25, s26, $0x38;
	[tilespmem:$0x1C300] =	vst v63  }
0x5c: {  	s14 =	simm.s32 $0x0  }
0x5d: {  	[tilespmem:s19], [sflag:$0x4] =	stream.indirect.gather [hbm4b:s12+s25], $0x40, s30, s25, $0xb8;
	[tilespmem:$0x1C300] =	vst v63  }
0x5e: {  	v3 =	vld [tilespmem:s14+$0x180]  }
0x5f: {  	v4 =	vld [tilespmem:s14+$0x190]  }
0x60: {  	v2 =	vld [tilespmem:s14+$0x1A0]  }
0x61: {  	v1 =	vld [tilespmem:s14+$0x1B0]  }
0x62: {  	v5 =	vld [tilespmem:s14+$0x2180]  }
0x63: {  	v7 =	vld [tilespmem:s14+$0x2190]  }
0x64: {  	s21 =	simm.s32 $0x100;
	v6 =	vld [tilespmem:s14+$0x21A0]  }
.LBB2_5:
0x65: {  	p1 =	sne.s32 s21, $0x7F00;
	v8 =	vld [tilespmem:s14+$0x21B0]  }
0x66: {  	s22 =	sshra.s32 s21, $0x2  }
0x67: {  	v5 =	vadd.f32 v5, v3;
	v3 =	vld [tilespmem:s22+$0x180]  }
0x68: {  	v7 =	vadd.f32 v7, v4;
	v4 =	vld [tilespmem:s22+$0x190]  }
.Ltmp3:
0x69: {  	v5 =	vmax.f32 v5, $0.0e+00;
	v6 =	vadd.f32 v6, v2;
	v2 =	vld [tilespmem:s22+$0x1A0];
	(pc) =	sbr.rel @p1 .LBB2_5-.Ltmp3, $4  }
0x6a: {  	[tilespmem:s14+$0x2180] =	vst v5;
	v7 =	vmax.f32 v7, $0.0e+00;
	v8 =	vadd.f32 v8, v1;
	v1 =	vld [tilespmem:s22+$0x1B0]  }
0x6b: {  	v5 =	vld [tilespmem:s22+$0x2180];
	[tilespmem:s14+$0x2190] =	vst v7;
	v6 =	vmax.f32 v6, $0.0e+00  }
0x6c: {  	v7 =	vld [tilespmem:s22+$0x2190];
	[tilespmem:s14+$0x21A0] =	vst v6;
	v8 =	vmax.f32 v8, $0.0e+00  }
0x6d: {  	s21 =	sadd.s32 $0x100, s21;
	v6 =	vld [tilespmem:s22+$0x21A0];
	[tilespmem:s14+$0x21B0] =	vst v8;
	s14 =	smov.u32 s22  }
0x6e: {  	v8 =	vld [tilespmem:s14+$0x21B0];
	_ =	sdelay $0x1  }
0x6f: {  	v3 =	vadd.f32 v5, v3  }
0x70: {  	v4 =	vadd.f32 v7, v4  }
0x71: {  	v3 =	vmax.f32 v3, $0.0e+00;
	v2 =	vadd.f32 v6, v2  }
0x72: {  	[tilespmem:s14+$0x2180] =	vst v3;
	v3 =	vmax.f32 v4, $0.0e+00;
	v1 =	vadd.f32 v8, v1  }
0x73: {  	[tilespmem:s14+$0x2190] =	vst v3;
	v2 =	vmax.f32 v2, $0.0e+00  }
0x74: {  	[tilespmem:s14+$0x21A0] =	vst v2;
	v1 =	vmax.f32 v1, $0.0e+00  }
0x75: {  	[tilespmem:s14+$0x21B0] =	vst v1  }
0x76: {  	v1 =	vld [tilespmem:$0x80]  }
0x77: {  	v2 =	vld [tilespmem:$0x90]  }
0x78: {  	v3 =	vld [tilespmem:$0xA0]  }
0x79: {  	v4 =	vld [tilespmem:$0xB0]  }
0x7a: {  	v5 =	vld [tilespmem:$0xC0]  }
0x7b: {  	[tilespmem:$0x100] =	vst v1;
	v1 =	vld [tilespmem:$0xD0]  }
0x7c: {  	[tilespmem:$0x110] =	vst v2;
	v2 =	vld [tilespmem:$0xE0]  }
0x7d: {  	[tilespmem:$0x120] =	vst v3;
	v3 =	vld [tilespmem:$0xF0]  }
0x7e: {  	[tilespmem:$0x130] =	vst v4  }
0x7f: {  	[tilespmem:$0x140] =	vst v5  }
0x80: {  	[tilespmem:$0x150] =	vst v1  }
0x81: {  	p1 =	seq.s32 s11, $0x4D;
	[tilespmem:$0x160] =	vst v2  }
0x82: {  	s14 =	simm.s32 @p1 $0x4;
	[tilespmem:$0x170] =	vst v3  }
0x83: {  	[spmem:s1] =	stream.indirect.scatter.add.f32 [tilespmem:s28], [sflag:$0x5], $0x40, s20, s25, $0xb8;
	[tilespmem:$0x1C300] =	vst v63  }
0x84: {  	_ =	swait.ge @p1 [sflag:s14], $0x2000  }
0x85: {  	[sflag:s14] =	ssyncset.done @p1 $0x0  }
0x86: {  	[sflag:s14] =	ssyncadd.s32 @p1 $0xFFFFE000  }
0x87: {  	_ =	swait.ge @p1 [sflag:s14], $0x2000  }
0x88: {  	[sflag:s14] =	ssyncset.done @p1 $0x0  }
0x89: {  	[sflag:s14] =	ssyncadd.s32 @p1 $0xFFFFE000;
	s14 =	simm.s32 @p1 $0x5  }
0x8a: {  	s21 =	sadd.s32 @!p1 s13, s16;
	_ =	swait.ge @p1 [sflag:s14], $0x2000  }
0x8b: {  	s22 =	sshrl.u32 @!p1 s21, $0x3;
	[sflag:s14] =	ssyncset.done @p1 $0x0  }
0x8c: {  	s23 =	simm.s32 @!p1 $0x0;
	[sflag:s14] =	ssyncadd.s32 @p1 $0xFFFFE000;
	s14 =	sadd.s32 @!p1 s5, s22  }
0x8d: {  	[tilespmem:s23], [sflag:$0x1] =	stream.linear.gather @!p1 [hbm4b:s14+s23], $0x80, $0x38;
	[tilespmem:$0x1C300] =	vst v63  }
0x8e: {  	s14 =	sadd.s32 @!p1 s7, s22;
	s22 =	simm.s32 @!p1 $0x80  }
0x8f: {  	[tilespmem:s22], [sflag:$0x1] =	stream.linear.gather @!p1 [hbm4b:s14+s23], $0x80, $0x38;
	[tilespmem:$0x1C300] =	vst v63  }
0x90: {  	s14 =	simm.s32 @!p1 $0x4  }
0x91: {  	_ =	swait.ge @!p1 [sflag:s14], $0x2000  }
0x92: {  	[sflag:s14] =	ssyncset.done @!p1 $0x0  }
0x93: {  	[sflag:s14] =	ssyncadd.s32 @!p1 $0xFFFFE000  }
0x94: {  	_ =	swait.ge @!p1 [sflag:s14], $0x2000  }
0x95: {  	[sflag:s14] =	ssyncset.done @!p1 $0x0  }
0x96: {  	[sflag:s14] =	ssyncadd.s32 @!p1 $0xFFFFE000;
	s14 =	simm.s32 @!p1 $0x5  }
0x97: {  	_ =	swait.ge @!p1 [sflag:s14], $0x2000  }
0x98: {  	[sflag:s14] =	ssyncset.done @!p1 $0x0  }
0x99: {  	[sflag:s14] =	ssyncadd.s32 @!p1 $0xFFFFE000;
	s14 =	simm.s32 @!p1 $0x1  }
0x9a: {  	_ =	swait.ge @!p1 [sflag:s14], $0x80  }
0x9b: {  	[sflag:s14] =	ssyncset.done @!p1 $0x0  }
0x9c: {  	[sflag:s14] =	ssyncadd.s32 @!p1 $0xFFFFFF80  }
0x9d: {  	s21 =	sshll.u32 @!p1 s21, $0x7;
	_ =	swait.ge @!p1 [sflag:s14], $0x80  }
0x9e: {  	s21 =	sor.u32 @!p1 s6, s21;
	[sflag:s14] =	ssyncset.done @!p1 $0x0  }
0x9f: {  	[sflag:s14] =	ssyncadd.s32 @!p1 $0xFFFFFF80;
	s14 =	sshrl.u32 @!p1 s21, $0x3  }
0xa0: {  	s9 =	simm.s32 @!p1 $0x2180;
	s21 =	simm.s32 @!p1 $0x40;
	s14 =	sadd.s32 @!p1 s4, s14  }
0xa1: {  	[tilespmem:s9], [sflag:$0x3] =	stream.strided.gather @!p1 [hbm4b:s14+s21], $0x2000, s22, s21, $0x38;
	[tilespmem:$0x1C300] =	vst v63  }
0xa2: {  	s9 =	simm.s32 @!p1 $0x180;
	s14 =	simm.s32 $0x0  }
0xa3: {  	[tilespmem:s9], [sflag:$0x3] =	stream.indirect.gather @!p1 [hbm4b:s12+s22], $0x40, s23, s22, $0xb8;
	[tilespmem:$0x1C300] =	vst v63  }
0xa4: {  	v3 =	vld [tilespmem:s14+$0x4300]  }
0xa5: {  	v4 =	vld [tilespmem:s14+$0x4310]  }
0xa6: {  	v2 =	vld [tilespmem:s14+$0x4320]  }
0xa7: {  	v1 =	vld [tilespmem:s14+$0x4330]  }
0xa8: {  	v5 =	vld [tilespmem:s14+$0x6300]  }
0xa9: {  	v7 =	vld [tilespmem:s14+$0x6310]  }
0xaa: {  	s21 =	simm.s32 $0x100;
	v6 =	vld [tilespmem:s14+$0x6320]  }
.LBB2_7:
0xab: {  	p2 =	sne.s32 s21, $0x7F00;
	v8 =	vld [tilespmem:s14+$0x6330]  }
0xac: {  	s9 =	sshra.s32 s21, $0x2  }
0xad: {  	v5 =	vadd.f32 v5, v3;
	v3 =	vld [tilespmem:s9+$0x4300]  }
0xae: {  	v7 =	vadd.f32 v7, v4;
	v4 =	vld [tilespmem:s9+$0x4310]  }
.Ltmp4:
0xaf: {  	v5 =	vmax.f32 v5, $0.0e+00;
	v6 =	vadd.f32 v6, v2;
	v2 =	vld [tilespmem:s9+$0x4320];
	(pc) =	sbr.rel @p2 .LBB2_7-.Ltmp4, $4  }
0xb0: {  	[tilespmem:s14+$0x6300] =	vst v5;
	v7 =	vmax.f32 v7, $0.0e+00;
	v8 =	vadd.f32 v8, v1;
	v1 =	vld [tilespmem:s9+$0x4330]  }
0xb1: {  	v5 =	vld [tilespmem:s9+$0x6300];
	[tilespmem:s14+$0x6310] =	vst v7;
	v6 =	vmax.f32 v6, $0.0e+00  }
0xb2: {  	v7 =	vld [tilespmem:s9+$0x6310];
	[tilespmem:s14+$0x6320] =	vst v6;
	v8 =	vmax.f32 v8, $0.0e+00  }
0xb3: {  	s21 =	sadd.s32 $0x100, s21;
	v6 =	vld [tilespmem:s9+$0x6320];
	[tilespmem:s14+$0x6330] =	vst v8;
	s14 =	smov.u32 s9  }
0xb4: {  	v8 =	vld [tilespmem:s14+$0x6330];
	_ =	sdelay $0x1  }
0xb5: {  	v3 =	vadd.f32 v5, v3  }
0xb6: {  	v4 =	vadd.f32 v7, v4  }
0xb7: {  	v3 =	vmax.f32 v3, $0.0e+00;
	v2 =	vadd.f32 v6, v2  }
0xb8: {  	[tilespmem:s14+$0x6300] =	vst v3;
	v3 =	vmax.f32 v4, $0.0e+00;
	v1 =	vadd.f32 v8, v1  }
0xb9: {  	[tilespmem:s14+$0x6310] =	vst v3;
	v2 =	vmax.f32 v2, $0.0e+00  }
0xba: {  	[tilespmem:s14+$0x6320] =	vst v2;
	v1 =	vmax.f32 v1, $0.0e+00  }
0xbb: {  	[tilespmem:s14+$0x6330] =	vst v1  }
0xbc: {  	v1 =	vld [tilespmem:$0x4200]  }
0xbd: {  	v2 =	vld [tilespmem:$0x4210]  }
0xbe: {  	v3 =	vld [tilespmem:$0x4220]  }
0xbf: {  	v62 =	vld [tilespmem:$0x4230]  }
0xc0: {  	v63 =	vld [tilespmem:$0x4240]  }
0xc1: {  	[tilespmem:$0x4280] =	vst v1;
	v1 =	vld [tilespmem:$0x4250]  }
0xc2: {  	[tilespmem:$0x4290] =	vst v2;
	v2 =	vld [tilespmem:$0x4260]  }
0xc3: {  	[tilespmem:$0x42A0] =	vst v3;
	v3 =	vld [tilespmem:$0x4270]  }
0xc4: {  	[tilespmem:$0x42B0] =	vst v62  }
.Ltmp5:
0xc5: {  	[tilespmem:$0x42C0] =	vst v63;
	(pc) =	sbr.rel @p1 .LBB2_10-.Ltmp5, $4  }
0xc6: {  	[tilespmem:$0x42D0] =	vst v1  }
0xc7: {  	[tilespmem:$0x42E0] =	vst v2  }
0xc8: {  	[tilespmem:$0x42F0] =	vst v3  }
0xc9: {  	[spmem:s1] =	stream.indirect.scatter.add.f32 [tilespmem:s18], [sflag:$0x6], $0x40, s29, s25, $0xb8;
	[tilespmem:$0x1C300] =	vst v63  }
0xca: {  	s9 =	sadd.s32 s13, s17  }
.Ltmp6:
0xcb: {  	s9 =	sshrl.u32 s9, $0x3;
	(pc) =	sbr.rel .LBB2_4-.Ltmp6, $4  }
0xcc: {  	s23 =	sadd.s32 s5, s9  }
0xcd: {  	[tilespmem:s30], [sflag:$0x2] =	stream.linear.gather [hbm4b:s23+s3], $0x80, $0x38;
	[tilespmem:$0x1C300] =	vst v63  }
0xce: {  	s11 =	sadd.s32 $0x1, s11;
	s9 =	sadd.s32 s7, s9  }
0xcf: {  	[tilespmem:s31], [sflag:$0x2] =	stream.linear.gather [hbm4b:s9+s3], $0x80, $0x38;
	[tilespmem:$0x1C300] =	vst v63  }
.LBB2_10:
.Ltmp7:
0xd0: {  	(pc) =	sbr.rel @p0 .LBB2_14-.Ltmp7, $1  }
0xd1: {  	_ =	sdelay $0x3  }
0xd2: {  	s9 =	simm.s32 $0x0;
	s11 =	rddreg [dreg:$0x8]  }
0xd3: {  	[tilespmem:s9], [sflag:$0x7] =	stream.linear.gather [hbm4b:s11+s9], $0x80, $0x38;
	[tilespmem:$0x1C300] =	vst v63  }
0xd4: {  	_ =	swait.ge [sflag:s24], $0x80  }
0xd5: {  	[sflag:s24] =	ssyncset.done $0x0  }
0xd6: {  	s21 =	rddreg [dreg:$0x9];
	[sflag:s24] =	ssyncadd.s32 $0xFFFFFF80  }
0xd7: {  	[tilespmem:s25], [sflag:$0x7] =	stream.linear.gather [hbm4b:s21+s9], $0x80, $0x38;
	[tilespmem:$0x1C300] =	vst v63  }
0xd8: {  	_ =	swait.ge [sflag:s24], $0x80  }
0xd9: {  	[sflag:s24] =	ssyncset.done $0x0  }
0xda: {  	s22 =	rddreg [dreg:$0xa];
	[sflag:s24] =	ssyncadd.s32 $0xFFFFFF80  }
0xdb: {  	[tilespmem:s28], [sflag:$0x7] =	stream.strided.gather [hbm4b:s22+s26], $0x2000, s25, s26, $0x38;
	[tilespmem:$0x1C300] =	vst v63  }
0xdc: {  	_ =	swait.ge [sflag:s24], $0x2000  }
0xdd: {  	[sflag:s24] =	ssyncset.done $0x0  }
0xde: {  	s23 =	simm.s32 $0x180;
	[sflag:s24] =	ssyncadd.s32 $0xFFFFE000  }
0xdf: {  	[tilespmem:s23], [sflag:$0x3] =	stream.indirect.gather [hbm4b:s12+s25], $0x40, s9, s25, $0xb8;
	[tilespmem:$0x1C300] =	vst v63  }
0xe0: {  	_ =	swait.ge [sflag:s0], $0x2000  }
0xe1: {  	[sflag:s0] =	ssyncset.done $0x0  }
0xe2: {  	s11 =	simm.s32 $0x0;
	[sflag:s0] =	ssyncadd.s32 $0xFFFFE000  }
0xe3: {  	v3 =	vld [tilespmem:s11+$0x180]  }
0xe4: {  	v4 =	vld [tilespmem:s11+$0x190]  }
0xe5: {  	v2 =	vld [tilespmem:s11+$0x1A0]  }
0xe6: {  	v1 =	vld [tilespmem:s11+$0x1B0]  }
0xe7: {  	v5 =	vld [tilespmem:s11+$0x2180]  }
0xe8: {  	v7 =	vld [tilespmem:s11+$0x2190]  }
0xe9: {  	s13 =	simm.s32 $0x100;
	v6 =	vld [tilespmem:s11+$0x21A0]  }
.LBB2_12:
0xea: {  	p1 =	sne.s32 s13, $0x7F00;
	v8 =	vld [tilespmem:s11+$0x21B0]  }
0xeb: {  	s9 =	sshra.s32 s13, $0x2  }
0xec: {  	v5 =	vadd.f32 v5, v3;
	v3 =	vld [tilespmem:s9+$0x180]  }
0xed: {  	v7 =	vadd.f32 v7, v4;
	v4 =	vld [tilespmem:s9+$0x190]  }
.Ltmp8:
0xee: {  	v5 =	vmax.f32 v5, $0.0e+00;
	v6 =	vadd.f32 v6, v2;
	v2 =	vld [tilespmem:s9+$0x1A0];
	(pc) =	sbr.rel @p1 .LBB2_12-.Ltmp8, $4  }
0xef: {  	[tilespmem:s11+$0x2180] =	vst v5;
	v7 =	vmax.f32 v7, $0.0e+00;
	v8 =	vadd.f32 v8, v1;
	v1 =	vld [tilespmem:s9+$0x1B0]  }
0xf0: {  	v5 =	vld [tilespmem:s9+$0x2180];
	[tilespmem:s11+$0x2190] =	vst v7;
	v6 =	vmax.f32 v6, $0.0e+00  }
0xf1: {  	v7 =	vld [tilespmem:s9+$0x2190];
	[tilespmem:s11+$0x21A0] =	vst v6;
	v8 =	vmax.f32 v8, $0.0e+00  }
0xf2: {  	s13 =	sadd.s32 $0x100, s13;
	v6 =	vld [tilespmem:s9+$0x21A0];
	[tilespmem:s11+$0x21B0] =	vst v8;
	s11 =	smov.u32 s9  }
0xf3: {  	v8 =	vld [tilespmem:s11+$0x21B0];
	_ =	sdelay $0x1  }
0xf4: {  	v3 =	vadd.f32 v5, v3  }
0xf5: {  	v4 =	vadd.f32 v7, v4  }
0xf6: {  	v3 =	vmax.f32 v3, $0.0e+00;
	v2 =	vadd.f32 v6, v2  }
0xf7: {  	[tilespmem:s11+$0x2180] =	vst v3;
	v3 =	vmax.f32 v4, $0.0e+00;
	v1 =	vadd.f32 v8, v1  }
0xf8: {  	[tilespmem:s11+$0x2190] =	vst v3;
	v2 =	vmax.f32 v2, $0.0e+00  }
0xf9: {  	[tilespmem:s11+$0x21A0] =	vst v2;
	v1 =	vmax.f32 v1, $0.0e+00  }
0xfa: {  	[tilespmem:s11+$0x21B0] =	vst v1  }
0xfb: {  	v1 =	vld [tilespmem:$0x80]  }
0xfc: {  	v2 =	vld [tilespmem:$0x90]  }
0xfd: {  	v3 =	vld [tilespmem:$0xA0]  }
0xfe: {  	v62 =	vld [tilespmem:$0xB0]  }
0xff: {  	v63 =	vld [tilespmem:$0xC0]  }
0x100: {  	[tilespmem:$0x100] =	vst v1;
	v1 =	vld [tilespmem:$0xD0]  }
0x101: {  	[tilespmem:$0x110] =	vst v2;
	v2 =	vld [tilespmem:$0xE0]  }
0x102: {  	[tilespmem:$0x120] =	vst v3;
	v3 =	vld [tilespmem:$0xF0]  }
0x103: {  	[tilespmem:$0x130] =	vst v62  }
0x104: {  	[tilespmem:$0x140] =	vst v63  }
0x105: {  	[tilespmem:$0x150] =	vst v1  }
0x106: {  	[tilespmem:$0x160] =	vst v2  }
.Ltmp9:
0x107: {  	s9 =	simm.s32 $0x5;
	[tilespmem:$0x170] =	vst v3;
	(pc) =	sbr.rel .LBB2_14-.Ltmp9, $4  }
0x108: {  	[spmem:s1] =	stream.indirect.scatter.add.f32 [tilespmem:s28], [sflag:$0x5], $0x40, s20, s25, $0xb8;
	[tilespmem:$0x1C300] =	vst v63  }
0x109: {  	_ =	swait.ge [sflag:s9], $0x2000  }
0x10a: {  	[sflag:s9] =	ssyncset.done $0x0  }
0x10b: {  	[sflag:s9] =	ssyncadd.s32 $0xFFFFE000  }
.LBB2_15:
0x10c: {  	_ =	sfence.sel $0x180000  }
0x10d: {  	[bflag:$0x0] =	sbarrier.arrive $0xFFFF  }
0x10e: {  	_ =	strace $0x9000004D  }
0x10f: {  	s0 =	stileid.u32;
	[bflag:$0x2] =	sbarrier.arrive $0xFFFF  }
0x110: {  	p0 =	sne.s32 s0, $0x0;
	s0 =	rddreg [dreg:$0x2]  }
0x111: {  	s0 =	sadd.s32 @!p0 $0x100000, s0  }
0x112: {  	[sflag:s0] =	ssyncadd.tile.s32 @!p0 $0x1;
	_ =	shalt  }
.Lfunc_end2:
_tile_overlayer_lowered:
.L_overlay_start_2:
0x113: {  	(tag) =	ssettag $0x2  }
0x114: {  	s0 =	rddreg [dreg:$0x0];
	s2 =	stileid.u32  }
0x115: {  	s1 =	rddreg [dreg:$0x1];
	p0 =	sne.s32 s2, $0x0  }
0x116: {  	s3 =	rddreg [dreg:$0x2];
	[bflag:$0x3] =	sbarrier.arrive $0xFFFF;
	s2 =	simm.s32 @!p0 $0x1C07  }
0x117: {  	[timem:s3], [sflag:s2] =	dma.local @!p0 [hbm:s0], s1  }
0x118: {  	s0 =	simm.s32 @!p0 $0x7  }
0x119: {  	_ =	swait.ge @!p0 [sflag:s0], s1  }
0x11a: {  	s1 =	ssub.s32 @!p0 $0x0, s1;
	[sflag:s0] =	ssyncset.done @!p0 $0x0  }
0x11b: {  	[sflag:s0] =	ssyncadd.s32 @!p0 s1  }
0x11c: {  	[bflag:$0x3] =	sbarrier.arrive $0xFFFF  }
0x11d: {  	_ =	shalt  }

</sc_bundles>
